<compile_context>
chip_gen: v7x
topology: tpu7x:2x2x1
jax: 0.10.2.dev20260603
libtpu: 0.0.44.dev20260713+nightly
codegen_flags: <defaults>
</compile_context>

<pallas_src>
import functools

import jax
import jax.numpy as jnp
from jax import lax
from jax.experimental import pallas as pl
from jax.experimental.pallas import tpu as pltpu
from jax.experimental.pallas import tpu_sc as plsc

N = 10000
E = 320000
D_IN = 128
H0, H1, H2 = 512, 256, 128
G = 16
CLS = 5

_NC = 2
_NS = 16
_B = 128
_SB = 40
_NBUF = 2
_EA = 20480
_EB = 10240
_KA = _EA // _B
_KB = _EB // _B
_NPAD = 10240
_RPT = _NPAD // _NS
_DUMP = 10016

_BN = 1000
_NB = N // _BN


def _vsc_mesh():
    return plsc.VectorSubcoreMesh(core_axis_name="c", subcore_axis_name="s",
                                  num_cores=_NC, num_subcores=_NS)


def _make_msg(Q, KK, F):
    P = Q // _NC
    NSB = KK // _SB

    @functools.partial(
        pl.kernel,
        out_type=jax.ShapeDtypeStruct((Q, _NPAD, F), jnp.float32),
        mesh=_vsc_mesh(),
        scratch_types=[
            pltpu.VMEM((_SB * _B,), jnp.int32),
            pltpu.VMEM((_SB, _B), jnp.int32),
            pltpu.VMEM((_B, F), jnp.float32),
            pltpu.VMEM((_B, F), jnp.float32),
            pltpu.VMEM_SHARED((_NPAD, F), jnp.float32),
            pltpu.SemaphoreType.DMA,
            pltpu.SemaphoreType.DMA,
        ],
    )
    def msg(y_hbm, src_hbm, dst_hbm, out_hbm, src1d, dst2d, buf0, buf1, acc, sem0, sem1):
        cid = lax.axis_index("c")
        sid = lax.axis_index("s")
        row0 = sid * _RPT
        zeros16 = jnp.zeros((16,), jnp.float32)
        bufs = (buf0, buf1)
        sems = (sem0, sem1)

        def gath(jl, buf, sem):
            pltpu.async_copy(y_hbm.at[src1d.at[pl.ds(jl * _B, _B)]], buf, sem)

        def gwait(jl, buf, sem):
            pltpu.make_async_copy(y_hbm.at[src1d.at[pl.ds(jl * _B, _B)]],
                                  buf, sem).wait()

        for p in range(P):
            q = cid * P + p

            def zrow(r, carry):
                for f in range(F // 16):
                    buf0[r, pl.ds(f * 16, 16)] = zeros16
                return carry

            lax.fori_loop(0, _B, zrow, 0)
            for z in range(_RPT // _B):
                pltpu.sync_copy(buf0, acc.at[pl.ds(row0 + z * _B, _B)])
            plsc.subcore_barrier()

            def sb_loop(sb, carry):
                pltpu.sync_copy(src_hbm.at[q, sid, pl.ds(sb * _SB * _B, _SB * _B)], src1d)
                pltpu.sync_copy(dst_hbm.at[q, sid, pl.ds(sb * _SB, _SB)], dst2d)

                def m_loop(m, carry2):
                    base = m * 8
                    gath(base, buf0, sem0)
                    for b in range(8):
                        if b < 7:
                            gath(base + b + 1, bufs[(b + 1) % 2], sems[(b + 1) % 2])
                        gwait(base + b, bufs[b % 2], sems[b % 2])
                        pltpu.sync_copy(bufs[b % 2], acc.at[dst2d.at[base + b]], add=True)
                    return carry2

                lax.fori_loop(0, _SB // 8, m_loop, 0)
                return carry

            lax.fori_loop(0, NSB, sb_loop, 0)
            plsc.subcore_barrier()
            pltpu.sync_copy(acc.at[pl.ds(row0, _RPT)], out_hbm.at[q, pl.ds(row0, _RPT)])

    return msg


def _make_deg():
    NSB = _KB // _SB

    @functools.partial(
        pl.kernel,
        out_type=jax.ShapeDtypeStruct((_NC, _NPAD, 128), jnp.float32),
        mesh=_vsc_mesh(),
        scratch_types=[
            pltpu.VMEM((_SB, _B), jnp.int32),
            pltpu.VMEM((1, _B), jnp.int32),
            pltpu.VMEM((_B, 128), jnp.float32),
            pltpu.VMEM_SHARED((_NPAD, 128), jnp.float32),
            pltpu.SemaphoreType.DMA,
            pltpu.SemaphoreType.DMA,
        ],
    )
    def deg(dst_hbm, out_hbm, dst2d, dumpv, ones_v, acc, sem0, sem1):
        cid = lax.axis_index("c")
        sid = lax.axis_index("s")
        row0 = sid * _RPT
        sems = (sem0, sem1)
        zeros16 = jnp.zeros((16,), jnp.float32)
        ones16 = jnp.ones((16,), jnp.float32)

        def swait(k):
            pltpu.make_async_copy(ones_v, acc.at[dumpv.at[0]], sems[k]).wait()

        def sdummy(k):
            pltpu.async_copy(ones_v, acc.at[dumpv.at[0]], sems[k], add=True)

        for i in range(_B // 16):
            dumpv[0, pl.ds(i * 16, 16)] = jnp.full((16,), _DUMP, jnp.int32)

        def fill(val):
            def frow(r, carry):
                for f in range(8):
                    ones_v[r, pl.ds(f * 16, 16)] = val
                return carry
            lax.fori_loop(0, _B, frow, 0)

        fill(zeros16)
        for z in range(_RPT // _B):
            pltpu.sync_copy(ones_v, acc.at[pl.ds(row0 + z * _B, _B)])
        fill(ones16)
        plsc.subcore_barrier()
        sdummy(0)
        sdummy(1)

        def sb_loop(sb, carry):
            swait(0)
            swait(1)
            pltpu.sync_copy(dst_hbm.at[cid, sid, pl.ds(sb * _SB, _SB)], dst2d)
            sdummy(0)
            sdummy(1)

            def m_loop(m, carry2):
                base = m * 8
                for b in range(8):
                    k = b % 2
                    swait(k)
                    pltpu.async_copy(ones_v, acc.at[dst2d.at[base + b]], sems[k],
                                     add=True)
                return carry2

            lax.fori_loop(0, _SB // 8, m_loop, 0)
            return carry

        lax.fori_loop(0, NSB, sb_loop, 0)
        swait(0)
        swait(1)
        plsc.subcore_barrier()
        pltpu.sync_copy(acc.at[pl.ds(row0, _RPT)], out_hbm.at[cid, pl.ds(row0, _RPT)])

    return deg


_get_deg = functools.cache(_make_deg)



def _k_in_body(x_ref, w_ref, b_ref, d0_ref, d1_ref, h_ref, dinv_ref):
    h = jnp.dot(x_ref[...], w_ref[...], preferred_element_type=jnp.float32)
    h_ref[...] = jnp.maximum(h + b_ref[...][None, :], 0.0)
    deg = d0_ref[:, 0:1] + d1_ref[:, 0:1] + 1.0
    dinv_ref[...] = lax.rsqrt(deg)


def _make_k_in(interpret=False):
    return pl.pallas_call(
        _k_in_body,
        grid=(_NB,),
        in_specs=[
            pl.BlockSpec((_BN, D_IN), lambda i: (i, 0)),
            pl.BlockSpec((D_IN, H0), lambda i: (0, 0)),
            pl.BlockSpec((H0,), lambda i: (0,)),
            pl.BlockSpec((_BN, 128), lambda i: (i, 0)),
            pl.BlockSpec((_BN, 128), lambda i: (i, 0)),
        ],
        out_specs=[
            pl.BlockSpec((_BN, H0), lambda i: (i, 0)),
            pl.BlockSpec((_BN, 1), lambda i: (i, 0)),
        ],
        out_shape=[
            jax.ShapeDtypeStruct((N, H0), jnp.float32),
            jax.ShapeDtypeStruct((N, 1), jnp.float32),
        ],
        interpret=interpret,
    )


def _k_pre0_body(h_ref, w_ref, dinv_ref, y_ref):
    y_ref[0] = jnp.dot(h_ref[...], w_ref[...], preferred_element_type=jnp.float32) * dinv_ref[...]


def _make_k_pre0(C, F, Hin, interpret=False):
    return pl.pallas_call(
        _k_pre0_body,
        grid=(_NB, C),
        in_specs=[
            pl.BlockSpec((_BN, Hin), lambda i, c: (i, 0)),
            pl.BlockSpec((Hin, F), lambda i, c: (0, c)),
            pl.BlockSpec((_BN, 1), lambda i, c: (i, 0)),
        ],
        out_specs=[pl.BlockSpec((1, _BN, F), lambda i, c: (c, i, 0))],
        out_shape=[jax.ShapeDtypeStruct((C, N, F), jnp.float32)],
        interpret=interpret,
    )


def _k_pre_body(h_ref, w_ref, r_ref, rb_ref, dinv_ref, y_ref, res_ref):
    hb = h_ref[...]
    y_ref[0] = jnp.dot(hb, w_ref[...], preferred_element_type=jnp.float32) * dinv_ref[...]
    res_ref[...] = jnp.dot(hb, r_ref[...], preferred_element_type=jnp.float32) + rb_ref[...][None, :]


def _make_k_pre(C, F, Hin, interpret=False):
    Hout = C * F
    return pl.pallas_call(
        _k_pre_body,
        grid=(_NB, C),
        in_specs=[
            pl.BlockSpec((_BN, Hin), lambda i, c: (i, 0)),
            pl.BlockSpec((Hin, F), lambda i, c: (0, c)),
            pl.BlockSpec((Hin, F), lambda i, c: (0, c)),
            pl.BlockSpec((F,), lambda i, c: (c,)),
            pl.BlockSpec((_BN, 1), lambda i, c: (i, 0)),
        ],
        out_specs=[
            pl.BlockSpec((1, _BN, F), lambda i, c: (c, i, 0)),
            pl.BlockSpec((_BN, F), lambda i, c: (i, c)),
        ],
        out_shape=[
            jax.ShapeDtypeStruct((C, N, F), jnp.float32),
            jax.ShapeDtypeStruct((N, Hout), jnp.float32),
        ],
        interpret=interpret,
    )


def _make_k_post_body(C, partials):
    def body(t_ref, y_ref, dinv_ref, b_ref, g_ref, be_ref, res_ref, out_ref):
        if partials:
            s = t_ref[0] + t_ref[1] + y_ref[...]
        else:
            parts = [t_ref[c] + y_ref[c] for c in range(C)]
            s = jnp.concatenate(parts, axis=-1) if C > 1 else parts[0]
        s = s * dinv_ref[...] + b_ref[...][None, :]
        mu = jnp.mean(s, axis=-1, keepdims=True)
        var = jnp.mean((s - mu) ** 2, axis=-1, keepdims=True)
        sn = (s - mu) * lax.rsqrt(var + 1e-5) * g_ref[...][None, :] + be_ref[...][None, :]
        out_ref[...] = jnp.maximum(sn, 0.0) + res_ref[...]

    return body


def _make_k_post(C, F, partials=False, interpret=False):
    Hout = C * F
    nt = _NC if partials else C
    return pl.pallas_call(
        _make_k_post_body(C, partials),
        grid=(_NB,),
        in_specs=[
            pl.BlockSpec((nt, _BN, F), lambda i: (0, i, 0)),
            pl.BlockSpec((_BN, Hout) if partials else (C, _BN, F),
                         (lambda i: (i, 0)) if partials else (lambda i: (0, i, 0))),
            pl.BlockSpec((_BN, 1), lambda i: (i, 0)),
            pl.BlockSpec((Hout,), lambda i: (0,)),
            pl.BlockSpec((Hout,), lambda i: (0,)),
            pl.BlockSpec((Hout,), lambda i: (0,)),
            pl.BlockSpec((_BN, Hout), lambda i: (i, 0)),
        ],
        out_specs=[pl.BlockSpec((_BN, Hout), lambda i: (i, 0))],
        out_shape=[jax.ShapeDtypeStruct((N, Hout), jnp.float32)],
        interpret=interpret,
    )


def _k_att_body(h_ref, a1_ref, ab1_ref, a2_ref, ab2_ref, batch_ref, out_ref):
    i = pl.program_id(0)
    h = h_ref[...]
    t = jnp.maximum(jnp.dot(h, a1_ref[...], preferred_element_type=jnp.float32)
                    + ab1_ref[...][None, :], 0.0)
    s = jnp.sum(t * a2_ref[...], axis=-1, keepdims=True) + ab2_ref[0]
    w = jax.nn.sigmoid(s)
    u = h * w
    b = batch_ref[0]
    labels = lax.broadcasted_iota(jnp.int32, (G, 1), 0)
    m = (b == labels).astype(jnp.float32)
    contrib = jnp.dot(m, u, preferred_element_type=jnp.float32)

    @pl.when(i == 0)
    def _():
        out_ref[...] = jnp.zeros_like(out_ref)

    out_ref[...] += contrib


def _make_k_att(interpret=False):
    return pl.pallas_call(
        _k_att_body,
        grid=(_NB,),
        in_specs=[
            pl.BlockSpec((_BN, H2), lambda i: (i, 0)),
            pl.BlockSpec((H2, H2 // 2), lambda i: (0, 0)),
            pl.BlockSpec((H2 // 2,), lambda i: (0,)),
            pl.BlockSpec((1, H2 // 2), lambda i: (0, 0)),
            pl.BlockSpec((1,), lambda i: (0,)),
            pl.BlockSpec((1, 1, _BN), lambda i: (i, 0, 0)),
        ],
        out_specs=[pl.BlockSpec((G, H2), lambda i: (0, 0))],
        out_shape=[jax.ShapeDtypeStruct((G, H2), jnp.float32)],
        interpret=interpret,
    )


def _k_mlp_body(p_ref, c1_ref, cb1_ref, c2_ref, cb2_ref, c3_ref, cb3_ref, out_ref):
    z = jnp.maximum(jnp.dot(p_ref[...], c1_ref[...], preferred_element_type=jnp.float32)
                    + cb1_ref[...][None, :], 0.0)
    z = jnp.maximum(jnp.dot(z, c2_ref[...], preferred_element_type=jnp.float32)
                    + cb2_ref[...][None, :], 0.0)
    out_ref[...] = jnp.dot(z, c3_ref[...], preferred_element_type=jnp.float32) + cb3_ref[...][None, :]


def _make_k_mlp(interpret=False):
    return pl.pallas_call(
        _k_mlp_body,
        in_specs=[
            pl.BlockSpec((G, H2), lambda: (0, 0)),
            pl.BlockSpec((H2, H2 // 2), lambda: (0, 0)),
            pl.BlockSpec((H2 // 2,), lambda: (0,)),
            pl.BlockSpec((H2 // 2, H2 // 4), lambda: (0, 0)),
            pl.BlockSpec((H2 // 4,), lambda: (0,)),
            pl.BlockSpec((H2 // 4, 128), lambda: (0, 0)),
            pl.BlockSpec((128,), lambda: (0,)),
        ],
        out_specs=[pl.BlockSpec((G, 128), lambda: (0, 0))],
        out_shape=[jax.ShapeDtypeStruct((G, 128), jnp.float32)],
        interpret=interpret,
    )


_get_msg = functools.cache(_make_msg)
_k_in = _make_k_in()
_k_pre0 = _make_k_pre0(4, 128, H0)
_k_pre1 = _make_k_pre(2, 128, H0)
_k_pre2 = _make_k_pre(1, 128, H1)
_k_post0 = _make_k_post(4, 128)
_k_post1 = _make_k_post(2, 128)
_k_post2 = _make_k_post(1, 128, partials=True)
_k_att = _make_k_att()
_k_mlp = _make_k_mlp()


def kernel(x, edge_index, batch, W_in, b_in, Wc0, bc0, g0, be0, Wc1, bc1, g1, be1,
           R1, rb1, Wc2, bc2, g2, be2, R2, rb2, A1, ab1, A2, ab2, C1, cb1, C2, cb2,
           C3, cb3):
    src = edge_index[0].astype(jnp.int32)
    dst = edge_index[1].astype(jnp.int32)

    def prep(idx, nt, padded, fill):
        a = idx.reshape(nt, E // nt)
        return jnp.pad(a, ((0, 0), (0, padded - E // nt)), constant_values=fill)

    srcA = prep(src, _NS, _EA, 0)
    dstA = prep(dst, _NS, _EA, _DUMP).reshape(_NS, _KA, _B)
    srcB = prep(src, _NC * _NS, _EB, 0).reshape(_NC, _NS, _EB)
    dstB = prep(dst, _NC * _NS, _EB, _DUMP).reshape(_NC, _NS, _KB, _B)
    offs4 = (jnp.arange(4, dtype=jnp.int32) * N)[:, None, None]
    src4 = srcA[None] + offs4
    src2 = srcA[None] + offs4[:2]
    dst4 = jnp.broadcast_to(dstA[None], (4, _NS, _KA, _B))
    dst2 = jnp.broadcast_to(dstA[None], (2, _NS, _KA, _B))

    degp = _get_deg()(dstB)
    h0, dinv = _k_in(x, W_in, b_in, degp[0], degp[1])

    (y0,) = _k_pre0(h0, Wc0, dinv)
    t0 = _get_msg(4, _KA, 128)(y0.reshape(4 * N, 128), src4, dst4)
    (h1,) = _k_post0(t0, y0, dinv, bc0, g0, be0, h0)

    y1, r1 = _k_pre1(h1, Wc1, R1, rb1, dinv)
    t1 = _get_msg(2, _KA, 128)(y1.reshape(2 * N, 128), src2, dst2)
    (h2,) = _k_post1(t1, y1, dinv, bc1, g1, be1, r1)

    y2, r2 = _k_pre2(h2, Wc2, R2, rb2, dinv)
    y2f = y2.reshape(N, 128)
    t2 = _get_msg(2, _KB, 128)(y2f, srcB, dstB)
    (h3,) = _k_post2(t2, y2f, dinv, bc2, g2, be2, r2)

    batch3 = batch.astype(jnp.int32).reshape(_NB, 1, _BN)
    (pooled,) = _k_att(h3, A1, ab1, A2.reshape(1, H2 // 2), ab2, batch3)
    c3p = jnp.pad(C3, ((0, 0), (0, 128 - CLS)))
    cb3p = jnp.pad(cb3, (0, 128 - CLS))
    (outp,) = _k_mlp(pooled, C1, cb1, C2, cb2, c3p, cb3p)
    return outp[:, :CLS]

# --- scband reference (transcript-rebuilt; emitter-appended) ---
"""Pipeline reference for scband-advanced-cardiac-gnn-28475633172515 (READ-ONLY COPY).

The authoritative reference and input builder live on the scoring server;
editing this copy changes nothing except your own understanding.
"""

import jax, jax.numpy as jnp
import numpy as np

N = 10000
E = 320000
D_IN = 128
H0, H1, H2 = 512, 256, 128
NUM_GRAPHS = 16
NUM_CLASSES = 5

def _glorot(key, shape):
    limit = jnp.sqrt(6.0 / (shape[0] + shape[1]))
    return jax.random.uniform(key, shape, minval=-limit, maxval=limit, dtype=jnp.float32)

def setup_inputs(seed=0):
    key = jax.random.key(seed)
    ks = jax.random.split(key, 16)
    x = jax.random.normal(ks[0], (N, D_IN), dtype=jnp.float32)
    edge_index = jax.random.randint(ks[1], (2, E), 0, N)
    batch = jnp.sort(jax.random.randint(ks[2], (N,), 0, NUM_GRAPHS))
    return {
        "x": x, "edge_index": edge_index, "batch": batch,
        "W_in": _glorot(ks[3], (D_IN, H0)), "b_in": jnp.zeros((H0,), jnp.float32),
        "Wc0": _glorot(ks[4], (H0, H0)), "bc0": jnp.zeros((H0,), jnp.float32),
        "g0": jnp.ones((H0,), jnp.float32), "be0": jnp.zeros((H0,), jnp.float32),
        "Wc1": _glorot(ks[5], (H0, H1)), "bc1": jnp.zeros((H1,), jnp.float32),
        "g1": jnp.ones((H1,), jnp.float32), "be1": jnp.zeros((H1,), jnp.float32),
        "R1": _glorot(ks[6], (H0, H1)), "rb1": jnp.zeros((H1,), jnp.float32),
        "Wc2": _glorot(ks[7], (H1, H2)), "bc2": jnp.zeros((H2,), jnp.float32),
        "g2": jnp.ones((H2,), jnp.float32), "be2": jnp.zeros((H2,), jnp.float32),
        "R2": _glorot(ks[8], (H1, H2)), "rb2": jnp.zeros((H2,), jnp.float32),
        "A1": _glorot(ks[9], (H2, H2 // 2)), "ab1": jnp.zeros((H2 // 2,), jnp.float32),
        "A2": _glorot(ks[10], (H2 // 2, 1)), "ab2": jnp.zeros((1,), jnp.float32),
        "C1": _glorot(ks[11], (H2, H2 // 2)), "cb1": jnp.zeros((H2 // 2,), jnp.float32),
        "C2": _glorot(ks[12], (H2 // 2, H2 // 4)), "cb2": jnp.zeros((H2 // 4,), jnp.float32),
        "C3": _glorot(ks[13], (H2 // 4, NUM_CLASSES)), "cb3": jnp.zeros((NUM_CLASSES,), jnp.float32),
    }

def _gcn(x, src, dst, W, b):
    n = x.shape[0]
    xw = x @ W
    loops = jnp.arange(n)
    s = jnp.concatenate([src, loops])
    d = jnp.concatenate([dst, loops])
    deg = jnp.zeros((n,), xw.dtype).at[d].add(1.0)
    dinv = jax.lax.rsqrt(deg)
    norm = dinv[s] * dinv[d]
    msg = xw[s] * norm[:, None]
    return jax.ops.segment_sum(msg, d, num_segments=n) + b

def _ln(x, g, b):
    mu = jnp.mean(x, axis=-1, keepdims=True)
    var = jnp.var(x, axis=-1, keepdims=True)
    return (x - mu) / jnp.sqrt(var + 1e-5) * g + b

def _forward(x, edge_index, batch, W_in, b_in, Wc0, bc0, g0, be0, Wc1, bc1, g1, be1, R1, rb1, Wc2, bc2, g2, be2, R2, rb2, A1, ab1, A2, ab2, C1, cb1, C2, cb2, C3, cb3):
    src, dst = edge_index[0], edge_index[1]
    h = jax.nn.relu(x @ W_in + b_in)
    res = h
    h = jax.nn.relu(_ln(_gcn(h, src, dst, Wc0, bc0), g0, be0)) + res
    res = h @ R1 + rb1
    h = jax.nn.relu(_ln(_gcn(h, src, dst, Wc1, bc1), g1, be1)) + res
    res = h @ R2 + rb2
    h = jax.nn.relu(_ln(_gcn(h, src, dst, Wc2, bc2), g2, be2)) + res
    w = jax.nn.sigmoid(jax.nn.relu(h @ A1 + ab1) @ A2 + ab2)
    pooled = jax.ops.segment_sum(h * w, batch, num_segments=NUM_GRAPHS)
    z = jax.nn.relu(pooled @ C1 + cb1)
    z = jax.nn.relu(z @ C2 + cb2)
    return z @ C3 + cb3

def reference(x, edge_index, batch, W_in, b_in, Wc0, bc0, g0, be0, Wc1, bc1, g1, be1, R1, rb1, Wc2, bc2, g2, be2, R2, rb2, A1, ab1, A2, ab2, C1, cb1, C2, cb2, C3, cb3):
    return _forward(x, edge_index, batch, W_in, b_in, Wc0, bc0, g0, be0, Wc1, bc1, g1, be1, R1, rb1, Wc2, bc2, g2, be2, R2, rb2, A1, ab1, A2, ab2, C1, cb1, C2, cb2, C3, cb3)

if __name__ == "__main__":
    import jax
    _d = setup_inputs()
    print(jax.jit(kernel)(*tuple(_d.values())))

</pallas_src>

<mosaic_0001>
#map = affine_map<(d0, d1) -> (0, 0)>
#map1 = affine_map<(d0, d1) -> (0, 0, 0)>
#map2 = affine_map<(d0, d1) -> (0, 0, 0, 0)>
module attributes {stable_mosaic.version = 14 : i64} {
  func.func @msg(%arg0: i32, %arg1: i32, %arg2: memref<40000x128xf32, #tpu.memory_space<hbm>>, %arg3: memref<4x16x20480xi32, #tpu.memory_space<hbm>>, %arg4: memref<4x16x160x128xi32, #tpu.memory_space<hbm>>, %arg5: memref<4x10240x128xf32, #tpu.memory_space<hbm>>, %arg6: memref<5120xi32, #tpu.memory_space<vmem>>, %arg7: memref<40x128xi32, #tpu.memory_space<vmem>>, %arg8: memref<128x128xf32, #tpu.memory_space<vmem>>, %arg9: memref<128x128xf32, #tpu.memory_space<vmem>>, %arg10: memref<10240x128xf32, #tpu.memory_space<vmem_shared>>, %arg11: memref<!tpu.dma_semaphore, #tpu.memory_space<semaphore_mem>>, %arg12: memref<!tpu.dma_semaphore, #tpu.memory_space<semaphore_mem>>) attributes {dimension_semantics = [#tpu.dimension_semantics<core_parallel>, #tpu.dimension_semantics<subcore_parallel>], iteration_bounds = array<i64: 2, 16>, scalar_prefetch = 0 : i64, scratch_operands = 7 : i64, tpu.core_type = #tpu.core_type<sc_vector_subcore>, window_params = [{transform_indices = #map}, {transform_indices = #map1}, {transform_indices = #map2}, {transform_indices = #map1}]} {
    %mul3A = arith.constant 640 : i32
    %mul3A_0 = arith.muli %arg1, %mul3A : i32
    %broadcast_in_dim3A = arith.constant 0.000000e+00 : f32
    %broadcast_in_dim3A_1 = vector.broadcast %broadcast_in_dim3A : f32 to vector<16xf32>
    %mul3A_2 = arith.constant 2 : i32
    %mul3A_3 = arith.muli %arg0, %mul3A_2 : i32
    %add3A = arith.constant 0 : i32
    %add3A_4 = arith.addi %mul3A_3, %add3A : i32
    %scan3A = arith.constant 0 : i32
    %scan3A_5 = arith.constant 0 : i32
    %scan3A_6 = arith.constant 128 : i32
    %scan3A_7 = arith.addi %scan3A_5, %scan3A_6 : i32
    %scan3A_8 = arith.constant 1 : i32
    scf.for %scan3A_55 = %scan3A_5 to %scan3A_7 step %scan3A_8  : i32 {
      %swap3A = arith.index_cast %scan3A_55 : i32 to index
      %swap3A_56 = arith.constant 0 : index
      %swap3A_57 = tpu.vector_load %arg8[%swap3A, %swap3A_56] {strides = array<i32>} : memref<128x128xf32, #tpu.memory_space<vmem>>, vector<1x16xf32>,
      %swap3A_58 = vector.shape_cast %swap3A_57 : vector<1x16xf32> to vector<16xf32>
      %swap3A_59 = vector.shape_cast %broadcast_in_dim3A_1 : vector<16xf32> to vector<1x16xf32>
      tpu.vector_store %arg8[%swap3A, %swap3A_56], %swap3A_59 {strides = array<i32>} : memref<128x128xf32, #tpu.memory_space<vmem>>, vector<1x16xf32>,
      %swap3A_60 = arith.index_cast %scan3A_55 : i32 to index
      %swap3A_61 = arith.constant 16 : index
      %swap3A_62 = tpu.vector_load %arg8[%swap3A_60, %swap3A_61] {strides = array<i32>} : memref<128x128xf32, #tpu.memory_space<vmem>>, vector<1x16xf32>,
      %swap3A_63 = vector.shape_cast %swap3A_62 : vector<1x16xf32> to vector<16xf32>
      %swap3A_64 = vector.shape_cast %broadcast_in_dim3A_1 : vector<16xf32> to vector<1x16xf32>
      tpu.vector_store %arg8[%swap3A_60, %swap3A_61], %swap3A_64 {strides = array<i32>} : memref<128x128xf32, #tpu.memory_space<vmem>>, vector<1x16xf32>,
      %swap3A_65 = arith.index_cast %scan3A_55 : i32 to index
      %swap3A_66 = arith.constant 32 : index
      %swap3A_67 = tpu.vector_load %arg8[%swap3A_65, %swap3A_66] {strides = array<i32>} : memref<128x128xf32, #tpu.memory_space<vmem>>, vector<1x16xf32>,
      %swap3A_68 = vector.shape_cast %swap3A_67 : vector<1x16xf32> to vector<16xf32>
      %swap3A_69 = vector.shape_cast %broadcast_in_dim3A_1 : vector<16xf32> to vector<1x16xf32>
      tpu.vector_store %arg8[%swap3A_65, %swap3A_66], %swap3A_69 {strides = array<i32>} : memref<128x128xf32, #tpu.memory_space<vmem>>, vector<1x16xf32>,
      %swap3A_70 = arith.index_cast %scan3A_55 : i32 to index
      %swap3A_71 = arith.constant 48 : index
      %swap3A_72 = tpu.vector_load %arg8[%swap3A_70, %swap3A_71] {strides = array<i32>} : memref<128x128xf32, #tpu.memory_space<vmem>>, vector<1x16xf32>,
      %swap3A_73 = vector.shape_cast %swap3A_72 : vector<1x16xf32> to vector<16xf32>
      %swap3A_74 = vector.shape_cast %broadcast_in_dim3A_1 : vector<16xf32> to vector<1x16xf32>
      tpu.vector_store %arg8[%swap3A_70, %swap3A_71], %swap3A_74 {strides = array<i32>} : memref<128x128xf32, #tpu.memory_space<vmem>>, vector<1x16xf32>,
      %swap3A_75 = arith.index_cast %scan3A_55 : i32 to index
      %swap3A_76 = arith.constant 64 : index
      %swap3A_77 = tpu.vector_load %arg8[%swap3A_75, %swap3A_76] {strides = array<i32>} : memref<128x128xf32, #tpu.memory_space<vmem>>, vector<1x16xf32>,
      %swap3A_78 = vector.shape_cast %swap3A_77 : vector<1x16xf32> to vector<16xf32>
      %swap3A_79 = vector.shape_cast %broadcast_in_dim3A_1 : vector<16xf32> to vector<1x16xf32>
      tpu.vector_store %arg8[%swap3A_75, %swap3A_76], %swap3A_79 {strides = array<i32>} : memref<128x128xf32, #tpu.memory_space<vmem>>, vector<1x16xf32>,
      %swap3A_80 = arith.index_cast %scan3A_55 : i32 to index
      %swap3A_81 = arith.constant 80 : index
      %swap3A_82 = tpu.vector_load %arg8[%swap3A_80, %swap3A_81] {strides = array<i32>} : memref<128x128xf32, #tpu.memory_space<vmem>>, vector<1x16xf32>,
      %swap3A_83 = vector.shape_cast %swap3A_82 : vector<1x16xf32> to vector<16xf32>
      %swap3A_84 = vector.shape_cast %broadcast_in_dim3A_1 : vector<16xf32> to vector<1x16xf32>
      tpu.vector_store %arg8[%swap3A_80, %swap3A_81], %swap3A_84 {strides = array<i32>} : memref<128x128xf32, #tpu.memory_space<vmem>>, vector<1x16xf32>,
      %swap3A_85 = arith.index_cast %scan3A_55 : i32 to index
      %swap3A_86 = arith.constant 96 : index
      %swap3A_87 = tpu.vector_load %arg8[%swap3A_85, %swap3A_86] {strides = array<i32>} : memref<128x128xf32, #tpu.memory_space<vmem>>, vector<1x16xf32>,
      %swap3A_88 = vector.shape_cast %swap3A_87 : vector<1x16xf32> to vector<16xf32>
      %swap3A_89 = vector.shape_cast %broadcast_in_dim3A_1 : vector<16xf32> to vector<1x16xf32>
      tpu.vector_store %arg8[%swap3A_85, %swap3A_86], %swap3A_89 {strides = array<i32>} : memref<128x128xf32, #tpu.memory_space<vmem>>, vector<1x16xf32>,
      %swap3A_90 = arith.index_cast %scan3A_55 : i32 to index
      %swap3A_91 = arith.constant 112 : index
      %swap3A_92 = tpu.vector_load %arg8[%swap3A_90, %swap3A_91] {strides = array<i32>} : memref<128x128xf32, #tpu.memory_space<vmem>>, vector<1x16xf32>,
      %swap3A_93 = vector.shape_cast %swap3A_92 : vector<1x16xf32> to vector<16xf32>
      %swap3A_94 = vector.shape_cast %broadcast_in_dim3A_1 : vector<16xf32> to vector<1x16xf32>
      tpu.vector_store %arg8[%swap3A_90, %swap3A_91], %swap3A_94 {strides = array<i32>} : memref<128x128xf32, #tpu.memory_space<vmem>>, vector<1x16xf32>,
    }
    %scan3A_9 = arith.constant 128 : i32
    %add3A_10 = arith.constant 0 : i32
    %add3A_11 = arith.addi %mul3A_0, %add3A_10 : i32
    "tpu.region"() ({
      %run_scoped3A = tpu.sem_alloc : memref<!tpu.dma_semaphore, #tpu.memory_space<semaphore_mem>>
      %dma_start3A = arith.constant 0 : i32
      %dma_start3A_55 = tpu.memref_slice %arg10[%add3A_11, %dma_start3A] : memref<10240x128xf32, #tpu.memory_space<vmem_shared>> -> memref<128x128xf32, #tpu.memory_space<vmem_shared>>
      %dma_start3A_56 = arith.constant 0 : i32
      %dma_start3A_57 = tpu.memref_slice %arg10[%add3A_11, %dma_start3A_56] : memref<10240x128xf32, #tpu.memory_space<vmem_shared>> -> memref<128x128xf32, #tpu.memory_space<vmem_shared>>
      tpu.enqueue_dma source(%arg8 : memref<128x128xf32, #tpu.memory_space<vmem>>) target(%dma_start3A_57 : memref<128x128xf32, #tpu.memory_space<vmem_shared>>) target_semaphore(%run_scoped3A : memref<!tpu.dma_semaphore, #tpu.memory_space<semaphore_mem>>)
      %dma_wait3A = arith.constant 0 : i32
      %dma_wait3A_58 = tpu.memref_slice %arg10[%add3A_11, %dma_wait3A] : memref<10240x128xf32, #tpu.memory_space<vmem_shared>> -> memref<128x128xf32, #tpu.memory_space<vmem_shared>>
      %dma_wait3A_59 = arith.constant 0 : i32
      %dma_wait3A_60 = tpu.memref_slice %arg10[%add3A_11, %dma_wait3A_59] : memref<10240x128xf32, #tpu.memory_space<vmem_shared>> -> memref<128x128xf32, #tpu.memory_space<vmem_shared>>
      tpu.wait_dma2 semaphore(%run_scoped3A : memref<!tpu.dma_semaphore, #tpu.memory_space<semaphore_mem>>) src(%arg8 : memref<128x128xf32, #tpu.memory_space<vmem>>) dst(%dma_wait3A_60 : memref<128x128xf32, #tpu.memory_space<vmem_shared>>)
      tpu.yield
    }) : () -> ()
    %add3A_12 = arith.constant 128 : i32
    %add3A_13 = arith.addi %mul3A_0, %add3A_12 : i32
    "tpu.region"() ({
      %run_scoped3A = tpu.sem_alloc : memref<!tpu.dma_semaphore, #tpu.memory_space<semaphore_mem>>
      %dma_start3A = arith.constant 0 : i32
      %dma_start3A_55 = tpu.memref_slice %arg10[%add3A_13, %dma_start3A] : memref<10240x128xf32, #tpu.memory_space<vmem_shared>> -> memref<128x128xf32, #tpu.memory_space<vmem_shared>>
      %dma_start3A_56 = arith.constant 0 : i32
      %dma_start3A_57 = tpu.memref_slice %arg10[%add3A_13, %dma_start3A_56] : memref<10240x128xf32, #tpu.memory_space<vmem_shared>> -> memref<128x128xf32, #tpu.memory_space<vmem_shared>>
      tpu.enqueue_dma source(%arg8 : memref<128x128xf32, #tpu.memory_space<vmem>>) target(%dma_start3A_57 : memref<128x128xf32, #tpu.memory_space<vmem_shared>>) target_semaphore(%run_scoped3A : memref<!tpu.dma_semaphore, #tpu.memory_space<semaphore_mem>>)
      %dma_wait3A = arith.constant 0 : i32
      %dma_wait3A_58 = tpu.memref_slice %arg10[%add3A_13, %dma_wait3A] : memref<10240x128xf32, #tpu.memory_space<vmem_shared>> -> memref<128x128xf32, #tpu.memory_space<vmem_shared>>
      %dma_wait3A_59 = arith.constant 0 : i32
      %dma_wait3A_60 = tpu.memref_slice %arg10[%add3A_13, %dma_wait3A_59] : memref<10240x128xf32, #tpu.memory_space<vmem_shared>> -> memref<128x128xf32, #tpu.memory_space<vmem_shared>>
      tpu.wait_dma2 semaphore(%run_scoped3A : memref<!tpu.dma_semaphore, #tpu.memory_space<semaphore_mem>>) src(%arg8 : memref<128x128xf32, #tpu.memory_space<vmem>>) dst(%dma_wait3A_60 : memref<128x128xf32, #tpu.memory_space<vmem_shared>>)
      tpu.yield
    }) : () -> ()
    %add3A_14 = arith.constant 256 : i32
    %add3A_15 = arith.addi %mul3A_0, %add3A_14 : i32
    "tpu.region"() ({
      %run_scoped3A = tpu.sem_alloc : memref<!tpu.dma_semaphore, #tpu.memory_space<semaphore_mem>>
      %dma_start3A = arith.constant 0 : i32
      %dma_start3A_55 = tpu.memref_slice %arg10[%add3A_15, %dma_start3A] : memref<10240x128xf32, #tpu.memory_space<vmem_shared>> -> memref<128x128xf32, #tpu.memory_space<vmem_shared>>
      %dma_start3A_56 = arith.constant 0 : i32
      %dma_start3A_57 = tpu.memref_slice %arg10[%add3A_15, %dma_start3A_56] : memref<10240x128xf32, #tpu.memory_space<vmem_shared>> -> memref<128x128xf32, #tpu.memory_space<vmem_shared>>
      tpu.enqueue_dma source(%arg8 : memref<128x128xf32, #tpu.memory_space<vmem>>) target(%dma_start3A_57 : memref<128x128xf32, #tpu.memory_space<vmem_shared>>) target_semaphore(%run_scoped3A : memref<!tpu.dma_semaphore, #tpu.memory_space<semaphore_mem>>)
      %dma_wait3A = arith.constant 0 : i32
      %dma_wait3A_58 = tpu.memref_slice %arg10[%add3A_15, %dma_wait3A] : memref<10240x128xf32, #tpu.memory_space<vmem_shared>> -> memref<128x128xf32, #tpu.memory_space<vmem_shared>>
      %dma_wait3A_59 = arith.constant 0 : i32
      %dma_wait3A_60 = tpu.memref_slice %arg10[%add3A_15, %dma_wait3A_59] : memref<10240x128xf32, #tpu.memory_space<vmem_shared>> -> memref<128x128xf32, #tpu.memory_space<vmem_shared>>
      tpu.wait_dma2 semaphore(%run_scoped3A : memref<!tpu.dma_semaphore, #tpu.memory_space<semaphore_mem>>) src(%arg8 : memref<128x128xf32, #tpu.memory_space<vmem>>) dst(%dma_wait3A_60 : memref<128x128xf32, #tpu.memory_space<vmem_shared>>)
      tpu.yield
    }) : () -> ()
    %add3A_16 = arith.constant 384 : i32
    %add3A_17 = arith.addi %mul3A_0, %add3A_16 : i32
    "tpu.region"() ({
      %run_scoped3A = tpu.sem_alloc : memref<!tpu.dma_semaphore, #tpu.memory_space<semaphore_mem>>
      %dma_start3A = arith.constant 0 : i32
      %dma_start3A_55 = tpu.memref_slice %arg10[%add3A_17, %dma_start3A] : memref<10240x128xf32, #tpu.memory_space<vmem_shared>> -> memref<128x128xf32, #tpu.memory_space<vmem_shared>>
      %dma_start3A_56 = arith.constant 0 : i32
      %dma_start3A_57 = tpu.memref_slice %arg10[%add3A_17, %dma_start3A_56] : memref<10240x128xf32, #tpu.memory_space<vmem_shared>> -> memref<128x128xf32, #tpu.memory_space<vmem_shared>>
      tpu.enqueue_dma source(%arg8 : memref<128x128xf32, #tpu.memory_space<vmem>>) target(%dma_start3A_57 : memref<128x128xf32, #tpu.memory_space<vmem_shared>>) target_semaphore(%run_scoped3A : memref<!tpu.dma_semaphore, #tpu.memory_space<semaphore_mem>>)
      %dma_wait3A = arith.constant 0 : i32
      %dma_wait3A_58 = tpu.memref_slice %arg10[%add3A_17, %dma_wait3A] : memref<10240x128xf32, #tpu.memory_space<vmem_shared>> -> memref<128x128xf32, #tpu.memory_space<vmem_shared>>
      %dma_wait3A_59 = arith.constant 0 : i32
      %dma_wait3A_60 = tpu.memref_slice %arg10[%add3A_17, %dma_wait3A_59] : memref<10240x128xf32, #tpu.memory_space<vmem_shared>> -> memref<128x128xf32, #tpu.memory_space<vmem_shared>>
      tpu.wait_dma2 semaphore(%run_scoped3A : memref<!tpu.dma_semaphore, #tpu.memory_space<semaphore_mem>>) src(%arg8 : memref<128x128xf32, #tpu.memory_space<vmem>>) dst(%dma_wait3A_60 : memref<128x128xf32, #tpu.memory_space<vmem_shared>>)
      tpu.yield
    }) : () -> ()
    %add3A_18 = arith.constant 512 : i32
    %add3A_19 = arith.addi %mul3A_0, %add3A_18 : i32
    "tpu.region"() ({
      %run_scoped3A = tpu.sem_alloc : memref<!tpu.dma_semaphore, #tpu.memory_space<semaphore_mem>>
      %dma_start3A = arith.constant 0 : i32
      %dma_start3A_55 = tpu.memref_slice %arg10[%add3A_19, %dma_start3A] : memref<10240x128xf32, #tpu.memory_space<vmem_shared>> -> memref<128x128xf32, #tpu.memory_space<vmem_shared>>
      %dma_start3A_56 = arith.constant 0 : i32
      %dma_start3A_57 = tpu.memref_slice %arg10[%add3A_19, %dma_start3A_56] : memref<10240x128xf32, #tpu.memory_space<vmem_shared>> -> memref<128x128xf32, #tpu.memory_space<vmem_shared>>
      tpu.enqueue_dma source(%arg8 : memref<128x128xf32, #tpu.memory_space<vmem>>) target(%dma_start3A_57 : memref<128x128xf32, #tpu.memory_space<vmem_shared>>) target_semaphore(%run_scoped3A : memref<!tpu.dma_semaphore, #tpu.memory_space<semaphore_mem>>)
      %dma_wait3A = arith.constant 0 : i32
      %dma_wait3A_58 = tpu.memref_slice %arg10[%add3A_19, %dma_wait3A] : memref<10240x128xf32, #tpu.memory_space<vmem_shared>> -> memref<128x128xf32, #tpu.memory_space<vmem_shared>>
      %dma_wait3A_59 = arith.constant 0 : i32
      %dma_wait3A_60 = tpu.memref_slice %arg10[%add3A_19, %dma_wait3A_59] : memref<10240x128xf32, #tpu.memory_space<vmem_shared>> -> memref<128x128xf32, #tpu.memory_space<vmem_shared>>
      tpu.wait_dma2 semaphore(%run_scoped3A : memref<!tpu.dma_semaphore, #tpu.memory_space<semaphore_mem>>) src(%arg8 : memref<128x128xf32, #tpu.memory_space<vmem>>) dst(%dma_wait3A_60 : memref<128x128xf32, #tpu.memory_space<vmem_shared>>)
      tpu.yield
    }) : () -> ()
    %barrier3A = arith.constant 0 : index
    tpu.barrier barrier_id(%barrier3A)
    %scan3A_20 = arith.constant 0 : i32
    %scan3A_21 = arith.constant 0 : i32
    %scan3A_22 = arith.constant 4 : i32
    %scan3A_23 = arith.addi %scan3A_21, %scan3A_22 : i32
    %scan3A_24 = arith.constant 1 : i32
    scf.for %scan3A_55 = %scan3A_21 to %scan3A_23 step %scan3A_24  : i32 {
      %mul3A_56 = arith.constant 40 : i32
      %mul3A_57 = arith.muli %scan3A_55, %mul3A_56 : i32
      %mul3A_58 = arith.constant 128 : i32
      %mul3A_59 = arith.muli %mul3A_57, %mul3A_58 : i32
      "tpu.region"() ({
        %run_scoped3A = tpu.sem_alloc : memref<!tpu.dma_semaphore, #tpu.memory_space<semaphore_mem>>
        %dma_start3A = tpu.memref_slice %arg3[%add3A_4, %arg1, %mul3A_59] : memref<4x16x20480xi32, #tpu.memory_space<hbm>> -> memref<1x1x5120xi32, #tpu.memory_space<hbm>>
        %dma_start3A_68 = tpu.memref_squeeze %dma_start3A : memref<1x1x5120xi32, #tpu.memory_space<hbm>> -> memref<5120xi32, #tpu.memory_space<hbm>>
        %dma_start3A_69 = tpu.memref_slice %arg3[%add3A_4, %arg1, %mul3A_59] : memref<4x16x20480xi32, #tpu.memory_space<hbm>> -> memref<1x1x5120xi32, #tpu.memory_space<hbm>>
        %dma_start3A_70 = tpu.memref_squeeze %dma_start3A_69 : memref<1x1x5120xi32, #tpu.memory_space<hbm>> -> memref<5120xi32, #tpu.memory_space<hbm>>
        tpu.enqueue_dma source(%dma_start3A_70 : memref<5120xi32, #tpu.memory_space<hbm>>) target(%arg6 : memref<5120xi32, #tpu.memory_space<vmem>>) target_semaphore(%run_scoped3A : memref<!tpu.dma_semaphore, #tpu.memory_space<semaphore_mem>>)
        %dma_wait3A = tpu.memref_slice %arg3[%add3A_4, %arg1, %mul3A_59] : memref<4x16x20480xi32, #tpu.memory_space<hbm>> -> memref<1x1x5120xi32, #tpu.memory_space<hbm>>
        %dma_wait3A_71 = tpu.memref_squeeze %dma_wait3A : memref<1x1x5120xi32, #tpu.memory_space<hbm>> -> memref<5120xi32, #tpu.memory_space<hbm>>
        %dma_wait3A_72 = tpu.memref_slice %arg3[%add3A_4, %arg1, %mul3A_59] : memref<4x16x20480xi32, #tpu.memory_space<hbm>> -> memref<1x1x5120xi32, #tpu.memory_space<hbm>>
        %dma_wait3A_73 = tpu.memref_squeeze %dma_wait3A_72 : memref<1x1x5120xi32, #tpu.memory_space<hbm>> -> memref<5120xi32, #tpu.memory_space<hbm>>
        tpu.wait_dma2 semaphore(%run_scoped3A : memref<!tpu.dma_semaphore, #tpu.memory_space<semaphore_mem>>) src(%dma_wait3A_73 : memref<5120xi32, #tpu.memory_space<hbm>>) dst(%arg6 : memref<5120xi32, #tpu.memory_space<vmem>>)
        tpu.yield
      }) : () -> ()
      %mul3A_60 = arith.constant 40 : i32
      %mul3A_61 = arith.muli %scan3A_55, %mul3A_60 : i32
      "tpu.region"() ({
        %run_scoped3A = tpu.sem_alloc : memref<!tpu.dma_semaphore, #tpu.memory_space<semaphore_mem>>
        %dma_start3A = arith.constant 0 : i32
        %dma_start3A_68 = tpu.memref_slice %arg4[%add3A_4, %arg1, %mul3A_61, %dma_start3A] : memref<4x16x160x128xi32, #tpu.memory_space<hbm>> -> memref<1x1x40x128xi32, #tpu.memory_space<hbm>>
        %dma_start3A_69 = tpu.memref_squeeze %dma_start3A_68 : memref<1x1x40x128xi32, #tpu.memory_space<hbm>> -> memref<40x128xi32, #tpu.memory_space<hbm>>
        %dma_start3A_70 = arith.constant 0 : i32
        %dma_start3A_71 = tpu.memref_slice %arg4[%add3A_4, %arg1, %mul3A_61, %dma_start3A_70] : memref<4x16x160x128xi32, #tpu.memory_space<hbm>> -> memref<1x1x40x128xi32, #tpu.memory_space<hbm>>
        %dma_start3A_72 = tpu.memref_squeeze %dma_start3A_71 : memref<1x1x40x128xi32, #tpu.memory_space<hbm>> -> memref<40x128xi32, #tpu.memory_space<hbm>>
        tpu.enqueue_dma source(%dma_start3A_72 : memref<40x128xi32, #tpu.memory_space<hbm>>) target(%arg7 : memref<40x128xi32, #tpu.memory_space<vmem>>) target_semaphore(%run_scoped3A : memref<!tpu.dma_semaphore, #tpu.memory_space<semaphore_mem>>)
        %dma_wait3A = arith.constant 0 : i32
        %dma_wait3A_73 = tpu.memref_slice %arg4[%add3A_4, %arg1, %mul3A_61, %dma_wait3A] : memref<4x16x160x128xi32, #tpu.memory_space<hbm>> -> memref<1x1x40x128xi32, #tpu.memory_space<hbm>>
        %dma_wait3A_74 = tpu.memref_squeeze %dma_wait3A_73 : memref<1x1x40x128xi32, #tpu.memory_space<hbm>> -> memref<40x128xi32, #tpu.memory_space<hbm>>
        %dma_wait3A_75 = arith.constant 0 : i32
        %dma_wait3A_76 = tpu.memref_slice %arg4[%add3A_4, %arg1, %mul3A_61, %dma_wait3A_75] : memref<4x16x160x128xi32, #tpu.memory_space<hbm>> -> memref<1x1x40x128xi32, #tpu.memory_space<hbm>>
        %dma_wait3A_77 = tpu.memref_squeeze %dma_wait3A_76 : memref<1x1x40x128xi32, #tpu.memory_space<hbm>> -> memref<40x128xi32, #tpu.memory_space<hbm>>
        tpu.wait_dma2 semaphore(%run_scoped3A : memref<!tpu.dma_semaphore, #tpu.memory_space<semaphore_mem>>) src(%dma_wait3A_77 : memref<40x128xi32, #tpu.memory_space<hbm>>) dst(%arg7 : memref<40x128xi32, #tpu.memory_space<vmem>>)
        tpu.yield
      }) : () -> ()
      %scan3A_62 = arith.constant 0 : i32
      %scan3A_63 = arith.constant 0 : i32
      %scan3A_64 = arith.constant 5 : i32
      %scan3A_65 = arith.addi %scan3A_63, %scan3A_64 : i32
      %scan3A_66 = arith.constant 1 : i32
      scf.for %scan3A_68 = %scan3A_63 to %scan3A_65 step %scan3A_66  : i32 {
        %mul3A_69 = arith.constant 8 : i32
        %mul3A_70 = arith.muli %scan3A_68, %mul3A_69 : i32
        %mul3A_71 = arith.constant 128 : i32
        %mul3A_72 = arith.muli %mul3A_70, %mul3A_71 : i32
        %dma_start3A = tpu.memref_slice %arg6[%mul3A_72] : memref<5120xi32, #tpu.memory_space<vmem>> -> memref<128xi32, #tpu.memory_space<vmem>>
        %dma_start3A_73 = arith.constant 0 : i32
        %dma_start3A_74 = arith.constant 0 : i32
        %dma_start3A_75 = tpu.memref_slice %arg2[%dma_start3A_73, %dma_start3A_74] : memref<40000x128xf32, #tpu.memory_space<hbm>> -> memref<40000x128xf32, #tpu.memory_space<hbm>>
        tpu.enqueue_indirect_dma source(%dma_start3A_75 : memref<40000x128xf32, #tpu.memory_space<hbm>>) target(%arg8 : memref<128x128xf32, #tpu.memory_space<vmem>>) offsets(%dma_start3A : memref<128xi32, #tpu.memory_space<vmem>>) semaphore(%arg11 : memref<!tpu.dma_semaphore, #tpu.memory_space<semaphore_mem>>)
        %add3A_76 = arith.constant 0 : i32
        %add3A_77 = arith.addi %mul3A_70, %add3A_76 : i32
        %add3A_78 = arith.constant 1 : i32
        %add3A_79 = arith.addi %add3A_77, %add3A_78 : i32
        %mul3A_80 = arith.constant 128 : i32
        %mul3A_81 = arith.muli %add3A_79, %mul3A_80 : i32
        %dma_start3A_82 = tpu.memref_slice %arg6[%mul3A_81] : memref<5120xi32, #tpu.memory_space<vmem>> -> memref<128xi32, #tpu.memory_space<vmem>>
        %dma_start3A_83 = arith.constant 0 : i32
        %dma_start3A_84 = arith.constant 0 : i32
        %dma_start3A_85 = tpu.memref_slice %arg2[%dma_start3A_83, %dma_start3A_84] : memref<40000x128xf32, #tpu.memory_space<hbm>> -> memref<40000x128xf32, #tpu.memory_space<hbm>>
        tpu.enqueue_indirect_dma source(%dma_start3A_85 : memref<40000x128xf32, #tpu.memory_space<hbm>>) target(%arg9 : memref<128x128xf32, #tpu.memory_space<vmem>>) offsets(%dma_start3A_82 : memref<128xi32, #tpu.memory_space<vmem>>) semaphore(%arg12 : memref<!tpu.dma_semaphore, #tpu.memory_space<semaphore_mem>>)
        %add3A_86 = arith.constant 0 : i32
        %add3A_87 = arith.addi %mul3A_70, %add3A_86 : i32
        %mul3A_88 = arith.constant 128 : i32
        %mul3A_89 = arith.muli %add3A_87, %mul3A_88 : i32
        %dma_wait3A = tpu.memref_slice %arg6[%mul3A_89] : memref<5120xi32, #tpu.memory_space<vmem>> -> memref<128xi32, #tpu.memory_space<vmem>>
        %dma_wait3A_90 = arith.constant 0 : i32
        %dma_wait3A_91 = arith.constant 0 : i32
        %dma_wait3A_92 = tpu.memref_slice %arg2[%dma_wait3A_90, %dma_wait3A_91] : memref<40000x128xf32, #tpu.memory_space<hbm>> -> memref<40000x128xf32, #tpu.memory_space<hbm>>
        tpu.wait_indirect_dma semaphore(%arg11 : memref<!tpu.dma_semaphore, #tpu.memory_space<semaphore_mem>>) src(%dma_wait3A_92 : memref<40000x128xf32, #tpu.memory_space<hbm>>) dst(%arg8 : memref<128x128xf32, #tpu.memory_space<vmem>>)
        %add3A_93 = arith.constant 0 : i32
        %add3A_94 = arith.addi %mul3A_70, %add3A_93 : i32
        "tpu.region"() ({
          %run_scoped3A = tpu.sem_alloc : memref<!tpu.dma_semaphore, #tpu.memory_space<semaphore_mem>>
          %dma_start3A_225 = arith.constant 0 : i32
          %dma_start3A_226 = tpu.memref_slice %arg7[%add3A_94, %dma_start3A_225] : memref<40x128xi32, #tpu.memory_space<vmem>> -> memref<1x128xi32, #tpu.memory_space<vmem>>
          %dma_start3A_227 = tpu.memref_squeeze %dma_start3A_226 : memref<1x128xi32, #tpu.memory_space<vmem>> -> memref<128xi32, #tpu.memory_space<vmem>>
          %dma_start3A_228 = arith.constant 0 : i32
          %dma_start3A_229 = arith.constant 0 : i32
          %dma_start3A_230 = tpu.memref_slice %arg10[%dma_start3A_228, %dma_start3A_229] : memref<10240x128xf32, #tpu.memory_space<vmem_shared>> -> memref<10240x128xf32, #tpu.memory_space<vmem_shared>>
          tpu.enqueue_indirect_dma source(%arg8 : memref<128x128xf32, #tpu.memory_space<vmem>>) target(%dma_start3A_230 : memref<10240x128xf32, #tpu.memory_space<vmem_shared>>) offsets(%dma_start3A_227 : memref<128xi32, #tpu.memory_space<vmem>>) semaphore(%run_scoped3A : memref<!tpu.dma_semaphore, #tpu.memory_space<semaphore_mem>>) {add = true}
          %dma_wait3A_231 = arith.constant 0 : i32
          %dma_wait3A_232 = tpu.memref_slice %arg7[%add3A_94, %dma_wait3A_231] : memref<40x128xi32, #tpu.memory_space<vmem>> -> memref<1x128xi32, #tpu.memory_space<vmem>>
          %dma_wait3A_233 = tpu.memref_squeeze %dma_wait3A_232 : memref<1x128xi32, #tpu.memory_space<vmem>> -> memref<128xi32, #tpu.memory_space<vmem>>
          %dma_wait3A_234 = arith.constant 0 : i32
          %dma_wait3A_235 = arith.constant 0 : i32
          %dma_wait3A_236 = tpu.memref_slice %arg10[%dma_wait3A_234, %dma_wait3A_235] : memref<10240x128xf32, #tpu.memory_space<vmem_shared>> -> memref<10240x128xf32, #tpu.memory_space<vmem_shared>>
          tpu.wait_indirect_dma semaphore(%run_scoped3A : memref<!tpu.dma_semaphore, #tpu.memory_space<semaphore_mem>>) src(%arg8 : memref<128x128xf32, #tpu.memory_space<vmem>>) dst(%dma_wait3A_236 : memref<10240x128xf32, #tpu.memory_space<vmem_shared>>)
          tpu.yield
        }) : () -> ()
        %add3A_95 = arith.constant 1 : i32
        %add3A_96 = arith.addi %mul3A_70, %add3A_95 : i32
        %add3A_97 = arith.constant 1 : i32
        %add3A_98 = arith.addi %add3A_96, %add3A_97 : i32
        %mul3A_99 = arith.constant 128 : i32
        %mul3A_100 = arith.muli %add3A_98, %mul3A_99 : i32
        %dma_start3A_101 = tpu.memref_slice %arg6[%mul3A_100] : memref<5120xi32, #tpu.memory_space<vmem>> -> memref<128xi32, #tpu.memory_space<vmem>>
        %dma_start3A_102 = arith.constant 0 : i32
        %dma_start3A_103 = arith.constant 0 : i32
        %dma_start3A_104 = tpu.memref_slice %arg2[%dma_start3A_102, %dma_start3A_103] : memref<40000x128xf32, #tpu.memory_space<hbm>> -> memref<40000x128xf32, #tpu.memory_space<hbm>>
        tpu.enqueue_indirect_dma source(%dma_start3A_104 : memref<40000x128xf32, #tpu.memory_space<hbm>>) target(%arg8 : memref<128x128xf32, #tpu.memory_space<vmem>>) offsets(%dma_start3A_101 : memref<128xi32, #tpu.memory_space<vmem>>) semaphore(%arg11 : memref<!tpu.dma_semaphore, #tpu.memory_space<semaphore_mem>>)
        %add3A_105 = arith.constant 1 : i32
        %add3A_106 = arith.addi %mul3A_70, %add3A_105 : i32
        %mul3A_107 = arith.constant 128 : i32
        %mul3A_108 = arith.muli %add3A_106, %mul3A_107 : i32
        %dma_wait3A_109 = tpu.memref_slice %arg6[%mul3A_108] : memref<5120xi32, #tpu.memory_space<vmem>> -> memref<128xi32, #tpu.memory_space<vmem>>
        %dma_wait3A_110 = arith.constant 0 : i32
        %dma_wait3A_111 = arith.constant 0 : i32
        %dma_wait3A_112 = tpu.memref_slice %arg2[%dma_wait3A_110, %dma_wait3A_111] : memref<40000x128xf32, #tpu.memory_space<hbm>> -> memref<40000x128xf32, #tpu.memory_space<hbm>>
        tpu.wait_indirect_dma semaphore(%arg12 : memref<!tpu.dma_semaphore, #tpu.memory_space<semaphore_mem>>) src(%dma_wait3A_112 : memref<40000x128xf32, #tpu.memory_space<hbm>>) dst(%arg9 : memref<128x128xf32, #tpu.memory_space<vmem>>)
        %add3A_113 = arith.constant 1 : i32
        %add3A_114 = arith.addi %mul3A_70, %add3A_113 : i32
        "tpu.region"() ({
          %run_scoped3A = tpu.sem_alloc : memref<!tpu.dma_semaphore, #tpu.memory_space<semaphore_mem>>
          %dma_start3A_225 = arith.constant 0 : i32
          %dma_start3A_226 = tpu.memref_slice %arg7[%add3A_114, %dma_start3A_225] : memref<40x128xi32, #tpu.memory_space<vmem>> -> memref<1x128xi32, #tpu.memory_space<vmem>>
          %dma_start3A_227 = tpu.memref_squeeze %dma_start3A_226 : memref<1x128xi32, #tpu.memory_space<vmem>> -> memref<128xi32, #tpu.memory_space<vmem>>
          %dma_start3A_228 = arith.constant 0 : i32
          %dma_start3A_229 = arith.constant 0 : i32
          %dma_start3A_230 = tpu.memref_slice %arg10[%dma_start3A_228, %dma_start3A_229] : memref<10240x128xf32, #tpu.memory_space<vmem_shared>> -> memref<10240x128xf32, #tpu.memory_space<vmem_shared>>
          tpu.enqueue_indirect_dma source(%arg9 : memref<128x128xf32, #tpu.memory_space<vmem>>) target(%dma_start3A_230 : memref<10240x128xf32, #tpu.memory_space<vmem_shared>>) offsets(%dma_start3A_227 : memref<128xi32, #tpu.memory_space<vmem>>) semaphore(%run_scoped3A : memref<!tpu.dma_semaphore, #tpu.memory_space<semaphore_mem>>) {add = true}
          %dma_wait3A_231 = arith.constant 0 : i32
          %dma_wait3A_232 = tpu.memref_slice %arg7[%add3A_114, %dma_wait3A_231] : memref<40x128xi32, #tpu.memory_space<vmem>> -> memref<1x128xi32, #tpu.memory_space<vmem>>
          %dma_wait3A_233 = tpu.memref_squeeze %dma_wait3A_232 : memref<1x128xi32, #tpu.memory_space<vmem>> -> memref<128xi32, #tpu.memory_space<vmem>>
          %dma_wait3A_234 = arith.constant 0 : i32
          %dma_wait3A_235 = arith.constant 0 : i32
          %dma_wait3A_236 = tpu.memref_slice %arg10[%dma_wait3A_234, %dma_wait3A_235] : memref<10240x128xf32, #tpu.memory_space<vmem_shared>> -> memref<10240x128xf32, #tpu.memory_space<vmem_shared>>
          tpu.wait_indirect_dma semaphore(%run_scoped3A : memref<!tpu.dma_semaphore, #tpu.memory_space<semaphore_mem>>) src(%arg9 : memref<128x128xf32, #tpu.memory_space<vmem>>) dst(%dma_wait3A_236 : memref<10240x128xf32, #tpu.memory_space<vmem_shared>>)
          tpu.yield
        }) : () -> ()
        %add3A_115 = arith.constant 2 : i32
        %add3A_116 = arith.addi %mul3A_70, %add3A_115 : i32
        %add3A_117 = arith.constant 1 : i32
        %add3A_118 = arith.addi %add3A_116, %add3A_117 : i32
        %mul3A_119 = arith.constant 128 : i32
        %mul3A_120 = arith.muli %add3A_118, %mul3A_119 : i32
        %dma_start3A_121 = tpu.memref_slice %arg6[%mul3A_120] : memref<5120xi32, #tpu.memory_space<vmem>> -> memref<128xi32, #tpu.memory_space<vmem>>
        %dma_start3A_122 = arith.constant 0 : i32
        %dma_start3A_123 = arith.constant 0 : i32
        %dma_start3A_124 = tpu.memref_slice %arg2[%dma_start3A_122, %dma_start3A_123] : memref<40000x128xf32, #tpu.memory_space<hbm>> -> memref<40000x128xf32, #tpu.memory_space<hbm>>
        tpu.enqueue_indirect_dma source(%dma_start3A_124 : memref<40000x128xf32, #tpu.memory_space<hbm>>) target(%arg9 : memref<128x128xf32, #tpu.memory_space<vmem>>) offsets(%dma_start3A_121 : memref<128xi32, #tpu.memory_space<vmem>>) semaphore(%arg12 : memref<!tpu.dma_semaphore, #tpu.memory_space<semaphore_mem>>)
        %add3A_125 = arith.constant 2 : i32
        %add3A_126 = arith.addi %mul3A_70, %add3A_125 : i32
        %mul3A_127 = arith.constant 128 : i32
        %mul3A_128 = arith.muli %add3A_126, %mul3A_127 : i32
        %dma_wait3A_129 = tpu.memref_slice %arg6[%mul3A_128] : memref<5120xi32, #tpu.memory_space<vmem>> -> memref<128xi32, #tpu.memory_space<vmem>>
        %dma_wait3A_130 = arith.constant 0 : i32
        %dma_wait3A_131 = arith.constant 0 : i32
        %dma_wait3A_132 = tpu.memref_slice %arg2[%dma_wait3A_130, %dma_wait3A_131] : memref<40000x128xf32, #tpu.memory_space<hbm>> -> memref<40000x128xf32, #tpu.memory_space<hbm>>
        tpu.wait_indirect_dma semaphore(%arg11 : memref<!tpu.dma_semaphore, #tpu.memory_space<semaphore_mem>>) src(%dma_wait3A_132 : memref<40000x128xf32, #tpu.memory_space<hbm>>) dst(%arg8 : memref<128x128xf32, #tpu.memory_space<vmem>>)
        %add3A_133 = arith.constant 2 : i32
        %add3A_134 = arith.addi %mul3A_70, %add3A_133 : i32
        "tpu.region"() ({
          %run_scoped3A = tpu.sem_alloc : memref<!tpu.dma_semaphore, #tpu.memory_space<semaphore_mem>>
          %dma_start3A_225 = arith.constant 0 : i32
          %dma_start3A_226 = tpu.memref_slice %arg7[%add3A_134, %dma_start3A_225] : memref<40x128xi32, #tpu.memory_space<vmem>> -> memref<1x128xi32, #tpu.memory_space<vmem>>
          %dma_start3A_227 = tpu.memref_squeeze %dma_start3A_226 : memref<1x128xi32, #tpu.memory_space<vmem>> -> memref<128xi32, #tpu.memory_space<vmem>>
          %dma_start3A_228 = arith.constant 0 : i32
          %dma_start3A_229 = arith.constant 0 : i32
          %dma_start3A_230 = tpu.memref_slice %arg10[%dma_start3A_228, %dma_start3A_229] : memref<10240x128xf32, #tpu.memory_space<vmem_shared>> -> memref<10240x128xf32, #tpu.memory_space<vmem_shared>>
          tpu.enqueue_indirect_dma source(%arg8 : memref<128x128xf32, #tpu.memory_space<vmem>>) target(%dma_start3A_230 : memref<10240x128xf32, #tpu.memory_space<vmem_shared>>) offsets(%dma_start3A_227 : memref<128xi32, #tpu.memory_space<vmem>>) semaphore(%run_scoped3A : memref<!tpu.dma_semaphore, #tpu.memory_space<semaphore_mem>>) {add = true}
          %dma_wait3A_231 = arith.constant 0 : i32
          %dma_wait3A_232 = tpu.memref_slice %arg7[%add3A_134, %dma_wait3A_231] : memref<40x128xi32, #tpu.memory_space<vmem>> -> memref<1x128xi32, #tpu.memory_space<vmem>>
          %dma_wait3A_233 = tpu.memref_squeeze %dma_wait3A_232 : memref<1x128xi32, #tpu.memory_space<vmem>> -> memref<128xi32, #tpu.memory_space<vmem>>
          %dma_wait3A_234 = arith.constant 0 : i32
          %dma_wait3A_235 = arith.constant 0 : i32
          %dma_wait3A_236 = tpu.memref_slice %arg10[%dma_wait3A_234, %dma_wait3A_235] : memref<10240x128xf32, #tpu.memory_space<vmem_shared>> -> memref<10240x128xf32, #tpu.memory_space<vmem_shared>>
          tpu.wait_indirect_dma semaphore(%run_scoped3A : memref<!tpu.dma_semaphore, #tpu.memory_space<semaphore_mem>>) src(%arg8 : memref<128x128xf32, #tpu.memory_space<vmem>>) dst(%dma_wait3A_236 : memref<10240x128xf32, #tpu.memory_space<vmem_shared>>)
          tpu.yield
        }) : () -> ()
        %add3A_135 = arith.constant 3 : i32
        %add3A_136 = arith.addi %mul3A_70, %add3A_135 : i32
        %add3A_137 = arith.constant 1 : i32
        %add3A_138 = arith.addi %add3A_136, %add3A_137 : i32
        %mul3A_139 = arith.constant 128 : i32
        %mul3A_140 = arith.muli %add3A_138, %mul3A_139 : i32
        %dma_start3A_141 = tpu.memref_slice %arg6[%mul3A_140] : memref<5120xi32, #tpu.memory_space<vmem>> -> memref<128xi32, #tpu.memory_space<vmem>>
        %dma_start3A_142 = arith.constant 0 : i32
        %dma_start3A_143 = arith.constant 0 : i32
        %dma_start3A_144 = tpu.memref_slice %arg2[%dma_start3A_142, %dma_start3A_143] : memref<40000x128xf32, #tpu.memory_space<hbm>> -> memref<40000x128xf32, #tpu.memory_space<hbm>>
        tpu.enqueue_indirect_dma source(%dma_start3A_144 : memref<40000x128xf32, #tpu.memory_space<hbm>>) target(%arg8 : memref<128x128xf32, #tpu.memory_space<vmem>>) offsets(%dma_start3A_141 : memref<128xi32, #tpu.memory_space<vmem>>) semaphore(%arg11 : memref<!tpu.dma_semaphore, #tpu.memory_space<semaphore_mem>>)
        %add3A_145 = arith.constant 3 : i32
        %add3A_146 = arith.addi %mul3A_70, %add3A_145 : i32
        %mul3A_147 = arith.constant 128 : i32
        %mul3A_148 = arith.muli %add3A_146, %mul3A_147 : i32
        %dma_wait3A_149 = tpu.memref_slice %arg6[%mul3A_148] : memref<5120xi32, #tpu.memory_space<vmem>> -> memref<128xi32, #tpu.memory_space<vmem>>
        %dma_wait3A_150 = arith.constant 0 : i32
        %dma_wait3A_151 = arith.constant 0 : i32
        %dma_wait3A_152 = tpu.memref_slice %arg2[%dma_wait3A_150, %dma_wait3A_151] : memref<40000x128xf32, #tpu.memory_space<hbm>> -> memref<40000x128xf32, #tpu.memory_space<hbm>>
        tpu.wait_indirect_dma semaphore(%arg12 : memref<!tpu.dma_semaphore, #tpu.memory_space<semaphore_mem>>) src(%dma_wait3A_152 : memref<40000x128xf32, #tpu.memory_space<hbm>>) dst(%arg9 : memref<128x128xf32, #tpu.memory_space<vmem>>)
        %add3A_153 = arith.constant 3 : i32
        %add3A_154 = arith.addi %mul3A_70, %add3A_153 : i32
        "tpu.region"() ({
          %run_scoped3A = tpu.sem_alloc : memref<!tpu.dma_semaphore, #tpu.memory_space<semaphore_mem>>
          %dma_start3A_225 = arith.constant 0 : i32
          %dma_start3A_226 = tpu.memref_slice %arg7[%add3A_154, %dma_start3A_225] : memref<40x128xi32, #tpu.memory_space<vmem>> -> memref<1x128xi32, #tpu.memory_space<vmem>>
          %dma_start3A_227 = tpu.memref_squeeze %dma_start3A_226 : memref<1x128xi32, #tpu.memory_space<vmem>> -> memref<128xi32, #tpu.memory_space<vmem>>
          %dma_start3A_228 = arith.constant 0 : i32
          %dma_start3A_229 = arith.constant 0 : i32
          %dma_start3A_230 = tpu.memref_slice %arg10[%dma_start3A_228, %dma_start3A_229] : memref<10240x128xf32, #tpu.memory_space<vmem_shared>> -> memref<10240x128xf32, #tpu.memory_space<vmem_shared>>
          tpu.enqueue_indirect_dma source(%arg9 : memref<128x128xf32, #tpu.memory_space<vmem>>) target(%dma_start3A_230 : memref<10240x128xf32, #tpu.memory_space<vmem_shared>>) offsets(%dma_start3A_227 : memref<128xi32, #tpu.memory_space<vmem>>) semaphore(%run_scoped3A : memref<!tpu.dma_semaphore, #tpu.memory_space<semaphore_mem>>) {add = true}
          %dma_wait3A_231 = arith.constant 0 : i32
          %dma_wait3A_232 = tpu.memref_slice %arg7[%add3A_154, %dma_wait3A_231] : memref<40x128xi32, #tpu.memory_space<vmem>> -> memref<1x128xi32, #tpu.memory_space<vmem>>
          %dma_wait3A_233 = tpu.memref_squeeze %dma_wait3A_232 : memref<1x128xi32, #tpu.memory_space<vmem>> -> memref<128xi32, #tpu.memory_space<vmem>>
          %dma_wait3A_234 = arith.constant 0 : i32
          %dma_wait3A_235 = arith.constant 0 : i32
          %dma_wait3A_236 = tpu.memref_slice %arg10[%dma_wait3A_234, %dma_wait3A_235] : memref<10240x128xf32, #tpu.memory_space<vmem_shared>> -> memref<10240x128xf32, #tpu.memory_space<vmem_shared>>
          tpu.wait_indirect_dma semaphore(%run_scoped3A : memref<!tpu.dma_semaphore, #tpu.memory_space<semaphore_mem>>) src(%arg9 : memref<128x128xf32, #tpu.memory_space<vmem>>) dst(%dma_wait3A_236 : memref<10240x128xf32, #tpu.memory_space<vmem_shared>>)
          tpu.yield
        }) : () -> ()
        %add3A_155 = arith.constant 4 : i32
        %add3A_156 = arith.addi %mul3A_70, %add3A_155 : i32
        %add3A_157 = arith.constant 1 : i32
        %add3A_158 = arith.addi %add3A_156, %add3A_157 : i32
        %mul3A_159 = arith.constant 128 : i32
        %mul3A_160 = arith.muli %add3A_158, %mul3A_159 : i32
        %dma_start3A_161 = tpu.memref_slice %arg6[%mul3A_160] : memref<5120xi32, #tpu.memory_space<vmem>> -> memref<128xi32, #tpu.memory_space<vmem>>
        %dma_start3A_162 = arith.constant 0 : i32
        %dma_start3A_163 = arith.constant 0 : i32
        %dma_start3A_164 = tpu.memref_slice %arg2[%dma_start3A_162, %dma_start3A_163] : memref<40000x128xf32, #tpu.memory_space<hbm>> -> memref<40000x128xf32, #tpu.memory_space<hbm>>
        tpu.enqueue_indirect_dma source(%dma_start3A_164 : memref<40000x128xf32, #tpu.memory_space<hbm>>) target(%arg9 : memref<128x128xf32, #tpu.memory_space<vmem>>) offsets(%dma_start3A_161 : memref<128xi32, #tpu.memory_space<vmem>>) semaphore(%arg12 : memref<!tpu.dma_semaphore, #tpu.memory_space<semaphore_mem>>)
        %add3A_165 = arith.constant 4 : i32
        %add3A_166 = arith.addi %mul3A_70, %add3A_165 : i32
        %mul3A_167 = arith.constant 128 : i32
        %mul3A_168 = arith.muli %add3A_166, %mul3A_167 : i32
        %dma_wait3A_169 = tpu.memref_slice %arg6[%mul3A_168] : memref<5120xi32, #tpu.memory_space<vmem>> -> memref<128xi32, #tpu.memory_space<vmem>>
        %dma_wait3A_170 = arith.constant 0 : i32
        %dma_wait3A_171 = arith.constant 0 : i32
        %dma_wait3A_172 = tpu.memref_slice %arg2[%dma_wait3A_170, %dma_wait3A_171] : memref<40000x128xf32, #tpu.memory_space<hbm>> -> memref<40000x128xf32, #tpu.memory_space<hbm>>
        tpu.wait_indirect_dma semaphore(%arg11 : memref<!tpu.dma_semaphore, #tpu.memory_space<semaphore_mem>>) src(%dma_wait3A_172 : memref<40000x128xf32, #tpu.memory_space<hbm>>) dst(%arg8 : memref<128x128xf32, #tpu.memory_space<vmem>>)
        %add3A_173 = arith.constant 4 : i32
        %add3A_174 = arith.addi %mul3A_70, %add3A_173 : i32
        "tpu.region"() ({
          %run_scoped3A = tpu.sem_alloc : memref<!tpu.dma_semaphore, #tpu.memory_space<semaphore_mem>>
          %dma_start3A_225 = arith.constant 0 : i32
          %dma_start3A_226 = tpu.memref_slice %arg7[%add3A_174, %dma_start3A_225] : memref<40x128xi32, #tpu.memory_space<vmem>> -> memref<1x128xi32, #tpu.memory_space<vmem>>
          %dma_start3A_227 = tpu.memref_squeeze %dma_start3A_226 : memref<1x128xi32, #tpu.memory_space<vmem>> -> memref<128xi32, #tpu.memory_space<vmem>>
          %dma_start3A_228 = arith.constant 0 : i32
          %dma_start3A_229 = arith.constant 0 : i32
          %dma_start3A_230 = tpu.memref_slice %arg10[%dma_start3A_228, %dma_start3A_229] : memref<10240x128xf32, #tpu.memory_space<vmem_shared>> -> memref<10240x128xf32, #tpu.memory_space<vmem_shared>>
          tpu.enqueue_indirect_dma source(%arg8 : memref<128x128xf32, #tpu.memory_space<vmem>>) target(%dma_start3A_230 : memref<10240x128xf32, #tpu.memory_space<vmem_shared>>) offsets(%dma_start3A_227 : memref<128xi32, #tpu.memory_space<vmem>>) semaphore(%run_scoped3A : memref<!tpu.dma_semaphore, #tpu.memory_space<semaphore_mem>>) {add = true}
          %dma_wait3A_231 = arith.constant 0 : i32
          %dma_wait3A_232 = tpu.memref_slice %arg7[%add3A_174, %dma_wait3A_231] : memref<40x128xi32, #tpu.memory_space<vmem>> -> memref<1x128xi32, #tpu.memory_space<vmem>>
          %dma_wait3A_233 = tpu.memref_squeeze %dma_wait3A_232 : memref<1x128xi32, #tpu.memory_space<vmem>> -> memref<128xi32, #tpu.memory_space<vmem>>
          %dma_wait3A_234 = arith.constant 0 : i32
          %dma_wait3A_235 = arith.constant 0 : i32
          %dma_wait3A_236 = tpu.memref_slice %arg10[%dma_wait3A_234, %dma_wait3A_235] : memref<10240x128xf32, #tpu.memory_space<vmem_shared>> -> memref<10240x128xf32, #tpu.memory_space<vmem_shared>>
          tpu.wait_indirect_dma semaphore(%run_scoped3A : memref<!tpu.dma_semaphore, #tpu.memory_space<semaphore_mem>>) src(%arg8 : memref<128x128xf32, #tpu.memory_space<vmem>>) dst(%dma_wait3A_236 : memref<10240x128xf32, #tpu.memory_space<vmem_shared>>)
          tpu.yield
        }) : () -> ()
        %add3A_175 = arith.constant 5 : i32
        %add3A_176 = arith.addi %mul3A_70, %add3A_175 : i32
        %add3A_177 = arith.constant 1 : i32
        %add3A_178 = arith.addi %add3A_176, %add3A_177 : i32
        %mul3A_179 = arith.constant 128 : i32
        %mul3A_180 = arith.muli %add3A_178, %mul3A_179 : i32
        %dma_start3A_181 = tpu.memref_slice %arg6[%mul3A_180] : memref<5120xi32, #tpu.memory_space<vmem>> -> memref<128xi32, #tpu.memory_space<vmem>>
        %dma_start3A_182 = arith.constant 0 : i32
        %dma_start3A_183 = arith.constant 0 : i32
        %dma_start3A_184 = tpu.memref_slice %arg2[%dma_start3A_182, %dma_start3A_183] : memref<40000x128xf32, #tpu.memory_space<hbm>> -> memref<40000x128xf32, #tpu.memory_space<hbm>>
        tpu.enqueue_indirect_dma source(%dma_start3A_184 : memref<40000x128xf32, #tpu.memory_space<hbm>>) target(%arg8 : memref<128x128xf32, #tpu.memory_space<vmem>>) offsets(%dma_start3A_181 : memref<128xi32, #tpu.memory_space<vmem>>) semaphore(%arg11 : memref<!tpu.dma_semaphore, #tpu.memory_space<semaphore_mem>>)
        %add3A_185 = arith.constant 5 : i32
        %add3A_186 = arith.addi %mul3A_70, %add3A_185 : i32
        %mul3A_187 = arith.constant 128 : i32
        %mul3A_188 = arith.muli %add3A_186, %mul3A_187 : i32
        %dma_wait3A_189 = tpu.memref_slice %arg6[%mul3A_188] : memref<5120xi32, #tpu.memory_space<vmem>> -> memref<128xi32, #tpu.memory_space<vmem>>
        %dma_wait3A_190 = arith.constant 0 : i32
        %dma_wait3A_191 = arith.constant 0 : i32
        %dma_wait3A_192 = tpu.memref_slice %arg2[%dma_wait3A_190, %dma_wait3A_191] : memref<40000x128xf32, #tpu.memory_space<hbm>> -> memref<40000x128xf32, #tpu.memory_space<hbm>>
        tpu.wait_indirect_dma semaphore(%arg12 : memref<!tpu.dma_semaphore, #tpu.memory_space<semaphore_mem>>) src(%dma_wait3A_192 : memref<40000x128xf32, #tpu.memory_space<hbm>>) dst(%arg9 : memref<128x128xf32, #tpu.memory_space<vmem>>)
        %add3A_193 = arith.constant 5 : i32
        %add3A_194 = arith.addi %mul3A_70, %add3A_193 : i32
        "tpu.region"() ({
          %run_scoped3A = tpu.sem_alloc : memref<!tpu.dma_semaphore, #tpu.memory_space<semaphore_mem>>
          %dma_start3A_225 = arith.constant 0 : i32
          %dma_start3A_226 = tpu.memref_slice %arg7[%add3A_194, %dma_start3A_225] : memref<40x128xi32, #tpu.memory_space<vmem>> -> memref<1x128xi32, #tpu.memory_space<vmem>>
          %dma_start3A_227 = tpu.memref_squeeze %dma_start3A_226 : memref<1x128xi32, #tpu.memory_space<vmem>> -> memref<128xi32, #tpu.memory_space<vmem>>
          %dma_start3A_228 = arith.constant 0 : i32
          %dma_start3A_229 = arith.constant 0 : i32
          %dma_start3A_230 = tpu.memref_slice %arg10[%dma_start3A_228, %dma_start3A_229] : memref<10240x128xf32, #tpu.memory_space<vmem_shared>> -> memref<10240x128xf32, #tpu.memory_space<vmem_shared>>
          tpu.enqueue_indirect_dma source(%arg9 : memref<128x128xf32, #tpu.memory_space<vmem>>) target(%dma_start3A_230 : memref<10240x128xf32, #tpu.memory_space<vmem_shared>>) offsets(%dma_start3A_227 : memref<128xi32, #tpu.memory_space<vmem>>) semaphore(%run_scoped3A : memref<!tpu.dma_semaphore, #tpu.memory_space<semaphore_mem>>) {add = true}
          %dma_wait3A_231 = arith.constant 0 : i32
          %dma_wait3A_232 = tpu.memref_slice %arg7[%add3A_194, %dma_wait3A_231] : memref<40x128xi32, #tpu.memory_space<vmem>> -> memref<1x128xi32, #tpu.memory_space<vmem>>
          %dma_wait3A_233 = tpu.memref_squeeze %dma_wait3A_232 : memref<1x128xi32, #tpu.memory_space<vmem>> -> memref<128xi32, #tpu.memory_space<vmem>>
          %dma_wait3A_234 = arith.constant 0 : i32
          %dma_wait3A_235 = arith.constant 0 : i32
          %dma_wait3A_236 = tpu.memref_slice %arg10[%dma_wait3A_234, %dma_wait3A_235] : memref<10240x128xf32, #tpu.memory_space<vmem_shared>> -> memref<10240x128xf32, #tpu.memory_space<vmem_shared>>
          tpu.wait_indirect_dma semaphore(%run_scoped3A : memref<!tpu.dma_semaphore, #tpu.memory_space<semaphore_mem>>) src(%arg9 : memref<128x128xf32, #tpu.memory_space<vmem>>) dst(%dma_wait3A_236 : memref<10240x128xf32, #tpu.memory_space<vmem_shared>>)
          tpu.yield
        }) : () -> ()
        %add3A_195 = arith.constant 6 : i32
        %add3A_196 = arith.addi %mul3A_70, %add3A_195 : i32
        %add3A_197 = arith.constant 1 : i32
        %add3A_198 = arith.addi %add3A_196, %add3A_197 : i32
        %mul3A_199 = arith.constant 128 : i32
        %mul3A_200 = arith.muli %add3A_198, %mul3A_199 : i32
        %dma_start3A_201 = tpu.memref_slice %arg6[%mul3A_200] : memref<5120xi32, #tpu.memory_space<vmem>> -> memref<128xi32, #tpu.memory_space<vmem>>
        %dma_start3A_202 = arith.constant 0 : i32
        %dma_start3A_203 = arith.constant 0 : i32
        %dma_start3A_204 = tpu.memref_slice %arg2[%dma_start3A_202, %dma_start3A_203] : memref<40000x128xf32, #tpu.memory_space<hbm>> -> memref<40000x128xf32, #tpu.memory_space<hbm>>
        tpu.enqueue_indirect_dma source(%dma_start3A_204 : memref<40000x128xf32, #tpu.memory_space<hbm>>) target(%arg9 : memref<128x128xf32, #tpu.memory_space<vmem>>) offsets(%dma_start3A_201 : memref<128xi32, #tpu.memory_space<vmem>>) semaphore(%arg12 : memref<!tpu.dma_semaphore, #tpu.memory_space<semaphore_mem>>)
        %add3A_205 = arith.constant 6 : i32
        %add3A_206 = arith.addi %mul3A_70, %add3A_205 : i32
        %mul3A_207 = arith.constant 128 : i32
        %mul3A_208 = arith.muli %add3A_206, %mul3A_207 : i32
        %dma_wait3A_209 = tpu.memref_slice %arg6[%mul3A_208] : memref<5120xi32, #tpu.memory_space<vmem>> -> memref<128xi32, #tpu.memory_space<vmem>>
        %dma_wait3A_210 = arith.constant 0 : i32
        %dma_wait3A_211 = arith.constant 0 : i32
        %dma_wait3A_212 = tpu.memref_slice %arg2[%dma_wait3A_210, %dma_wait3A_211] : memref<40000x128xf32, #tpu.memory_space<hbm>> -> memref<40000x128xf32, #tpu.memory_space<hbm>>
        tpu.wait_indirect_dma semaphore(%arg11 : memref<!tpu.dma_semaphore, #tpu.memory_space<semaphore_mem>>) src(%dma_wait3A_212 : memref<40000x128xf32, #tpu.memory_space<hbm>>) dst(%arg8 : memref<128x128xf32, #tpu.memory_space<vmem>>)
        %add3A_213 = arith.constant 6 : i32
        %add3A_214 = arith.addi %mul3A_70, %add3A_213 : i32
        "tpu.region"() ({
          %run_scoped3A = tpu.sem_alloc : memref<!tpu.dma_semaphore, #tpu.memory_space<semaphore_mem>>
          %dma_start3A_225 = arith.constant 0 : i32
          %dma_start3A_226 = tpu.memref_slice %arg7[%add3A_214, %dma_start3A_225] : memref<40x128xi32, #tpu.memory_space<vmem>> -> memref<1x128xi32, #tpu.memory_space<vmem>>
          %dma_start3A_227 = tpu.memref_squeeze %dma_start3A_226 : memref<1x128xi32, #tpu.memory_space<vmem>> -> memref<128xi32, #tpu.memory_space<vmem>>
          %dma_start3A_228 = arith.constant 0 : i32
          %dma_start3A_229 = arith.constant 0 : i32
          %dma_start3A_230 = tpu.memref_slice %arg10[%dma_start3A_228, %dma_start3A_229] : memref<10240x128xf32, #tpu.memory_space<vmem_shared>> -> memref<10240x128xf32, #tpu.memory_space<vmem_shared>>
          tpu.enqueue_indirect_dma source(%arg8 : memref<128x128xf32, #tpu.memory_space<vmem>>) target(%dma_start3A_230 : memref<10240x128xf32, #tpu.memory_space<vmem_shared>>) offsets(%dma_start3A_227 : memref<128xi32, #tpu.memory_space<vmem>>) semaphore(%run_scoped3A : memref<!tpu.dma_semaphore, #tpu.memory_space<semaphore_mem>>) {add = true}
          %dma_wait3A_231 = arith.constant 0 : i32
          %dma_wait3A_232 = tpu.memref_slice %arg7[%add3A_214, %dma_wait3A_231] : memref<40x128xi32, #tpu.memory_space<vmem>> -> memref<1x128xi32, #tpu.memory_space<vmem>>
          %dma_wait3A_233 = tpu.memref_squeeze %dma_wait3A_232 : memref<1x128xi32, #tpu.memory_space<vmem>> -> memref<128xi32, #tpu.memory_space<vmem>>
          %dma_wait3A_234 = arith.constant 0 : i32
          %dma_wait3A_235 = arith.constant 0 : i32
          %dma_wait3A_236 = tpu.memref_slice %arg10[%dma_wait3A_234, %dma_wait3A_235] : memref<10240x128xf32, #tpu.memory_space<vmem_shared>> -> memref<10240x128xf32, #tpu.memory_space<vmem_shared>>
          tpu.wait_indirect_dma semaphore(%run_scoped3A : memref<!tpu.dma_semaphore, #tpu.memory_space<semaphore_mem>>) src(%arg8 : memref<128x128xf32, #tpu.memory_space<vmem>>) dst(%dma_wait3A_236 : memref<10240x128xf32, #tpu.memory_space<vmem_shared>>)
          tpu.yield
        }) : () -> ()
        %add3A_215 = arith.constant 7 : i32
        %add3A_216 = arith.addi %mul3A_70, %add3A_215 : i32
        %mul3A_217 = arith.constant 128 : i32
        %mul3A_218 = arith.muli %add3A_216, %mul3A_217 : i32
        %dma_wait3A_219 = tpu.memref_slice %arg6[%mul3A_218] : memref<5120xi32, #tpu.memory_space<vmem>> -> memref<128xi32, #tpu.memory_space<vmem>>
        %dma_wait3A_220 = arith.constant 0 : i32
        %dma_wait3A_221 = arith.constant 0 : i32
        %dma_wait3A_222 = tpu.memref_slice %arg2[%dma_wait3A_220, %dma_wait3A_221] : memref<40000x128xf32, #tpu.memory_space<hbm>> -> memref<40000x128xf32, #tpu.memory_space<hbm>>
        tpu.wait_indirect_dma semaphore(%arg12 : memref<!tpu.dma_semaphore, #tpu.memory_space<semaphore_mem>>) src(%dma_wait3A_222 : memref<40000x128xf32, #tpu.memory_space<hbm>>) dst(%arg9 : memref<128x128xf32, #tpu.memory_space<vmem>>)
        %add3A_223 = arith.constant 7 : i32
        %add3A_224 = arith.addi %mul3A_70, %add3A_223 : i32
        "tpu.region"() ({
          %run_scoped3A = tpu.sem_alloc : memref<!tpu.dma_semaphore, #tpu.memory_space<semaphore_mem>>
          %dma_start3A_225 = arith.constant 0 : i32
          %dma_start3A_226 = tpu.memref_slice %arg7[%add3A_224, %dma_start3A_225] : memref<40x128xi32, #tpu.memory_space<vmem>> -> memref<1x128xi32, #tpu.memory_space<vmem>>
          %dma_start3A_227 = tpu.memref_squeeze %dma_start3A_226 : memref<1x128xi32, #tpu.memory_space<vmem>> -> memref<128xi32, #tpu.memory_space<vmem>>
          %dma_start3A_228 = arith.constant 0 : i32
          %dma_start3A_229 = arith.constant 0 : i32
          %dma_start3A_230 = tpu.memref_slice %arg10[%dma_start3A_228, %dma_start3A_229] : memref<10240x128xf32, #tpu.memory_space<vmem_shared>> -> memref<10240x128xf32, #tpu.memory_space<vmem_shared>>
          tpu.enqueue_indirect_dma source(%arg9 : memref<128x128xf32, #tpu.memory_space<vmem>>) target(%dma_start3A_230 : memref<10240x128xf32, #tpu.memory_space<vmem_shared>>) offsets(%dma_start3A_227 : memref<128xi32, #tpu.memory_space<vmem>>) semaphore(%run_scoped3A : memref<!tpu.dma_semaphore, #tpu.memory_space<semaphore_mem>>) {add = true}
          %dma_wait3A_231 = arith.constant 0 : i32
          %dma_wait3A_232 = tpu.memref_slice %arg7[%add3A_224, %dma_wait3A_231] : memref<40x128xi32, #tpu.memory_space<vmem>> -> memref<1x128xi32, #tpu.memory_space<vmem>>
          %dma_wait3A_233 = tpu.memref_squeeze %dma_wait3A_232 : memref<1x128xi32, #tpu.memory_space<vmem>> -> memref<128xi32, #tpu.memory_space<vmem>>
          %dma_wait3A_234 = arith.constant 0 : i32
          %dma_wait3A_235 = arith.constant 0 : i32
          %dma_wait3A_236 = tpu.memref_slice %arg10[%dma_wait3A_234, %dma_wait3A_235] : memref<10240x128xf32, #tpu.memory_space<vmem_shared>> -> memref<10240x128xf32, #tpu.memory_space<vmem_shared>>
          tpu.wait_indirect_dma semaphore(%run_scoped3A : memref<!tpu.dma_semaphore, #tpu.memory_space<semaphore_mem>>) src(%arg9 : memref<128x128xf32, #tpu.memory_space<vmem>>) dst(%dma_wait3A_236 : memref<10240x128xf32, #tpu.memory_space<vmem_shared>>)
          tpu.yield
        }) : () -> ()
      }
      %scan3A_67 = arith.constant 5 : i32
    }
    %scan3A_25 = arith.constant 4 : i32
    %barrier3A_26 = arith.constant 0 : index
    tpu.barrier barrier_id(%barrier3A_26)
    "tpu.region"() ({
      %run_scoped3A = tpu.sem_alloc : memref<!tpu.dma_semaphore, #tpu.memory_space<semaphore_mem>>
      %dma_start3A = arith.constant 0 : i32
      %dma_start3A_55 = tpu.memref_slice %arg5[%add3A_4, %mul3A_0, %dma_start3A] : memref<4x10240x128xf32, #tpu.memory_space<hbm>> -> memref<1x640x128xf32, #tpu.memory_space<hbm>>
      %dma_start3A_56 = tpu.memref_squeeze %dma_start3A_55 : memref<1x640x128xf32, #tpu.memory_space<hbm>> -> memref<640x128xf32, #tpu.memory_space<hbm>>
      %dma_start3A_57 = arith.constant 0 : i32
      %dma_start3A_58 = tpu.memref_slice %arg10[%mul3A_0, %dma_start3A_57] : memref<10240x128xf32, #tpu.memory_space<vmem_shared>> -> memref<640x128xf32, #tpu.memory_space<vmem_shared>>
      tpu.enqueue_dma source(%dma_start3A_58 : memref<640x128xf32, #tpu.memory_space<vmem_shared>>) target(%dma_start3A_56 : memref<640x128xf32, #tpu.memory_space<hbm>>) target_semaphore(%run_scoped3A : memref<!tpu.dma_semaphore, #tpu.memory_space<semaphore_mem>>)
      %dma_wait3A = arith.constant 0 : i32
      %dma_wait3A_59 = tpu.memref_slice %arg5[%add3A_4, %mul3A_0, %dma_wait3A] : memref<4x10240x128xf32, #tpu.memory_space<hbm>> -> memref<1x640x128xf32, #tpu.memory_space<hbm>>
      %dma_wait3A_60 = tpu.memref_squeeze %dma_wait3A_59 : memref<1x640x128xf32, #tpu.memory_space<hbm>> -> memref<640x128xf32, #tpu.memory_space<hbm>>
      %dma_wait3A_61 = arith.constant 0 : i32
      %dma_wait3A_62 = tpu.memref_slice %arg10[%mul3A_0, %dma_wait3A_61] : memref<10240x128xf32, #tpu.memory_space<vmem_shared>> -> memref<640x128xf32, #tpu.memory_space<vmem_shared>>
      tpu.wait_dma2 semaphore(%run_scoped3A : memref<!tpu.dma_semaphore, #tpu.memory_space<semaphore_mem>>) src(%dma_wait3A_62 : memref<640x128xf32, #tpu.memory_space<vmem_shared>>) dst(%dma_wait3A_60 : memref<640x128xf32, #tpu.memory_space<hbm>>)
      tpu.yield
    }) : () -> ()
    %mul3A_27 = arith.constant 2 : i32
    %mul3A_28 = arith.muli %arg0, %mul3A_27 : i32
    %add3A_29 = arith.constant 1 : i32
    %add3A_30 = arith.addi %mul3A_28, %add3A_29 : i32
    %scan3A_31 = arith.constant 0 : i32
    %scan3A_32 = arith.constant 0 : i32
    %scan3A_33 = arith.constant 128 : i32
    %scan3A_34 = arith.addi %scan3A_32, %scan3A_33 : i32
    %scan3A_35 = arith.constant 1 : i32
    scf.for %scan3A_55 = %scan3A_32 to %scan3A_34 step %scan3A_35  : i32 {
      %swap3A = arith.index_cast %scan3A_55 : i32 to index
      %swap3A_56 = arith.constant 0 : index
      %swap3A_57 = tpu.vector_load %arg8[%swap3A, %swap3A_56] {strides = array<i32>} : memref<128x128xf32, #tpu.memory_space<vmem>>, vector<1x16xf32>,
      %swap3A_58 = vector.shape_cast %swap3A_57 : vector<1x16xf32> to vector<16xf32>
      %swap3A_59 = vector.shape_cast %broadcast_in_dim3A_1 : vector<16xf32> to vector<1x16xf32>
      tpu.vector_store %arg8[%swap3A, %swap3A_56], %swap3A_59 {strides = array<i32>} : memref<128x128xf32, #tpu.memory_space<vmem>>, vector<1x16xf32>,
      %swap3A_60 = arith.index_cast %scan3A_55 : i32 to index
      %swap3A_61 = arith.constant 16 : index
      %swap3A_62 = tpu.vector_load %arg8[%swap3A_60, %swap3A_61] {strides = array<i32>} : memref<128x128xf32, #tpu.memory_space<vmem>>, vector<1x16xf32>,
      %swap3A_63 = vector.shape_cast %swap3A_62 : vector<1x16xf32> to vector<16xf32>
      %swap3A_64 = vector.shape_cast %broadcast_in_dim3A_1 : vector<16xf32> to vector<1x16xf32>
      tpu.vector_store %arg8[%swap3A_60, %swap3A_61], %swap3A_64 {strides = array<i32>} : memref<128x128xf32, #tpu.memory_space<vmem>>, vector<1x16xf32>,
      %swap3A_65 = arith.index_cast %scan3A_55 : i32 to index
      %swap3A_66 = arith.constant 32 : index
      %swap3A_67 = tpu.vector_load %arg8[%swap3A_65, %swap3A_66] {strides = array<i32>} : memref<128x128xf32, #tpu.memory_space<vmem>>, vector<1x16xf32>,
      %swap3A_68 = vector.shape_cast %swap3A_67 : vector<1x16xf32> to vector<16xf32>
      %swap3A_69 = vector.shape_cast %broadcast_in_dim3A_1 : vector<16xf32> to vector<1x16xf32>
      tpu.vector_store %arg8[%swap3A_65, %swap3A_66], %swap3A_69 {strides = array<i32>} : memref<128x128xf32, #tpu.memory_space<vmem>>, vector<1x16xf32>,
      %swap3A_70 = arith.index_cast %scan3A_55 : i32 to index
      %swap3A_71 = arith.constant 48 : index
      %swap3A_72 = tpu.vector_load %arg8[%swap3A_70, %swap3A_71] {strides = array<i32>} : memref<128x128xf32, #tpu.memory_space<vmem>>, vector<1x16xf32>,
      %swap3A_73 = vector.shape_cast %swap3A_72 : vector<1x16xf32> to vector<16xf32>
      %swap3A_74 = vector.shape_cast %broadcast_in_dim3A_1 : vector<16xf32> to vector<1x16xf32>
      tpu.vector_store %arg8[%swap3A_70, %swap3A_71], %swap3A_74 {strides = array<i32>} : memref<128x128xf32, #tpu.memory_space<vmem>>, vector<1x16xf32>,
      %swap3A_75 = arith.index_cast %scan3A_55 : i32 to index
      %swap3A_76 = arith.constant 64 : index
      %swap3A_77 = tpu.vector_load %arg8[%swap3A_75, %swap3A_76] {strides = array<i32>} : memref<128x128xf32, #tpu.memory_space<vmem>>, vector<1x16xf32>,
      %swap3A_78 = vector.shape_cast %swap3A_77 : vector<1x16xf32> to vector<16xf32>
      %swap3A_79 = vector.shape_cast %broadcast_in_dim3A_1 : vector<16xf32> to vector<1x16xf32>
      tpu.vector_store %arg8[%swap3A_75, %swap3A_76], %swap3A_79 {strides = array<i32>} : memref<128x128xf32, #tpu.memory_space<vmem>>, vector<1x16xf32>,
      %swap3A_80 = arith.index_cast %scan3A_55 : i32 to index
      %swap3A_81 = arith.constant 80 : index
      %swap3A_82 = tpu.vector_load %arg8[%swap3A_80, %swap3A_81] {strides = array<i32>} : memref<128x128xf32, #tpu.memory_space<vmem>>, vector<1x16xf32>,
      %swap3A_83 = vector.shape_cast %swap3A_82 : vector<1x16xf32> to vector<16xf32>
      %swap3A_84 = vector.shape_cast %broadcast_in_dim3A_1 : vector<16xf32> to vector<1x16xf32>
      tpu.vector_store %arg8[%swap3A_80, %swap3A_81], %swap3A_84 {strides = array<i32>} : memref<128x128xf32, #tpu.memory_space<vmem>>, vector<1x16xf32>,
      %swap3A_85 = arith.index_cast %scan3A_55 : i32 to index
      %swap3A_86 = arith.constant 96 : index
      %swap3A_87 = tpu.vector_load %arg8[%swap3A_85, %swap3A_86] {strides = array<i32>} : memref<128x128xf32, #tpu.memory_space<vmem>>, vector<1x16xf32>,
      %swap3A_88 = vector.shape_cast %swap3A_87 : vector<1x16xf32> to vector<16xf32>
      %swap3A_89 = vector.shape_cast %broadcast_in_dim3A_1 : vector<16xf32> to vector<1x16xf32>
      tpu.vector_store %arg8[%swap3A_85, %swap3A_86], %swap3A_89 {strides = array<i32>} : memref<128x128xf32, #tpu.memory_space<vmem>>, vector<1x16xf32>,
      %swap3A_90 = arith.index_cast %scan3A_55 : i32 to index
      %swap3A_91 = arith.constant 112 : index
      %swap3A_92 = tpu.vector_load %arg8[%swap3A_90, %swap3A_91] {strides = array<i32>} : memref<128x128xf32, #tpu.memory_space<vmem>>, vector<1x16xf32>,
      %swap3A_93 = vector.shape_cast %swap3A_92 : vector<1x16xf32> to vector<16xf32>
      %swap3A_94 = vector.shape_cast %broadcast_in_dim3A_1 : vector<16xf32> to vector<1x16xf32>
      tpu.vector_store %arg8[%swap3A_90, %swap3A_91], %swap3A_94 {strides = array<i32>} : memref<128x128xf32, #tpu.memory_space<vmem>>, vector<1x16xf32>,
    }
    %scan3A_36 = arith.constant 128 : i32
    %add3A_37 = arith.constant 0 : i32
    %add3A_38 = arith.addi %mul3A_0, %add3A_37 : i32
    "tpu.region"() ({
      %run_scoped3A = tpu.sem_alloc : memref<!tpu.dma_semaphore, #tpu.memory_space<semaphore_mem>>
      %dma_start3A = arith.constant 0 : i32
      %dma_start3A_55 = tpu.memref_slice %arg10[%add3A_38, %dma_start3A] : memref<10240x128xf32, #tpu.memory_space<vmem_shared>> -> memref<128x128xf32, #tpu.memory_space<vmem_shared>>
      %dma_start3A_56 = arith.constant 0 : i32
      %dma_start3A_57 = tpu.memref_slice %arg10[%add3A_38, %dma_start3A_56] : memref<10240x128xf32, #tpu.memory_space<vmem_shared>> -> memref<128x128xf32, #tpu.memory_space<vmem_shared>>
      tpu.enqueue_dma source(%arg8 : memref<128x128xf32, #tpu.memory_space<vmem>>) target(%dma_start3A_57 : memref<128x128xf32, #tpu.memory_space<vmem_shared>>) target_semaphore(%run_scoped3A : memref<!tpu.dma_semaphore, #tpu.memory_space<semaphore_mem>>)
      %dma_wait3A = arith.constant 0 : i32
      %dma_wait3A_58 = tpu.memref_slice %arg10[%add3A_38, %dma_wait3A] : memref<10240x128xf32, #tpu.memory_space<vmem_shared>> -> memref<128x128xf32, #tpu.memory_space<vmem_shared>>
      %dma_wait3A_59 = arith.constant 0 : i32
      %dma_wait3A_60 = tpu.memref_slice %arg10[%add3A_38, %dma_wait3A_59] : memref<10240x128xf32, #tpu.memory_space<vmem_shared>> -> memref<128x128xf32, #tpu.memory_space<vmem_shared>>
      tpu.wait_dma2 semaphore(%run_scoped3A : memref<!tpu.dma_semaphore, #tpu.memory_space<semaphore_mem>>) src(%arg8 : memref<128x128xf32, #tpu.memory_space<vmem>>) dst(%dma_wait3A_60 : memref<128x128xf32, #tpu.memory_space<vmem_shared>>)
      tpu.yield
    }) : () -> ()
    %add3A_39 = arith.constant 128 : i32
    %add3A_40 = arith.addi %mul3A_0, %add3A_39 : i32
    "tpu.region"() ({
      %run_scoped3A = tpu.sem_alloc : memref<!tpu.dma_semaphore, #tpu.memory_space<semaphore_mem>>
      %dma_start3A = arith.constant 0 : i32
      %dma_start3A_55 = tpu.memref_slice %arg10[%add3A_40, %dma_start3A] : memref<10240x128xf32, #tpu.memory_space<vmem_shared>> -> memref<128x128xf32, #tpu.memory_space<vmem_shared>>
      %dma_start3A_56 = arith.constant 0 : i32
      %dma_start3A_57 = tpu.memref_slice %arg10[%add3A_40, %dma_start3A_56] : memref<10240x128xf32, #tpu.memory_space<vmem_shared>> -> memref<128x128xf32, #tpu.memory_space<vmem_shared>>
      tpu.enqueue_dma source(%arg8 : memref<128x128xf32, #tpu.memory_space<vmem>>) target(%dma_start3A_57 : memref<128x128xf32, #tpu.memory_space<vmem_shared>>) target_semaphore(%run_scoped3A : memref<!tpu.dma_semaphore, #tpu.memory_space<semaphore_mem>>)
      %dma_wait3A = arith.constant 0 : i32
      %dma_wait3A_58 = tpu.memref_slice %arg10[%add3A_40, %dma_wait3A] : memref<10240x128xf32, #tpu.memory_space<vmem_shared>> -> memref<128x128xf32, #tpu.memory_space<vmem_shared>>
      %dma_wait3A_59 = arith.constant 0 : i32
      %dma_wait3A_60 = tpu.memref_slice %arg10[%add3A_40, %dma_wait3A_59] : memref<10240x128xf32, #tpu.memory_space<vmem_shared>> -> memref<128x128xf32, #tpu.memory_space<vmem_shared>>
      tpu.wait_dma2 semaphore(%run_scoped3A : memref<!tpu.dma_semaphore, #tpu.memory_space<semaphore_mem>>) src(%arg8 : memref<128x128xf32, #tpu.memory_space<vmem>>) dst(%dma_wait3A_60 : memref<128x128xf32, #tpu.memory_space<vmem_shared>>)
      tpu.yield
    }) : () -> ()
    %add3A_41 = arith.constant 256 : i32
    %add3A_42 = arith.addi %mul3A_0, %add3A_41 : i32
    "tpu.region"() ({
      %run_scoped3A = tpu.sem_alloc : memref<!tpu.dma_semaphore, #tpu.memory_space<semaphore_mem>>
      %dma_start3A = arith.constant 0 : i32
      %dma_start3A_55 = tpu.memref_slice %arg10[%add3A_42, %dma_start3A] : memref<10240x128xf32, #tpu.memory_space<vmem_shared>> -> memref<128x128xf32, #tpu.memory_space<vmem_shared>>
      %dma_start3A_56 = arith.constant 0 : i32
      %dma_start3A_57 = tpu.memref_slice %arg10[%add3A_42, %dma_start3A_56] : memref<10240x128xf32, #tpu.memory_space<vmem_shared>> -> memref<128x128xf32, #tpu.memory_space<vmem_shared>>
      tpu.enqueue_dma source(%arg8 : memref<128x128xf32, #tpu.memory_space<vmem>>) target(%dma_start3A_57 : memref<128x128xf32, #tpu.memory_space<vmem_shared>>) target_semaphore(%run_scoped3A : memref<!tpu.dma_semaphore, #tpu.memory_space<semaphore_mem>>)
      %dma_wait3A = arith.constant 0 : i32
      %dma_wait3A_58 = tpu.memref_slice %arg10[%add3A_42, %dma_wait3A] : memref<10240x128xf32, #tpu.memory_space<vmem_shared>> -> memref<128x128xf32, #tpu.memory_space<vmem_shared>>
      %dma_wait3A_59 = arith.constant 0 : i32
      %dma_wait3A_60 = tpu.memref_slice %arg10[%add3A_42, %dma_wait3A_59] : memref<10240x128xf32, #tpu.memory_space<vmem_shared>> -> memref<128x128xf32, #tpu.memory_space<vmem_shared>>
      tpu.wait_dma2 semaphore(%run_scoped3A : memref<!tpu.dma_semaphore, #tpu.memory_space<semaphore_mem>>) src(%arg8 : memref<128x128xf32, #tpu.memory_space<vmem>>) dst(%dma_wait3A_60 : memref<128x128xf32, #tpu.memory_space<vmem_shared>>)
      tpu.yield
    }) : () -> ()
    %add3A_43 = arith.constant 384 : i32
    %add3A_44 = arith.addi %mul3A_0, %add3A_43 : i32
    "tpu.region"() ({
      %run_scoped3A = tpu.sem_alloc : memref<!tpu.dma_semaphore, #tpu.memory_space<semaphore_mem>>
      %dma_start3A = arith.constant 0 : i32
      %dma_start3A_55 = tpu.memref_slice %arg10[%add3A_44, %dma_start3A] : memref<10240x128xf32, #tpu.memory_space<vmem_shared>> -> memref<128x128xf32, #tpu.memory_space<vmem_shared>>
      %dma_start3A_56 = arith.constant 0 : i32
      %dma_start3A_57 = tpu.memref_slice %arg10[%add3A_44, %dma_start3A_56] : memref<10240x128xf32, #tpu.memory_space<vmem_shared>> -> memref<128x128xf32, #tpu.memory_space<vmem_shared>>
      tpu.enqueue_dma source(%arg8 : memref<128x128xf32, #tpu.memory_space<vmem>>) target(%dma_start3A_57 : memref<128x128xf32, #tpu.memory_space<vmem_shared>>) target_semaphore(%run_scoped3A : memref<!tpu.dma_semaphore, #tpu.memory_space<semaphore_mem>>)
      %dma_wait3A = arith.constant 0 : i32
      %dma_wait3A_58 = tpu.memref_slice %arg10[%add3A_44, %dma_wait3A] : memref<10240x128xf32, #tpu.memory_space<vmem_shared>> -> memref<128x128xf32, #tpu.memory_space<vmem_shared>>
      %dma_wait3A_59 = arith.constant 0 : i32
      %dma_wait3A_60 = tpu.memref_slice %arg10[%add3A_44, %dma_wait3A_59] : memref<10240x128xf32, #tpu.memory_space<vmem_shared>> -> memref<128x128xf32, #tpu.memory_space<vmem_shared>>
      tpu.wait_dma2 semaphore(%run_scoped3A : memref<!tpu.dma_semaphore, #tpu.memory_space<semaphore_mem>>) src(%arg8 : memref<128x128xf32, #tpu.memory_space<vmem>>) dst(%dma_wait3A_60 : memref<128x128xf32, #tpu.memory_space<vmem_shared>>)
      tpu.yield
    }) : () -> ()
    %add3A_45 = arith.constant 512 : i32
    %add3A_46 = arith.addi %mul3A_0, %add3A_45 : i32
    "tpu.region"() ({
      %run_scoped3A = tpu.sem_alloc : memref<!tpu.dma_semaphore, #tpu.memory_space<semaphore_mem>>
      %dma_start3A = arith.constant 0 : i32
      %dma_start3A_55 = tpu.memref_slice %arg10[%add3A_46, %dma_start3A] : memref<10240x128xf32, #tpu.memory_space<vmem_shared>> -> memref<128x128xf32, #tpu.memory_space<vmem_shared>>
      %dma_start3A_56 = arith.constant 0 : i32
      %dma_start3A_57 = tpu.memref_slice %arg10[%add3A_46, %dma_start3A_56] : memref<10240x128xf32, #tpu.memory_space<vmem_shared>> -> memref<128x128xf32, #tpu.memory_space<vmem_shared>>
      tpu.enqueue_dma source(%arg8 : memref<128x128xf32, #tpu.memory_space<vmem>>) target(%dma_start3A_57 : memref<128x128xf32, #tpu.memory_space<vmem_shared>>) target_semaphore(%run_scoped3A : memref<!tpu.dma_semaphore, #tpu.memory_space<semaphore_mem>>)
      %dma_wait3A = arith.constant 0 : i32
      %dma_wait3A_58 = tpu.memref_slice %arg10[%add3A_46, %dma_wait3A] : memref<10240x128xf32, #tpu.memory_space<vmem_shared>> -> memref<128x128xf32, #tpu.memory_space<vmem_shared>>
      %dma_wait3A_59 = arith.constant 0 : i32
      %dma_wait3A_60 = tpu.memref_slice %arg10[%add3A_46, %dma_wait3A_59] : memref<10240x128xf32, #tpu.memory_space<vmem_shared>> -> memref<128x128xf32, #tpu.memory_space<vmem_shared>>
      tpu.wait_dma2 semaphore(%run_scoped3A : memref<!tpu.dma_semaphore, #tpu.memory_space<semaphore_mem>>) src(%arg8 : memref<128x128xf32, #tpu.memory_space<vmem>>) dst(%dma_wait3A_60 : memref<128x128xf32, #tpu.memory_space<vmem_shared>>)
      tpu.yield
    }) : () -> ()
    %barrier3A_47 = arith.constant 0 : index
    tpu.barrier barrier_id(%barrier3A_47)
    %scan3A_48 = arith.constant 0 : i32
    %scan3A_49 = arith.constant 0 : i32
    %scan3A_50 = arith.constant 4 : i32
    %scan3A_51 = arith.addi %scan3A_49, %scan3A_50 : i32
    %scan3A_52 = arith.constant 1 : i32
    scf.for %scan3A_55 = %scan3A_49 to %scan3A_51 step %scan3A_52  : i32 {
      %mul3A_56 = arith.constant 40 : i32
      %mul3A_57 = arith.muli %scan3A_55, %mul3A_56 : i32
      %mul3A_58 = arith.constant 128 : i32
      %mul3A_59 = arith.muli %mul3A_57, %mul3A_58 : i32
      "tpu.region"() ({
        %run_scoped3A = tpu.sem_alloc : memref<!tpu.dma_semaphore, #tpu.memory_space<semaphore_mem>>
        %dma_start3A = tpu.memref_slice %arg3[%add3A_30, %arg1, %mul3A_59] : memref<4x16x20480xi32, #tpu.memory_space<hbm>> -> memref<1x1x5120xi32, #tpu.memory_space<hbm>>
        %dma_start3A_68 = tpu.memref_squeeze %dma_start3A : memref<1x1x5120xi32, #tpu.memory_space<hbm>> -> memref<5120xi32, #tpu.memory_space<hbm>>
        %dma_start3A_69 = tpu.memref_slice %arg3[%add3A_30, %arg1, %mul3A_59] : memref<4x16x20480xi32, #tpu.memory_space<hbm>> -> memref<1x1x5120xi32, #tpu.memory_space<hbm>>
        %dma_start3A_70 = tpu.memref_squeeze %dma_start3A_69 : memref<1x1x5120xi32, #tpu.memory_space<hbm>> -> memref<5120xi32, #tpu.memory_space<hbm>>
        tpu.enqueue_dma source(%dma_start3A_70 : memref<5120xi32, #tpu.memory_space<hbm>>) target(%arg6 : memref<5120xi32, #tpu.memory_space<vmem>>) target_semaphore(%run_scoped3A : memref<!tpu.dma_semaphore, #tpu.memory_space<semaphore_mem>>)
        %dma_wait3A = tpu.memref_slice %arg3[%add3A_30, %arg1, %mul3A_59] : memref<4x16x20480xi32, #tpu.memory_space<hbm>> -> memref<1x1x5120xi32, #tpu.memory_space<hbm>>
        %dma_wait3A_71 = tpu.memref_squeeze %dma_wait3A : memref<1x1x5120xi32, #tpu.memory_space<hbm>> -> memref<5120xi32, #tpu.memory_space<hbm>>
        %dma_wait3A_72 = tpu.memref_slice %arg3[%add3A_30, %arg1, %mul3A_59] : memref<4x16x20480xi32, #tpu.memory_space<hbm>> -> memref<1x1x5120xi32, #tpu.memory_space<hbm>>
        %dma_wait3A_73 = tpu.memref_squeeze %dma_wait3A_72 : memref<1x1x5120xi32, #tpu.memory_space<hbm>> -> memref<5120xi32, #tpu.memory_space<hbm>>
        tpu.wait_dma2 semaphore(%run_scoped3A : memref<!tpu.dma_semaphore, #tpu.memory_space<semaphore_mem>>) src(%dma_wait3A_73 : memref<5120xi32, #tpu.memory_space<hbm>>) dst(%arg6 : memref<5120xi32, #tpu.memory_space<vmem>>)
        tpu.yield
      }) : () -> ()
      %mul3A_60 = arith.constant 40 : i32
      %mul3A_61 = arith.muli %scan3A_55, %mul3A_60 : i32
      "tpu.region"() ({
        %run_scoped3A = tpu.sem_alloc : memref<!tpu.dma_semaphore, #tpu.memory_space<semaphore_mem>>
        %dma_start3A = arith.constant 0 : i32
        %dma_start3A_68 = tpu.memref_slice %arg4[%add3A_30, %arg1, %mul3A_61, %dma_start3A] : memref<4x16x160x128xi32, #tpu.memory_space<hbm>> -> memref<1x1x40x128xi32, #tpu.memory_space<hbm>>
        %dma_start3A_69 = tpu.memref_squeeze %dma_start3A_68 : memref<1x1x40x128xi32, #tpu.memory_space<hbm>> -> memref<40x128xi32, #tpu.memory_space<hbm>>
        %dma_start3A_70 = arith.constant 0 : i32
        %dma_start3A_71 = tpu.memref_slice %arg4[%add3A_30, %arg1, %mul3A_61, %dma_start3A_70] : memref<4x16x160x128xi32, #tpu.memory_space<hbm>> -> memref<1x1x40x128xi32, #tpu.memory_space<hbm>>
        %dma_start3A_72 = tpu.memref_squeeze %dma_start3A_71 : memref<1x1x40x128xi32, #tpu.memory_space<hbm>> -> memref<40x128xi32, #tpu.memory_space<hbm>>
        tpu.enqueue_dma source(%dma_start3A_72 : memref<40x128xi32, #tpu.memory_space<hbm>>) target(%arg7 : memref<40x128xi32, #tpu.memory_space<vmem>>) target_semaphore(%run_scoped3A : memref<!tpu.dma_semaphore, #tpu.memory_space<semaphore_mem>>)
        %dma_wait3A = arith.constant 0 : i32
        %dma_wait3A_73 = tpu.memref_slice %arg4[%add3A_30, %arg1, %mul3A_61, %dma_wait3A] : memref<4x16x160x128xi32, #tpu.memory_space<hbm>> -> memref<1x1x40x128xi32, #tpu.memory_space<hbm>>
        %dma_wait3A_74 = tpu.memref_squeeze %dma_wait3A_73 : memref<1x1x40x128xi32, #tpu.memory_space<hbm>> -> memref<40x128xi32, #tpu.memory_space<hbm>>
        %dma_wait3A_75 = arith.constant 0 : i32
        %dma_wait3A_76 = tpu.memref_slice %arg4[%add3A_30, %arg1, %mul3A_61, %dma_wait3A_75] : memref<4x16x160x128xi32, #tpu.memory_space<hbm>> -> memref<1x1x40x128xi32, #tpu.memory_space<hbm>>
        %dma_wait3A_77 = tpu.memref_squeeze %dma_wait3A_76 : memref<1x1x40x128xi32, #tpu.memory_space<hbm>> -> memref<40x128xi32, #tpu.memory_space<hbm>>
        tpu.wait_dma2 semaphore(%run_scoped3A : memref<!tpu.dma_semaphore, #tpu.memory_space<semaphore_mem>>) src(%dma_wait3A_77 : memref<40x128xi32, #tpu.memory_space<hbm>>) dst(%arg7 : memref<40x128xi32, #tpu.memory_space<vmem>>)
        tpu.yield
      }) : () -> ()
      %scan3A_62 = arith.constant 0 : i32
      %scan3A_63 = arith.constant 0 : i32
      %scan3A_64 = arith.constant 5 : i32
      %scan3A_65 = arith.addi %scan3A_63, %scan3A_64 : i32
      %scan3A_66 = arith.constant 1 : i32
      scf.for %scan3A_68 = %scan3A_63 to %scan3A_65 step %scan3A_66  : i32 {
        %mul3A_69 = arith.constant 8 : i32
        %mul3A_70 = arith.muli %scan3A_68, %mul3A_69 : i32
        %mul3A_71 = arith.constant 128 : i32
        %mul3A_72 = arith.muli %mul3A_70, %mul3A_71 : i32
        %dma_start3A = tpu.memref_slice %arg6[%mul3A_72] : memref<5120xi32, #tpu.memory_space<vmem>> -> memref<128xi32, #tpu.memory_space<vmem>>
        %dma_start3A_73 = arith.constant 0 : i32
        %dma_start3A_74 = arith.constant 0 : i32
        %dma_start3A_75 = tpu.memref_slice %arg2[%dma_start3A_73, %dma_start3A_74] : memref<40000x128xf32, #tpu.memory_space<hbm>> -> memref<40000x128xf32, #tpu.memory_space<hbm>>
        tpu.enqueue_indirect_dma source(%dma_start3A_75 : memref<40000x128xf32, #tpu.memory_space<hbm>>) target(%arg8 : memref<128x128xf32, #tpu.memory_space<vmem>>) offsets(%dma_start3A : memref<128xi32, #tpu.memory_space<vmem>>) semaphore(%arg11 : memref<!tpu.dma_semaphore, #tpu.memory_space<semaphore_mem>>)
        %add3A_76 = arith.constant 0 : i32
        %add3A_77 = arith.addi %mul3A_70, %add3A_76 : i32
        %add3A_78 = arith.constant 1 : i32
        %add3A_79 = arith.addi %add3A_77, %add3A_78 : i32
        %mul3A_80 = arith.constant 128 : i32
        %mul3A_81 = arith.muli %add3A_79, %mul3A_80 : i32
        %dma_start3A_82 = tpu.memref_slice %arg6[%mul3A_81] : memref<5120xi32, #tpu.memory_space<vmem>> -> memref<128xi32, #tpu.memory_space<vmem>>
        %dma_start3A_83 = arith.constant 0 : i32
        %dma_start3A_84 = arith.constant 0 : i32
        %dma_start3A_85 = tpu.memref_slice %arg2[%dma_start3A_83, %dma_start3A_84] : memref<40000x128xf32, #tpu.memory_space<hbm>> -> memref<40000x128xf32, #tpu.memory_space<hbm>>
        tpu.enqueue_indirect_dma source(%dma_start3A_85 : memref<40000x128xf32, #tpu.memory_space<hbm>>) target(%arg9 : memref<128x128xf32, #tpu.memory_space<vmem>>) offsets(%dma_start3A_82 : memref<128xi32, #tpu.memory_space<vmem>>) semaphore(%arg12 : memref<!tpu.dma_semaphore, #tpu.memory_space<semaphore_mem>>)
        %add3A_86 = arith.constant 0 : i32
        %add3A_87 = arith.addi %mul3A_70, %add3A_86 : i32
        %mul3A_88 = arith.constant 128 : i32
        %mul3A_89 = arith.muli %add3A_87, %mul3A_88 : i32
        %dma_wait3A = tpu.memref_slice %arg6[%mul3A_89] : memref<5120xi32, #tpu.memory_space<vmem>> -> memref<128xi32, #tpu.memory_space<vmem>>
        %dma_wait3A_90 = arith.constant 0 : i32
        %dma_wait3A_91 = arith.constant 0 : i32
        %dma_wait3A_92 = tpu.memref_slice %arg2[%dma_wait3A_90, %dma_wait3A_91] : memref<40000x128xf32, #tpu.memory_space<hbm>> -> memref<40000x128xf32, #tpu.memory_space<hbm>>
        tpu.wait_indirect_dma semaphore(%arg11 : memref<!tpu.dma_semaphore, #tpu.memory_space<semaphore_mem>>) src(%dma_wait3A_92 : memref<40000x128xf32, #tpu.memory_space<hbm>>) dst(%arg8 : memref<128x128xf32, #tpu.memory_space<vmem>>)
        %add3A_93 = arith.constant 0 : i32
        %add3A_94 = arith.addi %mul3A_70, %add3A_93 : i32
        "tpu.region"() ({
          %run_scoped3A = tpu.sem_alloc : memref<!tpu.dma_semaphore, #tpu.memory_space<semaphore_mem>>
          %dma_start3A_225 = arith.constant 0 : i32
          %dma_start3A_226 = tpu.memref_slice %arg7[%add3A_94, %dma_start3A_225] : memref<40x128xi32, #tpu.memory_space<vmem>> -> memref<1x128xi32, #tpu.memory_space<vmem>>
          %dma_start3A_227 = tpu.memref_squeeze %dma_start3A_226 : memref<1x128xi32, #tpu.memory_space<vmem>> -> memref<128xi32, #tpu.memory_space<vmem>>
          %dma_start3A_228 = arith.constant 0 : i32
          %dma_start3A_229 = arith.constant 0 : i32
          %dma_start3A_230 = tpu.memref_slice %arg10[%dma_start3A_228, %dma_start3A_229] : memref<10240x128xf32, #tpu.memory_space<vmem_shared>> -> memref<10240x128xf32, #tpu.memory_space<vmem_shared>>
          tpu.enqueue_indirect_dma source(%arg8 : memref<128x128xf32, #tpu.memory_space<vmem>>) target(%dma_start3A_230 : memref<10240x128xf32, #tpu.memory_space<vmem_shared>>) offsets(%dma_start3A_227 : memref<128xi32, #tpu.memory_space<vmem>>) semaphore(%run_scoped3A : memref<!tpu.dma_semaphore, #tpu.memory_space<semaphore_mem>>) {add = true}
          %dma_wait3A_231 = arith.constant 0 : i32
          %dma_wait3A_232 = tpu.memref_slice %arg7[%add3A_94, %dma_wait3A_231] : memref<40x128xi32, #tpu.memory_space<vmem>> -> memref<1x128xi32, #tpu.memory_space<vmem>>
          %dma_wait3A_233 = tpu.memref_squeeze %dma_wait3A_232 : memref<1x128xi32, #tpu.memory_space<vmem>> -> memref<128xi32, #tpu.memory_space<vmem>>
          %dma_wait3A_234 = arith.constant 0 : i32
          %dma_wait3A_235 = arith.constant 0 : i32
          %dma_wait3A_236 = tpu.memref_slice %arg10[%dma_wait3A_234, %dma_wait3A_235] : memref<10240x128xf32, #tpu.memory_space<vmem_shared>> -> memref<10240x128xf32, #tpu.memory_space<vmem_shared>>
          tpu.wait_indirect_dma semaphore(%run_scoped3A : memref<!tpu.dma_semaphore, #tpu.memory_space<semaphore_mem>>) src(%arg8 : memref<128x128xf32, #tpu.memory_space<vmem>>) dst(%dma_wait3A_236 : memref<10240x128xf32, #tpu.memory_space<vmem_shared>>)
          tpu.yield
        }) : () -> ()
        %add3A_95 = arith.constant 1 : i32
        %add3A_96 = arith.addi %mul3A_70, %add3A_95 : i32
        %add3A_97 = arith.constant 1 : i32
        %add3A_98 = arith.addi %add3A_96, %add3A_97 : i32
        %mul3A_99 = arith.constant 128 : i32
        %mul3A_100 = arith.muli %add3A_98, %mul3A_99 : i32
        %dma_start3A_101 = tpu.memref_slice %arg6[%mul3A_100] : memref<5120xi32, #tpu.memory_space<vmem>> -> memref<128xi32, #tpu.memory_space<vmem>>
        %dma_start3A_102 = arith.constant 0 : i32
        %dma_start3A_103 = arith.constant 0 : i32
        %dma_start3A_104 = tpu.memref_slice %arg2[%dma_start3A_102, %dma_start3A_103] : memref<40000x128xf32, #tpu.memory_space<hbm>> -> memref<40000x128xf32, #tpu.memory_space<hbm>>
        tpu.enqueue_indirect_dma source(%dma_start3A_104 : memref<40000x128xf32, #tpu.memory_space<hbm>>) target(%arg8 : memref<128x128xf32, #tpu.memory_space<vmem>>) offsets(%dma_start3A_101 : memref<128xi32, #tpu.memory_space<vmem>>) semaphore(%arg11 : memref<!tpu.dma_semaphore, #tpu.memory_space<semaphore_mem>>)
        %add3A_105 = arith.constant 1 : i32
        %add3A_106 = arith.addi %mul3A_70, %add3A_105 : i32
        %mul3A_107 = arith.constant 128 : i32
        %mul3A_108 = arith.muli %add3A_106, %mul3A_107 : i32
        %dma_wait3A_109 = tpu.memref_slice %arg6[%mul3A_108] : memref<5120xi32, #tpu.memory_space<vmem>> -> memref<128xi32, #tpu.memory_space<vmem>>
        %dma_wait3A_110 = arith.constant 0 : i32
        %dma_wait3A_111 = arith.constant 0 : i32
        %dma_wait3A_112 = tpu.memref_slice %arg2[%dma_wait3A_110, %dma_wait3A_111] : memref<40000x128xf32, #tpu.memory_space<hbm>> -> memref<40000x128xf32, #tpu.memory_space<hbm>>
        tpu.wait_indirect_dma semaphore(%arg12 : memref<!tpu.dma_semaphore, #tpu.memory_space<semaphore_mem>>) src(%dma_wait3A_112 : memref<40000x128xf32, #tpu.memory_space<hbm>>) dst(%arg9 : memref<128x128xf32, #tpu.memory_space<vmem>>)
        %add3A_113 = arith.constant 1 : i32
        %add3A_114 = arith.addi %mul3A_70, %add3A_113 : i32
        "tpu.region"() ({
          %run_scoped3A = tpu.sem_alloc : memref<!tpu.dma_semaphore, #tpu.memory_space<semaphore_mem>>
          %dma_start3A_225 = arith.constant 0 : i32
          %dma_start3A_226 = tpu.memref_slice %arg7[%add3A_114, %dma_start3A_225] : memref<40x128xi32, #tpu.memory_space<vmem>> -> memref<1x128xi32, #tpu.memory_space<vmem>>
          %dma_start3A_227 = tpu.memref_squeeze %dma_start3A_226 : memref<1x128xi32, #tpu.memory_space<vmem>> -> memref<128xi32, #tpu.memory_space<vmem>>
          %dma_start3A_228 = arith.constant 0 : i32
          %dma_start3A_229 = arith.constant 0 : i32
          %dma_start3A_230 = tpu.memref_slice %arg10[%dma_start3A_228, %dma_start3A_229] : memref<10240x128xf32, #tpu.memory_space<vmem_shared>> -> memref<10240x128xf32, #tpu.memory_space<vmem_shared>>
          tpu.enqueue_indirect_dma source(%arg9 : memref<128x128xf32, #tpu.memory_space<vmem>>) target(%dma_start3A_230 : memref<10240x128xf32, #tpu.memory_space<vmem_shared>>) offsets(%dma_start3A_227 : memref<128xi32, #tpu.memory_space<vmem>>) semaphore(%run_scoped3A : memref<!tpu.dma_semaphore, #tpu.memory_space<semaphore_mem>>) {add = true}
          %dma_wait3A_231 = arith.constant 0 : i32
          %dma_wait3A_232 = tpu.memref_slice %arg7[%add3A_114, %dma_wait3A_231] : memref<40x128xi32, #tpu.memory_space<vmem>> -> memref<1x128xi32, #tpu.memory_space<vmem>>
          %dma_wait3A_233 = tpu.memref_squeeze %dma_wait3A_232 : memref<1x128xi32, #tpu.memory_space<vmem>> -> memref<128xi32, #tpu.memory_space<vmem>>
          %dma_wait3A_234 = arith.constant 0 : i32
          %dma_wait3A_235 = arith.constant 0 : i32
          %dma_wait3A_236 = tpu.memref_slice %arg10[%dma_wait3A_234, %dma_wait3A_235] : memref<10240x128xf32, #tpu.memory_space<vmem_shared>> -> memref<10240x128xf32, #tpu.memory_space<vmem_shared>>
          tpu.wait_indirect_dma semaphore(%run_scoped3A : memref<!tpu.dma_semaphore, #tpu.memory_space<semaphore_mem>>) src(%arg9 : memref<128x128xf32, #tpu.memory_space<vmem>>) dst(%dma_wait3A_236 : memref<10240x128xf32, #tpu.memory_space<vmem_shared>>)
          tpu.yield
        }) : () -> ()
        %add3A_115 = arith.constant 2 : i32
        %add3A_116 = arith.addi %mul3A_70, %add3A_115 : i32
        %add3A_117 = arith.constant 1 : i32
        %add3A_118 = arith.addi %add3A_116, %add3A_117 : i32
        %mul3A_119 = arith.constant 128 : i32
        %mul3A_120 = arith.muli %add3A_118, %mul3A_119 : i32
        %dma_start3A_121 = tpu.memref_slice %arg6[%mul3A_120] : memref<5120xi32, #tpu.memory_space<vmem>> -> memref<128xi32, #tpu.memory_space<vmem>>
        %dma_start3A_122 = arith.constant 0 : i32
        %dma_start3A_123 = arith.constant 0 : i32
        %dma_start3A_124 = tpu.memref_slice %arg2[%dma_start3A_122, %dma_start3A_123] : memref<40000x128xf32, #tpu.memory_space<hbm>> -> memref<40000x128xf32, #tpu.memory_space<hbm>>
        tpu.enqueue_indirect_dma source(%dma_start3A_124 : memref<40000x128xf32, #tpu.memory_space<hbm>>) target(%arg9 : memref<128x128xf32, #tpu.memory_space<vmem>>) offsets(%dma_start3A_121 : memref<128xi32, #tpu.memory_space<vmem>>) semaphore(%arg12 : memref<!tpu.dma_semaphore, #tpu.memory_space<semaphore_mem>>)
        %add3A_125 = arith.constant 2 : i32
        %add3A_126 = arith.addi %mul3A_70, %add3A_125 : i32
        %mul3A_127 = arith.constant 128 : i32
        %mul3A_128 = arith.muli %add3A_126, %mul3A_127 : i32
        %dma_wait3A_129 = tpu.memref_slice %arg6[%mul3A_128] : memref<5120xi32, #tpu.memory_space<vmem>> -> memref<128xi32, #tpu.memory_space<vmem>>
        %dma_wait3A_130 = arith.constant 0 : i32
        %dma_wait3A_131 = arith.constant 0 : i32
        %dma_wait3A_132 = tpu.memref_slice %arg2[%dma_wait3A_130, %dma_wait3A_131] : memref<40000x128xf32, #tpu.memory_space<hbm>> -> memref<40000x128xf32, #tpu.memory_space<hbm>>
        tpu.wait_indirect_dma semaphore(%arg11 : memref<!tpu.dma_semaphore, #tpu.memory_space<semaphore_mem>>) src(%dma_wait3A_132 : memref<40000x128xf32, #tpu.memory_space<hbm>>) dst(%arg8 : memref<128x128xf32, #tpu.memory_space<vmem>>)
        %add3A_133 = arith.constant 2 : i32
        %add3A_134 = arith.addi %mul3A_70, %add3A_133 : i32
        "tpu.region"() ({
          %run_scoped3A = tpu.sem_alloc : memref<!tpu.dma_semaphore, #tpu.memory_space<semaphore_mem>>
          %dma_start3A_225 = arith.constant 0 : i32
          %dma_start3A_226 = tpu.memref_slice %arg7[%add3A_134, %dma_start3A_225] : memref<40x128xi32, #tpu.memory_space<vmem>> -> memref<1x128xi32, #tpu.memory_space<vmem>>
          %dma_start3A_227 = tpu.memref_squeeze %dma_start3A_226 : memref<1x128xi32, #tpu.memory_space<vmem>> -> memref<128xi32, #tpu.memory_space<vmem>>
          %dma_start3A_228 = arith.constant 0 : i32
          %dma_start3A_229 = arith.constant 0 : i32
          %dma_start3A_230 = tpu.memref_slice %arg10[%dma_start3A_228, %dma_start3A_229] : memref<10240x128xf32, #tpu.memory_space<vmem_shared>> -> memref<10240x128xf32, #tpu.memory_space<vmem_shared>>
          tpu.enqueue_indirect_dma source(%arg8 : memref<128x128xf32, #tpu.memory_space<vmem>>) target(%dma_start3A_230 : memref<10240x128xf32, #tpu.memory_space<vmem_shared>>) offsets(%dma_start3A_227 : memref<128xi32, #tpu.memory_space<vmem>>) semaphore(%run_scoped3A : memref<!tpu.dma_semaphore, #tpu.memory_space<semaphore_mem>>) {add = true}
          %dma_wait3A_231 = arith.constant 0 : i32
          %dma_wait3A_232 = tpu.memref_slice %arg7[%add3A_134, %dma_wait3A_231] : memref<40x128xi32, #tpu.memory_space<vmem>> -> memref<1x128xi32, #tpu.memory_space<vmem>>
          %dma_wait3A_233 = tpu.memref_squeeze %dma_wait3A_232 : memref<1x128xi32, #tpu.memory_space<vmem>> -> memref<128xi32, #tpu.memory_space<vmem>>
          %dma_wait3A_234 = arith.constant 0 : i32
          %dma_wait3A_235 = arith.constant 0 : i32
          %dma_wait3A_236 = tpu.memref_slice %arg10[%dma_wait3A_234, %dma_wait3A_235] : memref<10240x128xf32, #tpu.memory_space<vmem_shared>> -> memref<10240x128xf32, #tpu.memory_space<vmem_shared>>
          tpu.wait_indirect_dma semaphore(%run_scoped3A : memref<!tpu.dma_semaphore, #tpu.memory_space<semaphore_mem>>) src(%arg8 : memref<128x128xf32, #tpu.memory_space<vmem>>) dst(%dma_wait3A_236 : memref<10240x128xf32, #tpu.memory_space<vmem_shared>>)
          tpu.yield
        }) : () -> ()
        %add3A_135 = arith.constant 3 : i32
        %add3A_136 = arith.addi %mul3A_70, %add3A_135 : i32
        %add3A_137 = arith.constant 1 : i32
        %add3A_138 = arith.addi %add3A_136, %add3A_137 : i32
        %mul3A_139 = arith.constant 128 : i32
        %mul3A_140 = arith.muli %add3A_138, %mul3A_139 : i32
        %dma_start3A_141 = tpu.memref_slice %arg6[%mul3A_140] : memref<5120xi32, #tpu.memory_space<vmem>> -> memref<128xi32, #tpu.memory_space<vmem>>
        %dma_start3A_142 = arith.constant 0 : i32
        %dma_start3A_143 = arith.constant 0 : i32
        %dma_start3A_144 = tpu.memref_slice %arg2[%dma_start3A_142, %dma_start3A_143] : memref<40000x128xf32, #tpu.memory_space<hbm>> -> memref<40000x128xf32, #tpu.memory_space<hbm>>
        tpu.enqueue_indirect_dma source(%dma_start3A_144 : memref<40000x128xf32, #tpu.memory_space<hbm>>) target(%arg8 : memref<128x128xf32, #tpu.memory_space<vmem>>) offsets(%dma_start3A_141 : memref<128xi32, #tpu.memory_space<vmem>>) semaphore(%arg11 : memref<!tpu.dma_semaphore, #tpu.memory_space<semaphore_mem>>)
        %add3A_145 = arith.constant 3 : i32
        %add3A_146 = arith.addi %mul3A_70, %add3A_145 : i32
        %mul3A_147 = arith.constant 128 : i32
        %mul3A_148 = arith.muli %add3A_146, %mul3A_147 : i32
        %dma_wait3A_149 = tpu.memref_slice %arg6[%mul3A_148] : memref<5120xi32, #tpu.memory_space<vmem>> -> memref<128xi32, #tpu.memory_space<vmem>>
        %dma_wait3A_150 = arith.constant 0 : i32
        %dma_wait3A_151 = arith.constant 0 : i32
        %dma_wait3A_152 = tpu.memref_slice %arg2[%dma_wait3A_150, %dma_wait3A_151] : memref<40000x128xf32, #tpu.memory_space<hbm>> -> memref<40000x128xf32, #tpu.memory_space<hbm>>
        tpu.wait_indirect_dma semaphore(%arg12 : memref<!tpu.dma_semaphore, #tpu.memory_space<semaphore_mem>>) src(%dma_wait3A_152 : memref<40000x128xf32, #tpu.memory_space<hbm>>) dst(%arg9 : memref<128x128xf32, #tpu.memory_space<vmem>>)
        %add3A_153 = arith.constant 3 : i32
        %add3A_154 = arith.addi %mul3A_70, %add3A_153 : i32
        "tpu.region"() ({
          %run_scoped3A = tpu.sem_alloc : memref<!tpu.dma_semaphore, #tpu.memory_space<semaphore_mem>>
          %dma_start3A_225 = arith.constant 0 : i32
          %dma_start3A_226 = tpu.memref_slice %arg7[%add3A_154, %dma_start3A_225] : memref<40x128xi32, #tpu.memory_space<vmem>> -> memref<1x128xi32, #tpu.memory_space<vmem>>
          %dma_start3A_227 = tpu.memref_squeeze %dma_start3A_226 : memref<1x128xi32, #tpu.memory_space<vmem>> -> memref<128xi32, #tpu.memory_space<vmem>>
          %dma_start3A_228 = arith.constant 0 : i32
          %dma_start3A_229 = arith.constant 0 : i32
          %dma_start3A_230 = tpu.memref_slice %arg10[%dma_start3A_228, %dma_start3A_229] : memref<10240x128xf32, #tpu.memory_space<vmem_shared>> -> memref<10240x128xf32, #tpu.memory_space<vmem_shared>>
          tpu.enqueue_indirect_dma source(%arg9 : memref<128x128xf32, #tpu.memory_space<vmem>>) target(%dma_start3A_230 : memref<10240x128xf32, #tpu.memory_space<vmem_shared>>) offsets(%dma_start3A_227 : memref<128xi32, #tpu.memory_space<vmem>>) semaphore(%run_scoped3A : memref<!tpu.dma_semaphore, #tpu.memory_space<semaphore_mem>>) {add = true}
          %dma_wait3A_231 = arith.constant 0 : i32
          %dma_wait3A_232 = tpu.memref_slice %arg7[%add3A_154, %dma_wait3A_231] : memref<40x128xi32, #tpu.memory_space<vmem>> -> memref<1x128xi32, #tpu.memory_space<vmem>>
          %dma_wait3A_233 = tpu.memref_squeeze %dma_wait3A_232 : memref<1x128xi32, #tpu.memory_space<vmem>> -> memref<128xi32, #tpu.memory_space<vmem>>
          %dma_wait3A_234 = arith.constant 0 : i32
          %dma_wait3A_235 = arith.constant 0 : i32
          %dma_wait3A_236 = tpu.memref_slice %arg10[%dma_wait3A_234, %dma_wait3A_235] : memref<10240x128xf32, #tpu.memory_space<vmem_shared>> -> memref<10240x128xf32, #tpu.memory_space<vmem_shared>>
          tpu.wait_indirect_dma semaphore(%run_scoped3A : memref<!tpu.dma_semaphore, #tpu.memory_space<semaphore_mem>>) src(%arg9 : memref<128x128xf32, #tpu.memory_space<vmem>>) dst(%dma_wait3A_236 : memref<10240x128xf32, #tpu.memory_space<vmem_shared>>)
          tpu.yield
        }) : () -> ()
        %add3A_155 = arith.constant 4 : i32
        %add3A_156 = arith.addi %mul3A_70, %add3A_155 : i32
        %add3A_157 = arith.constant 1 : i32
        %add3A_158 = arith.addi %add3A_156, %add3A_157 : i32
        %mul3A_159 = arith.constant 128 : i32
        %mul3A_160 = arith.muli %add3A_158, %mul3A_159 : i32
        %dma_start3A_161 = tpu.memref_slice %arg6[%mul3A_160] : memref<5120xi32, #tpu.memory_space<vmem>> -> memref<128xi32, #tpu.memory_space<vmem>>
        %dma_start3A_162 = arith.constant 0 : i32
        %dma_start3A_163 = arith.constant 0 : i32
        %dma_start3A_164 = tpu.memref_slice %arg2[%dma_start3A_162, %dma_start3A_163] : memref<40000x128xf32, #tpu.memory_space<hbm>> -> memref<40000x128xf32, #tpu.memory_space<hbm>>
        tpu.enqueue_indirect_dma source(%dma_start3A_164 : memref<40000x128xf32, #tpu.memory_space<hbm>>) target(%arg9 : memref<128x128xf32, #tpu.memory_space<vmem>>) offsets(%dma_start3A_161 : memref<128xi32, #tpu.memory_space<vmem>>) semaphore(%arg12 : memref<!tpu.dma_semaphore, #tpu.memory_space<semaphore_mem>>)
        %add3A_165 = arith.constant 4 : i32
        %add3A_166 = arith.addi %mul3A_70, %add3A_165 : i32
        %mul3A_167 = arith.constant 128 : i32
        %mul3A_168 = arith.muli %add3A_166, %mul3A_167 : i32
        %dma_wait3A_169 = tpu.memref_slice %arg6[%mul3A_168] : memref<5120xi32, #tpu.memory_space<vmem>> -> memref<128xi32, #tpu.memory_space<vmem>>
        %dma_wait3A_170 = arith.constant 0 : i32
        %dma_wait3A_171 = arith.constant 0 : i32
        %dma_wait3A_172 = tpu.memref_slice %arg2[%dma_wait3A_170, %dma_wait3A_171] : memref<40000x128xf32, #tpu.memory_space<hbm>> -> memref<40000x128xf32, #tpu.memory_space<hbm>>
        tpu.wait_indirect_dma semaphore(%arg11 : memref<!tpu.dma_semaphore, #tpu.memory_space<semaphore_mem>>) src(%dma_wait3A_172 : memref<40000x128xf32, #tpu.memory_space<hbm>>) dst(%arg8 : memref<128x128xf32, #tpu.memory_space<vmem>>)
        %add3A_173 = arith.constant 4 : i32
        %add3A_174 = arith.addi %mul3A_70, %add3A_173 : i32
        "tpu.region"() ({
          %run_scoped3A = tpu.sem_alloc : memref<!tpu.dma_semaphore, #tpu.memory_space<semaphore_mem>>
          %dma_start3A_225 = arith.constant 0 : i32
          %dma_start3A_226 = tpu.memref_slice %arg7[%add3A_174, %dma_start3A_225] : memref<40x128xi32, #tpu.memory_space<vmem>> -> memref<1x128xi32, #tpu.memory_space<vmem>>
          %dma_start3A_227 = tpu.memref_squeeze %dma_start3A_226 : memref<1x128xi32, #tpu.memory_space<vmem>> -> memref<128xi32, #tpu.memory_space<vmem>>
          %dma_start3A_228 = arith.constant 0 : i32
          %dma_start3A_229 = arith.constant 0 : i32
          %dma_start3A_230 = tpu.memref_slice %arg10[%dma_start3A_228, %dma_start3A_229] : memref<10240x128xf32, #tpu.memory_space<vmem_shared>> -> memref<10240x128xf32, #tpu.memory_space<vmem_shared>>
          tpu.enqueue_indirect_dma source(%arg8 : memref<128x128xf32, #tpu.memory_space<vmem>>) target(%dma_start3A_230 : memref<10240x128xf32, #tpu.memory_space<vmem_shared>>) offsets(%dma_start3A_227 : memref<128xi32, #tpu.memory_space<vmem>>) semaphore(%run_scoped3A : memref<!tpu.dma_semaphore, #tpu.memory_space<semaphore_mem>>) {add = true}
          %dma_wait3A_231 = arith.constant 0 : i32
          %dma_wait3A_232 = tpu.memref_slice %arg7[%add3A_174, %dma_wait3A_231] : memref<40x128xi32, #tpu.memory_space<vmem>> -> memref<1x128xi32, #tpu.memory_space<vmem>>
          %dma_wait3A_233 = tpu.memref_squeeze %dma_wait3A_232 : memref<1x128xi32, #tpu.memory_space<vmem>> -> memref<128xi32, #tpu.memory_space<vmem>>
          %dma_wait3A_234 = arith.constant 0 : i32
          %dma_wait3A_235 = arith.constant 0 : i32
          %dma_wait3A_236 = tpu.memref_slice %arg10[%dma_wait3A_234, %dma_wait3A_235] : memref<10240x128xf32, #tpu.memory_space<vmem_shared>> -> memref<10240x128xf32, #tpu.memory_space<vmem_shared>>
          tpu.wait_indirect_dma semaphore(%run_scoped3A : memref<!tpu.dma_semaphore, #tpu.memory_space<semaphore_mem>>) src(%arg8 : memref<128x128xf32, #tpu.memory_space<vmem>>) dst(%dma_wait3A_236 : memref<10240x128xf32, #tpu.memory_space<vmem_shared>>)
          tpu.yield
        }) : () -> ()
        %add3A_175 = arith.constant 5 : i32
        %add3A_176 = arith.addi %mul3A_70, %add3A_175 : i32
        %add3A_177 = arith.constant 1 : i32
        %add3A_178 = arith.addi %add3A_176, %add3A_177 : i32
        %mul3A_179 = arith.constant 128 : i32
        %mul3A_180 = arith.muli %add3A_178, %mul3A_179 : i32
        %dma_start3A_181 = tpu.memref_slice %arg6[%mul3A_180] : memref<5120xi32, #tpu.memory_space<vmem>> -> memref<128xi32, #tpu.memory_space<vmem>>
        %dma_start3A_182 = arith.constant 0 : i32
        %dma_start3A_183 = arith.constant 0 : i32
        %dma_start3A_184 = tpu.memref_slice %arg2[%dma_start3A_182, %dma_start3A_183] : memref<40000x128xf32, #tpu.memory_space<hbm>> -> memref<40000x128xf32, #tpu.memory_space<hbm>>
        tpu.enqueue_indirect_dma source(%dma_start3A_184 : memref<40000x128xf32, #tpu.memory_space<hbm>>) target(%arg8 : memref<128x128xf32, #tpu.memory_space<vmem>>) offsets(%dma_start3A_181 : memref<128xi32, #tpu.memory_space<vmem>>) semaphore(%arg11 : memref<!tpu.dma_semaphore, #tpu.memory_space<semaphore_mem>>)
        %add3A_185 = arith.constant 5 : i32
        %add3A_186 = arith.addi %mul3A_70, %add3A_185 : i32
        %mul3A_187 = arith.constant 128 : i32
        %mul3A_188 = arith.muli %add3A_186, %mul3A_187 : i32
        %dma_wait3A_189 = tpu.memref_slice %arg6[%mul3A_188] : memref<5120xi32, #tpu.memory_space<vmem>> -> memref<128xi32, #tpu.memory_space<vmem>>
        %dma_wait3A_190 = arith.constant 0 : i32
        %dma_wait3A_191 = arith.constant 0 : i32
        %dma_wait3A_192 = tpu.memref_slice %arg2[%dma_wait3A_190, %dma_wait3A_191] : memref<40000x128xf32, #tpu.memory_space<hbm>> -> memref<40000x128xf32, #tpu.memory_space<hbm>>
        tpu.wait_indirect_dma semaphore(%arg12 : memref<!tpu.dma_semaphore, #tpu.memory_space<semaphore_mem>>) src(%dma_wait3A_192 : memref<40000x128xf32, #tpu.memory_space<hbm>>) dst(%arg9 : memref<128x128xf32, #tpu.memory_space<vmem>>)
        %add3A_193 = arith.constant 5 : i32
        %add3A_194 = arith.addi %mul3A_70, %add3A_193 : i32
        "tpu.region"() ({
          %run_scoped3A = tpu.sem_alloc : memref<!tpu.dma_semaphore, #tpu.memory_space<semaphore_mem>>
          %dma_start3A_225 = arith.constant 0 : i32
          %dma_start3A_226 = tpu.memref_slice %arg7[%add3A_194, %dma_start3A_225] : memref<40x128xi32, #tpu.memory_space<vmem>> -> memref<1x128xi32, #tpu.memory_space<vmem>>
          %dma_start3A_227 = tpu.memref_squeeze %dma_start3A_226 : memref<1x128xi32, #tpu.memory_space<vmem>> -> memref<128xi32, #tpu.memory_space<vmem>>
          %dma_start3A_228 = arith.constant 0 : i32
          %dma_start3A_229 = arith.constant 0 : i32
          %dma_start3A_230 = tpu.memref_slice %arg10[%dma_start3A_228, %dma_start3A_229] : memref<10240x128xf32, #tpu.memory_space<vmem_shared>> -> memref<10240x128xf32, #tpu.memory_space<vmem_shared>>
          tpu.enqueue_indirect_dma source(%arg9 : memref<128x128xf32, #tpu.memory_space<vmem>>) target(%dma_start3A_230 : memref<10240x128xf32, #tpu.memory_space<vmem_shared>>) offsets(%dma_start3A_227 : memref<128xi32, #tpu.memory_space<vmem>>) semaphore(%run_scoped3A : memref<!tpu.dma_semaphore, #tpu.memory_space<semaphore_mem>>) {add = true}
          %dma_wait3A_231 = arith.constant 0 : i32
          %dma_wait3A_232 = tpu.memref_slice %arg7[%add3A_194, %dma_wait3A_231] : memref<40x128xi32, #tpu.memory_space<vmem>> -> memref<1x128xi32, #tpu.memory_space<vmem>>
          %dma_wait3A_233 = tpu.memref_squeeze %dma_wait3A_232 : memref<1x128xi32, #tpu.memory_space<vmem>> -> memref<128xi32, #tpu.memory_space<vmem>>
          %dma_wait3A_234 = arith.constant 0 : i32
          %dma_wait3A_235 = arith.constant 0 : i32
          %dma_wait3A_236 = tpu.memref_slice %arg10[%dma_wait3A_234, %dma_wait3A_235] : memref<10240x128xf32, #tpu.memory_space<vmem_shared>> -> memref<10240x128xf32, #tpu.memory_space<vmem_shared>>
          tpu.wait_indirect_dma semaphore(%run_scoped3A : memref<!tpu.dma_semaphore, #tpu.memory_space<semaphore_mem>>) src(%arg9 : memref<128x128xf32, #tpu.memory_space<vmem>>) dst(%dma_wait3A_236 : memref<10240x128xf32, #tpu.memory_space<vmem_shared>>)
          tpu.yield
        }) : () -> ()
        %add3A_195 = arith.constant 6 : i32
        %add3A_196 = arith.addi %mul3A_70, %add3A_195 : i32
        %add3A_197 = arith.constant 1 : i32
        %add3A_198 = arith.addi %add3A_196, %add3A_197 : i32
        %mul3A_199 = arith.constant 128 : i32
        %mul3A_200 = arith.muli %add3A_198, %mul3A_199 : i32
        %dma_start3A_201 = tpu.memref_slice %arg6[%mul3A_200] : memref<5120xi32, #tpu.memory_space<vmem>> -> memref<128xi32, #tpu.memory_space<vmem>>
        %dma_start3A_202 = arith.constant 0 : i32
        %dma_start3A_203 = arith.constant 0 : i32
        %dma_start3A_204 = tpu.memref_slice %arg2[%dma_start3A_202, %dma_start3A_203] : memref<40000x128xf32, #tpu.memory_space<hbm>> -> memref<40000x128xf32, #tpu.memory_space<hbm>>
        tpu.enqueue_indirect_dma source(%dma_start3A_204 : memref<40000x128xf32, #tpu.memory_space<hbm>>) target(%arg9 : memref<128x128xf32, #tpu.memory_space<vmem>>) offsets(%dma_start3A_201 : memref<128xi32, #tpu.memory_space<vmem>>) semaphore(%arg12 : memref<!tpu.dma_semaphore, #tpu.memory_space<semaphore_mem>>)
        %add3A_205 = arith.constant 6 : i32
        %add3A_206 = arith.addi %mul3A_70, %add3A_205 : i32
        %mul3A_207 = arith.constant 128 : i32
        %mul3A_208 = arith.muli %add3A_206, %mul3A_207 : i32
        %dma_wait3A_209 = tpu.memref_slice %arg6[%mul3A_208] : memref<5120xi32, #tpu.memory_space<vmem>> -> memref<128xi32, #tpu.memory_space<vmem>>
        %dma_wait3A_210 = arith.constant 0 : i32
        %dma_wait3A_211 = arith.constant 0 : i32
        %dma_wait3A_212 = tpu.memref_slice %arg2[%dma_wait3A_210, %dma_wait3A_211] : memref<40000x128xf32, #tpu.memory_space<hbm>> -> memref<40000x128xf32, #tpu.memory_space<hbm>>
        tpu.wait_indirect_dma semaphore(%arg11 : memref<!tpu.dma_semaphore, #tpu.memory_space<semaphore_mem>>) src(%dma_wait3A_212 : memref<40000x128xf32, #tpu.memory_space<hbm>>) dst(%arg8 : memref<128x128xf32, #tpu.memory_space<vmem>>)
        %add3A_213 = arith.constant 6 : i32
        %add3A_214 = arith.addi %mul3A_70, %add3A_213 : i32
        "tpu.region"() ({
          %run_scoped3A = tpu.sem_alloc : memref<!tpu.dma_semaphore, #tpu.memory_space<semaphore_mem>>
          %dma_start3A_225 = arith.constant 0 : i32
          %dma_start3A_226 = tpu.memref_slice %arg7[%add3A_214, %dma_start3A_225] : memref<40x128xi32, #tpu.memory_space<vmem>> -> memref<1x128xi32, #tpu.memory_space<vmem>>
          %dma_start3A_227 = tpu.memref_squeeze %dma_start3A_226 : memref<1x128xi32, #tpu.memory_space<vmem>> -> memref<128xi32, #tpu.memory_space<vmem>>
          %dma_start3A_228 = arith.constant 0 : i32
          %dma_start3A_229 = arith.constant 0 : i32
          %dma_start3A_230 = tpu.memref_slice %arg10[%dma_start3A_228, %dma_start3A_229] : memref<10240x128xf32, #tpu.memory_space<vmem_shared>> -> memref<10240x128xf32, #tpu.memory_space<vmem_shared>>
          tpu.enqueue_indirect_dma source(%arg8 : memref<128x128xf32, #tpu.memory_space<vmem>>) target(%dma_start3A_230 : memref<10240x128xf32, #tpu.memory_space<vmem_shared>>) offsets(%dma_start3A_227 : memref<128xi32, #tpu.memory_space<vmem>>) semaphore(%run_scoped3A : memref<!tpu.dma_semaphore, #tpu.memory_space<semaphore_mem>>) {add = true}
          %dma_wait3A_231 = arith.constant 0 : i32
          %dma_wait3A_232 = tpu.memref_slice %arg7[%add3A_214, %dma_wait3A_231] : memref<40x128xi32, #tpu.memory_space<vmem>> -> memref<1x128xi32, #tpu.memory_space<vmem>>
          %dma_wait3A_233 = tpu.memref_squeeze %dma_wait3A_232 : memref<1x128xi32, #tpu.memory_space<vmem>> -> memref<128xi32, #tpu.memory_space<vmem>>
          %dma_wait3A_234 = arith.constant 0 : i32
          %dma_wait3A_235 = arith.constant 0 : i32
          %dma_wait3A_236 = tpu.memref_slice %arg10[%dma_wait3A_234, %dma_wait3A_235] : memref<10240x128xf32, #tpu.memory_space<vmem_shared>> -> memref<10240x128xf32, #tpu.memory_space<vmem_shared>>
          tpu.wait_indirect_dma semaphore(%run_scoped3A : memref<!tpu.dma_semaphore, #tpu.memory_space<semaphore_mem>>) src(%arg8 : memref<128x128xf32, #tpu.memory_space<vmem>>) dst(%dma_wait3A_236 : memref<10240x128xf32, #tpu.memory_space<vmem_shared>>)
          tpu.yield
        }) : () -> ()
        %add3A_215 = arith.constant 7 : i32
        %add3A_216 = arith.addi %mul3A_70, %add3A_215 : i32
        %mul3A_217 = arith.constant 128 : i32
        %mul3A_218 = arith.muli %add3A_216, %mul3A_217 : i32
        %dma_wait3A_219 = tpu.memref_slice %arg6[%mul3A_218] : memref<5120xi32, #tpu.memory_space<vmem>> -> memref<128xi32, #tpu.memory_space<vmem>>
        %dma_wait3A_220 = arith.constant 0 : i32
        %dma_wait3A_221 = arith.constant 0 : i32
        %dma_wait3A_222 = tpu.memref_slice %arg2[%dma_wait3A_220, %dma_wait3A_221] : memref<40000x128xf32, #tpu.memory_space<hbm>> -> memref<40000x128xf32, #tpu.memory_space<hbm>>
        tpu.wait_indirect_dma semaphore(%arg12 : memref<!tpu.dma_semaphore, #tpu.memory_space<semaphore_mem>>) src(%dma_wait3A_222 : memref<40000x128xf32, #tpu.memory_space<hbm>>) dst(%arg9 : memref<128x128xf32, #tpu.memory_space<vmem>>)
        %add3A_223 = arith.constant 7 : i32
        %add3A_224 = arith.addi %mul3A_70, %add3A_223 : i32
        "tpu.region"() ({
          %run_scoped3A = tpu.sem_alloc : memref<!tpu.dma_semaphore, #tpu.memory_space<semaphore_mem>>
          %dma_start3A_225 = arith.constant 0 : i32
          %dma_start3A_226 = tpu.memref_slice %arg7[%add3A_224, %dma_start3A_225] : memref<40x128xi32, #tpu.memory_space<vmem>> -> memref<1x128xi32, #tpu.memory_space<vmem>>
          %dma_start3A_227 = tpu.memref_squeeze %dma_start3A_226 : memref<1x128xi32, #tpu.memory_space<vmem>> -> memref<128xi32, #tpu.memory_space<vmem>>
          %dma_start3A_228 = arith.constant 0 : i32
          %dma_start3A_229 = arith.constant 0 : i32
          %dma_start3A_230 = tpu.memref_slice %arg10[%dma_start3A_228, %dma_start3A_229] : memref<10240x128xf32, #tpu.memory_space<vmem_shared>> -> memref<10240x128xf32, #tpu.memory_space<vmem_shared>>
          tpu.enqueue_indirect_dma source(%arg9 : memref<128x128xf32, #tpu.memory_space<vmem>>) target(%dma_start3A_230 : memref<10240x128xf32, #tpu.memory_space<vmem_shared>>) offsets(%dma_start3A_227 : memref<128xi32, #tpu.memory_space<vmem>>) semaphore(%run_scoped3A : memref<!tpu.dma_semaphore, #tpu.memory_space<semaphore_mem>>) {add = true}
          %dma_wait3A_231 = arith.constant 0 : i32
          %dma_wait3A_232 = tpu.memref_slice %arg7[%add3A_224, %dma_wait3A_231] : memref<40x128xi32, #tpu.memory_space<vmem>> -> memref<1x128xi32, #tpu.memory_space<vmem>>
          %dma_wait3A_233 = tpu.memref_squeeze %dma_wait3A_232 : memref<1x128xi32, #tpu.memory_space<vmem>> -> memref<128xi32, #tpu.memory_space<vmem>>
          %dma_wait3A_234 = arith.constant 0 : i32
          %dma_wait3A_235 = arith.constant 0 : i32
          %dma_wait3A_236 = tpu.memref_slice %arg10[%dma_wait3A_234, %dma_wait3A_235] : memref<10240x128xf32, #tpu.memory_space<vmem_shared>> -> memref<10240x128xf32, #tpu.memory_space<vmem_shared>>
          tpu.wait_indirect_dma semaphore(%run_scoped3A : memref<!tpu.dma_semaphore, #tpu.memory_space<semaphore_mem>>) src(%arg9 : memref<128x128xf32, #tpu.memory_space<vmem>>) dst(%dma_wait3A_236 : memref<10240x128xf32, #tpu.memory_space<vmem_shared>>)
          tpu.yield
        }) : () -> ()
      }
      %scan3A_67 = arith.constant 5 : i32
    }
    %scan3A_53 = arith.constant 4 : i32
    %barrier3A_54 = arith.constant 0 : index
    tpu.barrier barrier_id(%barrier3A_54)
    "tpu.region"() ({
      %run_scoped3A = tpu.sem_alloc : memref<!tpu.dma_semaphore, #tpu.memory_space<semaphore_mem>>
      %dma_start3A = arith.constant 0 : i32
      %dma_start3A_55 = tpu.memref_slice %arg5[%add3A_30, %mul3A_0, %dma_start3A] : memref<4x10240x128xf32, #tpu.memory_space<hbm>> -> memref<1x640x128xf32, #tpu.memory_space<hbm>>
      %dma_start3A_56 = tpu.memref_squeeze %dma_start3A_55 : memref<1x640x128xf32, #tpu.memory_space<hbm>> -> memref<640x128xf32, #tpu.memory_space<hbm>>
      %dma_start3A_57 = arith.constant 0 : i32
      %dma_start3A_58 = tpu.memref_slice %arg10[%mul3A_0, %dma_start3A_57] : memref<10240x128xf32, #tpu.memory_space<vmem_shared>> -> memref<640x128xf32, #tpu.memory_space<vmem_shared>>
      tpu.enqueue_dma source(%dma_start3A_58 : memref<640x128xf32, #tpu.memory_space<vmem_shared>>) target(%dma_start3A_56 : memref<640x128xf32, #tpu.memory_space<hbm>>) target_semaphore(%run_scoped3A : memref<!tpu.dma_semaphore, #tpu.memory_space<semaphore_mem>>)
      %dma_wait3A = arith.constant 0 : i32
      %dma_wait3A_59 = tpu.memref_slice %arg5[%add3A_30, %mul3A_0, %dma_wait3A] : memref<4x10240x128xf32, #tpu.memory_space<hbm>> -> memref<1x640x128xf32, #tpu.memory_space<hbm>>
      %dma_wait3A_60 = tpu.memref_squeeze %dma_wait3A_59 : memref<1x640x128xf32, #tpu.memory_space<hbm>> -> memref<640x128xf32, #tpu.memory_space<hbm>>
      %dma_wait3A_61 = arith.constant 0 : i32
      %dma_wait3A_62 = tpu.memref_slice %arg10[%mul3A_0, %dma_wait3A_61] : memref<10240x128xf32, #tpu.memory_space<vmem_shared>> -> memref<640x128xf32, #tpu.memory_space<vmem_shared>>
      tpu.wait_dma2 semaphore(%run_scoped3A : memref<!tpu.dma_semaphore, #tpu.memory_space<semaphore_mem>>) src(%dma_wait3A_62 : memref<640x128xf32, #tpu.memory_space<vmem_shared>>) dst(%dma_wait3A_60 : memref<640x128xf32, #tpu.memory_space<hbm>>)
      tpu.yield
    }) : () -> ()
    return
  }
}

#map = affine_map<(d0, d1) -> (0, 0, 0, 0)>
#map1 = affine_map<(d0, d1) -> (0, 0, 0)>
module attributes {stable_mosaic.version = 14 : i64} {
  func.func @deg(%arg0: i32, %arg1: i32, %arg2: memref<2x16x80x128xi32, #tpu.memory_space<hbm>>, %arg3: memref<2x10240x128xf32, #tpu.memory_space<hbm>>, %arg4: memref<40x128xi32, #tpu.memory_space<vmem>>, %arg5: memref<1x128xi32, #tpu.memory_space<vmem>>, %arg6: memref<128x128xf32, #tpu.memory_space<vmem>>, %arg7: memref<10240x128xf32, #tpu.memory_space<vmem_shared>>, %arg8: memref<!tpu.dma_semaphore, #tpu.memory_space<semaphore_mem>>, %arg9: memref<!tpu.dma_semaphore, #tpu.memory_space<semaphore_mem>>) attributes {dimension_semantics = [#tpu.dimension_semantics<core_parallel>, #tpu.dimension_semantics<subcore_parallel>], iteration_bounds = array<i64: 2, 16>, scalar_prefetch = 0 : i64, scratch_operands = 6 : i64, tpu.core_type = #tpu.core_type<sc_vector_subcore>, window_params = [{transform_indices = #map}, {transform_indices = #map1}]} {
    %mul3A = arith.constant 640 : i32
    %mul3A_0 = arith.muli %arg1, %mul3A : i32
    %broadcast_in_dim3A = arith.constant 0.000000e+00 : f32
    %broadcast_in_dim3A_1 = vector.broadcast %broadcast_in_dim3A : f32 to vector<16xf32>
    %broadcast_in_dim3A_2 = arith.constant 1.000000e+00 : f32
    %broadcast_in_dim3A_3 = vector.broadcast %broadcast_in_dim3A_2 : f32 to vector<16xf32>
    %broadcast_in_dim3A_4 = arith.constant 10016 : i32
    %broadcast_in_dim3A_5 = vector.broadcast %broadcast_in_dim3A_4 : i32 to vector<16xi32>
    %swap3A = arith.constant 0 : i32
    %swap3A_6 = arith.index_cast %swap3A : i32 to index
    %swap3A_7 = arith.constant 0 : index
    %swap3A_8 = tpu.vector_load %arg5[%swap3A_6, %swap3A_7] {strides = array<i32>} : memref<1x128xi32, #tpu.memory_space<vmem>>, vector<1x16xi32>,
    %swap3A_9 = vector.shape_cast %swap3A_8 : vector<1x16xi32> to vector<16xi32>
    %swap3A_10 = vector.shape_cast %broadcast_in_dim3A_5 : vector<16xi32> to vector<1x16xi32>
    tpu.vector_store %arg5[%swap3A_6, %swap3A_7], %swap3A_10 {strides = array<i32>} : memref<1x128xi32, #tpu.memory_space<vmem>>, vector<1x16xi32>,
    %broadcast_in_dim3A_11 = arith.constant 10016 : i32
    %broadcast_in_dim3A_12 = vector.broadcast %broadcast_in_dim3A_11 : i32 to vector<16xi32>
    %swap3A_13 = arith.constant 0 : i32
    %swap3A_14 = arith.index_cast %swap3A_13 : i32 to index
    %swap3A_15 = arith.constant 16 : index
    %swap3A_16 = tpu.vector_load %arg5[%swap3A_14, %swap3A_15] {strides = array<i32>} : memref<1x128xi32, #tpu.memory_space<vmem>>, vector<1x16xi32>,
    %swap3A_17 = vector.shape_cast %swap3A_16 : vector<1x16xi32> to vector<16xi32>
    %swap3A_18 = vector.shape_cast %broadcast_in_dim3A_12 : vector<16xi32> to vector<1x16xi32>
    tpu.vector_store %arg5[%swap3A_14, %swap3A_15], %swap3A_18 {strides = array<i32>} : memref<1x128xi32, #tpu.memory_space<vmem>>, vector<1x16xi32>,
    %broadcast_in_dim3A_19 = arith.constant 10016 : i32
    %broadcast_in_dim3A_20 = vector.broadcast %broadcast_in_dim3A_19 : i32 to vector<16xi32>
    %swap3A_21 = arith.constant 0 : i32
    %swap3A_22 = arith.index_cast %swap3A_21 : i32 to index
    %swap3A_23 = arith.constant 32 : index
    %swap3A_24 = tpu.vector_load %arg5[%swap3A_22, %swap3A_23] {strides = array<i32>} : memref<1x128xi32, #tpu.memory_space<vmem>>, vector<1x16xi32>,
    %swap3A_25 = vector.shape_cast %swap3A_24 : vector<1x16xi32> to vector<16xi32>
    %swap3A_26 = vector.shape_cast %broadcast_in_dim3A_20 : vector<16xi32> to vector<1x16xi32>
    tpu.vector_store %arg5[%swap3A_22, %swap3A_23], %swap3A_26 {strides = array<i32>} : memref<1x128xi32, #tpu.memory_space<vmem>>, vector<1x16xi32>,
    %broadcast_in_dim3A_27 = arith.constant 10016 : i32
    %broadcast_in_dim3A_28 = vector.broadcast %broadcast_in_dim3A_27 : i32 to vector<16xi32>
    %swap3A_29 = arith.constant 0 : i32
    %swap3A_30 = arith.index_cast %swap3A_29 : i32 to index
    %swap3A_31 = arith.constant 48 : index
    %swap3A_32 = tpu.vector_load %arg5[%swap3A_30, %swap3A_31] {strides = array<i32>} : memref<1x128xi32, #tpu.memory_space<vmem>>, vector<1x16xi32>,
    %swap3A_33 = vector.shape_cast %swap3A_32 : vector<1x16xi32> to vector<16xi32>
    %swap3A_34 = vector.shape_cast %broadcast_in_dim3A_28 : vector<16xi32> to vector<1x16xi32>
    tpu.vector_store %arg5[%swap3A_30, %swap3A_31], %swap3A_34 {strides = array<i32>} : memref<1x128xi32, #tpu.memory_space<vmem>>, vector<1x16xi32>,
    %broadcast_in_dim3A_35 = arith.constant 10016 : i32
    %broadcast_in_dim3A_36 = vector.broadcast %broadcast_in_dim3A_35 : i32 to vector<16xi32>
    %swap3A_37 = arith.constant 0 : i32
    %swap3A_38 = arith.index_cast %swap3A_37 : i32 to index
    %swap3A_39 = arith.constant 64 : index
    %swap3A_40 = tpu.vector_load %arg5[%swap3A_38, %swap3A_39] {strides = array<i32>} : memref<1x128xi32, #tpu.memory_space<vmem>>, vector<1x16xi32>,
    %swap3A_41 = vector.shape_cast %swap3A_40 : vector<1x16xi32> to vector<16xi32>
    %swap3A_42 = vector.shape_cast %broadcast_in_dim3A_36 : vector<16xi32> to vector<1x16xi32>
    tpu.vector_store %arg5[%swap3A_38, %swap3A_39], %swap3A_42 {strides = array<i32>} : memref<1x128xi32, #tpu.memory_space<vmem>>, vector<1x16xi32>,
    %broadcast_in_dim3A_43 = arith.constant 10016 : i32
    %broadcast_in_dim3A_44 = vector.broadcast %broadcast_in_dim3A_43 : i32 to vector<16xi32>
    %swap3A_45 = arith.constant 0 : i32
    %swap3A_46 = arith.index_cast %swap3A_45 : i32 to index
    %swap3A_47 = arith.constant 80 : index
    %swap3A_48 = tpu.vector_load %arg5[%swap3A_46, %swap3A_47] {strides = array<i32>} : memref<1x128xi32, #tpu.memory_space<vmem>>, vector<1x16xi32>,
    %swap3A_49 = vector.shape_cast %swap3A_48 : vector<1x16xi32> to vector<16xi32>
    %swap3A_50 = vector.shape_cast %broadcast_in_dim3A_44 : vector<16xi32> to vector<1x16xi32>
    tpu.vector_store %arg5[%swap3A_46, %swap3A_47], %swap3A_50 {strides = array<i32>} : memref<1x128xi32, #tpu.memory_space<vmem>>, vector<1x16xi32>,
    %broadcast_in_dim3A_51 = arith.constant 10016 : i32
    %broadcast_in_dim3A_52 = vector.broadcast %broadcast_in_dim3A_51 : i32 to vector<16xi32>
    %swap3A_53 = arith.constant 0 : i32
    %swap3A_54 = arith.index_cast %swap3A_53 : i32 to index
    %swap3A_55 = arith.constant 96 : index
    %swap3A_56 = tpu.vector_load %arg5[%swap3A_54, %swap3A_55] {strides = array<i32>} : memref<1x128xi32, #tpu.memory_space<vmem>>, vector<1x16xi32>,
    %swap3A_57 = vector.shape_cast %swap3A_56 : vector<1x16xi32> to vector<16xi32>
    %swap3A_58 = vector.shape_cast %broadcast_in_dim3A_52 : vector<16xi32> to vector<1x16xi32>
    tpu.vector_store %arg5[%swap3A_54, %swap3A_55], %swap3A_58 {strides = array<i32>} : memref<1x128xi32, #tpu.memory_space<vmem>>, vector<1x16xi32>,
    %broadcast_in_dim3A_59 = arith.constant 10016 : i32
    %broadcast_in_dim3A_60 = vector.broadcast %broadcast_in_dim3A_59 : i32 to vector<16xi32>
    %swap3A_61 = arith.constant 0 : i32
    %swap3A_62 = arith.index_cast %swap3A_61 : i32 to index
    %swap3A_63 = arith.constant 112 : index
    %swap3A_64 = tpu.vector_load %arg5[%swap3A_62, %swap3A_63] {strides = array<i32>} : memref<1x128xi32, #tpu.memory_space<vmem>>, vector<1x16xi32>,
    %swap3A_65 = vector.shape_cast %swap3A_64 : vector<1x16xi32> to vector<16xi32>
    %swap3A_66 = vector.shape_cast %broadcast_in_dim3A_60 : vector<16xi32> to vector<1x16xi32>
    tpu.vector_store %arg5[%swap3A_62, %swap3A_63], %swap3A_66 {strides = array<i32>} : memref<1x128xi32, #tpu.memory_space<vmem>>, vector<1x16xi32>,
    %scan3A = arith.constant 0 : i32
    %scan3A_67 = arith.constant 0 : i32
    %scan3A_68 = arith.constant 128 : i32
    %scan3A_69 = arith.addi %scan3A_67, %scan3A_68 : i32
    %scan3A_70 = arith.constant 1 : i32
    scf.for %scan3A_120 = %scan3A_67 to %scan3A_69 step %scan3A_70  : i32 {
      %swap3A_121 = arith.index_cast %scan3A_120 : i32 to index
      %swap3A_122 = arith.constant 0 : index
      %swap3A_123 = tpu.vector_load %arg6[%swap3A_121, %swap3A_122] {strides = array<i32>} : memref<128x128xf32, #tpu.memory_space<vmem>>, vector<1x16xf32>,
      %swap3A_124 = vector.shape_cast %swap3A_123 : vector<1x16xf32> to vector<16xf32>
      %swap3A_125 = vector.shape_cast %broadcast_in_dim3A_1 : vector<16xf32> to vector<1x16xf32>
      tpu.vector_store %arg6[%swap3A_121, %swap3A_122], %swap3A_125 {strides = array<i32>} : memref<128x128xf32, #tpu.memory_space<vmem>>, vector<1x16xf32>,
      %swap3A_126 = arith.index_cast %scan3A_120 : i32 to index
      %swap3A_127 = arith.constant 16 : index
      %swap3A_128 = tpu.vector_load %arg6[%swap3A_126, %swap3A_127] {strides = array<i32>} : memref<128x128xf32, #tpu.memory_space<vmem>>, vector<1x16xf32>,
      %swap3A_129 = vector.shape_cast %swap3A_128 : vector<1x16xf32> to vector<16xf32>
      %swap3A_130 = vector.shape_cast %broadcast_in_dim3A_1 : vector<16xf32> to vector<1x16xf32>
      tpu.vector_store %arg6[%swap3A_126, %swap3A_127], %swap3A_130 {strides = array<i32>} : memref<128x128xf32, #tpu.memory_space<vmem>>, vector<1x16xf32>,
      %swap3A_131 = arith.index_cast %scan3A_120 : i32 to index
      %swap3A_132 = arith.constant 32 : index
      %swap3A_133 = tpu.vector_load %arg6[%swap3A_131, %swap3A_132] {strides = array<i32>} : memref<128x128xf32, #tpu.memory_space<vmem>>, vector<1x16xf32>,
      %swap3A_134 = vector.shape_cast %swap3A_133 : vector<1x16xf32> to vector<16xf32>
      %swap3A_135 = vector.shape_cast %broadcast_in_dim3A_1 : vector<16xf32> to vector<1x16xf32>
      tpu.vector_store %arg6[%swap3A_131, %swap3A_132], %swap3A_135 {strides = array<i32>} : memref<128x128xf32, #tpu.memory_space<vmem>>, vector<1x16xf32>,
      %swap3A_136 = arith.index_cast %scan3A_120 : i32 to index
      %swap3A_137 = arith.constant 48 : index
      %swap3A_138 = tpu.vector_load %arg6[%swap3A_136, %swap3A_137] {strides = array<i32>} : memref<128x128xf32, #tpu.memory_space<vmem>>, vector<1x16xf32>,
      %swap3A_139 = vector.shape_cast %swap3A_138 : vector<1x16xf32> to vector<16xf32>
      %swap3A_140 = vector.shape_cast %broadcast_in_dim3A_1 : vector<16xf32> to vector<1x16xf32>
      tpu.vector_store %arg6[%swap3A_136, %swap3A_137], %swap3A_140 {strides = array<i32>} : memref<128x128xf32, #tpu.memory_space<vmem>>, vector<1x16xf32>,
      %swap3A_141 = arith.index_cast %scan3A_120 : i32 to index
      %swap3A_142 = arith.constant 64 : index
      %swap3A_143 = tpu.vector_load %arg6[%swap3A_141, %swap3A_142] {strides = array<i32>} : memref<128x128xf32, #tpu.memory_space<vmem>>, vector<1x16xf32>,
      %swap3A_144 = vector.shape_cast %swap3A_143 : vector<1x16xf32> to vector<16xf32>
      %swap3A_145 = vector.shape_cast %broadcast_in_dim3A_1 : vector<16xf32> to vector<1x16xf32>
      tpu.vector_store %arg6[%swap3A_141, %swap3A_142], %swap3A_145 {strides = array<i32>} : memref<128x128xf32, #tpu.memory_space<vmem>>, vector<1x16xf32>,
      %swap3A_146 = arith.index_cast %scan3A_120 : i32 to index
      %swap3A_147 = arith.constant 80 : index
      %swap3A_148 = tpu.vector_load %arg6[%swap3A_146, %swap3A_147] {strides = array<i32>} : memref<128x128xf32, #tpu.memory_space<vmem>>, vector<1x16xf32>,
      %swap3A_149 = vector.shape_cast %swap3A_148 : vector<1x16xf32> to vector<16xf32>
      %swap3A_150 = vector.shape_cast %broadcast_in_dim3A_1 : vector<16xf32> to vector<1x16xf32>
      tpu.vector_store %arg6[%swap3A_146, %swap3A_147], %swap3A_150 {strides = array<i32>} : memref<128x128xf32, #tpu.memory_space<vmem>>, vector<1x16xf32>,
      %swap3A_151 = arith.index_cast %scan3A_120 : i32 to index
      %swap3A_152 = arith.constant 96 : index
      %swap3A_153 = tpu.vector_load %arg6[%swap3A_151, %swap3A_152] {strides = array<i32>} : memref<128x128xf32, #tpu.memory_space<vmem>>, vector<1x16xf32>,
      %swap3A_154 = vector.shape_cast %swap3A_153 : vector<1x16xf32> to vector<16xf32>
      %swap3A_155 = vector.shape_cast %broadcast_in_dim3A_1 : vector<16xf32> to vector<1x16xf32>
      tpu.vector_store %arg6[%swap3A_151, %swap3A_152], %swap3A_155 {strides = array<i32>} : memref<128x128xf32, #tpu.memory_space<vmem>>, vector<1x16xf32>,
      %swap3A_156 = arith.index_cast %scan3A_120 : i32 to index
      %swap3A_157 = arith.constant 112 : index
      %swap3A_158 = tpu.vector_load %arg6[%swap3A_156, %swap3A_157] {strides = array<i32>} : memref<128x128xf32, #tpu.memory_space<vmem>>, vector<1x16xf32>,
      %swap3A_159 = vector.shape_cast %swap3A_158 : vector<1x16xf32> to vector<16xf32>
      %swap3A_160 = vector.shape_cast %broadcast_in_dim3A_1 : vector<16xf32> to vector<1x16xf32>
      tpu.vector_store %arg6[%swap3A_156, %swap3A_157], %swap3A_160 {strides = array<i32>} : memref<128x128xf32, #tpu.memory_space<vmem>>, vector<1x16xf32>,
    }
    %scan3A_71 = arith.constant 128 : i32
    %add3A = arith.constant 0 : i32
    %add3A_72 = arith.addi %mul3A_0, %add3A : i32
    "tpu.region"() ({
      %run_scoped3A = tpu.sem_alloc : memref<!tpu.dma_semaphore, #tpu.memory_space<semaphore_mem>>
      %dma_start3A_120 = arith.constant 0 : i32
      %dma_start3A_121 = tpu.memref_slice %arg7[%add3A_72, %dma_start3A_120] : memref<10240x128xf32, #tpu.memory_space<vmem_shared>> -> memref<128x128xf32, #tpu.memory_space<vmem_shared>>
      %dma_start3A_122 = arith.constant 0 : i32
      %dma_start3A_123 = tpu.memref_slice %arg7[%add3A_72, %dma_start3A_122] : memref<10240x128xf32, #tpu.memory_space<vmem_shared>> -> memref<128x128xf32, #tpu.memory_space<vmem_shared>>
      tpu.enqueue_dma source(%arg6 : memref<128x128xf32, #tpu.memory_space<vmem>>) target(%dma_start3A_123 : memref<128x128xf32, #tpu.memory_space<vmem_shared>>) target_semaphore(%run_scoped3A : memref<!tpu.dma_semaphore, #tpu.memory_space<semaphore_mem>>)
      %dma_wait3A_124 = arith.constant 0 : i32
      %dma_wait3A_125 = tpu.memref_slice %arg7[%add3A_72, %dma_wait3A_124] : memref<10240x128xf32, #tpu.memory_space<vmem_shared>> -> memref<128x128xf32, #tpu.memory_space<vmem_shared>>
      %dma_wait3A_126 = arith.constant 0 : i32
      %dma_wait3A_127 = tpu.memref_slice %arg7[%add3A_72, %dma_wait3A_126] : memref<10240x128xf32, #tpu.memory_space<vmem_shared>> -> memref<128x128xf32, #tpu.memory_space<vmem_shared>>
      tpu.wait_dma2 semaphore(%run_scoped3A : memref<!tpu.dma_semaphore, #tpu.memory_space<semaphore_mem>>) src(%arg6 : memref<128x128xf32, #tpu.memory_space<vmem>>) dst(%dma_wait3A_127 : memref<128x128xf32, #tpu.memory_space<vmem_shared>>)
      tpu.yield
    }) : () -> ()
    %add3A_73 = arith.constant 128 : i32
    %add3A_74 = arith.addi %mul3A_0, %add3A_73 : i32
    "tpu.region"() ({
      %run_scoped3A = tpu.sem_alloc : memref<!tpu.dma_semaphore, #tpu.memory_space<semaphore_mem>>
      %dma_start3A_120 = arith.constant 0 : i32
      %dma_start3A_121 = tpu.memref_slice %arg7[%add3A_74, %dma_start3A_120] : memref<10240x128xf32, #tpu.memory_space<vmem_shared>> -> memref<128x128xf32, #tpu.memory_space<vmem_shared>>
      %dma_start3A_122 = arith.constant 0 : i32
      %dma_start3A_123 = tpu.memref_slice %arg7[%add3A_74, %dma_start3A_122] : memref<10240x128xf32, #tpu.memory_space<vmem_shared>> -> memref<128x128xf32, #tpu.memory_space<vmem_shared>>
      tpu.enqueue_dma source(%arg6 : memref<128x128xf32, #tpu.memory_space<vmem>>) target(%dma_start3A_123 : memref<128x128xf32, #tpu.memory_space<vmem_shared>>) target_semaphore(%run_scoped3A : memref<!tpu.dma_semaphore, #tpu.memory_space<semaphore_mem>>)
      %dma_wait3A_124 = arith.constant 0 : i32
      %dma_wait3A_125 = tpu.memref_slice %arg7[%add3A_74, %dma_wait3A_124] : memref<10240x128xf32, #tpu.memory_space<vmem_shared>> -> memref<128x128xf32, #tpu.memory_space<vmem_shared>>
      %dma_wait3A_126 = arith.constant 0 : i32
      %dma_wait3A_127 = tpu.memref_slice %arg7[%add3A_74, %dma_wait3A_126] : memref<10240x128xf32, #tpu.memory_space<vmem_shared>> -> memref<128x128xf32, #tpu.memory_space<vmem_shared>>
      tpu.wait_dma2 semaphore(%run_scoped3A : memref<!tpu.dma_semaphore, #tpu.memory_space<semaphore_mem>>) src(%arg6 : memref<128x128xf32, #tpu.memory_space<vmem>>) dst(%dma_wait3A_127 : memref<128x128xf32, #tpu.memory_space<vmem_shared>>)
      tpu.yield
    }) : () -> ()
    %add3A_75 = arith.constant 256 : i32
    %add3A_76 = arith.addi %mul3A_0, %add3A_75 : i32
    "tpu.region"() ({
      %run_scoped3A = tpu.sem_alloc : memref<!tpu.dma_semaphore, #tpu.memory_space<semaphore_mem>>
      %dma_start3A_120 = arith.constant 0 : i32
      %dma_start3A_121 = tpu.memref_slice %arg7[%add3A_76, %dma_start3A_120] : memref<10240x128xf32, #tpu.memory_space<vmem_shared>> -> memref<128x128xf32, #tpu.memory_space<vmem_shared>>
      %dma_start3A_122 = arith.constant 0 : i32
      %dma_start3A_123 = tpu.memref_slice %arg7[%add3A_76, %dma_start3A_122] : memref<10240x128xf32, #tpu.memory_space<vmem_shared>> -> memref<128x128xf32, #tpu.memory_space<vmem_shared>>
      tpu.enqueue_dma source(%arg6 : memref<128x128xf32, #tpu.memory_space<vmem>>) target(%dma_start3A_123 : memref<128x128xf32, #tpu.memory_space<vmem_shared>>) target_semaphore(%run_scoped3A : memref<!tpu.dma_semaphore, #tpu.memory_space<semaphore_mem>>)
      %dma_wait3A_124 = arith.constant 0 : i32
      %dma_wait3A_125 = tpu.memref_slice %arg7[%add3A_76, %dma_wait3A_124] : memref<10240x128xf32, #tpu.memory_space<vmem_shared>> -> memref<128x128xf32, #tpu.memory_space<vmem_shared>>
      %dma_wait3A_126 = arith.constant 0 : i32
      %dma_wait3A_127 = tpu.memref_slice %arg7[%add3A_76, %dma_wait3A_126] : memref<10240x128xf32, #tpu.memory_space<vmem_shared>> -> memref<128x128xf32, #tpu.memory_space<vmem_shared>>
      tpu.wait_dma2 semaphore(%run_scoped3A : memref<!tpu.dma_semaphore, #tpu.memory_space<semaphore_mem>>) src(%arg6 : memref<128x128xf32, #tpu.memory_space<vmem>>) dst(%dma_wait3A_127 : memref<128x128xf32, #tpu.memory_space<vmem_shared>>)
      tpu.yield
    }) : () -> ()
    %add3A_77 = arith.constant 384 : i32
    %add3A_78 = arith.addi %mul3A_0, %add3A_77 : i32
    "tpu.region"() ({
      %run_scoped3A = tpu.sem_alloc : memref<!tpu.dma_semaphore, #tpu.memory_space<semaphore_mem>>
      %dma_start3A_120 = arith.constant 0 : i32
      %dma_start3A_121 = tpu.memref_slice %arg7[%add3A_78, %dma_start3A_120] : memref<10240x128xf32, #tpu.memory_space<vmem_shared>> -> memref<128x128xf32, #tpu.memory_space<vmem_shared>>
      %dma_start3A_122 = arith.constant 0 : i32
      %dma_start3A_123 = tpu.memref_slice %arg7[%add3A_78, %dma_start3A_122] : memref<10240x128xf32, #tpu.memory_space<vmem_shared>> -> memref<128x128xf32, #tpu.memory_space<vmem_shared>>
      tpu.enqueue_dma source(%arg6 : memref<128x128xf32, #tpu.memory_space<vmem>>) target(%dma_start3A_123 : memref<128x128xf32, #tpu.memory_space<vmem_shared>>) target_semaphore(%run_scoped3A : memref<!tpu.dma_semaphore, #tpu.memory_space<semaphore_mem>>)
      %dma_wait3A_124 = arith.constant 0 : i32
      %dma_wait3A_125 = tpu.memref_slice %arg7[%add3A_78, %dma_wait3A_124] : memref<10240x128xf32, #tpu.memory_space<vmem_shared>> -> memref<128x128xf32, #tpu.memory_space<vmem_shared>>
      %dma_wait3A_126 = arith.constant 0 : i32
      %dma_wait3A_127 = tpu.memref_slice %arg7[%add3A_78, %dma_wait3A_126] : memref<10240x128xf32, #tpu.memory_space<vmem_shared>> -> memref<128x128xf32, #tpu.memory_space<vmem_shared>>
      tpu.wait_dma2 semaphore(%run_scoped3A : memref<!tpu.dma_semaphore, #tpu.memory_space<semaphore_mem>>) src(%arg6 : memref<128x128xf32, #tpu.memory_space<vmem>>) dst(%dma_wait3A_127 : memref<128x128xf32, #tpu.memory_space<vmem_shared>>)
      tpu.yield
    }) : () -> ()
    %add3A_79 = arith.constant 512 : i32
    %add3A_80 = arith.addi %mul3A_0, %add3A_79 : i32
    "tpu.region"() ({
      %run_scoped3A = tpu.sem_alloc : memref<!tpu.dma_semaphore, #tpu.memory_space<semaphore_mem>>
      %dma_start3A_120 = arith.constant 0 : i32
      %dma_start3A_121 = tpu.memref_slice %arg7[%add3A_80, %dma_start3A_120] : memref<10240x128xf32, #tpu.memory_space<vmem_shared>> -> memref<128x128xf32, #tpu.memory_space<vmem_shared>>
      %dma_start3A_122 = arith.constant 0 : i32
      %dma_start3A_123 = tpu.memref_slice %arg7[%add3A_80, %dma_start3A_122] : memref<10240x128xf32, #tpu.memory_space<vmem_shared>> -> memref<128x128xf32, #tpu.memory_space<vmem_shared>>
      tpu.enqueue_dma source(%arg6 : memref<128x128xf32, #tpu.memory_space<vmem>>) target(%dma_start3A_123 : memref<128x128xf32, #tpu.memory_space<vmem_shared>>) target_semaphore(%run_scoped3A : memref<!tpu.dma_semaphore, #tpu.memory_space<semaphore_mem>>)
      %dma_wait3A_124 = arith.constant 0 : i32
      %dma_wait3A_125 = tpu.memref_slice %arg7[%add3A_80, %dma_wait3A_124] : memref<10240x128xf32, #tpu.memory_space<vmem_shared>> -> memref<128x128xf32, #tpu.memory_space<vmem_shared>>
      %dma_wait3A_126 = arith.constant 0 : i32
      %dma_wait3A_127 = tpu.memref_slice %arg7[%add3A_80, %dma_wait3A_126] : memref<10240x128xf32, #tpu.memory_space<vmem_shared>> -> memref<128x128xf32, #tpu.memory_space<vmem_shared>>
      tpu.wait_dma2 semaphore(%run_scoped3A : memref<!tpu.dma_semaphore, #tpu.memory_space<semaphore_mem>>) src(%arg6 : memref<128x128xf32, #tpu.memory_space<vmem>>) dst(%dma_wait3A_127 : memref<128x128xf32, #tpu.memory_space<vmem_shared>>)
      tpu.yield
    }) : () -> ()
    %scan3A_81 = arith.constant 0 : i32
    %scan3A_82 = arith.constant 0 : i32
    %scan3A_83 = arith.constant 128 : i32
    %scan3A_84 = arith.addi %scan3A_82, %scan3A_83 : i32
    %scan3A_85 = arith.constant 1 : i32
    scf.for %scan3A_120 = %scan3A_82 to %scan3A_84 step %scan3A_85  : i32 {
      %swap3A_121 = arith.index_cast %scan3A_120 : i32 to index
      %swap3A_122 = arith.constant 0 : index
      %swap3A_123 = tpu.vector_load %arg6[%swap3A_121, %swap3A_122] {strides = array<i32>} : memref<128x128xf32, #tpu.memory_space<vmem>>, vector<1x16xf32>,
      %swap3A_124 = vector.shape_cast %swap3A_123 : vector<1x16xf32> to vector<16xf32>
      %swap3A_125 = vector.shape_cast %broadcast_in_dim3A_3 : vector<16xf32> to vector<1x16xf32>
      tpu.vector_store %arg6[%swap3A_121, %swap3A_122], %swap3A_125 {strides = array<i32>} : memref<128x128xf32, #tpu.memory_space<vmem>>, vector<1x16xf32>,
      %swap3A_126 = arith.index_cast %scan3A_120 : i32 to index
      %swap3A_127 = arith.constant 16 : index
      %swap3A_128 = tpu.vector_load %arg6[%swap3A_126, %swap3A_127] {strides = array<i32>} : memref<128x128xf32, #tpu.memory_space<vmem>>, vector<1x16xf32>,
      %swap3A_129 = vector.shape_cast %swap3A_128 : vector<1x16xf32> to vector<16xf32>
      %swap3A_130 = vector.shape_cast %broadcast_in_dim3A_3 : vector<16xf32> to vector<1x16xf32>
      tpu.vector_store %arg6[%swap3A_126, %swap3A_127], %swap3A_130 {strides = array<i32>} : memref<128x128xf32, #tpu.memory_space<vmem>>, vector<1x16xf32>,
      %swap3A_131 = arith.index_cast %scan3A_120 : i32 to index
      %swap3A_132 = arith.constant 32 : index
      %swap3A_133 = tpu.vector_load %arg6[%swap3A_131, %swap3A_132] {strides = array<i32>} : memref<128x128xf32, #tpu.memory_space<vmem>>, vector<1x16xf32>,
      %swap3A_134 = vector.shape_cast %swap3A_133 : vector<1x16xf32> to vector<16xf32>
      %swap3A_135 = vector.shape_cast %broadcast_in_dim3A_3 : vector<16xf32> to vector<1x16xf32>
      tpu.vector_store %arg6[%swap3A_131, %swap3A_132], %swap3A_135 {strides = array<i32>} : memref<128x128xf32, #tpu.memory_space<vmem>>, vector<1x16xf32>,
      %swap3A_136 = arith.index_cast %scan3A_120 : i32 to index
      %swap3A_137 = arith.constant 48 : index
      %swap3A_138 = tpu.vector_load %arg6[%swap3A_136, %swap3A_137] {strides = array<i32>} : memref<128x128xf32, #tpu.memory_space<vmem>>, vector<1x16xf32>,
      %swap3A_139 = vector.shape_cast %swap3A_138 : vector<1x16xf32> to vector<16xf32>
      %swap3A_140 = vector.shape_cast %broadcast_in_dim3A_3 : vector<16xf32> to vector<1x16xf32>
      tpu.vector_store %arg6[%swap3A_136, %swap3A_137], %swap3A_140 {strides = array<i32>} : memref<128x128xf32, #tpu.memory_space<vmem>>, vector<1x16xf32>,
      %swap3A_141 = arith.index_cast %scan3A_120 : i32 to index
      %swap3A_142 = arith.constant 64 : index
      %swap3A_143 = tpu.vector_load %arg6[%swap3A_141, %swap3A_142] {strides = array<i32>} : memref<128x128xf32, #tpu.memory_space<vmem>>, vector<1x16xf32>,
      %swap3A_144 = vector.shape_cast %swap3A_143 : vector<1x16xf32> to vector<16xf32>
      %swap3A_145 = vector.shape_cast %broadcast_in_dim3A_3 : vector<16xf32> to vector<1x16xf32>
      tpu.vector_store %arg6[%swap3A_141, %swap3A_142], %swap3A_145 {strides = array<i32>} : memref<128x128xf32, #tpu.memory_space<vmem>>, vector<1x16xf32>,
      %swap3A_146 = arith.index_cast %scan3A_120 : i32 to index
      %swap3A_147 = arith.constant 80 : index
      %swap3A_148 = tpu.vector_load %arg6[%swap3A_146, %swap3A_147] {strides = array<i32>} : memref<128x128xf32, #tpu.memory_space<vmem>>, vector<1x16xf32>,
      %swap3A_149 = vector.shape_cast %swap3A_148 : vector<1x16xf32> to vector<16xf32>
      %swap3A_150 = vector.shape_cast %broadcast_in_dim3A_3 : vector<16xf32> to vector<1x16xf32>
      tpu.vector_store %arg6[%swap3A_146, %swap3A_147], %swap3A_150 {strides = array<i32>} : memref<128x128xf32, #tpu.memory_space<vmem>>, vector<1x16xf32>,
      %swap3A_151 = arith.index_cast %scan3A_120 : i32 to index
      %swap3A_152 = arith.constant 96 : index
      %swap3A_153 = tpu.vector_load %arg6[%swap3A_151, %swap3A_152] {strides = array<i32>} : memref<128x128xf32, #tpu.memory_space<vmem>>, vector<1x16xf32>,
      %swap3A_154 = vector.shape_cast %swap3A_153 : vector<1x16xf32> to vector<16xf32>
      %swap3A_155 = vector.shape_cast %broadcast_in_dim3A_3 : vector<16xf32> to vector<1x16xf32>
      tpu.vector_store %arg6[%swap3A_151, %swap3A_152], %swap3A_155 {strides = array<i32>} : memref<128x128xf32, #tpu.memory_space<vmem>>, vector<1x16xf32>,
      %swap3A_156 = arith.index_cast %scan3A_120 : i32 to index
      %swap3A_157 = arith.constant 112 : index
      %swap3A_158 = tpu.vector_load %arg6[%swap3A_156, %swap3A_157] {strides = array<i32>} : memref<128x128xf32, #tpu.memory_space<vmem>>, vector<1x16xf32>,
      %swap3A_159 = vector.shape_cast %swap3A_158 : vector<1x16xf32> to vector<16xf32>
      %swap3A_160 = vector.shape_cast %broadcast_in_dim3A_3 : vector<16xf32> to vector<1x16xf32>
      tpu.vector_store %arg6[%swap3A_156, %swap3A_157], %swap3A_160 {strides = array<i32>} : memref<128x128xf32, #tpu.memory_space<vmem>>, vector<1x16xf32>,
    }
    %scan3A_86 = arith.constant 128 : i32
    %barrier3A = arith.constant 0 : index
    tpu.barrier barrier_id(%barrier3A)
    %dma_start3A = arith.constant 0 : i32
    %dma_start3A_87 = arith.constant 0 : i32
    %dma_start3A_88 = tpu.memref_slice %arg5[%dma_start3A, %dma_start3A_87] : memref<1x128xi32, #tpu.memory_space<vmem>> -> memref<1x128xi32, #tpu.memory_space<vmem>>
    %dma_start3A_89 = tpu.memref_squeeze %dma_start3A_88 : memref<1x128xi32, #tpu.memory_space<vmem>> -> memref<128xi32, #tpu.memory_space<vmem>>
    %dma_start3A_90 = arith.constant 0 : i32
    %dma_start3A_91 = arith.constant 0 : i32
    %dma_start3A_92 = tpu.memref_slice %arg7[%dma_start3A_90, %dma_start3A_91] : memref<10240x128xf32, #tpu.memory_space<vmem_shared>> -> memref<10240x128xf32, #tpu.memory_space<vmem_shared>>
    tpu.enqueue_indirect_dma source(%arg6 : memref<128x128xf32, #tpu.memory_space<vmem>>) target(%dma_start3A_92 : memref<10240x128xf32, #tpu.memory_space<vmem_shared>>) offsets(%dma_start3A_89 : memref<128xi32, #tpu.memory_space<vmem>>) semaphore(%arg8 : memref<!tpu.dma_semaphore, #tpu.memory_space<semaphore_mem>>) {add = true}
    %dma_start3A_93 = arith.constant 0 : i32
    %dma_start3A_94 = arith.constant 0 : i32
    %dma_start3A_95 = tpu.memref_slice %arg5[%dma_start3A_93, %dma_start3A_94] : memref<1x128xi32, #tpu.memory_space<vmem>> -> memref<1x128xi32, #tpu.memory_space<vmem>>
    %dma_start3A_96 = tpu.memref_squeeze %dma_start3A_95 : memref<1x128xi32, #tpu.memory_space<vmem>> -> memref<128xi32, #tpu.memory_space<vmem>>
    %dma_start3A_97 = arith.constant 0 : i32
    %dma_start3A_98 = arith.constant 0 : i32
    %dma_start3A_99 = tpu.memref_slice %arg7[%dma_start3A_97, %dma_start3A_98] : memref<10240x128xf32, #tpu.memory_space<vmem_shared>> -> memref<10240x128xf32, #tpu.memory_space<vmem_shared>>
    tpu.enqueue_indirect_dma source(%arg6 : memref<128x128xf32, #tpu.memory_space<vmem>>) target(%dma_start3A_99 : memref<10240x128xf32, #tpu.memory_space<vmem_shared>>) offsets(%dma_start3A_96 : memref<128xi32, #tpu.memory_space<vmem>>) semaphore(%arg9 : memref<!tpu.dma_semaphore, #tpu.memory_space<semaphore_mem>>) {add = true}
    %scan3A_100 = arith.constant 0 : i32
    %scan3A_101 = arith.constant 0 : i32
    %scan3A_102 = arith.constant 2 : i32
    %scan3A_103 = arith.addi %scan3A_101, %scan3A_102 : i32
    %scan3A_104 = arith.constant 1 : i32
    scf.for %scan3A_120 = %scan3A_101 to %scan3A_103 step %scan3A_104  : i32 {
      %dma_wait3A_121 = arith.constant 0 : i32
      %dma_wait3A_122 = arith.constant 0 : i32
      %dma_wait3A_123 = tpu.memref_slice %arg5[%dma_wait3A_121, %dma_wait3A_122] : memref<1x128xi32, #tpu.memory_space<vmem>> -> memref<1x128xi32, #tpu.memory_space<vmem>>
      %dma_wait3A_124 = tpu.memref_squeeze %dma_wait3A_123 : memref<1x128xi32, #tpu.memory_space<vmem>> -> memref<128xi32, #tpu.memory_space<vmem>>
      %dma_wait3A_125 = arith.constant 0 : i32
      %dma_wait3A_126 = arith.constant 0 : i32
      %dma_wait3A_127 = tpu.memref_slice %arg7[%dma_wait3A_125, %dma_wait3A_126] : memref<10240x128xf32, #tpu.memory_space<vmem_shared>> -> memref<10240x128xf32, #tpu.memory_space<vmem_shared>>
      tpu.wait_indirect_dma semaphore(%arg8 : memref<!tpu.dma_semaphore, #tpu.memory_space<semaphore_mem>>) src(%arg6 : memref<128x128xf32, #tpu.memory_space<vmem>>) dst(%dma_wait3A_127 : memref<10240x128xf32, #tpu.memory_space<vmem_shared>>)
      %dma_wait3A_128 = arith.constant 0 : i32
      %dma_wait3A_129 = arith.constant 0 : i32
      %dma_wait3A_130 = tpu.memref_slice %arg5[%dma_wait3A_128, %dma_wait3A_129] : memref<1x128xi32, #tpu.memory_space<vmem>> -> memref<1x128xi32, #tpu.memory_space<vmem>>
      %dma_wait3A_131 = tpu.memref_squeeze %dma_wait3A_130 : memref<1x128xi32, #tpu.memory_space<vmem>> -> memref<128xi32, #tpu.memory_space<vmem>>
      %dma_wait3A_132 = arith.constant 0 : i32
      %dma_wait3A_133 = arith.constant 0 : i32
      %dma_wait3A_134 = tpu.memref_slice %arg7[%dma_wait3A_132, %dma_wait3A_133] : memref<10240x128xf32, #tpu.memory_space<vmem_shared>> -> memref<10240x128xf32, #tpu.memory_space<vmem_shared>>
      tpu.wait_indirect_dma semaphore(%arg9 : memref<!tpu.dma_semaphore, #tpu.memory_space<semaphore_mem>>) src(%arg6 : memref<128x128xf32, #tpu.memory_space<vmem>>) dst(%dma_wait3A_134 : memref<10240x128xf32, #tpu.memory_space<vmem_shared>>)
      %mul3A_135 = arith.constant 40 : i32
      %mul3A_136 = arith.muli %scan3A_120, %mul3A_135 : i32
      "tpu.region"() ({
        %run_scoped3A = tpu.sem_alloc : memref<!tpu.dma_semaphore, #tpu.memory_space<semaphore_mem>>
        %dma_start3A_157 = arith.constant 0 : i32
        %dma_start3A_158 = tpu.memref_slice %arg2[%arg0, %arg1, %mul3A_136, %dma_start3A_157] : memref<2x16x80x128xi32, #tpu.memory_space<hbm>> -> memref<1x1x40x128xi32, #tpu.memory_space<hbm>>
        %dma_start3A_159 = tpu.memref_squeeze %dma_start3A_158 : memref<1x1x40x128xi32, #tpu.memory_space<hbm>> -> memref<40x128xi32, #tpu.memory_space<hbm>>
        %dma_start3A_160 = arith.constant 0 : i32
        %dma_start3A_161 = tpu.memref_slice %arg2[%arg0, %arg1, %mul3A_136, %dma_start3A_160] : memref<2x16x80x128xi32, #tpu.memory_space<hbm>> -> memref<1x1x40x128xi32, #tpu.memory_space<hbm>>
        %dma_start3A_162 = tpu.memref_squeeze %dma_start3A_161 : memref<1x1x40x128xi32, #tpu.memory_space<hbm>> -> memref<40x128xi32, #tpu.memory_space<hbm>>
        tpu.enqueue_dma source(%dma_start3A_162 : memref<40x128xi32, #tpu.memory_space<hbm>>) target(%arg4 : memref<40x128xi32, #tpu.memory_space<vmem>>) target_semaphore(%run_scoped3A : memref<!tpu.dma_semaphore, #tpu.memory_space<semaphore_mem>>)
        %dma_wait3A_163 = arith.constant 0 : i32
        %dma_wait3A_164 = tpu.memref_slice %arg2[%arg0, %arg1, %mul3A_136, %dma_wait3A_163] : memref<2x16x80x128xi32, #tpu.memory_space<hbm>> -> memref<1x1x40x128xi32, #tpu.memory_space<hbm>>
        %dma_wait3A_165 = tpu.memref_squeeze %dma_wait3A_164 : memref<1x1x40x128xi32, #tpu.memory_space<hbm>> -> memref<40x128xi32, #tpu.memory_space<hbm>>
        %dma_wait3A_166 = arith.constant 0 : i32
        %dma_wait3A_167 = tpu.memref_slice %arg2[%arg0, %arg1, %mul3A_136, %dma_wait3A_166] : memref<2x16x80x128xi32, #tpu.memory_space<hbm>> -> memref<1x1x40x128xi32, #tpu.memory_space<hbm>>
        %dma_wait3A_168 = tpu.memref_squeeze %dma_wait3A_167 : memref<1x1x40x128xi32, #tpu.memory_space<hbm>> -> memref<40x128xi32, #tpu.memory_space<hbm>>
        tpu.wait_dma2 semaphore(%run_scoped3A : memref<!tpu.dma_semaphore, #tpu.memory_space<semaphore_mem>>) src(%dma_wait3A_168 : memref<40x128xi32, #tpu.memory_space<hbm>>) dst(%arg4 : memref<40x128xi32, #tpu.memory_space<vmem>>)
        tpu.yield
      }) : () -> ()
      %dma_start3A_137 = arith.constant 0 : i32
      %dma_start3A_138 = arith.constant 0 : i32
      %dma_start3A_139 = tpu.memref_slice %arg5[%dma_start3A_137, %dma_start3A_138] : memref<1x128xi32, #tpu.memory_space<vmem>> -> memref<1x128xi32, #tpu.memory_space<vmem>>
      %dma_start3A_140 = tpu.memref_squeeze %dma_start3A_139 : memref<1x128xi32, #tpu.memory_space<vmem>> -> memref<128xi32, #tpu.memory_space<vmem>>
      %dma_start3A_141 = arith.constant 0 : i32
      %dma_start3A_142 = arith.constant 0 : i32
      %dma_start3A_143 = tpu.memref_slice %arg7[%dma_start3A_141, %dma_start3A_142] : memref<10240x128xf32, #tpu.memory_space<vmem_shared>> -> memref<10240x128xf32, #tpu.memory_space<vmem_shared>>
      tpu.enqueue_indirect_dma source(%arg6 : memref<128x128xf32, #tpu.memory_space<vmem>>) target(%dma_start3A_143 : memref<10240x128xf32, #tpu.memory_space<vmem_shared>>) offsets(%dma_start3A_140 : memref<128xi32, #tpu.memory_space<vmem>>) semaphore(%arg8 : memref<!tpu.dma_semaphore, #tpu.memory_space<semaphore_mem>>) {add = true}
      %dma_start3A_144 = arith.constant 0 : i32
      %dma_start3A_145 = arith.constant 0 : i32
      %dma_start3A_146 = tpu.memref_slice %arg5[%dma_start3A_144, %dma_start3A_145] : memref<1x128xi32, #tpu.memory_space<vmem>> -> memref<1x128xi32, #tpu.memory_space<vmem>>
      %dma_start3A_147 = tpu.memref_squeeze %dma_start3A_146 : memref<1x128xi32, #tpu.memory_space<vmem>> -> memref<128xi32, #tpu.memory_space<vmem>>
      %dma_start3A_148 = arith.constant 0 : i32
      %dma_start3A_149 = arith.constant 0 : i32
      %dma_start3A_150 = tpu.memref_slice %arg7[%dma_start3A_148, %dma_start3A_149] : memref<10240x128xf32, #tpu.memory_space<vmem_shared>> -> memref<10240x128xf32, #tpu.memory_space<vmem_shared>>
      tpu.enqueue_indirect_dma source(%arg6 : memref<128x128xf32, #tpu.memory_space<vmem>>) target(%dma_start3A_150 : memref<10240x128xf32, #tpu.memory_space<vmem_shared>>) offsets(%dma_start3A_147 : memref<128xi32, #tpu.memory_space<vmem>>) semaphore(%arg9 : memref<!tpu.dma_semaphore, #tpu.memory_space<semaphore_mem>>) {add = true}
      %scan3A_151 = arith.constant 0 : i32
      %scan3A_152 = arith.constant 0 : i32
      %scan3A_153 = arith.constant 5 : i32
      %scan3A_154 = arith.addi %scan3A_152, %scan3A_153 : i32
      %scan3A_155 = arith.constant 1 : i32
      scf.for %scan3A_157 = %scan3A_152 to %scan3A_154 step %scan3A_155  : i32 {
        %mul3A_158 = arith.constant 8 : i32
        %mul3A_159 = arith.muli %scan3A_157, %mul3A_158 : i32
        %dma_wait3A_160 = arith.constant 0 : i32
        %dma_wait3A_161 = arith.constant 0 : i32
        %dma_wait3A_162 = tpu.memref_slice %arg5[%dma_wait3A_160, %dma_wait3A_161] : memref<1x128xi32, #tpu.memory_space<vmem>> -> memref<1x128xi32, #tpu.memory_space<vmem>>
        %dma_wait3A_163 = tpu.memref_squeeze %dma_wait3A_162 : memref<1x128xi32, #tpu.memory_space<vmem>> -> memref<128xi32, #tpu.memory_space<vmem>>
        %dma_wait3A_164 = arith.constant 0 : i32
        %dma_wait3A_165 = arith.constant 0 : i32
        %dma_wait3A_166 = tpu.memref_slice %arg7[%dma_wait3A_164, %dma_wait3A_165] : memref<10240x128xf32, #tpu.memory_space<vmem_shared>> -> memref<10240x128xf32, #tpu.memory_space<vmem_shared>>
        tpu.wait_indirect_dma semaphore(%arg8 : memref<!tpu.dma_semaphore, #tpu.memory_space<semaphore_mem>>) src(%arg6 : memref<128x128xf32, #tpu.memory_space<vmem>>) dst(%dma_wait3A_166 : memref<10240x128xf32, #tpu.memory_space<vmem_shared>>)
        %add3A_167 = arith.constant 0 : i32
        %add3A_168 = arith.addi %mul3A_159, %add3A_167 : i32
        %dma_start3A_169 = arith.constant 0 : i32
        %dma_start3A_170 = tpu.memref_slice %arg4[%add3A_168, %dma_start3A_169] : memref<40x128xi32, #tpu.memory_space<vmem>> -> memref<1x128xi32, #tpu.memory_space<vmem>>
        %dma_start3A_171 = tpu.memref_squeeze %dma_start3A_170 : memref<1x128xi32, #tpu.memory_space<vmem>> -> memref<128xi32, #tpu.memory_space<vmem>>
        %dma_start3A_172 = arith.constant 0 : i32
        %dma_start3A_173 = arith.constant 0 : i32
        %dma_start3A_174 = tpu.memref_slice %arg7[%dma_start3A_172, %dma_start3A_173] : memref<10240x128xf32, #tpu.memory_space<vmem_shared>> -> memref<10240x128xf32, #tpu.memory_space<vmem_shared>>
        tpu.enqueue_indirect_dma source(%arg6 : memref<128x128xf32, #tpu.memory_space<vmem>>) target(%dma_start3A_174 : memref<10240x128xf32, #tpu.memory_space<vmem_shared>>) offsets(%dma_start3A_171 : memref<128xi32, #tpu.memory_space<vmem>>) semaphore(%arg8 : memref<!tpu.dma_semaphore, #tpu.memory_space<semaphore_mem>>) {add = true}
        %dma_wait3A_175 = arith.constant 0 : i32
        %dma_wait3A_176 = arith.constant 0 : i32
        %dma_wait3A_177 = tpu.memref_slice %arg5[%dma_wait3A_175, %dma_wait3A_176] : memref<1x128xi32, #tpu.memory_space<vmem>> -> memref<1x128xi32, #tpu.memory_space<vmem>>
        %dma_wait3A_178 = tpu.memref_squeeze %dma_wait3A_177 : memref<1x128xi32, #tpu.memory_space<vmem>> -> memref<128xi32, #tpu.memory_space<vmem>>
        %dma_wait3A_179 = arith.constant 0 : i32
        %dma_wait3A_180 = arith.constant 0 : i32
        %dma_wait3A_181 = tpu.memref_slice %arg7[%dma_wait3A_179, %dma_wait3A_180] : memref<10240x128xf32, #tpu.memory_space<vmem_shared>> -> memref<10240x128xf32, #tpu.memory_space<vmem_shared>>
        tpu.wait_indirect_dma semaphore(%arg9 : memref<!tpu.dma_semaphore, #tpu.memory_space<semaphore_mem>>) src(%arg6 : memref<128x128xf32, #tpu.memory_space<vmem>>) dst(%dma_wait3A_181 : memref<10240x128xf32, #tpu.memory_space<vmem_shared>>)
        %add3A_182 = arith.constant 1 : i32
        %add3A_183 = arith.addi %mul3A_159, %add3A_182 : i32
        %dma_start3A_184 = arith.constant 0 : i32
        %dma_start3A_185 = tpu.memref_slice %arg4[%add3A_183, %dma_start3A_184] : memref<40x128xi32, #tpu.memory_space<vmem>> -> memref<1x128xi32, #tpu.memory_space<vmem>>
        %dma_start3A_186 = tpu.memref_squeeze %dma_start3A_185 : memref<1x128xi32, #tpu.memory_space<vmem>> -> memref<128xi32, #tpu.memory_space<vmem>>
        %dma_start3A_187 = arith.constant 0 : i32
        %dma_start3A_188 = arith.constant 0 : i32
        %dma_start3A_189 = tpu.memref_slice %arg7[%dma_start3A_187, %dma_start3A_188] : memref<10240x128xf32, #tpu.memory_space<vmem_shared>> -> memref<10240x128xf32, #tpu.memory_space<vmem_shared>>
        tpu.enqueue_indirect_dma source(%arg6 : memref<128x128xf32, #tpu.memory_space<vmem>>) target(%dma_start3A_189 : memref<10240x128xf32, #tpu.memory_space<vmem_shared>>) offsets(%dma_start3A_186 : memref<128xi32, #tpu.memory_space<vmem>>) semaphore(%arg9 : memref<!tpu.dma_semaphore, #tpu.memory_space<semaphore_mem>>) {add = true}
        %dma_wait3A_190 = arith.constant 0 : i32
        %dma_wait3A_191 = arith.constant 0 : i32
        %dma_wait3A_192 = tpu.memref_slice %arg5[%dma_wait3A_190, %dma_wait3A_191] : memref<1x128xi32, #tpu.memory_space<vmem>> -> memref<1x128xi32, #tpu.memory_space<vmem>>
        %dma_wait3A_193 = tpu.memref_squeeze %dma_wait3A_192 : memref<1x128xi32, #tpu.memory_space<vmem>> -> memref<128xi32, #tpu.memory_space<vmem>>
        %dma_wait3A_194 = arith.constant 0 : i32
        %dma_wait3A_195 = arith.constant 0 : i32
        %dma_wait3A_196 = tpu.memref_slice %arg7[%dma_wait3A_194, %dma_wait3A_195] : memref<10240x128xf32, #tpu.memory_space<vmem_shared>> -> memref<10240x128xf32, #tpu.memory_space<vmem_shared>>
        tpu.wait_indirect_dma semaphore(%arg8 : memref<!tpu.dma_semaphore, #tpu.memory_space<semaphore_mem>>) src(%arg6 : memref<128x128xf32, #tpu.memory_space<vmem>>) dst(%dma_wait3A_196 : memref<10240x128xf32, #tpu.memory_space<vmem_shared>>)
        %add3A_197 = arith.constant 2 : i32
        %add3A_198 = arith.addi %mul3A_159, %add3A_197 : i32
        %dma_start3A_199 = arith.constant 0 : i32
        %dma_start3A_200 = tpu.memref_slice %arg4[%add3A_198, %dma_start3A_199] : memref<40x128xi32, #tpu.memory_space<vmem>> -> memref<1x128xi32, #tpu.memory_space<vmem>>
        %dma_start3A_201 = tpu.memref_squeeze %dma_start3A_200 : memref<1x128xi32, #tpu.memory_space<vmem>> -> memref<128xi32, #tpu.memory_space<vmem>>
        %dma_start3A_202 = arith.constant 0 : i32
        %dma_start3A_203 = arith.constant 0 : i32
        %dma_start3A_204 = tpu.memref_slice %arg7[%dma_start3A_202, %dma_start3A_203] : memref<10240x128xf32, #tpu.memory_space<vmem_shared>> -> memref<10240x128xf32, #tpu.memory_space<vmem_shared>>
        tpu.enqueue_indirect_dma source(%arg6 : memref<128x128xf32, #tpu.memory_space<vmem>>) target(%dma_start3A_204 : memref<10240x128xf32, #tpu.memory_space<vmem_shared>>) offsets(%dma_start3A_201 : memref<128xi32, #tpu.memory_space<vmem>>) semaphore(%arg8 : memref<!tpu.dma_semaphore, #tpu.memory_space<semaphore_mem>>) {add = true}
        %dma_wait3A_205 = arith.constant 0 : i32
        %dma_wait3A_206 = arith.constant 0 : i32
        %dma_wait3A_207 = tpu.memref_slice %arg5[%dma_wait3A_205, %dma_wait3A_206] : memref<1x128xi32, #tpu.memory_space<vmem>> -> memref<1x128xi32, #tpu.memory_space<vmem>>
        %dma_wait3A_208 = tpu.memref_squeeze %dma_wait3A_207 : memref<1x128xi32, #tpu.memory_space<vmem>> -> memref<128xi32, #tpu.memory_space<vmem>>
        %dma_wait3A_209 = arith.constant 0 : i32
        %dma_wait3A_210 = arith.constant 0 : i32
        %dma_wait3A_211 = tpu.memref_slice %arg7[%dma_wait3A_209, %dma_wait3A_210] : memref<10240x128xf32, #tpu.memory_space<vmem_shared>> -> memref<10240x128xf32, #tpu.memory_space<vmem_shared>>
        tpu.wait_indirect_dma semaphore(%arg9 : memref<!tpu.dma_semaphore, #tpu.memory_space<semaphore_mem>>) src(%arg6 : memref<128x128xf32, #tpu.memory_space<vmem>>) dst(%dma_wait3A_211 : memref<10240x128xf32, #tpu.memory_space<vmem_shared>>)
        %add3A_212 = arith.constant 3 : i32
        %add3A_213 = arith.addi %mul3A_159, %add3A_212 : i32
        %dma_start3A_214 = arith.constant 0 : i32
        %dma_start3A_215 = tpu.memref_slice %arg4[%add3A_213, %dma_start3A_214] : memref<40x128xi32, #tpu.memory_space<vmem>> -> memref<1x128xi32, #tpu.memory_space<vmem>>
        %dma_start3A_216 = tpu.memref_squeeze %dma_start3A_215 : memref<1x128xi32, #tpu.memory_space<vmem>> -> memref<128xi32, #tpu.memory_space<vmem>>
        %dma_start3A_217 = arith.constant 0 : i32
        %dma_start3A_218 = arith.constant 0 : i32
        %dma_start3A_219 = tpu.memref_slice %arg7[%dma_start3A_217, %dma_start3A_218] : memref<10240x128xf32, #tpu.memory_space<vmem_shared>> -> memref<10240x128xf32, #tpu.memory_space<vmem_shared>>
        tpu.enqueue_indirect_dma source(%arg6 : memref<128x128xf32, #tpu.memory_space<vmem>>) target(%dma_start3A_219 : memref<10240x128xf32, #tpu.memory_space<vmem_shared>>) offsets(%dma_start3A_216 : memref<128xi32, #tpu.memory_space<vmem>>) semaphore(%arg9 : memref<!tpu.dma_semaphore, #tpu.memory_space<semaphore_mem>>) {add = true}
        %dma_wait3A_220 = arith.constant 0 : i32
        %dma_wait3A_221 = arith.constant 0 : i32
        %dma_wait3A_222 = tpu.memref_slice %arg5[%dma_wait3A_220, %dma_wait3A_221] : memref<1x128xi32, #tpu.memory_space<vmem>> -> memref<1x128xi32, #tpu.memory_space<vmem>>
        %dma_wait3A_223 = tpu.memref_squeeze %dma_wait3A_222 : memref<1x128xi32, #tpu.memory_space<vmem>> -> memref<128xi32, #tpu.memory_space<vmem>>
        %dma_wait3A_224 = arith.constant 0 : i32
        %dma_wait3A_225 = arith.constant 0 : i32
        %dma_wait3A_226 = tpu.memref_slice %arg7[%dma_wait3A_224, %dma_wait3A_225] : memref<10240x128xf32, #tpu.memory_space<vmem_shared>> -> memref<10240x128xf32, #tpu.memory_space<vmem_shared>>
        tpu.wait_indirect_dma semaphore(%arg8 : memref<!tpu.dma_semaphore, #tpu.memory_space<semaphore_mem>>) src(%arg6 : memref<128x128xf32, #tpu.memory_space<vmem>>) dst(%dma_wait3A_226 : memref<10240x128xf32, #tpu.memory_space<vmem_shared>>)
        %add3A_227 = arith.constant 4 : i32
        %add3A_228 = arith.addi %mul3A_159, %add3A_227 : i32
        %dma_start3A_229 = arith.constant 0 : i32
        %dma_start3A_230 = tpu.memref_slice %arg4[%add3A_228, %dma_start3A_229] : memref<40x128xi32, #tpu.memory_space<vmem>> -> memref<1x128xi32, #tpu.memory_space<vmem>>
        %dma_start3A_231 = tpu.memref_squeeze %dma_start3A_230 : memref<1x128xi32, #tpu.memory_space<vmem>> -> memref<128xi32, #tpu.memory_space<vmem>>
        %dma_start3A_232 = arith.constant 0 : i32
        %dma_start3A_233 = arith.constant 0 : i32
        %dma_start3A_234 = tpu.memref_slice %arg7[%dma_start3A_232, %dma_start3A_233] : memref<10240x128xf32, #tpu.memory_space<vmem_shared>> -> memref<10240x128xf32, #tpu.memory_space<vmem_shared>>
        tpu.enqueue_indirect_dma source(%arg6 : memref<128x128xf32, #tpu.memory_space<vmem>>) target(%dma_start3A_234 : memref<10240x128xf32, #tpu.memory_space<vmem_shared>>) offsets(%dma_start3A_231 : memref<128xi32, #tpu.memory_space<vmem>>) semaphore(%arg8 : memref<!tpu.dma_semaphore, #tpu.memory_space<semaphore_mem>>) {add = true}
        %dma_wait3A_235 = arith.constant 0 : i32
        %dma_wait3A_236 = arith.constant 0 : i32
        %dma_wait3A_237 = tpu.memref_slice %arg5[%dma_wait3A_235, %dma_wait3A_236] : memref<1x128xi32, #tpu.memory_space<vmem>> -> memref<1x128xi32, #tpu.memory_space<vmem>>
        %dma_wait3A_238 = tpu.memref_squeeze %dma_wait3A_237 : memref<1x128xi32, #tpu.memory_space<vmem>> -> memref<128xi32, #tpu.memory_space<vmem>>
        %dma_wait3A_239 = arith.constant 0 : i32
        %dma_wait3A_240 = arith.constant 0 : i32
        %dma_wait3A_241 = tpu.memref_slice %arg7[%dma_wait3A_239, %dma_wait3A_240] : memref<10240x128xf32, #tpu.memory_space<vmem_shared>> -> memref<10240x128xf32, #tpu.memory_space<vmem_shared>>
        tpu.wait_indirect_dma semaphore(%arg9 : memref<!tpu.dma_semaphore, #tpu.memory_space<semaphore_mem>>) src(%arg6 : memref<128x128xf32, #tpu.memory_space<vmem>>) dst(%dma_wait3A_241 : memref<10240x128xf32, #tpu.memory_space<vmem_shared>>)
        %add3A_242 = arith.constant 5 : i32
        %add3A_243 = arith.addi %mul3A_159, %add3A_242 : i32
        %dma_start3A_244 = arith.constant 0 : i32
        %dma_start3A_245 = tpu.memref_slice %arg4[%add3A_243, %dma_start3A_244] : memref<40x128xi32, #tpu.memory_space<vmem>> -> memref<1x128xi32, #tpu.memory_space<vmem>>
        %dma_start3A_246 = tpu.memref_squeeze %dma_start3A_245 : memref<1x128xi32, #tpu.memory_space<vmem>> -> memref<128xi32, #tpu.memory_space<vmem>>
        %dma_start3A_247 = arith.constant 0 : i32
        %dma_start3A_248 = arith.constant 0 : i32
        %dma_start3A_249 = tpu.memref_slice %arg7[%dma_start3A_247, %dma_start3A_248] : memref<10240x128xf32, #tpu.memory_space<vmem_shared>> -> memref<10240x128xf32, #tpu.memory_space<vmem_shared>>
        tpu.enqueue_indirect_dma source(%arg6 : memref<128x128xf32, #tpu.memory_space<vmem>>) target(%dma_start3A_249 : memref<10240x128xf32, #tpu.memory_space<vmem_shared>>) offsets(%dma_start3A_246 : memref<128xi32, #tpu.memory_space<vmem>>) semaphore(%arg9 : memref<!tpu.dma_semaphore, #tpu.memory_space<semaphore_mem>>) {add = true}
        %dma_wait3A_250 = arith.constant 0 : i32
        %dma_wait3A_251 = arith.constant 0 : i32
        %dma_wait3A_252 = tpu.memref_slice %arg5[%dma_wait3A_250, %dma_wait3A_251] : memref<1x128xi32, #tpu.memory_space<vmem>> -> memref<1x128xi32, #tpu.memory_space<vmem>>
        %dma_wait3A_253 = tpu.memref_squeeze %dma_wait3A_252 : memref<1x128xi32, #tpu.memory_space<vmem>> -> memref<128xi32, #tpu.memory_space<vmem>>
        %dma_wait3A_254 = arith.constant 0 : i32
        %dma_wait3A_255 = arith.constant 0 : i32
        %dma_wait3A_256 = tpu.memref_slice %arg7[%dma_wait3A_254, %dma_wait3A_255] : memref<10240x128xf32, #tpu.memory_space<vmem_shared>> -> memref<10240x128xf32, #tpu.memory_space<vmem_shared>>
        tpu.wait_indirect_dma semaphore(%arg8 : memref<!tpu.dma_semaphore, #tpu.memory_space<semaphore_mem>>) src(%arg6 : memref<128x128xf32, #tpu.memory_space<vmem>>) dst(%dma_wait3A_256 : memref<10240x128xf32, #tpu.memory_space<vmem_shared>>)
        %add3A_257 = arith.constant 6 : i32
        %add3A_258 = arith.addi %mul3A_159, %add3A_257 : i32
        %dma_start3A_259 = arith.constant 0 : i32
        %dma_start3A_260 = tpu.memref_slice %arg4[%add3A_258, %dma_start3A_259] : memref<40x128xi32, #tpu.memory_space<vmem>> -> memref<1x128xi32, #tpu.memory_space<vmem>>
        %dma_start3A_261 = tpu.memref_squeeze %dma_start3A_260 : memref<1x128xi32, #tpu.memory_space<vmem>> -> memref<128xi32, #tpu.memory_space<vmem>>
        %dma_start3A_262 = arith.constant 0 : i32
        %dma_start3A_263 = arith.constant 0 : i32
        %dma_start3A_264 = tpu.memref_slice %arg7[%dma_start3A_262, %dma_start3A_263] : memref<10240x128xf32, #tpu.memory_space<vmem_shared>> -> memref<10240x128xf32, #tpu.memory_space<vmem_shared>>
        tpu.enqueue_indirect_dma source(%arg6 : memref<128x128xf32, #tpu.memory_space<vmem>>) target(%dma_start3A_264 : memref<10240x128xf32, #tpu.memory_space<vmem_shared>>) offsets(%dma_start3A_261 : memref<128xi32, #tpu.memory_space<vmem>>) semaphore(%arg8 : memref<!tpu.dma_semaphore, #tpu.memory_space<semaphore_mem>>) {add = true}
        %dma_wait3A_265 = arith.constant 0 : i32
        %dma_wait3A_266 = arith.constant 0 : i32
        %dma_wait3A_267 = tpu.memref_slice %arg5[%dma_wait3A_265, %dma_wait3A_266] : memref<1x128xi32, #tpu.memory_space<vmem>> -> memref<1x128xi32, #tpu.memory_space<vmem>>
        %dma_wait3A_268 = tpu.memref_squeeze %dma_wait3A_267 : memref<1x128xi32, #tpu.memory_space<vmem>> -> memref<128xi32, #tpu.memory_space<vmem>>
        %dma_wait3A_269 = arith.constant 0 : i32
        %dma_wait3A_270 = arith.constant 0 : i32
        %dma_wait3A_271 = tpu.memref_slice %arg7[%dma_wait3A_269, %dma_wait3A_270] : memref<10240x128xf32, #tpu.memory_space<vmem_shared>> -> memref<10240x128xf32, #tpu.memory_space<vmem_shared>>
        tpu.wait_indirect_dma semaphore(%arg9 : memref<!tpu.dma_semaphore, #tpu.memory_space<semaphore_mem>>) src(%arg6 : memref<128x128xf32, #tpu.memory_space<vmem>>) dst(%dma_wait3A_271 : memref<10240x128xf32, #tpu.memory_space<vmem_shared>>)
        %add3A_272 = arith.constant 7 : i32
        %add3A_273 = arith.addi %mul3A_159, %add3A_272 : i32
        %dma_start3A_274 = arith.constant 0 : i32
        %dma_start3A_275 = tpu.memref_slice %arg4[%add3A_273, %dma_start3A_274] : memref<40x128xi32, #tpu.memory_space<vmem>> -> memref<1x128xi32, #tpu.memory_space<vmem>>
        %dma_start3A_276 = tpu.memref_squeeze %dma_start3A_275 : memref<1x128xi32, #tpu.memory_space<vmem>> -> memref<128xi32, #tpu.memory_space<vmem>>
        %dma_start3A_277 = arith.constant 0 : i32
        %dma_start3A_278 = arith.constant 0 : i32
        %dma_start3A_279 = tpu.memref_slice %arg7[%dma_start3A_277, %dma_start3A_278] : memref<10240x128xf32, #tpu.memory_space<vmem_shared>> -> memref<10240x128xf32, #tpu.memory_space<vmem_shared>>
        tpu.enqueue_indirect_dma source(%arg6 : memref<128x128xf32, #tpu.memory_space<vmem>>) target(%dma_start3A_279 : memref<10240x128xf32, #tpu.memory_space<vmem_shared>>) offsets(%dma_start3A_276 : memref<128xi32, #tpu.memory_space<vmem>>) semaphore(%arg9 : memref<!tpu.dma_semaphore, #tpu.memory_space<semaphore_mem>>) {add = true}
      }
      %scan3A_156 = arith.constant 5 : i32
    }
    %scan3A_105 = arith.constant 2 : i32
    %dma_wait3A = arith.constant 0 : i32
    %dma_wait3A_106 = arith.constant 0 : i32
    %dma_wait3A_107 = tpu.memref_slice %arg5[%dma_wait3A, %dma_wait3A_106] : memref<1x128xi32, #tpu.memory_space<vmem>> -> memref<1x128xi32, #tpu.memory_space<vmem>>
    %dma_wait3A_108 = tpu.memref_squeeze %dma_wait3A_107 : memref<1x128xi32, #tpu.memory_space<vmem>> -> memref<128xi32, #tpu.memory_space<vmem>>
    %dma_wait3A_109 = arith.constant 0 : i32
    %dma_wait3A_110 = arith.constant 0 : i32
    %dma_wait3A_111 = tpu.memref_slice %arg7[%dma_wait3A_109, %dma_wait3A_110] : memref<10240x128xf32, #tpu.memory_space<vmem_shared>> -> memref<10240x128xf32, #tpu.memory_space<vmem_shared>>
    tpu.wait_indirect_dma semaphore(%arg8 : memref<!tpu.dma_semaphore, #tpu.memory_space<semaphore_mem>>) src(%arg6 : memref<128x128xf32, #tpu.memory_space<vmem>>) dst(%dma_wait3A_111 : memref<10240x128xf32, #tpu.memory_space<vmem_shared>>)
    %dma_wait3A_112 = arith.constant 0 : i32
    %dma_wait3A_113 = arith.constant 0 : i32
    %dma_wait3A_114 = tpu.memref_slice %arg5[%dma_wait3A_112, %dma_wait3A_113] : memref<1x128xi32, #tpu.memory_space<vmem>> -> memref<1x128xi32, #tpu.memory_space<vmem>>
    %dma_wait3A_115 = tpu.memref_squeeze %dma_wait3A_114 : memref<1x128xi32, #tpu.memory_space<vmem>> -> memref<128xi32, #tpu.memory_space<vmem>>
    %dma_wait3A_116 = arith.constant 0 : i32
    %dma_wait3A_117 = arith.constant 0 : i32
    %dma_wait3A_118 = tpu.memref_slice %arg7[%dma_wait3A_116, %dma_wait3A_117] : memref<10240x128xf32, #tpu.memory_space<vmem_shared>> -> memref<10240x128xf32, #tpu.memory_space<vmem_shared>>
    tpu.wait_indirect_dma semaphore(%arg9 : memref<!tpu.dma_semaphore, #tpu.memory_space<semaphore_mem>>) src(%arg6 : memref<128x128xf32, #tpu.memory_space<vmem>>) dst(%dma_wait3A_118 : memref<10240x128xf32, #tpu.memory_space<vmem_shared>>)
    %barrier3A_119 = arith.constant 0 : index
    tpu.barrier barrier_id(%barrier3A_119)
    "tpu.region"() ({
      %run_scoped3A = tpu.sem_alloc : memref<!tpu.dma_semaphore, #tpu.memory_space<semaphore_mem>>
      %dma_start3A_120 = arith.constant 0 : i32
      %dma_start3A_121 = tpu.memref_slice %arg3[%arg0, %mul3A_0, %dma_start3A_120] : memref<2x10240x128xf32, #tpu.memory_space<hbm>> -> memref<1x640x128xf32, #tpu.memory_space<hbm>>
      %dma_start3A_122 = tpu.memref_squeeze %dma_start3A_121 : memref<1x640x128xf32, #tpu.memory_space<hbm>> -> memref<640x128xf32, #tpu.memory_space<hbm>>
      %dma_start3A_123 = arith.constant 0 : i32
      %dma_start3A_124 = tpu.memref_slice %arg7[%mul3A_0, %dma_start3A_123] : memref<10240x128xf32, #tpu.memory_space<vmem_shared>> -> memref<640x128xf32, #tpu.memory_space<vmem_shared>>
      tpu.enqueue_dma source(%dma_start3A_124 : memref<640x128xf32, #tpu.memory_space<vmem_shared>>) target(%dma_start3A_122 : memref<640x128xf32, #tpu.memory_space<hbm>>) target_semaphore(%run_scoped3A : memref<!tpu.dma_semaphore, #tpu.memory_space<semaphore_mem>>)
      %dma_wait3A_125 = arith.constant 0 : i32
      %dma_wait3A_126 = tpu.memref_slice %arg3[%arg0, %mul3A_0, %dma_wait3A_125] : memref<2x10240x128xf32, #tpu.memory_space<hbm>> -> memref<1x640x128xf32, #tpu.memory_space<hbm>>
      %dma_wait3A_127 = tpu.memref_squeeze %dma_wait3A_126 : memref<1x640x128xf32, #tpu.memory_space<hbm>> -> memref<640x128xf32, #tpu.memory_space<hbm>>
      %dma_wait3A_128 = arith.constant 0 : i32
      %dma_wait3A_129 = tpu.memref_slice %arg7[%mul3A_0, %dma_wait3A_128] : memref<10240x128xf32, #tpu.memory_space<vmem_shared>> -> memref<640x128xf32, #tpu.memory_space<vmem_shared>>
      tpu.wait_dma2 semaphore(%run_scoped3A : memref<!tpu.dma_semaphore, #tpu.memory_space<semaphore_mem>>) src(%dma_wait3A_129 : memref<640x128xf32, #tpu.memory_space<vmem_shared>>) dst(%dma_wait3A_127 : memref<640x128xf32, #tpu.memory_space<hbm>>)
      tpu.yield
    }) : () -> ()
    return
  }
}

#map = affine_map<(d0, d1) -> (0, 0)>
#map1 = affine_map<(d0, d1) -> (0, 0, 0)>
#map2 = affine_map<(d0, d1) -> (0, 0, 0, 0)>
module attributes {stable_mosaic.version = 14 : i64} {
  func.func @msg(%arg0: i32, %arg1: i32, %arg2: memref<10000x128xf32, #tpu.memory_space<hbm>>, %arg3: memref<2x16x10240xi32, #tpu.memory_space<hbm>>, %arg4: memref<2x16x80x128xi32, #tpu.memory_space<hbm>>, %arg5: memref<2x10240x128xf32, #tpu.memory_space<hbm>>, %arg6: memref<5120xi32, #tpu.memory_space<vmem>>, %arg7: memref<40x128xi32, #tpu.memory_space<vmem>>, %arg8: memref<128x128xf32, #tpu.memory_space<vmem>>, %arg9: memref<128x128xf32, #tpu.memory_space<vmem>>, %arg10: memref<10240x128xf32, #tpu.memory_space<vmem_shared>>, %arg11: memref<!tpu.dma_semaphore, #tpu.memory_space<semaphore_mem>>, %arg12: memref<!tpu.dma_semaphore, #tpu.memory_space<semaphore_mem>>) attributes {dimension_semantics = [#tpu.dimension_semantics<core_parallel>, #tpu.dimension_semantics<subcore_parallel>], iteration_bounds = array<i64: 2, 16>, scalar_prefetch = 0 : i64, scratch_operands = 7 : i64, tpu.core_type = #tpu.core_type<sc_vector_subcore>, window_params = [{transform_indices = #map}, {transform_indices = #map1}, {transform_indices = #map2}, {transform_indices = #map1}]} {
    %mul3A = arith.constant 640 : i32
    %mul3A_0 = arith.muli %arg1, %mul3A : i32
    %broadcast_in_dim3A = arith.constant 0.000000e+00 : f32
    %broadcast_in_dim3A_1 = vector.broadcast %broadcast_in_dim3A : f32 to vector<16xf32>
    %mul3A_2 = arith.constant 1 : i32
    %mul3A_3 = arith.muli %arg0, %mul3A_2 : i32
    %add3A = arith.constant 0 : i32
    %add3A_4 = arith.addi %mul3A_3, %add3A : i32
    %scan3A = arith.constant 0 : i32
    %scan3A_5 = arith.constant 0 : i32
    %scan3A_6 = arith.constant 128 : i32
    %scan3A_7 = arith.addi %scan3A_5, %scan3A_6 : i32
    %scan3A_8 = arith.constant 1 : i32
    scf.for %scan3A_27 = %scan3A_5 to %scan3A_7 step %scan3A_8  : i32 {
      %swap3A = arith.index_cast %scan3A_27 : i32 to index
      %swap3A_28 = arith.constant 0 : index
      %swap3A_29 = tpu.vector_load %arg8[%swap3A, %swap3A_28] {strides = array<i32>} : memref<128x128xf32, #tpu.memory_space<vmem>>, vector<1x16xf32>,
      %swap3A_30 = vector.shape_cast %swap3A_29 : vector<1x16xf32> to vector<16xf32>
      %swap3A_31 = vector.shape_cast %broadcast_in_dim3A_1 : vector<16xf32> to vector<1x16xf32>
      tpu.vector_store %arg8[%swap3A, %swap3A_28], %swap3A_31 {strides = array<i32>} : memref<128x128xf32, #tpu.memory_space<vmem>>, vector<1x16xf32>,
      %swap3A_32 = arith.index_cast %scan3A_27 : i32 to index
      %swap3A_33 = arith.constant 16 : index
      %swap3A_34 = tpu.vector_load %arg8[%swap3A_32, %swap3A_33] {strides = array<i32>} : memref<128x128xf32, #tpu.memory_space<vmem>>, vector<1x16xf32>,
      %swap3A_35 = vector.shape_cast %swap3A_34 : vector<1x16xf32> to vector<16xf32>
      %swap3A_36 = vector.shape_cast %broadcast_in_dim3A_1 : vector<16xf32> to vector<1x16xf32>
      tpu.vector_store %arg8[%swap3A_32, %swap3A_33], %swap3A_36 {strides = array<i32>} : memref<128x128xf32, #tpu.memory_space<vmem>>, vector<1x16xf32>,
      %swap3A_37 = arith.index_cast %scan3A_27 : i32 to index
      %swap3A_38 = arith.constant 32 : index
      %swap3A_39 = tpu.vector_load %arg8[%swap3A_37, %swap3A_38] {strides = array<i32>} : memref<128x128xf32, #tpu.memory_space<vmem>>, vector<1x16xf32>,
      %swap3A_40 = vector.shape_cast %swap3A_39 : vector<1x16xf32> to vector<16xf32>
      %swap3A_41 = vector.shape_cast %broadcast_in_dim3A_1 : vector<16xf32> to vector<1x16xf32>
      tpu.vector_store %arg8[%swap3A_37, %swap3A_38], %swap3A_41 {strides = array<i32>} : memref<128x128xf32, #tpu.memory_space<vmem>>, vector<1x16xf32>,
      %swap3A_42 = arith.index_cast %scan3A_27 : i32 to index
      %swap3A_43 = arith.constant 48 : index
      %swap3A_44 = tpu.vector_load %arg8[%swap3A_42, %swap3A_43] {strides = array<i32>} : memref<128x128xf32, #tpu.memory_space<vmem>>, vector<1x16xf32>,
      %swap3A_45 = vector.shape_cast %swap3A_44 : vector<1x16xf32> to vector<16xf32>
      %swap3A_46 = vector.shape_cast %broadcast_in_dim3A_1 : vector<16xf32> to vector<1x16xf32>
      tpu.vector_store %arg8[%swap3A_42, %swap3A_43], %swap3A_46 {strides = array<i32>} : memref<128x128xf32, #tpu.memory_space<vmem>>, vector<1x16xf32>,
      %swap3A_47 = arith.index_cast %scan3A_27 : i32 to index
      %swap3A_48 = arith.constant 64 : index
      %swap3A_49 = tpu.vector_load %arg8[%swap3A_47, %swap3A_48] {strides = array<i32>} : memref<128x128xf32, #tpu.memory_space<vmem>>, vector<1x16xf32>,
      %swap3A_50 = vector.shape_cast %swap3A_49 : vector<1x16xf32> to vector<16xf32>
      %swap3A_51 = vector.shape_cast %broadcast_in_dim3A_1 : vector<16xf32> to vector<1x16xf32>
      tpu.vector_store %arg8[%swap3A_47, %swap3A_48], %swap3A_51 {strides = array<i32>} : memref<128x128xf32, #tpu.memory_space<vmem>>, vector<1x16xf32>,
      %swap3A_52 = arith.index_cast %scan3A_27 : i32 to index
      %swap3A_53 = arith.constant 80 : index
      %swap3A_54 = tpu.vector_load %arg8[%swap3A_52, %swap3A_53] {strides = array<i32>} : memref<128x128xf32, #tpu.memory_space<vmem>>, vector<1x16xf32>,
      %swap3A_55 = vector.shape_cast %swap3A_54 : vector<1x16xf32> to vector<16xf32>
      %swap3A_56 = vector.shape_cast %broadcast_in_dim3A_1 : vector<16xf32> to vector<1x16xf32>
      tpu.vector_store %arg8[%swap3A_52, %swap3A_53], %swap3A_56 {strides = array<i32>} : memref<128x128xf32, #tpu.memory_space<vmem>>, vector<1x16xf32>,
      %swap3A_57 = arith.index_cast %scan3A_27 : i32 to index
      %swap3A_58 = arith.constant 96 : index
      %swap3A_59 = tpu.vector_load %arg8[%swap3A_57, %swap3A_58] {strides = array<i32>} : memref<128x128xf32, #tpu.memory_space<vmem>>, vector<1x16xf32>,
      %swap3A_60 = vector.shape_cast %swap3A_59 : vector<1x16xf32> to vector<16xf32>
      %swap3A_61 = vector.shape_cast %broadcast_in_dim3A_1 : vector<16xf32> to vector<1x16xf32>
      tpu.vector_store %arg8[%swap3A_57, %swap3A_58], %swap3A_61 {strides = array<i32>} : memref<128x128xf32, #tpu.memory_space<vmem>>, vector<1x16xf32>,
      %swap3A_62 = arith.index_cast %scan3A_27 : i32 to index
      %swap3A_63 = arith.constant 112 : index
      %swap3A_64 = tpu.vector_load %arg8[%swap3A_62, %swap3A_63] {strides = array<i32>} : memref<128x128xf32, #tpu.memory_space<vmem>>, vector<1x16xf32>,
      %swap3A_65 = vector.shape_cast %swap3A_64 : vector<1x16xf32> to vector<16xf32>
      %swap3A_66 = vector.shape_cast %broadcast_in_dim3A_1 : vector<16xf32> to vector<1x16xf32>
      tpu.vector_store %arg8[%swap3A_62, %swap3A_63], %swap3A_66 {strides = array<i32>} : memref<128x128xf32, #tpu.memory_space<vmem>>, vector<1x16xf32>,
    }
    %scan3A_9 = arith.constant 128 : i32
    %add3A_10 = arith.constant 0 : i32
    %add3A_11 = arith.addi %mul3A_0, %add3A_10 : i32
    "tpu.region"() ({
      %run_scoped3A = tpu.sem_alloc : memref<!tpu.dma_semaphore, #tpu.memory_space<semaphore_mem>>
      %dma_start3A = arith.constant 0 : i32
      %dma_start3A_27 = tpu.memref_slice %arg10[%add3A_11, %dma_start3A] : memref<10240x128xf32, #tpu.memory_space<vmem_shared>> -> memref<128x128xf32, #tpu.memory_space<vmem_shared>>
      %dma_start3A_28 = arith.constant 0 : i32
      %dma_start3A_29 = tpu.memref_slice %arg10[%add3A_11, %dma_start3A_28] : memref<10240x128xf32, #tpu.memory_space<vmem_shared>> -> memref<128x128xf32, #tpu.memory_space<vmem_shared>>
      tpu.enqueue_dma source(%arg8 : memref<128x128xf32, #tpu.memory_space<vmem>>) target(%dma_start3A_29 : memref<128x128xf32, #tpu.memory_space<vmem_shared>>) target_semaphore(%run_scoped3A : memref<!tpu.dma_semaphore, #tpu.memory_space<semaphore_mem>>)
      %dma_wait3A = arith.constant 0 : i32
      %dma_wait3A_30 = tpu.memref_slice %arg10[%add3A_11, %dma_wait3A] : memref<10240x128xf32, #tpu.memory_space<vmem_shared>> -> memref<128x128xf32, #tpu.memory_space<vmem_shared>>
      %dma_wait3A_31 = arith.constant 0 : i32
      %dma_wait3A_32 = tpu.memref_slice %arg10[%add3A_11, %dma_wait3A_31] : memref<10240x128xf32, #tpu.memory_space<vmem_shared>> -> memref<128x128xf32, #tpu.memory_space<vmem_shared>>
      tpu.wait_dma2 semaphore(%run_scoped3A : memref<!tpu.dma_semaphore, #tpu.memory_space<semaphore_mem>>) src(%arg8 : memref<128x128xf32, #tpu.memory_space<vmem>>) dst(%dma_wait3A_32 : memref<128x128xf32, #tpu.memory_space<vmem_shared>>)
      tpu.yield
    }) : () -> ()
    %add3A_12 = arith.constant 128 : i32
    %add3A_13 = arith.addi %mul3A_0, %add3A_12 : i32
    "tpu.region"() ({
      %run_scoped3A = tpu.sem_alloc : memref<!tpu.dma_semaphore, #tpu.memory_space<semaphore_mem>>
      %dma_start3A = arith.constant 0 : i32
      %dma_start3A_27 = tpu.memref_slice %arg10[%add3A_13, %dma_start3A] : memref<10240x128xf32, #tpu.memory_space<vmem_shared>> -> memref<128x128xf32, #tpu.memory_space<vmem_shared>>
      %dma_start3A_28 = arith.constant 0 : i32
      %dma_start3A_29 = tpu.memref_slice %arg10[%add3A_13, %dma_start3A_28] : memref<10240x128xf32, #tpu.memory_space<vmem_shared>> -> memref<128x128xf32, #tpu.memory_space<vmem_shared>>
      tpu.enqueue_dma source(%arg8 : memref<128x128xf32, #tpu.memory_space<vmem>>) target(%dma_start3A_29 : memref<128x128xf32, #tpu.memory_space<vmem_shared>>) target_semaphore(%run_scoped3A : memref<!tpu.dma_semaphore, #tpu.memory_space<semaphore_mem>>)
      %dma_wait3A = arith.constant 0 : i32
      %dma_wait3A_30 = tpu.memref_slice %arg10[%add3A_13, %dma_wait3A] : memref<10240x128xf32, #tpu.memory_space<vmem_shared>> -> memref<128x128xf32, #tpu.memory_space<vmem_shared>>
      %dma_wait3A_31 = arith.constant 0 : i32
      %dma_wait3A_32 = tpu.memref_slice %arg10[%add3A_13, %dma_wait3A_31] : memref<10240x128xf32, #tpu.memory_space<vmem_shared>> -> memref<128x128xf32, #tpu.memory_space<vmem_shared>>
      tpu.wait_dma2 semaphore(%run_scoped3A : memref<!tpu.dma_semaphore, #tpu.memory_space<semaphore_mem>>) src(%arg8 : memref<128x128xf32, #tpu.memory_space<vmem>>) dst(%dma_wait3A_32 : memref<128x128xf32, #tpu.memory_space<vmem_shared>>)
      tpu.yield
    }) : () -> ()
    %add3A_14 = arith.constant 256 : i32
    %add3A_15 = arith.addi %mul3A_0, %add3A_14 : i32
    "tpu.region"() ({
      %run_scoped3A = tpu.sem_alloc : memref<!tpu.dma_semaphore, #tpu.memory_space<semaphore_mem>>
      %dma_start3A = arith.constant 0 : i32
      %dma_start3A_27 = tpu.memref_slice %arg10[%add3A_15, %dma_start3A] : memref<10240x128xf32, #tpu.memory_space<vmem_shared>> -> memref<128x128xf32, #tpu.memory_space<vmem_shared>>
      %dma_start3A_28 = arith.constant 0 : i32
      %dma_start3A_29 = tpu.memref_slice %arg10[%add3A_15, %dma_start3A_28] : memref<10240x128xf32, #tpu.memory_space<vmem_shared>> -> memref<128x128xf32, #tpu.memory_space<vmem_shared>>
      tpu.enqueue_dma source(%arg8 : memref<128x128xf32, #tpu.memory_space<vmem>>) target(%dma_start3A_29 : memref<128x128xf32, #tpu.memory_space<vmem_shared>>) target_semaphore(%run_scoped3A : memref<!tpu.dma_semaphore, #tpu.memory_space<semaphore_mem>>)
      %dma_wait3A = arith.constant 0 : i32
      %dma_wait3A_30 = tpu.memref_slice %arg10[%add3A_15, %dma_wait3A] : memref<10240x128xf32, #tpu.memory_space<vmem_shared>> -> memref<128x128xf32, #tpu.memory_space<vmem_shared>>
      %dma_wait3A_31 = arith.constant 0 : i32
      %dma_wait3A_32 = tpu.memref_slice %arg10[%add3A_15, %dma_wait3A_31] : memref<10240x128xf32, #tpu.memory_space<vmem_shared>> -> memref<128x128xf32, #tpu.memory_space<vmem_shared>>
      tpu.wait_dma2 semaphore(%run_scoped3A : memref<!tpu.dma_semaphore, #tpu.memory_space<semaphore_mem>>) src(%arg8 : memref<128x128xf32, #tpu.memory_space<vmem>>) dst(%dma_wait3A_32 : memref<128x128xf32, #tpu.memory_space<vmem_shared>>)
      tpu.yield
    }) : () -> ()
    %add3A_16 = arith.constant 384 : i32
    %add3A_17 = arith.addi %mul3A_0, %add3A_16 : i32
    "tpu.region"() ({
      %run_scoped3A = tpu.sem_alloc : memref<!tpu.dma_semaphore, #tpu.memory_space<semaphore_mem>>
      %dma_start3A = arith.constant 0 : i32
      %dma_start3A_27 = tpu.memref_slice %arg10[%add3A_17, %dma_start3A] : memref<10240x128xf32, #tpu.memory_space<vmem_shared>> -> memref<128x128xf32, #tpu.memory_space<vmem_shared>>
      %dma_start3A_28 = arith.constant 0 : i32
      %dma_start3A_29 = tpu.memref_slice %arg10[%add3A_17, %dma_start3A_28] : memref<10240x128xf32, #tpu.memory_space<vmem_shared>> -> memref<128x128xf32, #tpu.memory_space<vmem_shared>>
      tpu.enqueue_dma source(%arg8 : memref<128x128xf32, #tpu.memory_space<vmem>>) target(%dma_start3A_29 : memref<128x128xf32, #tpu.memory_space<vmem_shared>>) target_semaphore(%run_scoped3A : memref<!tpu.dma_semaphore, #tpu.memory_space<semaphore_mem>>)
      %dma_wait3A = arith.constant 0 : i32
      %dma_wait3A_30 = tpu.memref_slice %arg10[%add3A_17, %dma_wait3A] : memref<10240x128xf32, #tpu.memory_space<vmem_shared>> -> memref<128x128xf32, #tpu.memory_space<vmem_shared>>
      %dma_wait3A_31 = arith.constant 0 : i32
      %dma_wait3A_32 = tpu.memref_slice %arg10[%add3A_17, %dma_wait3A_31] : memref<10240x128xf32, #tpu.memory_space<vmem_shared>> -> memref<128x128xf32, #tpu.memory_space<vmem_shared>>
      tpu.wait_dma2 semaphore(%run_scoped3A : memref<!tpu.dma_semaphore, #tpu.memory_space<semaphore_mem>>) src(%arg8 : memref<128x128xf32, #tpu.memory_space<vmem>>) dst(%dma_wait3A_32 : memref<128x128xf32, #tpu.memory_space<vmem_shared>>)
      tpu.yield
    }) : () -> ()
    %add3A_18 = arith.constant 512 : i32
    %add3A_19 = arith.addi %mul3A_0, %add3A_18 : i32
    "tpu.region"() ({
      %run_scoped3A = tpu.sem_alloc : memref<!tpu.dma_semaphore, #tpu.memory_space<semaphore_mem>>
      %dma_start3A = arith.constant 0 : i32
      %dma_start3A_27 = tpu.memref_slice %arg10[%add3A_19, %dma_start3A] : memref<10240x128xf32, #tpu.memory_space<vmem_shared>> -> memref<128x128xf32, #tpu.memory_space<vmem_shared>>
      %dma_start3A_28 = arith.constant 0 : i32
      %dma_start3A_29 = tpu.memref_slice %arg10[%add3A_19, %dma_start3A_28] : memref<10240x128xf32, #tpu.memory_space<vmem_shared>> -> memref<128x128xf32, #tpu.memory_space<vmem_shared>>
      tpu.enqueue_dma source(%arg8 : memref<128x128xf32, #tpu.memory_space<vmem>>) target(%dma_start3A_29 : memref<128x128xf32, #tpu.memory_space<vmem_shared>>) target_semaphore(%run_scoped3A : memref<!tpu.dma_semaphore, #tpu.memory_space<semaphore_mem>>)
      %dma_wait3A = arith.constant 0 : i32
      %dma_wait3A_30 = tpu.memref_slice %arg10[%add3A_19, %dma_wait3A] : memref<10240x128xf32, #tpu.memory_space<vmem_shared>> -> memref<128x128xf32, #tpu.memory_space<vmem_shared>>
      %dma_wait3A_31 = arith.constant 0 : i32
      %dma_wait3A_32 = tpu.memref_slice %arg10[%add3A_19, %dma_wait3A_31] : memref<10240x128xf32, #tpu.memory_space<vmem_shared>> -> memref<128x128xf32, #tpu.memory_space<vmem_shared>>
      tpu.wait_dma2 semaphore(%run_scoped3A : memref<!tpu.dma_semaphore, #tpu.memory_space<semaphore_mem>>) src(%arg8 : memref<128x128xf32, #tpu.memory_space<vmem>>) dst(%dma_wait3A_32 : memref<128x128xf32, #tpu.memory_space<vmem_shared>>)
      tpu.yield
    }) : () -> ()
    %barrier3A = arith.constant 0 : index
    tpu.barrier barrier_id(%barrier3A)
    %scan3A_20 = arith.constant 0 : i32
    %scan3A_21 = arith.constant 0 : i32
    %scan3A_22 = arith.constant 2 : i32
    %scan3A_23 = arith.addi %scan3A_21, %scan3A_22 : i32
    %scan3A_24 = arith.constant 1 : i32
    scf.for %scan3A_27 = %scan3A_21 to %scan3A_23 step %scan3A_24  : i32 {
      %mul3A_28 = arith.constant 40 : i32
      %mul3A_29 = arith.muli %scan3A_27, %mul3A_28 : i32
      %mul3A_30 = arith.constant 128 : i32
      %mul3A_31 = arith.muli %mul3A_29, %mul3A_30 : i32
      "tpu.region"() ({
        %run_scoped3A = tpu.sem_alloc : memref<!tpu.dma_semaphore, #tpu.memory_space<semaphore_mem>>
        %dma_start3A = tpu.memref_slice %arg3[%add3A_4, %arg1, %mul3A_31] : memref<2x16x10240xi32, #tpu.memory_space<hbm>> -> memref<1x1x5120xi32, #tpu.memory_space<hbm>>
        %dma_start3A_40 = tpu.memref_squeeze %dma_start3A : memref<1x1x5120xi32, #tpu.memory_space<hbm>> -> memref<5120xi32, #tpu.memory_space<hbm>>
        %dma_start3A_41 = tpu.memref_slice %arg3[%add3A_4, %arg1, %mul3A_31] : memref<2x16x10240xi32, #tpu.memory_space<hbm>> -> memref<1x1x5120xi32, #tpu.memory_space<hbm>>
        %dma_start3A_42 = tpu.memref_squeeze %dma_start3A_41 : memref<1x1x5120xi32, #tpu.memory_space<hbm>> -> memref<5120xi32, #tpu.memory_space<hbm>>
        tpu.enqueue_dma source(%dma_start3A_42 : memref<5120xi32, #tpu.memory_space<hbm>>) target(%arg6 : memref<5120xi32, #tpu.memory_space<vmem>>) target_semaphore(%run_scoped3A : memref<!tpu.dma_semaphore, #tpu.memory_space<semaphore_mem>>)
        %dma_wait3A = tpu.memref_slice %arg3[%add3A_4, %arg1, %mul3A_31] : memref<2x16x10240xi32, #tpu.memory_space<hbm>> -> memref<1x1x5120xi32, #tpu.memory_space<hbm>>
        %dma_wait3A_43 = tpu.memref_squeeze %dma_wait3A : memref<1x1x5120xi32, #tpu.memory_space<hbm>> -> memref<5120xi32, #tpu.memory_space<hbm>>
        %dma_wait3A_44 = tpu.memref_slice %arg3[%add3A_4, %arg1, %mul3A_31] : memref<2x16x10240xi32, #tpu.memory_space<hbm>> -> memref<1x1x5120xi32, #tpu.memory_space<hbm>>
        %dma_wait3A_45 = tpu.memref_squeeze %dma_wait3A_44 : memref<1x1x5120xi32, #tpu.memory_space<hbm>> -> memref<5120xi32, #tpu.memory_space<hbm>>
        tpu.wait_dma2 semaphore(%run_scoped3A : memref<!tpu.dma_semaphore, #tpu.memory_space<semaphore_mem>>) src(%dma_wait3A_45 : memref<5120xi32, #tpu.memory_space<hbm>>) dst(%arg6 : memref<5120xi32, #tpu.memory_space<vmem>>)
        tpu.yield
      }) : () -> ()
      %mul3A_32 = arith.constant 40 : i32
      %mul3A_33 = arith.muli %scan3A_27, %mul3A_32 : i32
      "tpu.region"() ({
        %run_scoped3A = tpu.sem_alloc : memref<!tpu.dma_semaphore, #tpu.memory_space<semaphore_mem>>
        %dma_start3A = arith.constant 0 : i32
        %dma_start3A_40 = tpu.memref_slice %arg4[%add3A_4, %arg1, %mul3A_33, %dma_start3A] : memref<2x16x80x128xi32, #tpu.memory_space<hbm>> -> memref<1x1x40x128xi32, #tpu.memory_space<hbm>>
        %dma_start3A_41 = tpu.memref_squeeze %dma_start3A_40 : memref<1x1x40x128xi32, #tpu.memory_space<hbm>> -> memref<40x128xi32, #tpu.memory_space<hbm>>
        %dma_start3A_42 = arith.constant 0 : i32
        %dma_start3A_43 = tpu.memref_slice %arg4[%add3A_4, %arg1, %mul3A_33, %dma_start3A_42] : memref<2x16x80x128xi32, #tpu.memory_space<hbm>> -> memref<1x1x40x128xi32, #tpu.memory_space<hbm>>
        %dma_start3A_44 = tpu.memref_squeeze %dma_start3A_43 : memref<1x1x40x128xi32, #tpu.memory_space<hbm>> -> memref<40x128xi32, #tpu.memory_space<hbm>>
        tpu.enqueue_dma source(%dma_start3A_44 : memref<40x128xi32, #tpu.memory_space<hbm>>) target(%arg7 : memref<40x128xi32, #tpu.memory_space<vmem>>) target_semaphore(%run_scoped3A : memref<!tpu.dma_semaphore, #tpu.memory_space<semaphore_mem>>)
        %dma_wait3A = arith.constant 0 : i32
        %dma_wait3A_45 = tpu.memref_slice %arg4[%add3A_4, %arg1, %mul3A_33, %dma_wait3A] : memref<2x16x80x128xi32, #tpu.memory_space<hbm>> -> memref<1x1x40x128xi32, #tpu.memory_space<hbm>>
        %dma_wait3A_46 = tpu.memref_squeeze %dma_wait3A_45 : memref<1x1x40x128xi32, #tpu.memory_space<hbm>> -> memref<40x128xi32, #tpu.memory_space<hbm>>
        %dma_wait3A_47 = arith.constant 0 : i32
        %dma_wait3A_48 = tpu.memref_slice %arg4[%add3A_4, %arg1, %mul3A_33, %dma_wait3A_47] : memref<2x16x80x128xi32, #tpu.memory_space<hbm>> -> memref<1x1x40x128xi32, #tpu.memory_space<hbm>>
        %dma_wait3A_49 = tpu.memref_squeeze %dma_wait3A_48 : memref<1x1x40x128xi32, #tpu.memory_space<hbm>> -> memref<40x128xi32, #tpu.memory_space<hbm>>
        tpu.wait_dma2 semaphore(%run_scoped3A : memref<!tpu.dma_semaphore, #tpu.memory_space<semaphore_mem>>) src(%dma_wait3A_49 : memref<40x128xi32, #tpu.memory_space<hbm>>) dst(%arg7 : memref<40x128xi32, #tpu.memory_space<vmem>>)
        tpu.yield
      }) : () -> ()
      %scan3A_34 = arith.constant 0 : i32
      %scan3A_35 = arith.constant 0 : i32
      %scan3A_36 = arith.constant 5 : i32
      %scan3A_37 = arith.addi %scan3A_35, %scan3A_36 : i32
      %scan3A_38 = arith.constant 1 : i32
      scf.for %scan3A_40 = %scan3A_35 to %scan3A_37 step %scan3A_38  : i32 {
        %mul3A_41 = arith.constant 8 : i32
        %mul3A_42 = arith.muli %scan3A_40, %mul3A_41 : i32
        %mul3A_43 = arith.constant 128 : i32
        %mul3A_44 = arith.muli %mul3A_42, %mul3A_43 : i32
        %dma_start3A = tpu.memref_slice %arg6[%mul3A_44] : memref<5120xi32, #tpu.memory_space<vmem>> -> memref<128xi32, #tpu.memory_space<vmem>>
        %dma_start3A_45 = arith.constant 0 : i32
        %dma_start3A_46 = arith.constant 0 : i32
        %dma_start3A_47 = tpu.memref_slice %arg2[%dma_start3A_45, %dma_start3A_46] : memref<10000x128xf32, #tpu.memory_space<hbm>> -> memref<10000x128xf32, #tpu.memory_space<hbm>>
        tpu.enqueue_indirect_dma source(%dma_start3A_47 : memref<10000x128xf32, #tpu.memory_space<hbm>>) target(%arg8 : memref<128x128xf32, #tpu.memory_space<vmem>>) offsets(%dma_start3A : memref<128xi32, #tpu.memory_space<vmem>>) semaphore(%arg11 : memref<!tpu.dma_semaphore, #tpu.memory_space<semaphore_mem>>)
        %add3A_48 = arith.constant 0 : i32
        %add3A_49 = arith.addi %mul3A_42, %add3A_48 : i32
        %add3A_50 = arith.constant 1 : i32
        %add3A_51 = arith.addi %add3A_49, %add3A_50 : i32
        %mul3A_52 = arith.constant 128 : i32
        %mul3A_53 = arith.muli %add3A_51, %mul3A_52 : i32
        %dma_start3A_54 = tpu.memref_slice %arg6[%mul3A_53] : memref<5120xi32, #tpu.memory_space<vmem>> -> memref<128xi32, #tpu.memory_space<vmem>>
        %dma_start3A_55 = arith.constant 0 : i32
        %dma_start3A_56 = arith.constant 0 : i32
        %dma_start3A_57 = tpu.memref_slice %arg2[%dma_start3A_55, %dma_start3A_56] : memref<10000x128xf32, #tpu.memory_space<hbm>> -> memref<10000x128xf32, #tpu.memory_space<hbm>>
        tpu.enqueue_indirect_dma source(%dma_start3A_57 : memref<10000x128xf32, #tpu.memory_space<hbm>>) target(%arg9 : memref<128x128xf32, #tpu.memory_space<vmem>>) offsets(%dma_start3A_54 : memref<128xi32, #tpu.memory_space<vmem>>) semaphore(%arg12 : memref<!tpu.dma_semaphore, #tpu.memory_space<semaphore_mem>>)
        %add3A_58 = arith.constant 0 : i32
        %add3A_59 = arith.addi %mul3A_42, %add3A_58 : i32
        %mul3A_60 = arith.constant 128 : i32
        %mul3A_61 = arith.muli %add3A_59, %mul3A_60 : i32
        %dma_wait3A = tpu.memref_slice %arg6[%mul3A_61] : memref<5120xi32, #tpu.memory_space<vmem>> -> memref<128xi32, #tpu.memory_space<vmem>>
        %dma_wait3A_62 = arith.constant 0 : i32
        %dma_wait3A_63 = arith.constant 0 : i32
        %dma_wait3A_64 = tpu.memref_slice %arg2[%dma_wait3A_62, %dma_wait3A_63] : memref<10000x128xf32, #tpu.memory_space<hbm>> -> memref<10000x128xf32, #tpu.memory_space<hbm>>
        tpu.wait_indirect_dma semaphore(%arg11 : memref<!tpu.dma_semaphore, #tpu.memory_space<semaphore_mem>>) src(%dma_wait3A_64 : memref<10000x128xf32, #tpu.memory_space<hbm>>) dst(%arg8 : memref<128x128xf32, #tpu.memory_space<vmem>>)
        %add3A_65 = arith.constant 0 : i32
        %add3A_66 = arith.addi %mul3A_42, %add3A_65 : i32
        "tpu.region"() ({
          %run_scoped3A = tpu.sem_alloc : memref<!tpu.dma_semaphore, #tpu.memory_space<semaphore_mem>>
          %dma_start3A_197 = arith.constant 0 : i32
          %dma_start3A_198 = tpu.memref_slice %arg7[%add3A_66, %dma_start3A_197] : memref<40x128xi32, #tpu.memory_space<vmem>> -> memref<1x128xi32, #tpu.memory_space<vmem>>
          %dma_start3A_199 = tpu.memref_squeeze %dma_start3A_198 : memref<1x128xi32, #tpu.memory_space<vmem>> -> memref<128xi32, #tpu.memory_space<vmem>>
          %dma_start3A_200 = arith.constant 0 : i32
          %dma_start3A_201 = arith.constant 0 : i32
          %dma_start3A_202 = tpu.memref_slice %arg10[%dma_start3A_200, %dma_start3A_201] : memref<10240x128xf32, #tpu.memory_space<vmem_shared>> -> memref<10240x128xf32, #tpu.memory_space<vmem_shared>>
          tpu.enqueue_indirect_dma source(%arg8 : memref<128x128xf32, #tpu.memory_space<vmem>>) target(%dma_start3A_202 : memref<10240x128xf32, #tpu.memory_space<vmem_shared>>) offsets(%dma_start3A_199 : memref<128xi32, #tpu.memory_space<vmem>>) semaphore(%run_scoped3A : memref<!tpu.dma_semaphore, #tpu.memory_space<semaphore_mem>>) {add = true}
          %dma_wait3A_203 = arith.constant 0 : i32
          %dma_wait3A_204 = tpu.memref_slice %arg7[%add3A_66, %dma_wait3A_203] : memref<40x128xi32, #tpu.memory_space<vmem>> -> memref<1x128xi32, #tpu.memory_space<vmem>>
          %dma_wait3A_205 = tpu.memref_squeeze %dma_wait3A_204 : memref<1x128xi32, #tpu.memory_space<vmem>> -> memref<128xi32, #tpu.memory_space<vmem>>
          %dma_wait3A_206 = arith.constant 0 : i32
          %dma_wait3A_207 = arith.constant 0 : i32
          %dma_wait3A_208 = tpu.memref_slice %arg10[%dma_wait3A_206, %dma_wait3A_207] : memref<10240x128xf32, #tpu.memory_space<vmem_shared>> -> memref<10240x128xf32, #tpu.memory_space<vmem_shared>>
          tpu.wait_indirect_dma semaphore(%run_scoped3A : memref<!tpu.dma_semaphore, #tpu.memory_space<semaphore_mem>>) src(%arg8 : memref<128x128xf32, #tpu.memory_space<vmem>>) dst(%dma_wait3A_208 : memref<10240x128xf32, #tpu.memory_space<vmem_shared>>)
          tpu.yield
        }) : () -> ()
        %add3A_67 = arith.constant 1 : i32
        %add3A_68 = arith.addi %mul3A_42, %add3A_67 : i32
        %add3A_69 = arith.constant 1 : i32
        %add3A_70 = arith.addi %add3A_68, %add3A_69 : i32
        %mul3A_71 = arith.constant 128 : i32
        %mul3A_72 = arith.muli %add3A_70, %mul3A_71 : i32
        %dma_start3A_73 = tpu.memref_slice %arg6[%mul3A_72] : memref<5120xi32, #tpu.memory_space<vmem>> -> memref<128xi32, #tpu.memory_space<vmem>>
        %dma_start3A_74 = arith.constant 0 : i32
        %dma_start3A_75 = arith.constant 0 : i32
        %dma_start3A_76 = tpu.memref_slice %arg2[%dma_start3A_74, %dma_start3A_75] : memref<10000x128xf32, #tpu.memory_space<hbm>> -> memref<10000x128xf32, #tpu.memory_space<hbm>>
        tpu.enqueue_indirect_dma source(%dma_start3A_76 : memref<10000x128xf32, #tpu.memory_space<hbm>>) target(%arg8 : memref<128x128xf32, #tpu.memory_space<vmem>>) offsets(%dma_start3A_73 : memref<128xi32, #tpu.memory_space<vmem>>) semaphore(%arg11 : memref<!tpu.dma_semaphore, #tpu.memory_space<semaphore_mem>>)
        %add3A_77 = arith.constant 1 : i32
        %add3A_78 = arith.addi %mul3A_42, %add3A_77 : i32
        %mul3A_79 = arith.constant 128 : i32
        %mul3A_80 = arith.muli %add3A_78, %mul3A_79 : i32
        %dma_wait3A_81 = tpu.memref_slice %arg6[%mul3A_80] : memref<5120xi32, #tpu.memory_space<vmem>> -> memref<128xi32, #tpu.memory_space<vmem>>
        %dma_wait3A_82 = arith.constant 0 : i32
        %dma_wait3A_83 = arith.constant 0 : i32
        %dma_wait3A_84 = tpu.memref_slice %arg2[%dma_wait3A_82, %dma_wait3A_83] : memref<10000x128xf32, #tpu.memory_space<hbm>> -> memref<10000x128xf32, #tpu.memory_space<hbm>>
        tpu.wait_indirect_dma semaphore(%arg12 : memref<!tpu.dma_semaphore, #tpu.memory_space<semaphore_mem>>) src(%dma_wait3A_84 : memref<10000x128xf32, #tpu.memory_space<hbm>>) dst(%arg9 : memref<128x128xf32, #tpu.memory_space<vmem>>)
        %add3A_85 = arith.constant 1 : i32
        %add3A_86 = arith.addi %mul3A_42, %add3A_85 : i32
        "tpu.region"() ({
          %run_scoped3A = tpu.sem_alloc : memref<!tpu.dma_semaphore, #tpu.memory_space<semaphore_mem>>
          %dma_start3A_197 = arith.constant 0 : i32
          %dma_start3A_198 = tpu.memref_slice %arg7[%add3A_86, %dma_start3A_197] : memref<40x128xi32, #tpu.memory_space<vmem>> -> memref<1x128xi32, #tpu.memory_space<vmem>>
          %dma_start3A_199 = tpu.memref_squeeze %dma_start3A_198 : memref<1x128xi32, #tpu.memory_space<vmem>> -> memref<128xi32, #tpu.memory_space<vmem>>
          %dma_start3A_200 = arith.constant 0 : i32
          %dma_start3A_201 = arith.constant 0 : i32
          %dma_start3A_202 = tpu.memref_slice %arg10[%dma_start3A_200, %dma_start3A_201] : memref<10240x128xf32, #tpu.memory_space<vmem_shared>> -> memref<10240x128xf32, #tpu.memory_space<vmem_shared>>
          tpu.enqueue_indirect_dma source(%arg9 : memref<128x128xf32, #tpu.memory_space<vmem>>) target(%dma_start3A_202 : memref<10240x128xf32, #tpu.memory_space<vmem_shared>>) offsets(%dma_start3A_199 : memref<128xi32, #tpu.memory_space<vmem>>) semaphore(%run_scoped3A : memref<!tpu.dma_semaphore, #tpu.memory_space<semaphore_mem>>) {add = true}
          %dma_wait3A_203 = arith.constant 0 : i32
          %dma_wait3A_204 = tpu.memref_slice %arg7[%add3A_86, %dma_wait3A_203] : memref<40x128xi32, #tpu.memory_space<vmem>> -> memref<1x128xi32, #tpu.memory_space<vmem>>
          %dma_wait3A_205 = tpu.memref_squeeze %dma_wait3A_204 : memref<1x128xi32, #tpu.memory_space<vmem>> -> memref<128xi32, #tpu.memory_space<vmem>>
          %dma_wait3A_206 = arith.constant 0 : i32
          %dma_wait3A_207 = arith.constant 0 : i32
          %dma_wait3A_208 = tpu.memref_slice %arg10[%dma_wait3A_206, %dma_wait3A_207] : memref<10240x128xf32, #tpu.memory_space<vmem_shared>> -> memref<10240x128xf32, #tpu.memory_space<vmem_shared>>
          tpu.wait_indirect_dma semaphore(%run_scoped3A : memref<!tpu.dma_semaphore, #tpu.memory_space<semaphore_mem>>) src(%arg9 : memref<128x128xf32, #tpu.memory_space<vmem>>) dst(%dma_wait3A_208 : memref<10240x128xf32, #tpu.memory_space<vmem_shared>>)
          tpu.yield
        }) : () -> ()
        %add3A_87 = arith.constant 2 : i32
        %add3A_88 = arith.addi %mul3A_42, %add3A_87 : i32
        %add3A_89 = arith.constant 1 : i32
        %add3A_90 = arith.addi %add3A_88, %add3A_89 : i32
        %mul3A_91 = arith.constant 128 : i32
        %mul3A_92 = arith.muli %add3A_90, %mul3A_91 : i32
        %dma_start3A_93 = tpu.memref_slice %arg6[%mul3A_92] : memref<5120xi32, #tpu.memory_space<vmem>> -> memref<128xi32, #tpu.memory_space<vmem>>
        %dma_start3A_94 = arith.constant 0 : i32
        %dma_start3A_95 = arith.constant 0 : i32
        %dma_start3A_96 = tpu.memref_slice %arg2[%dma_start3A_94, %dma_start3A_95] : memref<10000x128xf32, #tpu.memory_space<hbm>> -> memref<10000x128xf32, #tpu.memory_space<hbm>>
        tpu.enqueue_indirect_dma source(%dma_start3A_96 : memref<10000x128xf32, #tpu.memory_space<hbm>>) target(%arg9 : memref<128x128xf32, #tpu.memory_space<vmem>>) offsets(%dma_start3A_93 : memref<128xi32, #tpu.memory_space<vmem>>) semaphore(%arg12 : memref<!tpu.dma_semaphore, #tpu.memory_space<semaphore_mem>>)
        %add3A_97 = arith.constant 2 : i32
        %add3A_98 = arith.addi %mul3A_42, %add3A_97 : i32
        %mul3A_99 = arith.constant 128 : i32
        %mul3A_100 = arith.muli %add3A_98, %mul3A_99 : i32
        %dma_wait3A_101 = tpu.memref_slice %arg6[%mul3A_100] : memref<5120xi32, #tpu.memory_space<vmem>> -> memref<128xi32, #tpu.memory_space<vmem>>
        %dma_wait3A_102 = arith.constant 0 : i32
        %dma_wait3A_103 = arith.constant 0 : i32
        %dma_wait3A_104 = tpu.memref_slice %arg2[%dma_wait3A_102, %dma_wait3A_103] : memref<10000x128xf32, #tpu.memory_space<hbm>> -> memref<10000x128xf32, #tpu.memory_space<hbm>>
        tpu.wait_indirect_dma semaphore(%arg11 : memref<!tpu.dma_semaphore, #tpu.memory_space<semaphore_mem>>) src(%dma_wait3A_104 : memref<10000x128xf32, #tpu.memory_space<hbm>>) dst(%arg8 : memref<128x128xf32, #tpu.memory_space<vmem>>)
        %add3A_105 = arith.constant 2 : i32
        %add3A_106 = arith.addi %mul3A_42, %add3A_105 : i32
        "tpu.region"() ({
          %run_scoped3A = tpu.sem_alloc : memref<!tpu.dma_semaphore, #tpu.memory_space<semaphore_mem>>
          %dma_start3A_197 = arith.constant 0 : i32
          %dma_start3A_198 = tpu.memref_slice %arg7[%add3A_106, %dma_start3A_197] : memref<40x128xi32, #tpu.memory_space<vmem>> -> memref<1x128xi32, #tpu.memory_space<vmem>>
          %dma_start3A_199 = tpu.memref_squeeze %dma_start3A_198 : memref<1x128xi32, #tpu.memory_space<vmem>> -> memref<128xi32, #tpu.memory_space<vmem>>
          %dma_start3A_200 = arith.constant 0 : i32
          %dma_start3A_201 = arith.constant 0 : i32
          %dma_start3A_202 = tpu.memref_slice %arg10[%dma_start3A_200, %dma_start3A_201] : memref<10240x128xf32, #tpu.memory_space<vmem_shared>> -> memref<10240x128xf32, #tpu.memory_space<vmem_shared>>
          tpu.enqueue_indirect_dma source(%arg8 : memref<128x128xf32, #tpu.memory_space<vmem>>) target(%dma_start3A_202 : memref<10240x128xf32, #tpu.memory_space<vmem_shared>>) offsets(%dma_start3A_199 : memref<128xi32, #tpu.memory_space<vmem>>) semaphore(%run_scoped3A : memref<!tpu.dma_semaphore, #tpu.memory_space<semaphore_mem>>) {add = true}
          %dma_wait3A_203 = arith.constant 0 : i32
          %dma_wait3A_204 = tpu.memref_slice %arg7[%add3A_106, %dma_wait3A_203] : memref<40x128xi32, #tpu.memory_space<vmem>> -> memref<1x128xi32, #tpu.memory_space<vmem>>
          %dma_wait3A_205 = tpu.memref_squeeze %dma_wait3A_204 : memref<1x128xi32, #tpu.memory_space<vmem>> -> memref<128xi32, #tpu.memory_space<vmem>>
          %dma_wait3A_206 = arith.constant 0 : i32
          %dma_wait3A_207 = arith.constant 0 : i32
          %dma_wait3A_208 = tpu.memref_slice %arg10[%dma_wait3A_206, %dma_wait3A_207] : memref<10240x128xf32, #tpu.memory_space<vmem_shared>> -> memref<10240x128xf32, #tpu.memory_space<vmem_shared>>
          tpu.wait_indirect_dma semaphore(%run_scoped3A : memref<!tpu.dma_semaphore, #tpu.memory_space<semaphore_mem>>) src(%arg8 : memref<128x128xf32, #tpu.memory_space<vmem>>) dst(%dma_wait3A_208 : memref<10240x128xf32, #tpu.memory_space<vmem_shared>>)
          tpu.yield
        }) : () -> ()
        %add3A_107 = arith.constant 3 : i32
        %add3A_108 = arith.addi %mul3A_42, %add3A_107 : i32
        %add3A_109 = arith.constant 1 : i32
        %add3A_110 = arith.addi %add3A_108, %add3A_109 : i32
        %mul3A_111 = arith.constant 128 : i32
        %mul3A_112 = arith.muli %add3A_110, %mul3A_111 : i32
        %dma_start3A_113 = tpu.memref_slice %arg6[%mul3A_112] : memref<5120xi32, #tpu.memory_space<vmem>> -> memref<128xi32, #tpu.memory_space<vmem>>
        %dma_start3A_114 = arith.constant 0 : i32
        %dma_start3A_115 = arith.constant 0 : i32
        %dma_start3A_116 = tpu.memref_slice %arg2[%dma_start3A_114, %dma_start3A_115] : memref<10000x128xf32, #tpu.memory_space<hbm>> -> memref<10000x128xf32, #tpu.memory_space<hbm>>
        tpu.enqueue_indirect_dma source(%dma_start3A_116 : memref<10000x128xf32, #tpu.memory_space<hbm>>) target(%arg8 : memref<128x128xf32, #tpu.memory_space<vmem>>) offsets(%dma_start3A_113 : memref<128xi32, #tpu.memory_space<vmem>>) semaphore(%arg11 : memref<!tpu.dma_semaphore, #tpu.memory_space<semaphore_mem>>)
        %add3A_117 = arith.constant 3 : i32
        %add3A_118 = arith.addi %mul3A_42, %add3A_117 : i32
        %mul3A_119 = arith.constant 128 : i32
        %mul3A_120 = arith.muli %add3A_118, %mul3A_119 : i32
        %dma_wait3A_121 = tpu.memref_slice %arg6[%mul3A_120] : memref<5120xi32, #tpu.memory_space<vmem>> -> memref<128xi32, #tpu.memory_space<vmem>>
        %dma_wait3A_122 = arith.constant 0 : i32
        %dma_wait3A_123 = arith.constant 0 : i32
        %dma_wait3A_124 = tpu.memref_slice %arg2[%dma_wait3A_122, %dma_wait3A_123] : memref<10000x128xf32, #tpu.memory_space<hbm>> -> memref<10000x128xf32, #tpu.memory_space<hbm>>
        tpu.wait_indirect_dma semaphore(%arg12 : memref<!tpu.dma_semaphore, #tpu.memory_space<semaphore_mem>>) src(%dma_wait3A_124 : memref<10000x128xf32, #tpu.memory_space<hbm>>) dst(%arg9 : memref<128x128xf32, #tpu.memory_space<vmem>>)
        %add3A_125 = arith.constant 3 : i32
        %add3A_126 = arith.addi %mul3A_42, %add3A_125 : i32
        "tpu.region"() ({
          %run_scoped3A = tpu.sem_alloc : memref<!tpu.dma_semaphore, #tpu.memory_space<semaphore_mem>>
          %dma_start3A_197 = arith.constant 0 : i32
          %dma_start3A_198 = tpu.memref_slice %arg7[%add3A_126, %dma_start3A_197] : memref<40x128xi32, #tpu.memory_space<vmem>> -> memref<1x128xi32, #tpu.memory_space<vmem>>
          %dma_start3A_199 = tpu.memref_squeeze %dma_start3A_198 : memref<1x128xi32, #tpu.memory_space<vmem>> -> memref<128xi32, #tpu.memory_space<vmem>>
          %dma_start3A_200 = arith.constant 0 : i32
          %dma_start3A_201 = arith.constant 0 : i32
          %dma_start3A_202 = tpu.memref_slice %arg10[%dma_start3A_200, %dma_start3A_201] : memref<10240x128xf32, #tpu.memory_space<vmem_shared>> -> memref<10240x128xf32, #tpu.memory_space<vmem_shared>>
          tpu.enqueue_indirect_dma source(%arg9 : memref<128x128xf32, #tpu.memory_space<vmem>>) target(%dma_start3A_202 : memref<10240x128xf32, #tpu.memory_space<vmem_shared>>) offsets(%dma_start3A_199 : memref<128xi32, #tpu.memory_space<vmem>>) semaphore(%run_scoped3A : memref<!tpu.dma_semaphore, #tpu.memory_space<semaphore_mem>>) {add = true}
          %dma_wait3A_203 = arith.constant 0 : i32
          %dma_wait3A_204 = tpu.memref_slice %arg7[%add3A_126, %dma_wait3A_203] : memref<40x128xi32, #tpu.memory_space<vmem>> -> memref<1x128xi32, #tpu.memory_space<vmem>>
          %dma_wait3A_205 = tpu.memref_squeeze %dma_wait3A_204 : memref<1x128xi32, #tpu.memory_space<vmem>> -> memref<128xi32, #tpu.memory_space<vmem>>
          %dma_wait3A_206 = arith.constant 0 : i32
          %dma_wait3A_207 = arith.constant 0 : i32
          %dma_wait3A_208 = tpu.memref_slice %arg10[%dma_wait3A_206, %dma_wait3A_207] : memref<10240x128xf32, #tpu.memory_space<vmem_shared>> -> memref<10240x128xf32, #tpu.memory_space<vmem_shared>>
          tpu.wait_indirect_dma semaphore(%run_scoped3A : memref<!tpu.dma_semaphore, #tpu.memory_space<semaphore_mem>>) src(%arg9 : memref<128x128xf32, #tpu.memory_space<vmem>>) dst(%dma_wait3A_208 : memref<10240x128xf32, #tpu.memory_space<vmem_shared>>)
          tpu.yield
        }) : () -> ()
        %add3A_127 = arith.constant 4 : i32
        %add3A_128 = arith.addi %mul3A_42, %add3A_127 : i32
        %add3A_129 = arith.constant 1 : i32
        %add3A_130 = arith.addi %add3A_128, %add3A_129 : i32
        %mul3A_131 = arith.constant 128 : i32
        %mul3A_132 = arith.muli %add3A_130, %mul3A_131 : i32
        %dma_start3A_133 = tpu.memref_slice %arg6[%mul3A_132] : memref<5120xi32, #tpu.memory_space<vmem>> -> memref<128xi32, #tpu.memory_space<vmem>>
        %dma_start3A_134 = arith.constant 0 : i32
        %dma_start3A_135 = arith.constant 0 : i32
        %dma_start3A_136 = tpu.memref_slice %arg2[%dma_start3A_134, %dma_start3A_135] : memref<10000x128xf32, #tpu.memory_space<hbm>> -> memref<10000x128xf32, #tpu.memory_space<hbm>>
        tpu.enqueue_indirect_dma source(%dma_start3A_136 : memref<10000x128xf32, #tpu.memory_space<hbm>>) target(%arg9 : memref<128x128xf32, #tpu.memory_space<vmem>>) offsets(%dma_start3A_133 : memref<128xi32, #tpu.memory_space<vmem>>) semaphore(%arg12 : memref<!tpu.dma_semaphore, #tpu.memory_space<semaphore_mem>>)
        %add3A_137 = arith.constant 4 : i32
        %add3A_138 = arith.addi %mul3A_42, %add3A_137 : i32
        %mul3A_139 = arith.constant 128 : i32
        %mul3A_140 = arith.muli %add3A_138, %mul3A_139 : i32
        %dma_wait3A_141 = tpu.memref_slice %arg6[%mul3A_140] : memref<5120xi32, #tpu.memory_space<vmem>> -> memref<128xi32, #tpu.memory_space<vmem>>
        %dma_wait3A_142 = arith.constant 0 : i32
        %dma_wait3A_143 = arith.constant 0 : i32
        %dma_wait3A_144 = tpu.memref_slice %arg2[%dma_wait3A_142, %dma_wait3A_143] : memref<10000x128xf32, #tpu.memory_space<hbm>> -> memref<10000x128xf32, #tpu.memory_space<hbm>>
        tpu.wait_indirect_dma semaphore(%arg11 : memref<!tpu.dma_semaphore, #tpu.memory_space<semaphore_mem>>) src(%dma_wait3A_144 : memref<10000x128xf32, #tpu.memory_space<hbm>>) dst(%arg8 : memref<128x128xf32, #tpu.memory_space<vmem>>)
        %add3A_145 = arith.constant 4 : i32
        %add3A_146 = arith.addi %mul3A_42, %add3A_145 : i32
        "tpu.region"() ({
          %run_scoped3A = tpu.sem_alloc : memref<!tpu.dma_semaphore, #tpu.memory_space<semaphore_mem>>
          %dma_start3A_197 = arith.constant 0 : i32
          %dma_start3A_198 = tpu.memref_slice %arg7[%add3A_146, %dma_start3A_197] : memref<40x128xi32, #tpu.memory_space<vmem>> -> memref<1x128xi32, #tpu.memory_space<vmem>>
          %dma_start3A_199 = tpu.memref_squeeze %dma_start3A_198 : memref<1x128xi32, #tpu.memory_space<vmem>> -> memref<128xi32, #tpu.memory_space<vmem>>
          %dma_start3A_200 = arith.constant 0 : i32
          %dma_start3A_201 = arith.constant 0 : i32
          %dma_start3A_202 = tpu.memref_slice %arg10[%dma_start3A_200, %dma_start3A_201] : memref<10240x128xf32, #tpu.memory_space<vmem_shared>> -> memref<10240x128xf32, #tpu.memory_space<vmem_shared>>
          tpu.enqueue_indirect_dma source(%arg8 : memref<128x128xf32, #tpu.memory_space<vmem>>) target(%dma_start3A_202 : memref<10240x128xf32, #tpu.memory_space<vmem_shared>>) offsets(%dma_start3A_199 : memref<128xi32, #tpu.memory_space<vmem>>) semaphore(%run_scoped3A : memref<!tpu.dma_semaphore, #tpu.memory_space<semaphore_mem>>) {add = true}
          %dma_wait3A_203 = arith.constant 0 : i32
          %dma_wait3A_204 = tpu.memref_slice %arg7[%add3A_146, %dma_wait3A_203] : memref<40x128xi32, #tpu.memory_space<vmem>> -> memref<1x128xi32, #tpu.memory_space<vmem>>
          %dma_wait3A_205 = tpu.memref_squeeze %dma_wait3A_204 : memref<1x128xi32, #tpu.memory_space<vmem>> -> memref<128xi32, #tpu.memory_space<vmem>>
          %dma_wait3A_206 = arith.constant 0 : i32
          %dma_wait3A_207 = arith.constant 0 : i32
          %dma_wait3A_208 = tpu.memref_slice %arg10[%dma_wait3A_206, %dma_wait3A_207] : memref<10240x128xf32, #tpu.memory_space<vmem_shared>> -> memref<10240x128xf32, #tpu.memory_space<vmem_shared>>
          tpu.wait_indirect_dma semaphore(%run_scoped3A : memref<!tpu.dma_semaphore, #tpu.memory_space<semaphore_mem>>) src(%arg8 : memref<128x128xf32, #tpu.memory_space<vmem>>) dst(%dma_wait3A_208 : memref<10240x128xf32, #tpu.memory_space<vmem_shared>>)
          tpu.yield
        }) : () -> ()
        %add3A_147 = arith.constant 5 : i32
        %add3A_148 = arith.addi %mul3A_42, %add3A_147 : i32
        %add3A_149 = arith.constant 1 : i32
        %add3A_150 = arith.addi %add3A_148, %add3A_149 : i32
        %mul3A_151 = arith.constant 128 : i32
        %mul3A_152 = arith.muli %add3A_150, %mul3A_151 : i32
        %dma_start3A_153 = tpu.memref_slice %arg6[%mul3A_152] : memref<5120xi32, #tpu.memory_space<vmem>> -> memref<128xi32, #tpu.memory_space<vmem>>
        %dma_start3A_154 = arith.constant 0 : i32
        %dma_start3A_155 = arith.constant 0 : i32
        %dma_start3A_156 = tpu.memref_slice %arg2[%dma_start3A_154, %dma_start3A_155] : memref<10000x128xf32, #tpu.memory_space<hbm>> -> memref<10000x128xf32, #tpu.memory_space<hbm>>
        tpu.enqueue_indirect_dma source(%dma_start3A_156 : memref<10000x128xf32, #tpu.memory_space<hbm>>) target(%arg8 : memref<128x128xf32, #tpu.memory_space<vmem>>) offsets(%dma_start3A_153 : memref<128xi32, #tpu.memory_space<vmem>>) semaphore(%arg11 : memref<!tpu.dma_semaphore, #tpu.memory_space<semaphore_mem>>)
        %add3A_157 = arith.constant 5 : i32
        %add3A_158 = arith.addi %mul3A_42, %add3A_157 : i32
        %mul3A_159 = arith.constant 128 : i32
        %mul3A_160 = arith.muli %add3A_158, %mul3A_159 : i32
        %dma_wait3A_161 = tpu.memref_slice %arg6[%mul3A_160] : memref<5120xi32, #tpu.memory_space<vmem>> -> memref<128xi32, #tpu.memory_space<vmem>>
        %dma_wait3A_162 = arith.constant 0 : i32
        %dma_wait3A_163 = arith.constant 0 : i32
        %dma_wait3A_164 = tpu.memref_slice %arg2[%dma_wait3A_162, %dma_wait3A_163] : memref<10000x128xf32, #tpu.memory_space<hbm>> -> memref<10000x128xf32, #tpu.memory_space<hbm>>
        tpu.wait_indirect_dma semaphore(%arg12 : memref<!tpu.dma_semaphore, #tpu.memory_space<semaphore_mem>>) src(%dma_wait3A_164 : memref<10000x128xf32, #tpu.memory_space<hbm>>) dst(%arg9 : memref<128x128xf32, #tpu.memory_space<vmem>>)
        %add3A_165 = arith.constant 5 : i32
        %add3A_166 = arith.addi %mul3A_42, %add3A_165 : i32
        "tpu.region"() ({
          %run_scoped3A = tpu.sem_alloc : memref<!tpu.dma_semaphore, #tpu.memory_space<semaphore_mem>>
          %dma_start3A_197 = arith.constant 0 : i32
          %dma_start3A_198 = tpu.memref_slice %arg7[%add3A_166, %dma_start3A_197] : memref<40x128xi32, #tpu.memory_space<vmem>> -> memref<1x128xi32, #tpu.memory_space<vmem>>
          %dma_start3A_199 = tpu.memref_squeeze %dma_start3A_198 : memref<1x128xi32, #tpu.memory_space<vmem>> -> memref<128xi32, #tpu.memory_space<vmem>>
          %dma_start3A_200 = arith.constant 0 : i32
          %dma_start3A_201 = arith.constant 0 : i32
          %dma_start3A_202 = tpu.memref_slice %arg10[%dma_start3A_200, %dma_start3A_201] : memref<10240x128xf32, #tpu.memory_space<vmem_shared>> -> memref<10240x128xf32, #tpu.memory_space<vmem_shared>>
          tpu.enqueue_indirect_dma source(%arg9 : memref<128x128xf32, #tpu.memory_space<vmem>>) target(%dma_start3A_202 : memref<10240x128xf32, #tpu.memory_space<vmem_shared>>) offsets(%dma_start3A_199 : memref<128xi32, #tpu.memory_space<vmem>>) semaphore(%run_scoped3A : memref<!tpu.dma_semaphore, #tpu.memory_space<semaphore_mem>>) {add = true}
          %dma_wait3A_203 = arith.constant 0 : i32
          %dma_wait3A_204 = tpu.memref_slice %arg7[%add3A_166, %dma_wait3A_203] : memref<40x128xi32, #tpu.memory_space<vmem>> -> memref<1x128xi32, #tpu.memory_space<vmem>>
          %dma_wait3A_205 = tpu.memref_squeeze %dma_wait3A_204 : memref<1x128xi32, #tpu.memory_space<vmem>> -> memref<128xi32, #tpu.memory_space<vmem>>
          %dma_wait3A_206 = arith.constant 0 : i32
          %dma_wait3A_207 = arith.constant 0 : i32
          %dma_wait3A_208 = tpu.memref_slice %arg10[%dma_wait3A_206, %dma_wait3A_207] : memref<10240x128xf32, #tpu.memory_space<vmem_shared>> -> memref<10240x128xf32, #tpu.memory_space<vmem_shared>>
          tpu.wait_indirect_dma semaphore(%run_scoped3A : memref<!tpu.dma_semaphore, #tpu.memory_space<semaphore_mem>>) src(%arg9 : memref<128x128xf32, #tpu.memory_space<vmem>>) dst(%dma_wait3A_208 : memref<10240x128xf32, #tpu.memory_space<vmem_shared>>)
          tpu.yield
        }) : () -> ()
        %add3A_167 = arith.constant 6 : i32
        %add3A_168 = arith.addi %mul3A_42, %add3A_167 : i32
        %add3A_169 = arith.constant 1 : i32
        %add3A_170 = arith.addi %add3A_168, %add3A_169 : i32
        %mul3A_171 = arith.constant 128 : i32
        %mul3A_172 = arith.muli %add3A_170, %mul3A_171 : i32
        %dma_start3A_173 = tpu.memref_slice %arg6[%mul3A_172] : memref<5120xi32, #tpu.memory_space<vmem>> -> memref<128xi32, #tpu.memory_space<vmem>>
        %dma_start3A_174 = arith.constant 0 : i32
        %dma_start3A_175 = arith.constant 0 : i32
        %dma_start3A_176 = tpu.memref_slice %arg2[%dma_start3A_174, %dma_start3A_175] : memref<10000x128xf32, #tpu.memory_space<hbm>> -> memref<10000x128xf32, #tpu.memory_space<hbm>>
        tpu.enqueue_indirect_dma source(%dma_start3A_176 : memref<10000x128xf32, #tpu.memory_space<hbm>>) target(%arg9 : memref<128x128xf32, #tpu.memory_space<vmem>>) offsets(%dma_start3A_173 : memref<128xi32, #tpu.memory_space<vmem>>) semaphore(%arg12 : memref<!tpu.dma_semaphore, #tpu.memory_space<semaphore_mem>>)
        %add3A_177 = arith.constant 6 : i32
        %add3A_178 = arith.addi %mul3A_42, %add3A_177 : i32
        %mul3A_179 = arith.constant 128 : i32
        %mul3A_180 = arith.muli %add3A_178, %mul3A_179 : i32
        %dma_wait3A_181 = tpu.memref_slice %arg6[%mul3A_180] : memref<5120xi32, #tpu.memory_space<vmem>> -> memref<128xi32, #tpu.memory_space<vmem>>
        %dma_wait3A_182 = arith.constant 0 : i32
        %dma_wait3A_183 = arith.constant 0 : i32
        %dma_wait3A_184 = tpu.memref_slice %arg2[%dma_wait3A_182, %dma_wait3A_183] : memref<10000x128xf32, #tpu.memory_space<hbm>> -> memref<10000x128xf32, #tpu.memory_space<hbm>>
        tpu.wait_indirect_dma semaphore(%arg11 : memref<!tpu.dma_semaphore, #tpu.memory_space<semaphore_mem>>) src(%dma_wait3A_184 : memref<10000x128xf32, #tpu.memory_space<hbm>>) dst(%arg8 : memref<128x128xf32, #tpu.memory_space<vmem>>)
        %add3A_185 = arith.constant 6 : i32
        %add3A_186 = arith.addi %mul3A_42, %add3A_185 : i32
        "tpu.region"() ({
          %run_scoped3A = tpu.sem_alloc : memref<!tpu.dma_semaphore, #tpu.memory_space<semaphore_mem>>
          %dma_start3A_197 = arith.constant 0 : i32
          %dma_start3A_198 = tpu.memref_slice %arg7[%add3A_186, %dma_start3A_197] : memref<40x128xi32, #tpu.memory_space<vmem>> -> memref<1x128xi32, #tpu.memory_space<vmem>>
          %dma_start3A_199 = tpu.memref_squeeze %dma_start3A_198 : memref<1x128xi32, #tpu.memory_space<vmem>> -> memref<128xi32, #tpu.memory_space<vmem>>
          %dma_start3A_200 = arith.constant 0 : i32
          %dma_start3A_201 = arith.constant 0 : i32
          %dma_start3A_202 = tpu.memref_slice %arg10[%dma_start3A_200, %dma_start3A_201] : memref<10240x128xf32, #tpu.memory_space<vmem_shared>> -> memref<10240x128xf32, #tpu.memory_space<vmem_shared>>
          tpu.enqueue_indirect_dma source(%arg8 : memref<128x128xf32, #tpu.memory_space<vmem>>) target(%dma_start3A_202 : memref<10240x128xf32, #tpu.memory_space<vmem_shared>>) offsets(%dma_start3A_199 : memref<128xi32, #tpu.memory_space<vmem>>) semaphore(%run_scoped3A : memref<!tpu.dma_semaphore, #tpu.memory_space<semaphore_mem>>) {add = true}
          %dma_wait3A_203 = arith.constant 0 : i32
          %dma_wait3A_204 = tpu.memref_slice %arg7[%add3A_186, %dma_wait3A_203] : memref<40x128xi32, #tpu.memory_space<vmem>> -> memref<1x128xi32, #tpu.memory_space<vmem>>
          %dma_wait3A_205 = tpu.memref_squeeze %dma_wait3A_204 : memref<1x128xi32, #tpu.memory_space<vmem>> -> memref<128xi32, #tpu.memory_space<vmem>>
          %dma_wait3A_206 = arith.constant 0 : i32
          %dma_wait3A_207 = arith.constant 0 : i32
          %dma_wait3A_208 = tpu.memref_slice %arg10[%dma_wait3A_206, %dma_wait3A_207] : memref<10240x128xf32, #tpu.memory_space<vmem_shared>> -> memref<10240x128xf32, #tpu.memory_space<vmem_shared>>
          tpu.wait_indirect_dma semaphore(%run_scoped3A : memref<!tpu.dma_semaphore, #tpu.memory_space<semaphore_mem>>) src(%arg8 : memref<128x128xf32, #tpu.memory_space<vmem>>) dst(%dma_wait3A_208 : memref<10240x128xf32, #tpu.memory_space<vmem_shared>>)
          tpu.yield
        }) : () -> ()
        %add3A_187 = arith.constant 7 : i32
        %add3A_188 = arith.addi %mul3A_42, %add3A_187 : i32
        %mul3A_189 = arith.constant 128 : i32
        %mul3A_190 = arith.muli %add3A_188, %mul3A_189 : i32
        %dma_wait3A_191 = tpu.memref_slice %arg6[%mul3A_190] : memref<5120xi32, #tpu.memory_space<vmem>> -> memref<128xi32, #tpu.memory_space<vmem>>
        %dma_wait3A_192 = arith.constant 0 : i32
        %dma_wait3A_193 = arith.constant 0 : i32
        %dma_wait3A_194 = tpu.memref_slice %arg2[%dma_wait3A_192, %dma_wait3A_193] : memref<10000x128xf32, #tpu.memory_space<hbm>> -> memref<10000x128xf32, #tpu.memory_space<hbm>>
        tpu.wait_indirect_dma semaphore(%arg12 : memref<!tpu.dma_semaphore, #tpu.memory_space<semaphore_mem>>) src(%dma_wait3A_194 : memref<10000x128xf32, #tpu.memory_space<hbm>>) dst(%arg9 : memref<128x128xf32, #tpu.memory_space<vmem>>)
        %add3A_195 = arith.constant 7 : i32
        %add3A_196 = arith.addi %mul3A_42, %add3A_195 : i32
        "tpu.region"() ({
          %run_scoped3A = tpu.sem_alloc : memref<!tpu.dma_semaphore, #tpu.memory_space<semaphore_mem>>
          %dma_start3A_197 = arith.constant 0 : i32
          %dma_start3A_198 = tpu.memref_slice %arg7[%add3A_196, %dma_start3A_197] : memref<40x128xi32, #tpu.memory_space<vmem>> -> memref<1x128xi32, #tpu.memory_space<vmem>>
          %dma_start3A_199 = tpu.memref_squeeze %dma_start3A_198 : memref<1x128xi32, #tpu.memory_space<vmem>> -> memref<128xi32, #tpu.memory_space<vmem>>
          %dma_start3A_200 = arith.constant 0 : i32
          %dma_start3A_201 = arith.constant 0 : i32
          %dma_start3A_202 = tpu.memref_slice %arg10[%dma_start3A_200, %dma_start3A_201] : memref<10240x128xf32, #tpu.memory_space<vmem_shared>> -> memref<10240x128xf32, #tpu.memory_space<vmem_shared>>
          tpu.enqueue_indirect_dma source(%arg9 : memref<128x128xf32, #tpu.memory_space<vmem>>) target(%dma_start3A_202 : memref<10240x128xf32, #tpu.memory_space<vmem_shared>>) offsets(%dma_start3A_199 : memref<128xi32, #tpu.memory_space<vmem>>) semaphore(%run_scoped3A : memref<!tpu.dma_semaphore, #tpu.memory_space<semaphore_mem>>) {add = true}
          %dma_wait3A_203 = arith.constant 0 : i32
          %dma_wait3A_204 = tpu.memref_slice %arg7[%add3A_196, %dma_wait3A_203] : memref<40x128xi32, #tpu.memory_space<vmem>> -> memref<1x128xi32, #tpu.memory_space<vmem>>
          %dma_wait3A_205 = tpu.memref_squeeze %dma_wait3A_204 : memref<1x128xi32, #tpu.memory_space<vmem>> -> memref<128xi32, #tpu.memory_space<vmem>>
          %dma_wait3A_206 = arith.constant 0 : i32
          %dma_wait3A_207 = arith.constant 0 : i32
          %dma_wait3A_208 = tpu.memref_slice %arg10[%dma_wait3A_206, %dma_wait3A_207] : memref<10240x128xf32, #tpu.memory_space<vmem_shared>> -> memref<10240x128xf32, #tpu.memory_space<vmem_shared>>
          tpu.wait_indirect_dma semaphore(%run_scoped3A : memref<!tpu.dma_semaphore, #tpu.memory_space<semaphore_mem>>) src(%arg9 : memref<128x128xf32, #tpu.memory_space<vmem>>) dst(%dma_wait3A_208 : memref<10240x128xf32, #tpu.memory_space<vmem_shared>>)
          tpu.yield
        }) : () -> ()
      }
      %scan3A_39 = arith.constant 5 : i32
    }
    %scan3A_25 = arith.constant 2 : i32
    %barrier3A_26 = arith.constant 0 : index
    tpu.barrier barrier_id(%barrier3A_26)
    "tpu.region"() ({
      %run_scoped3A = tpu.sem_alloc : memref<!tpu.dma_semaphore, #tpu.memory_space<semaphore_mem>>
      %dma_start3A = arith.constant 0 : i32
      %dma_start3A_27 = tpu.memref_slice %arg5[%add3A_4, %mul3A_0, %dma_start3A] : memref<2x10240x128xf32, #tpu.memory_space<hbm>> -> memref<1x640x128xf32, #tpu.memory_space<hbm>>
      %dma_start3A_28 = tpu.memref_squeeze %dma_start3A_27 : memref<1x640x128xf32, #tpu.memory_space<hbm>> -> memref<640x128xf32, #tpu.memory_space<hbm>>
      %dma_start3A_29 = arith.constant 0 : i32
      %dma_start3A_30 = tpu.memref_slice %arg10[%mul3A_0, %dma_start3A_29] : memref<10240x128xf32, #tpu.memory_space<vmem_shared>> -> memref<640x128xf32, #tpu.memory_space<vmem_shared>>
      tpu.enqueue_dma source(%dma_start3A_30 : memref<640x128xf32, #tpu.memory_space<vmem_shared>>) target(%dma_start3A_28 : memref<640x128xf32, #tpu.memory_space<hbm>>) target_semaphore(%run_scoped3A : memref<!tpu.dma_semaphore, #tpu.memory_space<semaphore_mem>>)
      %dma_wait3A = arith.constant 0 : i32
      %dma_wait3A_31 = tpu.memref_slice %arg5[%add3A_4, %mul3A_0, %dma_wait3A] : memref<2x10240x128xf32, #tpu.memory_space<hbm>> -> memref<1x640x128xf32, #tpu.memory_space<hbm>>
      %dma_wait3A_32 = tpu.memref_squeeze %dma_wait3A_31 : memref<1x640x128xf32, #tpu.memory_space<hbm>> -> memref<640x128xf32, #tpu.memory_space<hbm>>
      %dma_wait3A_33 = arith.constant 0 : i32
      %dma_wait3A_34 = tpu.memref_slice %arg10[%mul3A_0, %dma_wait3A_33] : memref<10240x128xf32, #tpu.memory_space<vmem_shared>> -> memref<640x128xf32, #tpu.memory_space<vmem_shared>>
      tpu.wait_dma2 semaphore(%run_scoped3A : memref<!tpu.dma_semaphore, #tpu.memory_space<semaphore_mem>>) src(%dma_wait3A_34 : memref<640x128xf32, #tpu.memory_space<vmem_shared>>) dst(%dma_wait3A_32 : memref<640x128xf32, #tpu.memory_space<hbm>>)
      tpu.yield
    }) : () -> ()
    return
  }
}

#map = affine_map<(d0, d1) -> (0, 0)>
#map1 = affine_map<(d0, d1) -> (0, 0, 0)>
#map2 = affine_map<(d0, d1) -> (0, 0, 0, 0)>
module attributes {stable_mosaic.version = 14 : i64} {
  func.func @msg(%arg0: i32, %arg1: i32, %arg2: memref<20000x128xf32, #tpu.memory_space<hbm>>, %arg3: memref<2x16x20480xi32, #tpu.memory_space<hbm>>, %arg4: memref<2x16x160x128xi32, #tpu.memory_space<hbm>>, %arg5: memref<2x10240x128xf32, #tpu.memory_space<hbm>>, %arg6: memref<5120xi32, #tpu.memory_space<vmem>>, %arg7: memref<40x128xi32, #tpu.memory_space<vmem>>, %arg8: memref<128x128xf32, #tpu.memory_space<vmem>>, %arg9: memref<128x128xf32, #tpu.memory_space<vmem>>, %arg10: memref<10240x128xf32, #tpu.memory_space<vmem_shared>>, %arg11: memref<!tpu.dma_semaphore, #tpu.memory_space<semaphore_mem>>, %arg12: memref<!tpu.dma_semaphore, #tpu.memory_space<semaphore_mem>>) attributes {dimension_semantics = [#tpu.dimension_semantics<core_parallel>, #tpu.dimension_semantics<subcore_parallel>], iteration_bounds = array<i64: 2, 16>, scalar_prefetch = 0 : i64, scratch_operands = 7 : i64, tpu.core_type = #tpu.core_type<sc_vector_subcore>, window_params = [{transform_indices = #map}, {transform_indices = #map1}, {transform_indices = #map2}, {transform_indices = #map1}]} {
    %mul3A = arith.constant 640 : i32
    %mul3A_0 = arith.muli %arg1, %mul3A : i32
    %broadcast_in_dim3A = arith.constant 0.000000e+00 : f32
    %broadcast_in_dim3A_1 = vector.broadcast %broadcast_in_dim3A : f32 to vector<16xf32>
    %mul3A_2 = arith.constant 1 : i32
    %mul3A_3 = arith.muli %arg0, %mul3A_2 : i32
    %add3A = arith.constant 0 : i32
    %add3A_4 = arith.addi %mul3A_3, %add3A : i32
    %scan3A = arith.constant 0 : i32
    %scan3A_5 = arith.constant 0 : i32
    %scan3A_6 = arith.constant 128 : i32
    %scan3A_7 = arith.addi %scan3A_5, %scan3A_6 : i32
    %scan3A_8 = arith.constant 1 : i32
    scf.for %scan3A_27 = %scan3A_5 to %scan3A_7 step %scan3A_8  : i32 {
      %swap3A = arith.index_cast %scan3A_27 : i32 to index
      %swap3A_28 = arith.constant 0 : index
      %swap3A_29 = tpu.vector_load %arg8[%swap3A, %swap3A_28] {strides = array<i32>} : memref<128x128xf32, #tpu.memory_space<vmem>>, vector<1x16xf32>,
      %swap3A_30 = vector.shape_cast %swap3A_29 : vector<1x16xf32> to vector<16xf32>
      %swap3A_31 = vector.shape_cast %broadcast_in_dim3A_1 : vector<16xf32> to vector<1x16xf32>
      tpu.vector_store %arg8[%swap3A, %swap3A_28], %swap3A_31 {strides = array<i32>} : memref<128x128xf32, #tpu.memory_space<vmem>>, vector<1x16xf32>,
      %swap3A_32 = arith.index_cast %scan3A_27 : i32 to index
      %swap3A_33 = arith.constant 16 : index
      %swap3A_34 = tpu.vector_load %arg8[%swap3A_32, %swap3A_33] {strides = array<i32>} : memref<128x128xf32, #tpu.memory_space<vmem>>, vector<1x16xf32>,
      %swap3A_35 = vector.shape_cast %swap3A_34 : vector<1x16xf32> to vector<16xf32>
      %swap3A_36 = vector.shape_cast %broadcast_in_dim3A_1 : vector<16xf32> to vector<1x16xf32>
      tpu.vector_store %arg8[%swap3A_32, %swap3A_33], %swap3A_36 {strides = array<i32>} : memref<128x128xf32, #tpu.memory_space<vmem>>, vector<1x16xf32>,
      %swap3A_37 = arith.index_cast %scan3A_27 : i32 to index
      %swap3A_38 = arith.constant 32 : index
      %swap3A_39 = tpu.vector_load %arg8[%swap3A_37, %swap3A_38] {strides = array<i32>} : memref<128x128xf32, #tpu.memory_space<vmem>>, vector<1x16xf32>,
      %swap3A_40 = vector.shape_cast %swap3A_39 : vector<1x16xf32> to vector<16xf32>
      %swap3A_41 = vector.shape_cast %broadcast_in_dim3A_1 : vector<16xf32> to vector<1x16xf32>
      tpu.vector_store %arg8[%swap3A_37, %swap3A_38], %swap3A_41 {strides = array<i32>} : memref<128x128xf32, #tpu.memory_space<vmem>>, vector<1x16xf32>,
      %swap3A_42 = arith.index_cast %scan3A_27 : i32 to index
      %swap3A_43 = arith.constant 48 : index
      %swap3A_44 = tpu.vector_load %arg8[%swap3A_42, %swap3A_43] {strides = array<i32>} : memref<128x128xf32, #tpu.memory_space<vmem>>, vector<1x16xf32>,
      %swap3A_45 = vector.shape_cast %swap3A_44 : vector<1x16xf32> to vector<16xf32>
      %swap3A_46 = vector.shape_cast %broadcast_in_dim3A_1 : vector<16xf32> to vector<1x16xf32>
      tpu.vector_store %arg8[%swap3A_42, %swap3A_43], %swap3A_46 {strides = array<i32>} : memref<128x128xf32, #tpu.memory_space<vmem>>, vector<1x16xf32>,
      %swap3A_47 = arith.index_cast %scan3A_27 : i32 to index
      %swap3A_48 = arith.constant 64 : index
      %swap3A_49 = tpu.vector_load %arg8[%swap3A_47, %swap3A_48] {strides = array<i32>} : memref<128x128xf32, #tpu.memory_space<vmem>>, vector<1x16xf32>,
      %swap3A_50 = vector.shape_cast %swap3A_49 : vector<1x16xf32> to vector<16xf32>
      %swap3A_51 = vector.shape_cast %broadcast_in_dim3A_1 : vector<16xf32> to vector<1x16xf32>
      tpu.vector_store %arg8[%swap3A_47, %swap3A_48], %swap3A_51 {strides = array<i32>} : memref<128x128xf32, #tpu.memory_space<vmem>>, vector<1x16xf32>,
      %swap3A_52 = arith.index_cast %scan3A_27 : i32 to index
      %swap3A_53 = arith.constant 80 : index
      %swap3A_54 = tpu.vector_load %arg8[%swap3A_52, %swap3A_53] {strides = array<i32>} : memref<128x128xf32, #tpu.memory_space<vmem>>, vector<1x16xf32>,
      %swap3A_55 = vector.shape_cast %swap3A_54 : vector<1x16xf32> to vector<16xf32>
      %swap3A_56 = vector.shape_cast %broadcast_in_dim3A_1 : vector<16xf32> to vector<1x16xf32>
      tpu.vector_store %arg8[%swap3A_52, %swap3A_53], %swap3A_56 {strides = array<i32>} : memref<128x128xf32, #tpu.memory_space<vmem>>, vector<1x16xf32>,
      %swap3A_57 = arith.index_cast %scan3A_27 : i32 to index
      %swap3A_58 = arith.constant 96 : index
      %swap3A_59 = tpu.vector_load %arg8[%swap3A_57, %swap3A_58] {strides = array<i32>} : memref<128x128xf32, #tpu.memory_space<vmem>>, vector<1x16xf32>,
      %swap3A_60 = vector.shape_cast %swap3A_59 : vector<1x16xf32> to vector<16xf32>
      %swap3A_61 = vector.shape_cast %broadcast_in_dim3A_1 : vector<16xf32> to vector<1x16xf32>
      tpu.vector_store %arg8[%swap3A_57, %swap3A_58], %swap3A_61 {strides = array<i32>} : memref<128x128xf32, #tpu.memory_space<vmem>>, vector<1x16xf32>,
      %swap3A_62 = arith.index_cast %scan3A_27 : i32 to index
      %swap3A_63 = arith.constant 112 : index
      %swap3A_64 = tpu.vector_load %arg8[%swap3A_62, %swap3A_63] {strides = array<i32>} : memref<128x128xf32, #tpu.memory_space<vmem>>, vector<1x16xf32>,
      %swap3A_65 = vector.shape_cast %swap3A_64 : vector<1x16xf32> to vector<16xf32>
      %swap3A_66 = vector.shape_cast %broadcast_in_dim3A_1 : vector<16xf32> to vector<1x16xf32>
      tpu.vector_store %arg8[%swap3A_62, %swap3A_63], %swap3A_66 {strides = array<i32>} : memref<128x128xf32, #tpu.memory_space<vmem>>, vector<1x16xf32>,
    }
    %scan3A_9 = arith.constant 128 : i32
    %add3A_10 = arith.constant 0 : i32
    %add3A_11 = arith.addi %mul3A_0, %add3A_10 : i32
    "tpu.region"() ({
      %run_scoped3A = tpu.sem_alloc : memref<!tpu.dma_semaphore, #tpu.memory_space<semaphore_mem>>
      %dma_start3A = arith.constant 0 : i32
      %dma_start3A_27 = tpu.memref_slice %arg10[%add3A_11, %dma_start3A] : memref<10240x128xf32, #tpu.memory_space<vmem_shared>> -> memref<128x128xf32, #tpu.memory_space<vmem_shared>>
      %dma_start3A_28 = arith.constant 0 : i32
      %dma_start3A_29 = tpu.memref_slice %arg10[%add3A_11, %dma_start3A_28] : memref<10240x128xf32, #tpu.memory_space<vmem_shared>> -> memref<128x128xf32, #tpu.memory_space<vmem_shared>>
      tpu.enqueue_dma source(%arg8 : memref<128x128xf32, #tpu.memory_space<vmem>>) target(%dma_start3A_29 : memref<128x128xf32, #tpu.memory_space<vmem_shared>>) target_semaphore(%run_scoped3A : memref<!tpu.dma_semaphore, #tpu.memory_space<semaphore_mem>>)
      %dma_wait3A = arith.constant 0 : i32
      %dma_wait3A_30 = tpu.memref_slice %arg10[%add3A_11, %dma_wait3A] : memref<10240x128xf32, #tpu.memory_space<vmem_shared>> -> memref<128x128xf32, #tpu.memory_space<vmem_shared>>
      %dma_wait3A_31 = arith.constant 0 : i32
      %dma_wait3A_32 = tpu.memref_slice %arg10[%add3A_11, %dma_wait3A_31] : memref<10240x128xf32, #tpu.memory_space<vmem_shared>> -> memref<128x128xf32, #tpu.memory_space<vmem_shared>>
      tpu.wait_dma2 semaphore(%run_scoped3A : memref<!tpu.dma_semaphore, #tpu.memory_space<semaphore_mem>>) src(%arg8 : memref<128x128xf32, #tpu.memory_space<vmem>>) dst(%dma_wait3A_32 : memref<128x128xf32, #tpu.memory_space<vmem_shared>>)
      tpu.yield
    }) : () -> ()
    %add3A_12 = arith.constant 128 : i32
    %add3A_13 = arith.addi %mul3A_0, %add3A_12 : i32
    "tpu.region"() ({
      %run_scoped3A = tpu.sem_alloc : memref<!tpu.dma_semaphore, #tpu.memory_space<semaphore_mem>>
      %dma_start3A = arith.constant 0 : i32
      %dma_start3A_27 = tpu.memref_slice %arg10[%add3A_13, %dma_start3A] : memref<10240x128xf32, #tpu.memory_space<vmem_shared>> -> memref<128x128xf32, #tpu.memory_space<vmem_shared>>
      %dma_start3A_28 = arith.constant 0 : i32
      %dma_start3A_29 = tpu.memref_slice %arg10[%add3A_13, %dma_start3A_28] : memref<10240x128xf32, #tpu.memory_space<vmem_shared>> -> memref<128x128xf32, #tpu.memory_space<vmem_shared>>
      tpu.enqueue_dma source(%arg8 : memref<128x128xf32, #tpu.memory_space<vmem>>) target(%dma_start3A_29 : memref<128x128xf32, #tpu.memory_space<vmem_shared>>) target_semaphore(%run_scoped3A : memref<!tpu.dma_semaphore, #tpu.memory_space<semaphore_mem>>)
      %dma_wait3A = arith.constant 0 : i32
      %dma_wait3A_30 = tpu.memref_slice %arg10[%add3A_13, %dma_wait3A] : memref<10240x128xf32, #tpu.memory_space<vmem_shared>> -> memref<128x128xf32, #tpu.memory_space<vmem_shared>>
      %dma_wait3A_31 = arith.constant 0 : i32
      %dma_wait3A_32 = tpu.memref_slice %arg10[%add3A_13, %dma_wait3A_31] : memref<10240x128xf32, #tpu.memory_space<vmem_shared>> -> memref<128x128xf32, #tpu.memory_space<vmem_shared>>
      tpu.wait_dma2 semaphore(%run_scoped3A : memref<!tpu.dma_semaphore, #tpu.memory_space<semaphore_mem>>) src(%arg8 : memref<128x128xf32, #tpu.memory_space<vmem>>) dst(%dma_wait3A_32 : memref<128x128xf32, #tpu.memory_space<vmem_shared>>)
      tpu.yield
    }) : () -> ()
    %add3A_14 = arith.constant 256 : i32
    %add3A_15 = arith.addi %mul3A_0, %add3A_14 : i32
    "tpu.region"() ({
      %run_scoped3A = tpu.sem_alloc : memref<!tpu.dma_semaphore, #tpu.memory_space<semaphore_mem>>
      %dma_start3A = arith.constant 0 : i32
      %dma_start3A_27 = tpu.memref_slice %arg10[%add3A_15, %dma_start3A] : memref<10240x128xf32, #tpu.memory_space<vmem_shared>> -> memref<128x128xf32, #tpu.memory_space<vmem_shared>>
      %dma_start3A_28 = arith.constant 0 : i32
      %dma_start3A_29 = tpu.memref_slice %arg10[%add3A_15, %dma_start3A_28] : memref<10240x128xf32, #tpu.memory_space<vmem_shared>> -> memref<128x128xf32, #tpu.memory_space<vmem_shared>>
      tpu.enqueue_dma source(%arg8 : memref<128x128xf32, #tpu.memory_space<vmem>>) target(%dma_start3A_29 : memref<128x128xf32, #tpu.memory_space<vmem_shared>>) target_semaphore(%run_scoped3A : memref<!tpu.dma_semaphore, #tpu.memory_space<semaphore_mem>>)
      %dma_wait3A = arith.constant 0 : i32
      %dma_wait3A_30 = tpu.memref_slice %arg10[%add3A_15, %dma_wait3A] : memref<10240x128xf32, #tpu.memory_space<vmem_shared>> -> memref<128x128xf32, #tpu.memory_space<vmem_shared>>
      %dma_wait3A_31 = arith.constant 0 : i32
      %dma_wait3A_32 = tpu.memref_slice %arg10[%add3A_15, %dma_wait3A_31] : memref<10240x128xf32, #tpu.memory_space<vmem_shared>> -> memref<128x128xf32, #tpu.memory_space<vmem_shared>>
      tpu.wait_dma2 semaphore(%run_scoped3A : memref<!tpu.dma_semaphore, #tpu.memory_space<semaphore_mem>>) src(%arg8 : memref<128x128xf32, #tpu.memory_space<vmem>>) dst(%dma_wait3A_32 : memref<128x128xf32, #tpu.memory_space<vmem_shared>>)
      tpu.yield
    }) : () -> ()
    %add3A_16 = arith.constant 384 : i32
    %add3A_17 = arith.addi %mul3A_0, %add3A_16 : i32
    "tpu.region"() ({
      %run_scoped3A = tpu.sem_alloc : memref<!tpu.dma_semaphore, #tpu.memory_space<semaphore_mem>>
      %dma_start3A = arith.constant 0 : i32
      %dma_start3A_27 = tpu.memref_slice %arg10[%add3A_17, %dma_start3A] : memref<10240x128xf32, #tpu.memory_space<vmem_shared>> -> memref<128x128xf32, #tpu.memory_space<vmem_shared>>
      %dma_start3A_28 = arith.constant 0 : i32
      %dma_start3A_29 = tpu.memref_slice %arg10[%add3A_17, %dma_start3A_28] : memref<10240x128xf32, #tpu.memory_space<vmem_shared>> -> memref<128x128xf32, #tpu.memory_space<vmem_shared>>
      tpu.enqueue_dma source(%arg8 : memref<128x128xf32, #tpu.memory_space<vmem>>) target(%dma_start3A_29 : memref<128x128xf32, #tpu.memory_space<vmem_shared>>) target_semaphore(%run_scoped3A : memref<!tpu.dma_semaphore, #tpu.memory_space<semaphore_mem>>)
      %dma_wait3A = arith.constant 0 : i32
      %dma_wait3A_30 = tpu.memref_slice %arg10[%add3A_17, %dma_wait3A] : memref<10240x128xf32, #tpu.memory_space<vmem_shared>> -> memref<128x128xf32, #tpu.memory_space<vmem_shared>>
      %dma_wait3A_31 = arith.constant 0 : i32
      %dma_wait3A_32 = tpu.memref_slice %arg10[%add3A_17, %dma_wait3A_31] : memref<10240x128xf32, #tpu.memory_space<vmem_shared>> -> memref<128x128xf32, #tpu.memory_space<vmem_shared>>
      tpu.wait_dma2 semaphore(%run_scoped3A : memref<!tpu.dma_semaphore, #tpu.memory_space<semaphore_mem>>) src(%arg8 : memref<128x128xf32, #tpu.memory_space<vmem>>) dst(%dma_wait3A_32 : memref<128x128xf32, #tpu.memory_space<vmem_shared>>)
      tpu.yield
    }) : () -> ()
    %add3A_18 = arith.constant 512 : i32
    %add3A_19 = arith.addi %mul3A_0, %add3A_18 : i32
    "tpu.region"() ({
      %run_scoped3A = tpu.sem_alloc : memref<!tpu.dma_semaphore, #tpu.memory_space<semaphore_mem>>
      %dma_start3A = arith.constant 0 : i32
      %dma_start3A_27 = tpu.memref_slice %arg10[%add3A_19, %dma_start3A] : memref<10240x128xf32, #tpu.memory_space<vmem_shared>> -> memref<128x128xf32, #tpu.memory_space<vmem_shared>>
      %dma_start3A_28 = arith.constant 0 : i32
      %dma_start3A_29 = tpu.memref_slice %arg10[%add3A_19, %dma_start3A_28] : memref<10240x128xf32, #tpu.memory_space<vmem_shared>> -> memref<128x128xf32, #tpu.memory_space<vmem_shared>>
      tpu.enqueue_dma source(%arg8 : memref<128x128xf32, #tpu.memory_space<vmem>>) target(%dma_start3A_29 : memref<128x128xf32, #tpu.memory_space<vmem_shared>>) target_semaphore(%run_scoped3A : memref<!tpu.dma_semaphore, #tpu.memory_space<semaphore_mem>>)
      %dma_wait3A = arith.constant 0 : i32
      %dma_wait3A_30 = tpu.memref_slice %arg10[%add3A_19, %dma_wait3A] : memref<10240x128xf32, #tpu.memory_space<vmem_shared>> -> memref<128x128xf32, #tpu.memory_space<vmem_shared>>
      %dma_wait3A_31 = arith.constant 0 : i32
      %dma_wait3A_32 = tpu.memref_slice %arg10[%add3A_19, %dma_wait3A_31] : memref<10240x128xf32, #tpu.memory_space<vmem_shared>> -> memref<128x128xf32, #tpu.memory_space<vmem_shared>>
      tpu.wait_dma2 semaphore(%run_scoped3A : memref<!tpu.dma_semaphore, #tpu.memory_space<semaphore_mem>>) src(%arg8 : memref<128x128xf32, #tpu.memory_space<vmem>>) dst(%dma_wait3A_32 : memref<128x128xf32, #tpu.memory_space<vmem_shared>>)
      tpu.yield
    }) : () -> ()
    %barrier3A = arith.constant 0 : index
    tpu.barrier barrier_id(%barrier3A)
    %scan3A_20 = arith.constant 0 : i32
    %scan3A_21 = arith.constant 0 : i32
    %scan3A_22 = arith.constant 4 : i32
    %scan3A_23 = arith.addi %scan3A_21, %scan3A_22 : i32
    %scan3A_24 = arith.constant 1 : i32
    scf.for %scan3A_27 = %scan3A_21 to %scan3A_23 step %scan3A_24  : i32 {
      %mul3A_28 = arith.constant 40 : i32
      %mul3A_29 = arith.muli %scan3A_27, %mul3A_28 : i32
      %mul3A_30 = arith.constant 128 : i32
      %mul3A_31 = arith.muli %mul3A_29, %mul3A_30 : i32
      "tpu.region"() ({
        %run_scoped3A = tpu.sem_alloc : memref<!tpu.dma_semaphore, #tpu.memory_space<semaphore_mem>>
        %dma_start3A = tpu.memref_slice %arg3[%add3A_4, %arg1, %mul3A_31] : memref<2x16x20480xi32, #tpu.memory_space<hbm>> -> memref<1x1x5120xi32, #tpu.memory_space<hbm>>
        %dma_start3A_40 = tpu.memref_squeeze %dma_start3A : memref<1x1x5120xi32, #tpu.memory_space<hbm>> -> memref<5120xi32, #tpu.memory_space<hbm>>
        %dma_start3A_41 = tpu.memref_slice %arg3[%add3A_4, %arg1, %mul3A_31] : memref<2x16x20480xi32, #tpu.memory_space<hbm>> -> memref<1x1x5120xi32, #tpu.memory_space<hbm>>
        %dma_start3A_42 = tpu.memref_squeeze %dma_start3A_41 : memref<1x1x5120xi32, #tpu.memory_space<hbm>> -> memref<5120xi32, #tpu.memory_space<hbm>>
        tpu.enqueue_dma source(%dma_start3A_42 : memref<5120xi32, #tpu.memory_space<hbm>>) target(%arg6 : memref<5120xi32, #tpu.memory_space<vmem>>) target_semaphore(%run_scoped3A : memref<!tpu.dma_semaphore, #tpu.memory_space<semaphore_mem>>)
        %dma_wait3A = tpu.memref_slice %arg3[%add3A_4, %arg1, %mul3A_31] : memref<2x16x20480xi32, #tpu.memory_space<hbm>> -> memref<1x1x5120xi32, #tpu.memory_space<hbm>>
        %dma_wait3A_43 = tpu.memref_squeeze %dma_wait3A : memref<1x1x5120xi32, #tpu.memory_space<hbm>> -> memref<5120xi32, #tpu.memory_space<hbm>>
        %dma_wait3A_44 = tpu.memref_slice %arg3[%add3A_4, %arg1, %mul3A_31] : memref<2x16x20480xi32, #tpu.memory_space<hbm>> -> memref<1x1x5120xi32, #tpu.memory_space<hbm>>
        %dma_wait3A_45 = tpu.memref_squeeze %dma_wait3A_44 : memref<1x1x5120xi32, #tpu.memory_space<hbm>> -> memref<5120xi32, #tpu.memory_space<hbm>>
        tpu.wait_dma2 semaphore(%run_scoped3A : memref<!tpu.dma_semaphore, #tpu.memory_space<semaphore_mem>>) src(%dma_wait3A_45 : memref<5120xi32, #tpu.memory_space<hbm>>) dst(%arg6 : memref<5120xi32, #tpu.memory_space<vmem>>)
        tpu.yield
      }) : () -> ()
      %mul3A_32 = arith.constant 40 : i32
      %mul3A_33 = arith.muli %scan3A_27, %mul3A_32 : i32
      "tpu.region"() ({
        %run_scoped3A = tpu.sem_alloc : memref<!tpu.dma_semaphore, #tpu.memory_space<semaphore_mem>>
        %dma_start3A = arith.constant 0 : i32
        %dma_start3A_40 = tpu.memref_slice %arg4[%add3A_4, %arg1, %mul3A_33, %dma_start3A] : memref<2x16x160x128xi32, #tpu.memory_space<hbm>> -> memref<1x1x40x128xi32, #tpu.memory_space<hbm>>
        %dma_start3A_41 = tpu.memref_squeeze %dma_start3A_40 : memref<1x1x40x128xi32, #tpu.memory_space<hbm>> -> memref<40x128xi32, #tpu.memory_space<hbm>>
        %dma_start3A_42 = arith.constant 0 : i32
        %dma_start3A_43 = tpu.memref_slice %arg4[%add3A_4, %arg1, %mul3A_33, %dma_start3A_42] : memref<2x16x160x128xi32, #tpu.memory_space<hbm>> -> memref<1x1x40x128xi32, #tpu.memory_space<hbm>>
        %dma_start3A_44 = tpu.memref_squeeze %dma_start3A_43 : memref<1x1x40x128xi32, #tpu.memory_space<hbm>> -> memref<40x128xi32, #tpu.memory_space<hbm>>
        tpu.enqueue_dma source(%dma_start3A_44 : memref<40x128xi32, #tpu.memory_space<hbm>>) target(%arg7 : memref<40x128xi32, #tpu.memory_space<vmem>>) target_semaphore(%run_scoped3A : memref<!tpu.dma_semaphore, #tpu.memory_space<semaphore_mem>>)
        %dma_wait3A = arith.constant 0 : i32
        %dma_wait3A_45 = tpu.memref_slice %arg4[%add3A_4, %arg1, %mul3A_33, %dma_wait3A] : memref<2x16x160x128xi32, #tpu.memory_space<hbm>> -> memref<1x1x40x128xi32, #tpu.memory_space<hbm>>
        %dma_wait3A_46 = tpu.memref_squeeze %dma_wait3A_45 : memref<1x1x40x128xi32, #tpu.memory_space<hbm>> -> memref<40x128xi32, #tpu.memory_space<hbm>>
        %dma_wait3A_47 = arith.constant 0 : i32
        %dma_wait3A_48 = tpu.memref_slice %arg4[%add3A_4, %arg1, %mul3A_33, %dma_wait3A_47] : memref<2x16x160x128xi32, #tpu.memory_space<hbm>> -> memref<1x1x40x128xi32, #tpu.memory_space<hbm>>
        %dma_wait3A_49 = tpu.memref_squeeze %dma_wait3A_48 : memref<1x1x40x128xi32, #tpu.memory_space<hbm>> -> memref<40x128xi32, #tpu.memory_space<hbm>>
        tpu.wait_dma2 semaphore(%run_scoped3A : memref<!tpu.dma_semaphore, #tpu.memory_space<semaphore_mem>>) src(%dma_wait3A_49 : memref<40x128xi32, #tpu.memory_space<hbm>>) dst(%arg7 : memref<40x128xi32, #tpu.memory_space<vmem>>)
        tpu.yield
      }) : () -> ()
      %scan3A_34 = arith.constant 0 : i32
      %scan3A_35 = arith.constant 0 : i32
      %scan3A_36 = arith.constant 5 : i32
      %scan3A_37 = arith.addi %scan3A_35, %scan3A_36 : i32
      %scan3A_38 = arith.constant 1 : i32
      scf.for %scan3A_40 = %scan3A_35 to %scan3A_37 step %scan3A_38  : i32 {
        %mul3A_41 = arith.constant 8 : i32
        %mul3A_42 = arith.muli %scan3A_40, %mul3A_41 : i32
        %mul3A_43 = arith.constant 128 : i32
        %mul3A_44 = arith.muli %mul3A_42, %mul3A_43 : i32
        %dma_start3A = tpu.memref_slice %arg6[%mul3A_44] : memref<5120xi32, #tpu.memory_space<vmem>> -> memref<128xi32, #tpu.memory_space<vmem>>
        %dma_start3A_45 = arith.constant 0 : i32
        %dma_start3A_46 = arith.constant 0 : i32
        %dma_start3A_47 = tpu.memref_slice %arg2[%dma_start3A_45, %dma_start3A_46] : memref<20000x128xf32, #tpu.memory_space<hbm>> -> memref<20000x128xf32, #tpu.memory_space<hbm>>
        tpu.enqueue_indirect_dma source(%dma_start3A_47 : memref<20000x128xf32, #tpu.memory_space<hbm>>) target(%arg8 : memref<128x128xf32, #tpu.memory_space<vmem>>) offsets(%dma_start3A : memref<128xi32, #tpu.memory_space<vmem>>) semaphore(%arg11 : memref<!tpu.dma_semaphore, #tpu.memory_space<semaphore_mem>>)
        %add3A_48 = arith.constant 0 : i32
        %add3A_49 = arith.addi %mul3A_42, %add3A_48 : i32
        %add3A_50 = arith.constant 1 : i32
        %add3A_51 = arith.addi %add3A_49, %add3A_50 : i32
        %mul3A_52 = arith.constant 128 : i32
        %mul3A_53 = arith.muli %add3A_51, %mul3A_52 : i32
        %dma_start3A_54 = tpu.memref_slice %arg6[%mul3A_53] : memref<5120xi32, #tpu.memory_space<vmem>> -> memref<128xi32, #tpu.memory_space<vmem>>
        %dma_start3A_55 = arith.constant 0 : i32
        %dma_start3A_56 = arith.constant 0 : i32
        %dma_start3A_57 = tpu.memref_slice %arg2[%dma_start3A_55, %dma_start3A_56] : memref<20000x128xf32, #tpu.memory_space<hbm>> -> memref<20000x128xf32, #tpu.memory_space<hbm>>
        tpu.enqueue_indirect_dma source(%dma_start3A_57 : memref<20000x128xf32, #tpu.memory_space<hbm>>) target(%arg9 : memref<128x128xf32, #tpu.memory_space<vmem>>) offsets(%dma_start3A_54 : memref<128xi32, #tpu.memory_space<vmem>>) semaphore(%arg12 : memref<!tpu.dma_semaphore, #tpu.memory_space<semaphore_mem>>)
        %add3A_58 = arith.constant 0 : i32
        %add3A_59 = arith.addi %mul3A_42, %add3A_58 : i32
        %mul3A_60 = arith.constant 128 : i32
        %mul3A_61 = arith.muli %add3A_59, %mul3A_60 : i32
        %dma_wait3A = tpu.memref_slice %arg6[%mul3A_61] : memref<5120xi32, #tpu.memory_space<vmem>> -> memref<128xi32, #tpu.memory_space<vmem>>
        %dma_wait3A_62 = arith.constant 0 : i32
        %dma_wait3A_63 = arith.constant 0 : i32
        %dma_wait3A_64 = tpu.memref_slice %arg2[%dma_wait3A_62, %dma_wait3A_63] : memref<20000x128xf32, #tpu.memory_space<hbm>> -> memref<20000x128xf32, #tpu.memory_space<hbm>>
        tpu.wait_indirect_dma semaphore(%arg11 : memref<!tpu.dma_semaphore, #tpu.memory_space<semaphore_mem>>) src(%dma_wait3A_64 : memref<20000x128xf32, #tpu.memory_space<hbm>>) dst(%arg8 : memref<128x128xf32, #tpu.memory_space<vmem>>)
        %add3A_65 = arith.constant 0 : i32
        %add3A_66 = arith.addi %mul3A_42, %add3A_65 : i32
        "tpu.region"() ({
          %run_scoped3A = tpu.sem_alloc : memref<!tpu.dma_semaphore, #tpu.memory_space<semaphore_mem>>
          %dma_start3A_197 = arith.constant 0 : i32
          %dma_start3A_198 = tpu.memref_slice %arg7[%add3A_66, %dma_start3A_197] : memref<40x128xi32, #tpu.memory_space<vmem>> -> memref<1x128xi32, #tpu.memory_space<vmem>>
          %dma_start3A_199 = tpu.memref_squeeze %dma_start3A_198 : memref<1x128xi32, #tpu.memory_space<vmem>> -> memref<128xi32, #tpu.memory_space<vmem>>
          %dma_start3A_200 = arith.constant 0 : i32
          %dma_start3A_201 = arith.constant 0 : i32
          %dma_start3A_202 = tpu.memref_slice %arg10[%dma_start3A_200, %dma_start3A_201] : memref<10240x128xf32, #tpu.memory_space<vmem_shared>> -> memref<10240x128xf32, #tpu.memory_space<vmem_shared>>
          tpu.enqueue_indirect_dma source(%arg8 : memref<128x128xf32, #tpu.memory_space<vmem>>) target(%dma_start3A_202 : memref<10240x128xf32, #tpu.memory_space<vmem_shared>>) offsets(%dma_start3A_199 : memref<128xi32, #tpu.memory_space<vmem>>) semaphore(%run_scoped3A : memref<!tpu.dma_semaphore, #tpu.memory_space<semaphore_mem>>) {add = true}
          %dma_wait3A_203 = arith.constant 0 : i32
          %dma_wait3A_204 = tpu.memref_slice %arg7[%add3A_66, %dma_wait3A_203] : memref<40x128xi32, #tpu.memory_space<vmem>> -> memref<1x128xi32, #tpu.memory_space<vmem>>
          %dma_wait3A_205 = tpu.memref_squeeze %dma_wait3A_204 : memref<1x128xi32, #tpu.memory_space<vmem>> -> memref<128xi32, #tpu.memory_space<vmem>>
          %dma_wait3A_206 = arith.constant 0 : i32
          %dma_wait3A_207 = arith.constant 0 : i32
          %dma_wait3A_208 = tpu.memref_slice %arg10[%dma_wait3A_206, %dma_wait3A_207] : memref<10240x128xf32, #tpu.memory_space<vmem_shared>> -> memref<10240x128xf32, #tpu.memory_space<vmem_shared>>
          tpu.wait_indirect_dma semaphore(%run_scoped3A : memref<!tpu.dma_semaphore, #tpu.memory_space<semaphore_mem>>) src(%arg8 : memref<128x128xf32, #tpu.memory_space<vmem>>) dst(%dma_wait3A_208 : memref<10240x128xf32, #tpu.memory_space<vmem_shared>>)
          tpu.yield
        }) : () -> ()
        %add3A_67 = arith.constant 1 : i32
        %add3A_68 = arith.addi %mul3A_42, %add3A_67 : i32
        %add3A_69 = arith.constant 1 : i32
        %add3A_70 = arith.addi %add3A_68, %add3A_69 : i32
        %mul3A_71 = arith.constant 128 : i32
        %mul3A_72 = arith.muli %add3A_70, %mul3A_71 : i32
        %dma_start3A_73 = tpu.memref_slice %arg6[%mul3A_72] : memref<5120xi32, #tpu.memory_space<vmem>> -> memref<128xi32, #tpu.memory_space<vmem>>
        %dma_start3A_74 = arith.constant 0 : i32
        %dma_start3A_75 = arith.constant 0 : i32
        %dma_start3A_76 = tpu.memref_slice %arg2[%dma_start3A_74, %dma_start3A_75] : memref<20000x128xf32, #tpu.memory_space<hbm>> -> memref<20000x128xf32, #tpu.memory_space<hbm>>
        tpu.enqueue_indirect_dma source(%dma_start3A_76 : memref<20000x128xf32, #tpu.memory_space<hbm>>) target(%arg8 : memref<128x128xf32, #tpu.memory_space<vmem>>) offsets(%dma_start3A_73 : memref<128xi32, #tpu.memory_space<vmem>>) semaphore(%arg11 : memref<!tpu.dma_semaphore, #tpu.memory_space<semaphore_mem>>)
        %add3A_77 = arith.constant 1 : i32
        %add3A_78 = arith.addi %mul3A_42, %add3A_77 : i32
        %mul3A_79 = arith.constant 128 : i32
        %mul3A_80 = arith.muli %add3A_78, %mul3A_79 : i32
        %dma_wait3A_81 = tpu.memref_slice %arg6[%mul3A_80] : memref<5120xi32, #tpu.memory_space<vmem>> -> memref<128xi32, #tpu.memory_space<vmem>>
        %dma_wait3A_82 = arith.constant 0 : i32
        %dma_wait3A_83 = arith.constant 0 : i32
        %dma_wait3A_84 = tpu.memref_slice %arg2[%dma_wait3A_82, %dma_wait3A_83] : memref<20000x128xf32, #tpu.memory_space<hbm>> -> memref<20000x128xf32, #tpu.memory_space<hbm>>
        tpu.wait_indirect_dma semaphore(%arg12 : memref<!tpu.dma_semaphore, #tpu.memory_space<semaphore_mem>>) src(%dma_wait3A_84 : memref<20000x128xf32, #tpu.memory_space<hbm>>) dst(%arg9 : memref<128x128xf32, #tpu.memory_space<vmem>>)
        %add3A_85 = arith.constant 1 : i32
        %add3A_86 = arith.addi %mul3A_42, %add3A_85 : i32
        "tpu.region"() ({
          %run_scoped3A = tpu.sem_alloc : memref<!tpu.dma_semaphore, #tpu.memory_space<semaphore_mem>>
          %dma_start3A_197 = arith.constant 0 : i32
          %dma_start3A_198 = tpu.memref_slice %arg7[%add3A_86, %dma_start3A_197] : memref<40x128xi32, #tpu.memory_space<vmem>> -> memref<1x128xi32, #tpu.memory_space<vmem>>
          %dma_start3A_199 = tpu.memref_squeeze %dma_start3A_198 : memref<1x128xi32, #tpu.memory_space<vmem>> -> memref<128xi32, #tpu.memory_space<vmem>>
          %dma_start3A_200 = arith.constant 0 : i32
          %dma_start3A_201 = arith.constant 0 : i32
          %dma_start3A_202 = tpu.memref_slice %arg10[%dma_start3A_200, %dma_start3A_201] : memref<10240x128xf32, #tpu.memory_space<vmem_shared>> -> memref<10240x128xf32, #tpu.memory_space<vmem_shared>>
          tpu.enqueue_indirect_dma source(%arg9 : memref<128x128xf32, #tpu.memory_space<vmem>>) target(%dma_start3A_202 : memref<10240x128xf32, #tpu.memory_space<vmem_shared>>) offsets(%dma_start3A_199 : memref<128xi32, #tpu.memory_space<vmem>>) semaphore(%run_scoped3A : memref<!tpu.dma_semaphore, #tpu.memory_space<semaphore_mem>>) {add = true}
          %dma_wait3A_203 = arith.constant 0 : i32
          %dma_wait3A_204 = tpu.memref_slice %arg7[%add3A_86, %dma_wait3A_203] : memref<40x128xi32, #tpu.memory_space<vmem>> -> memref<1x128xi32, #tpu.memory_space<vmem>>
          %dma_wait3A_205 = tpu.memref_squeeze %dma_wait3A_204 : memref<1x128xi32, #tpu.memory_space<vmem>> -> memref<128xi32, #tpu.memory_space<vmem>>
          %dma_wait3A_206 = arith.constant 0 : i32
          %dma_wait3A_207 = arith.constant 0 : i32
          %dma_wait3A_208 = tpu.memref_slice %arg10[%dma_wait3A_206, %dma_wait3A_207] : memref<10240x128xf32, #tpu.memory_space<vmem_shared>> -> memref<10240x128xf32, #tpu.memory_space<vmem_shared>>
          tpu.wait_indirect_dma semaphore(%run_scoped3A : memref<!tpu.dma_semaphore, #tpu.memory_space<semaphore_mem>>) src(%arg9 : memref<128x128xf32, #tpu.memory_space<vmem>>) dst(%dma_wait3A_208 : memref<10240x128xf32, #tpu.memory_space<vmem_shared>>)
          tpu.yield
        }) : () -> ()
        %add3A_87 = arith.constant 2 : i32
        %add3A_88 = arith.addi %mul3A_42, %add3A_87 : i32
        %add3A_89 = arith.constant 1 : i32
        %add3A_90 = arith.addi %add3A_88, %add3A_89 : i32
        %mul3A_91 = arith.constant 128 : i32
        %mul3A_92 = arith.muli %add3A_90, %mul3A_91 : i32
        %dma_start3A_93 = tpu.memref_slice %arg6[%mul3A_92] : memref<5120xi32, #tpu.memory_space<vmem>> -> memref<128xi32, #tpu.memory_space<vmem>>
        %dma_start3A_94 = arith.constant 0 : i32
        %dma_start3A_95 = arith.constant 0 : i32
        %dma_start3A_96 = tpu.memref_slice %arg2[%dma_start3A_94, %dma_start3A_95] : memref<20000x128xf32, #tpu.memory_space<hbm>> -> memref<20000x128xf32, #tpu.memory_space<hbm>>
        tpu.enqueue_indirect_dma source(%dma_start3A_96 : memref<20000x128xf32, #tpu.memory_space<hbm>>) target(%arg9 : memref<128x128xf32, #tpu.memory_space<vmem>>) offsets(%dma_start3A_93 : memref<128xi32, #tpu.memory_space<vmem>>) semaphore(%arg12 : memref<!tpu.dma_semaphore, #tpu.memory_space<semaphore_mem>>)
        %add3A_97 = arith.constant 2 : i32
        %add3A_98 = arith.addi %mul3A_42, %add3A_97 : i32
        %mul3A_99 = arith.constant 128 : i32
        %mul3A_100 = arith.muli %add3A_98, %mul3A_99 : i32
        %dma_wait3A_101 = tpu.memref_slice %arg6[%mul3A_100] : memref<5120xi32, #tpu.memory_space<vmem>> -> memref<128xi32, #tpu.memory_space<vmem>>
        %dma_wait3A_102 = arith.constant 0 : i32
        %dma_wait3A_103 = arith.constant 0 : i32
        %dma_wait3A_104 = tpu.memref_slice %arg2[%dma_wait3A_102, %dma_wait3A_103] : memref<20000x128xf32, #tpu.memory_space<hbm>> -> memref<20000x128xf32, #tpu.memory_space<hbm>>
        tpu.wait_indirect_dma semaphore(%arg11 : memref<!tpu.dma_semaphore, #tpu.memory_space<semaphore_mem>>) src(%dma_wait3A_104 : memref<20000x128xf32, #tpu.memory_space<hbm>>) dst(%arg8 : memref<128x128xf32, #tpu.memory_space<vmem>>)
        %add3A_105 = arith.constant 2 : i32
        %add3A_106 = arith.addi %mul3A_42, %add3A_105 : i32
        "tpu.region"() ({
          %run_scoped3A = tpu.sem_alloc : memref<!tpu.dma_semaphore, #tpu.memory_space<semaphore_mem>>
          %dma_start3A_197 = arith.constant 0 : i32
          %dma_start3A_198 = tpu.memref_slice %arg7[%add3A_106, %dma_start3A_197] : memref<40x128xi32, #tpu.memory_space<vmem>> -> memref<1x128xi32, #tpu.memory_space<vmem>>
          %dma_start3A_199 = tpu.memref_squeeze %dma_start3A_198 : memref<1x128xi32, #tpu.memory_space<vmem>> -> memref<128xi32, #tpu.memory_space<vmem>>
          %dma_start3A_200 = arith.constant 0 : i32
          %dma_start3A_201 = arith.constant 0 : i32
          %dma_start3A_202 = tpu.memref_slice %arg10[%dma_start3A_200, %dma_start3A_201] : memref<10240x128xf32, #tpu.memory_space<vmem_shared>> -> memref<10240x128xf32, #tpu.memory_space<vmem_shared>>
          tpu.enqueue_indirect_dma source(%arg8 : memref<128x128xf32, #tpu.memory_space<vmem>>) target(%dma_start3A_202 : memref<10240x128xf32, #tpu.memory_space<vmem_shared>>) offsets(%dma_start3A_199 : memref<128xi32, #tpu.memory_space<vmem>>) semaphore(%run_scoped3A : memref<!tpu.dma_semaphore, #tpu.memory_space<semaphore_mem>>) {add = true}
          %dma_wait3A_203 = arith.constant 0 : i32
          %dma_wait3A_204 = tpu.memref_slice %arg7[%add3A_106, %dma_wait3A_203] : memref<40x128xi32, #tpu.memory_space<vmem>> -> memref<1x128xi32, #tpu.memory_space<vmem>>
          %dma_wait3A_205 = tpu.memref_squeeze %dma_wait3A_204 : memref<1x128xi32, #tpu.memory_space<vmem>> -> memref<128xi32, #tpu.memory_space<vmem>>
          %dma_wait3A_206 = arith.constant 0 : i32
          %dma_wait3A_207 = arith.constant 0 : i32
          %dma_wait3A_208 = tpu.memref_slice %arg10[%dma_wait3A_206, %dma_wait3A_207] : memref<10240x128xf32, #tpu.memory_space<vmem_shared>> -> memref<10240x128xf32, #tpu.memory_space<vmem_shared>>
          tpu.wait_indirect_dma semaphore(%run_scoped3A : memref<!tpu.dma_semaphore, #tpu.memory_space<semaphore_mem>>) src(%arg8 : memref<128x128xf32, #tpu.memory_space<vmem>>) dst(%dma_wait3A_208 : memref<10240x128xf32, #tpu.memory_space<vmem_shared>>)
          tpu.yield
        }) : () -> ()
        %add3A_107 = arith.constant 3 : i32
        %add3A_108 = arith.addi %mul3A_42, %add3A_107 : i32
        %add3A_109 = arith.constant 1 : i32
        %add3A_110 = arith.addi %add3A_108, %add3A_109 : i32
        %mul3A_111 = arith.constant 128 : i32
        %mul3A_112 = arith.muli %add3A_110, %mul3A_111 : i32
        %dma_start3A_113 = tpu.memref_slice %arg6[%mul3A_112] : memref<5120xi32, #tpu.memory_space<vmem>> -> memref<128xi32, #tpu.memory_space<vmem>>
        %dma_start3A_114 = arith.constant 0 : i32
        %dma_start3A_115 = arith.constant 0 : i32
        %dma_start3A_116 = tpu.memref_slice %arg2[%dma_start3A_114, %dma_start3A_115] : memref<20000x128xf32, #tpu.memory_space<hbm>> -> memref<20000x128xf32, #tpu.memory_space<hbm>>
        tpu.enqueue_indirect_dma source(%dma_start3A_116 : memref<20000x128xf32, #tpu.memory_space<hbm>>) target(%arg8 : memref<128x128xf32, #tpu.memory_space<vmem>>) offsets(%dma_start3A_113 : memref<128xi32, #tpu.memory_space<vmem>>) semaphore(%arg11 : memref<!tpu.dma_semaphore, #tpu.memory_space<semaphore_mem>>)
        %add3A_117 = arith.constant 3 : i32
        %add3A_118 = arith.addi %mul3A_42, %add3A_117 : i32
        %mul3A_119 = arith.constant 128 : i32
        %mul3A_120 = arith.muli %add3A_118, %mul3A_119 : i32
        %dma_wait3A_121 = tpu.memref_slice %arg6[%mul3A_120] : memref<5120xi32, #tpu.memory_space<vmem>> -> memref<128xi32, #tpu.memory_space<vmem>>
        %dma_wait3A_122 = arith.constant 0 : i32
        %dma_wait3A_123 = arith.constant 0 : i32
        %dma_wait3A_124 = tpu.memref_slice %arg2[%dma_wait3A_122, %dma_wait3A_123] : memref<20000x128xf32, #tpu.memory_space<hbm>> -> memref<20000x128xf32, #tpu.memory_space<hbm>>
        tpu.wait_indirect_dma semaphore(%arg12 : memref<!tpu.dma_semaphore, #tpu.memory_space<semaphore_mem>>) src(%dma_wait3A_124 : memref<20000x128xf32, #tpu.memory_space<hbm>>) dst(%arg9 : memref<128x128xf32, #tpu.memory_space<vmem>>)
        %add3A_125 = arith.constant 3 : i32
        %add3A_126 = arith.addi %mul3A_42, %add3A_125 : i32
        "tpu.region"() ({
          %run_scoped3A = tpu.sem_alloc : memref<!tpu.dma_semaphore, #tpu.memory_space<semaphore_mem>>
          %dma_start3A_197 = arith.constant 0 : i32
          %dma_start3A_198 = tpu.memref_slice %arg7[%add3A_126, %dma_start3A_197] : memref<40x128xi32, #tpu.memory_space<vmem>> -> memref<1x128xi32, #tpu.memory_space<vmem>>
          %dma_start3A_199 = tpu.memref_squeeze %dma_start3A_198 : memref<1x128xi32, #tpu.memory_space<vmem>> -> memref<128xi32, #tpu.memory_space<vmem>>
          %dma_start3A_200 = arith.constant 0 : i32
          %dma_start3A_201 = arith.constant 0 : i32
          %dma_start3A_202 = tpu.memref_slice %arg10[%dma_start3A_200, %dma_start3A_201] : memref<10240x128xf32, #tpu.memory_space<vmem_shared>> -> memref<10240x128xf32, #tpu.memory_space<vmem_shared>>
          tpu.enqueue_indirect_dma source(%arg9 : memref<128x128xf32, #tpu.memory_space<vmem>>) target(%dma_start3A_202 : memref<10240x128xf32, #tpu.memory_space<vmem_shared>>) offsets(%dma_start3A_199 : memref<128xi32, #tpu.memory_space<vmem>>) semaphore(%run_scoped3A : memref<!tpu.dma_semaphore, #tpu.memory_space<semaphore_mem>>) {add = true}
          %dma_wait3A_203 = arith.constant 0 : i32
          %dma_wait3A_204 = tpu.memref_slice %arg7[%add3A_126, %dma_wait3A_203] : memref<40x128xi32, #tpu.memory_space<vmem>> -> memref<1x128xi32, #tpu.memory_space<vmem>>
          %dma_wait3A_205 = tpu.memref_squeeze %dma_wait3A_204 : memref<1x128xi32, #tpu.memory_space<vmem>> -> memref<128xi32, #tpu.memory_space<vmem>>
          %dma_wait3A_206 = arith.constant 0 : i32
          %dma_wait3A_207 = arith.constant 0 : i32
          %dma_wait3A_208 = tpu.memref_slice %arg10[%dma_wait3A_206, %dma_wait3A_207] : memref<10240x128xf32, #tpu.memory_space<vmem_shared>> -> memref<10240x128xf32, #tpu.memory_space<vmem_shared>>
          tpu.wait_indirect_dma semaphore(%run_scoped3A : memref<!tpu.dma_semaphore, #tpu.memory_space<semaphore_mem>>) src(%arg9 : memref<128x128xf32, #tpu.memory_space<vmem>>) dst(%dma_wait3A_208 : memref<10240x128xf32, #tpu.memory_space<vmem_shared>>)
          tpu.yield
        }) : () -> ()
        %add3A_127 = arith.constant 4 : i32
        %add3A_128 = arith.addi %mul3A_42, %add3A_127 : i32
        %add3A_129 = arith.constant 1 : i32
        %add3A_130 = arith.addi %add3A_128, %add3A_129 : i32
        %mul3A_131 = arith.constant 128 : i32
        %mul3A_132 = arith.muli %add3A_130, %mul3A_131 : i32
        %dma_start3A_133 = tpu.memref_slice %arg6[%mul3A_132] : memref<5120xi32, #tpu.memory_space<vmem>> -> memref<128xi32, #tpu.memory_space<vmem>>
        %dma_start3A_134 = arith.constant 0 : i32
        %dma_start3A_135 = arith.constant 0 : i32
        %dma_start3A_136 = tpu.memref_slice %arg2[%dma_start3A_134, %dma_start3A_135] : memref<20000x128xf32, #tpu.memory_space<hbm>> -> memref<20000x128xf32, #tpu.memory_space<hbm>>
        tpu.enqueue_indirect_dma source(%dma_start3A_136 : memref<20000x128xf32, #tpu.memory_space<hbm>>) target(%arg9 : memref<128x128xf32, #tpu.memory_space<vmem>>) offsets(%dma_start3A_133 : memref<128xi32, #tpu.memory_space<vmem>>) semaphore(%arg12 : memref<!tpu.dma_semaphore, #tpu.memory_space<semaphore_mem>>)
        %add3A_137 = arith.constant 4 : i32
        %add3A_138 = arith.addi %mul3A_42, %add3A_137 : i32
        %mul3A_139 = arith.constant 128 : i32
        %mul3A_140 = arith.muli %add3A_138, %mul3A_139 : i32
        %dma_wait3A_141 = tpu.memref_slice %arg6[%mul3A_140] : memref<5120xi32, #tpu.memory_space<vmem>> -> memref<128xi32, #tpu.memory_space<vmem>>
        %dma_wait3A_142 = arith.constant 0 : i32
        %dma_wait3A_143 = arith.constant 0 : i32
        %dma_wait3A_144 = tpu.memref_slice %arg2[%dma_wait3A_142, %dma_wait3A_143] : memref<20000x128xf32, #tpu.memory_space<hbm>> -> memref<20000x128xf32, #tpu.memory_space<hbm>>
        tpu.wait_indirect_dma semaphore(%arg11 : memref<!tpu.dma_semaphore, #tpu.memory_space<semaphore_mem>>) src(%dma_wait3A_144 : memref<20000x128xf32, #tpu.memory_space<hbm>>) dst(%arg8 : memref<128x128xf32, #tpu.memory_space<vmem>>)
        %add3A_145 = arith.constant 4 : i32
        %add3A_146 = arith.addi %mul3A_42, %add3A_145 : i32
        "tpu.region"() ({
          %run_scoped3A = tpu.sem_alloc : memref<!tpu.dma_semaphore, #tpu.memory_space<semaphore_mem>>
          %dma_start3A_197 = arith.constant 0 : i32
          %dma_start3A_198 = tpu.memref_slice %arg7[%add3A_146, %dma_start3A_197] : memref<40x128xi32, #tpu.memory_space<vmem>> -> memref<1x128xi32, #tpu.memory_space<vmem>>
          %dma_start3A_199 = tpu.memref_squeeze %dma_start3A_198 : memref<1x128xi32, #tpu.memory_space<vmem>> -> memref<128xi32, #tpu.memory_space<vmem>>
          %dma_start3A_200 = arith.constant 0 : i32
          %dma_start3A_201 = arith.constant 0 : i32
          %dma_start3A_202 = tpu.memref_slice %arg10[%dma_start3A_200, %dma_start3A_201] : memref<10240x128xf32, #tpu.memory_space<vmem_shared>> -> memref<10240x128xf32, #tpu.memory_space<vmem_shared>>
          tpu.enqueue_indirect_dma source(%arg8 : memref<128x128xf32, #tpu.memory_space<vmem>>) target(%dma_start3A_202 : memref<10240x128xf32, #tpu.memory_space<vmem_shared>>) offsets(%dma_start3A_199 : memref<128xi32, #tpu.memory_space<vmem>>) semaphore(%run_scoped3A : memref<!tpu.dma_semaphore, #tpu.memory_space<semaphore_mem>>) {add = true}
          %dma_wait3A_203 = arith.constant 0 : i32
          %dma_wait3A_204 = tpu.memref_slice %arg7[%add3A_146, %dma_wait3A_203] : memref<40x128xi32, #tpu.memory_space<vmem>> -> memref<1x128xi32, #tpu.memory_space<vmem>>
          %dma_wait3A_205 = tpu.memref_squeeze %dma_wait3A_204 : memref<1x128xi32, #tpu.memory_space<vmem>> -> memref<128xi32, #tpu.memory_space<vmem>>
          %dma_wait3A_206 = arith.constant 0 : i32
          %dma_wait3A_207 = arith.constant 0 : i32
          %dma_wait3A_208 = tpu.memref_slice %arg10[%dma_wait3A_206, %dma_wait3A_207] : memref<10240x128xf32, #tpu.memory_space<vmem_shared>> -> memref<10240x128xf32, #tpu.memory_space<vmem_shared>>
          tpu.wait_indirect_dma semaphore(%run_scoped3A : memref<!tpu.dma_semaphore, #tpu.memory_space<semaphore_mem>>) src(%arg8 : memref<128x128xf32, #tpu.memory_space<vmem>>) dst(%dma_wait3A_208 : memref<10240x128xf32, #tpu.memory_space<vmem_shared>>)
          tpu.yield
        }) : () -> ()
        %add3A_147 = arith.constant 5 : i32
        %add3A_148 = arith.addi %mul3A_42, %add3A_147 : i32
        %add3A_149 = arith.constant 1 : i32
        %add3A_150 = arith.addi %add3A_148, %add3A_149 : i32
        %mul3A_151 = arith.constant 128 : i32
        %mul3A_152 = arith.muli %add3A_150, %mul3A_151 : i32
        %dma_start3A_153 = tpu.memref_slice %arg6[%mul3A_152] : memref<5120xi32, #tpu.memory_space<vmem>> -> memref<128xi32, #tpu.memory_space<vmem>>
        %dma_start3A_154 = arith.constant 0 : i32
        %dma_start3A_155 = arith.constant 0 : i32
        %dma_start3A_156 = tpu.memref_slice %arg2[%dma_start3A_154, %dma_start3A_155] : memref<20000x128xf32, #tpu.memory_space<hbm>> -> memref<20000x128xf32, #tpu.memory_space<hbm>>
        tpu.enqueue_indirect_dma source(%dma_start3A_156 : memref<20000x128xf32, #tpu.memory_space<hbm>>) target(%arg8 : memref<128x128xf32, #tpu.memory_space<vmem>>) offsets(%dma_start3A_153 : memref<128xi32, #tpu.memory_space<vmem>>) semaphore(%arg11 : memref<!tpu.dma_semaphore, #tpu.memory_space<semaphore_mem>>)
        %add3A_157 = arith.constant 5 : i32
        %add3A_158 = arith.addi %mul3A_42, %add3A_157 : i32
        %mul3A_159 = arith.constant 128 : i32
        %mul3A_160 = arith.muli %add3A_158, %mul3A_159 : i32
        %dma_wait3A_161 = tpu.memref_slice %arg6[%mul3A_160] : memref<5120xi32, #tpu.memory_space<vmem>> -> memref<128xi32, #tpu.memory_space<vmem>>
        %dma_wait3A_162 = arith.constant 0 : i32
        %dma_wait3A_163 = arith.constant 0 : i32
        %dma_wait3A_164 = tpu.memref_slice %arg2[%dma_wait3A_162, %dma_wait3A_163] : memref<20000x128xf32, #tpu.memory_space<hbm>> -> memref<20000x128xf32, #tpu.memory_space<hbm>>
        tpu.wait_indirect_dma semaphore(%arg12 : memref<!tpu.dma_semaphore, #tpu.memory_space<semaphore_mem>>) src(%dma_wait3A_164 : memref<20000x128xf32, #tpu.memory_space<hbm>>) dst(%arg9 : memref<128x128xf32, #tpu.memory_space<vmem>>)
        %add3A_165 = arith.constant 5 : i32
        %add3A_166 = arith.addi %mul3A_42, %add3A_165 : i32
        "tpu.region"() ({
          %run_scoped3A = tpu.sem_alloc : memref<!tpu.dma_semaphore, #tpu.memory_space<semaphore_mem>>
          %dma_start3A_197 = arith.constant 0 : i32
          %dma_start3A_198 = tpu.memref_slice %arg7[%add3A_166, %dma_start3A_197] : memref<40x128xi32, #tpu.memory_space<vmem>> -> memref<1x128xi32, #tpu.memory_space<vmem>>
          %dma_start3A_199 = tpu.memref_squeeze %dma_start3A_198 : memref<1x128xi32, #tpu.memory_space<vmem>> -> memref<128xi32, #tpu.memory_space<vmem>>
          %dma_start3A_200 = arith.constant 0 : i32
          %dma_start3A_201 = arith.constant 0 : i32
          %dma_start3A_202 = tpu.memref_slice %arg10[%dma_start3A_200, %dma_start3A_201] : memref<10240x128xf32, #tpu.memory_space<vmem_shared>> -> memref<10240x128xf32, #tpu.memory_space<vmem_shared>>
          tpu.enqueue_indirect_dma source(%arg9 : memref<128x128xf32, #tpu.memory_space<vmem>>) target(%dma_start3A_202 : memref<10240x128xf32, #tpu.memory_space<vmem_shared>>) offsets(%dma_start3A_199 : memref<128xi32, #tpu.memory_space<vmem>>) semaphore(%run_scoped3A : memref<!tpu.dma_semaphore, #tpu.memory_space<semaphore_mem>>) {add = true}
          %dma_wait3A_203 = arith.constant 0 : i32
          %dma_wait3A_204 = tpu.memref_slice %arg7[%add3A_166, %dma_wait3A_203] : memref<40x128xi32, #tpu.memory_space<vmem>> -> memref<1x128xi32, #tpu.memory_space<vmem>>
          %dma_wait3A_205 = tpu.memref_squeeze %dma_wait3A_204 : memref<1x128xi32, #tpu.memory_space<vmem>> -> memref<128xi32, #tpu.memory_space<vmem>>
          %dma_wait3A_206 = arith.constant 0 : i32
          %dma_wait3A_207 = arith.constant 0 : i32
          %dma_wait3A_208 = tpu.memref_slice %arg10[%dma_wait3A_206, %dma_wait3A_207] : memref<10240x128xf32, #tpu.memory_space<vmem_shared>> -> memref<10240x128xf32, #tpu.memory_space<vmem_shared>>
          tpu.wait_indirect_dma semaphore(%run_scoped3A : memref<!tpu.dma_semaphore, #tpu.memory_space<semaphore_mem>>) src(%arg9 : memref<128x128xf32, #tpu.memory_space<vmem>>) dst(%dma_wait3A_208 : memref<10240x128xf32, #tpu.memory_space<vmem_shared>>)
          tpu.yield
        }) : () -> ()
        %add3A_167 = arith.constant 6 : i32
        %add3A_168 = arith.addi %mul3A_42, %add3A_167 : i32
        %add3A_169 = arith.constant 1 : i32
        %add3A_170 = arith.addi %add3A_168, %add3A_169 : i32
        %mul3A_171 = arith.constant 128 : i32
        %mul3A_172 = arith.muli %add3A_170, %mul3A_171 : i32
        %dma_start3A_173 = tpu.memref_slice %arg6[%mul3A_172] : memref<5120xi32, #tpu.memory_space<vmem>> -> memref<128xi32, #tpu.memory_space<vmem>>
        %dma_start3A_174 = arith.constant 0 : i32
        %dma_start3A_175 = arith.constant 0 : i32
        %dma_start3A_176 = tpu.memref_slice %arg2[%dma_start3A_174, %dma_start3A_175] : memref<20000x128xf32, #tpu.memory_space<hbm>> -> memref<20000x128xf32, #tpu.memory_space<hbm>>
        tpu.enqueue_indirect_dma source(%dma_start3A_176 : memref<20000x128xf32, #tpu.memory_space<hbm>>) target(%arg9 : memref<128x128xf32, #tpu.memory_space<vmem>>) offsets(%dma_start3A_173 : memref<128xi32, #tpu.memory_space<vmem>>) semaphore(%arg12 : memref<!tpu.dma_semaphore, #tpu.memory_space<semaphore_mem>>)
        %add3A_177 = arith.constant 6 : i32
        %add3A_178 = arith.addi %mul3A_42, %add3A_177 : i32
        %mul3A_179 = arith.constant 128 : i32
        %mul3A_180 = arith.muli %add3A_178, %mul3A_179 : i32
        %dma_wait3A_181 = tpu.memref_slice %arg6[%mul3A_180] : memref<5120xi32, #tpu.memory_space<vmem>> -> memref<128xi32, #tpu.memory_space<vmem>>
        %dma_wait3A_182 = arith.constant 0 : i32
        %dma_wait3A_183 = arith.constant 0 : i32
        %dma_wait3A_184 = tpu.memref_slice %arg2[%dma_wait3A_182, %dma_wait3A_183] : memref<20000x128xf32, #tpu.memory_space<hbm>> -> memref<20000x128xf32, #tpu.memory_space<hbm>>
        tpu.wait_indirect_dma semaphore(%arg11 : memref<!tpu.dma_semaphore, #tpu.memory_space<semaphore_mem>>) src(%dma_wait3A_184 : memref<20000x128xf32, #tpu.memory_space<hbm>>) dst(%arg8 : memref<128x128xf32, #tpu.memory_space<vmem>>)
        %add3A_185 = arith.constant 6 : i32
        %add3A_186 = arith.addi %mul3A_42, %add3A_185 : i32
        "tpu.region"() ({
          %run_scoped3A = tpu.sem_alloc : memref<!tpu.dma_semaphore, #tpu.memory_space<semaphore_mem>>
          %dma_start3A_197 = arith.constant 0 : i32
          %dma_start3A_198 = tpu.memref_slice %arg7[%add3A_186, %dma_start3A_197] : memref<40x128xi32, #tpu.memory_space<vmem>> -> memref<1x128xi32, #tpu.memory_space<vmem>>
          %dma_start3A_199 = tpu.memref_squeeze %dma_start3A_198 : memref<1x128xi32, #tpu.memory_space<vmem>> -> memref<128xi32, #tpu.memory_space<vmem>>
          %dma_start3A_200 = arith.constant 0 : i32
          %dma_start3A_201 = arith.constant 0 : i32
          %dma_start3A_202 = tpu.memref_slice %arg10[%dma_start3A_200, %dma_start3A_201] : memref<10240x128xf32, #tpu.memory_space<vmem_shared>> -> memref<10240x128xf32, #tpu.memory_space<vmem_shared>>
          tpu.enqueue_indirect_dma source(%arg8 : memref<128x128xf32, #tpu.memory_space<vmem>>) target(%dma_start3A_202 : memref<10240x128xf32, #tpu.memory_space<vmem_shared>>) offsets(%dma_start3A_199 : memref<128xi32, #tpu.memory_space<vmem>>) semaphore(%run_scoped3A : memref<!tpu.dma_semaphore, #tpu.memory_space<semaphore_mem>>) {add = true}
          %dma_wait3A_203 = arith.constant 0 : i32
          %dma_wait3A_204 = tpu.memref_slice %arg7[%add3A_186, %dma_wait3A_203] : memref<40x128xi32, #tpu.memory_space<vmem>> -> memref<1x128xi32, #tpu.memory_space<vmem>>
          %dma_wait3A_205 = tpu.memref_squeeze %dma_wait3A_204 : memref<1x128xi32, #tpu.memory_space<vmem>> -> memref<128xi32, #tpu.memory_space<vmem>>
          %dma_wait3A_206 = arith.constant 0 : i32
          %dma_wait3A_207 = arith.constant 0 : i32
          %dma_wait3A_208 = tpu.memref_slice %arg10[%dma_wait3A_206, %dma_wait3A_207] : memref<10240x128xf32, #tpu.memory_space<vmem_shared>> -> memref<10240x128xf32, #tpu.memory_space<vmem_shared>>
          tpu.wait_indirect_dma semaphore(%run_scoped3A : memref<!tpu.dma_semaphore, #tpu.memory_space<semaphore_mem>>) src(%arg8 : memref<128x128xf32, #tpu.memory_space<vmem>>) dst(%dma_wait3A_208 : memref<10240x128xf32, #tpu.memory_space<vmem_shared>>)
          tpu.yield
        }) : () -> ()
        %add3A_187 = arith.constant 7 : i32
        %add3A_188 = arith.addi %mul3A_42, %add3A_187 : i32
        %mul3A_189 = arith.constant 128 : i32
        %mul3A_190 = arith.muli %add3A_188, %mul3A_189 : i32
        %dma_wait3A_191 = tpu.memref_slice %arg6[%mul3A_190] : memref<5120xi32, #tpu.memory_space<vmem>> -> memref<128xi32, #tpu.memory_space<vmem>>
        %dma_wait3A_192 = arith.constant 0 : i32
        %dma_wait3A_193 = arith.constant 0 : i32
        %dma_wait3A_194 = tpu.memref_slice %arg2[%dma_wait3A_192, %dma_wait3A_193] : memref<20000x128xf32, #tpu.memory_space<hbm>> -> memref<20000x128xf32, #tpu.memory_space<hbm>>
        tpu.wait_indirect_dma semaphore(%arg12 : memref<!tpu.dma_semaphore, #tpu.memory_space<semaphore_mem>>) src(%dma_wait3A_194 : memref<20000x128xf32, #tpu.memory_space<hbm>>) dst(%arg9 : memref<128x128xf32, #tpu.memory_space<vmem>>)
        %add3A_195 = arith.constant 7 : i32
        %add3A_196 = arith.addi %mul3A_42, %add3A_195 : i32
        "tpu.region"() ({
          %run_scoped3A = tpu.sem_alloc : memref<!tpu.dma_semaphore, #tpu.memory_space<semaphore_mem>>
          %dma_start3A_197 = arith.constant 0 : i32
          %dma_start3A_198 = tpu.memref_slice %arg7[%add3A_196, %dma_start3A_197] : memref<40x128xi32, #tpu.memory_space<vmem>> -> memref<1x128xi32, #tpu.memory_space<vmem>>
          %dma_start3A_199 = tpu.memref_squeeze %dma_start3A_198 : memref<1x128xi32, #tpu.memory_space<vmem>> -> memref<128xi32, #tpu.memory_space<vmem>>
          %dma_start3A_200 = arith.constant 0 : i32
          %dma_start3A_201 = arith.constant 0 : i32
          %dma_start3A_202 = tpu.memref_slice %arg10[%dma_start3A_200, %dma_start3A_201] : memref<10240x128xf32, #tpu.memory_space<vmem_shared>> -> memref<10240x128xf32, #tpu.memory_space<vmem_shared>>
          tpu.enqueue_indirect_dma source(%arg9 : memref<128x128xf32, #tpu.memory_space<vmem>>) target(%dma_start3A_202 : memref<10240x128xf32, #tpu.memory_space<vmem_shared>>) offsets(%dma_start3A_199 : memref<128xi32, #tpu.memory_space<vmem>>) semaphore(%run_scoped3A : memref<!tpu.dma_semaphore, #tpu.memory_space<semaphore_mem>>) {add = true}
          %dma_wait3A_203 = arith.constant 0 : i32
          %dma_wait3A_204 = tpu.memref_slice %arg7[%add3A_196, %dma_wait3A_203] : memref<40x128xi32, #tpu.memory_space<vmem>> -> memref<1x128xi32, #tpu.memory_space<vmem>>
          %dma_wait3A_205 = tpu.memref_squeeze %dma_wait3A_204 : memref<1x128xi32, #tpu.memory_space<vmem>> -> memref<128xi32, #tpu.memory_space<vmem>>
          %dma_wait3A_206 = arith.constant 0 : i32
          %dma_wait3A_207 = arith.constant 0 : i32
          %dma_wait3A_208 = tpu.memref_slice %arg10[%dma_wait3A_206, %dma_wait3A_207] : memref<10240x128xf32, #tpu.memory_space<vmem_shared>> -> memref<10240x128xf32, #tpu.memory_space<vmem_shared>>
          tpu.wait_indirect_dma semaphore(%run_scoped3A : memref<!tpu.dma_semaphore, #tpu.memory_space<semaphore_mem>>) src(%arg9 : memref<128x128xf32, #tpu.memory_space<vmem>>) dst(%dma_wait3A_208 : memref<10240x128xf32, #tpu.memory_space<vmem_shared>>)
          tpu.yield
        }) : () -> ()
      }
      %scan3A_39 = arith.constant 5 : i32
    }
    %scan3A_25 = arith.constant 4 : i32
    %barrier3A_26 = arith.constant 0 : index
    tpu.barrier barrier_id(%barrier3A_26)
    "tpu.region"() ({
      %run_scoped3A = tpu.sem_alloc : memref<!tpu.dma_semaphore, #tpu.memory_space<semaphore_mem>>
      %dma_start3A = arith.constant 0 : i32
      %dma_start3A_27 = tpu.memref_slice %arg5[%add3A_4, %mul3A_0, %dma_start3A] : memref<2x10240x128xf32, #tpu.memory_space<hbm>> -> memref<1x640x128xf32, #tpu.memory_space<hbm>>
      %dma_start3A_28 = tpu.memref_squeeze %dma_start3A_27 : memref<1x640x128xf32, #tpu.memory_space<hbm>> -> memref<640x128xf32, #tpu.memory_space<hbm>>
      %dma_start3A_29 = arith.constant 0 : i32
      %dma_start3A_30 = tpu.memref_slice %arg10[%mul3A_0, %dma_start3A_29] : memref<10240x128xf32, #tpu.memory_space<vmem_shared>> -> memref<640x128xf32, #tpu.memory_space<vmem_shared>>
      tpu.enqueue_dma source(%dma_start3A_30 : memref<640x128xf32, #tpu.memory_space<vmem_shared>>) target(%dma_start3A_28 : memref<640x128xf32, #tpu.memory_space<hbm>>) target_semaphore(%run_scoped3A : memref<!tpu.dma_semaphore, #tpu.memory_space<semaphore_mem>>)
      %dma_wait3A = arith.constant 0 : i32
      %dma_wait3A_31 = tpu.memref_slice %arg5[%add3A_4, %mul3A_0, %dma_wait3A] : memref<2x10240x128xf32, #tpu.memory_space<hbm>> -> memref<1x640x128xf32, #tpu.memory_space<hbm>>
      %dma_wait3A_32 = tpu.memref_squeeze %dma_wait3A_31 : memref<1x640x128xf32, #tpu.memory_space<hbm>> -> memref<640x128xf32, #tpu.memory_space<hbm>>
      %dma_wait3A_33 = arith.constant 0 : i32
      %dma_wait3A_34 = tpu.memref_slice %arg10[%mul3A_0, %dma_wait3A_33] : memref<10240x128xf32, #tpu.memory_space<vmem_shared>> -> memref<640x128xf32, #tpu.memory_space<vmem_shared>>
      tpu.wait_dma2 semaphore(%run_scoped3A : memref<!tpu.dma_semaphore, #tpu.memory_space<semaphore_mem>>) src(%dma_wait3A_34 : memref<640x128xf32, #tpu.memory_space<vmem_shared>>) dst(%dma_wait3A_32 : memref<640x128xf32, #tpu.memory_space<hbm>>)
      tpu.yield
    }) : () -> ()
    return
  }
}

module attributes {stable_mosaic.version = 14 : i64} {
  func.func @_k_in_body(%arg0: i32, %arg1: memref<1000x128xf32, #tpu.memory_space<vmem>>, %arg2: memref<128x512xf32, #tpu.memory_space<vmem>>, %arg3: memref<512xf32, #tpu.memory_space<vmem>>, %arg4: memref<1000x128xf32, #tpu.memory_space<vmem>>, %arg5: memref<1000x128xf32, #tpu.memory_space<vmem>>, %arg6: memref<1000x512xf32, #tpu.memory_space<vmem>>, %arg7: memref<1000x1xf32, #tpu.memory_space<vmem>>) attributes {dimension_semantics = [#tpu.dimension_semantics<arbitrary>], iteration_bounds = array<i64: 10>, scalar_prefetch = 0 : i64, scratch_operands = 0 : i64, tpu.core_type = #tpu.core_type<tc>, window_params = [{transform_indices = @transform_0, window_bounds = array<i64: 1000, 128>}, {pipeline_mode = #tpu.pipeline_mode<synchronous>, transform_indices = @transform_1, window_bounds = array<i64: 128, 512>}, {pipeline_mode = #tpu.pipeline_mode<synchronous>, transform_indices = @transform_2, window_bounds = array<i64: 512>}, {transform_indices = @transform_3, window_bounds = array<i64: 1000, 128>}, {transform_indices = @transform_4, window_bounds = array<i64: 1000, 128>}, {transform_indices = @transform_5, window_bounds = array<i64: 1000, 512>}, {transform_indices = @transform_6, window_bounds = array<i64: 1000, 1>}]} {
    %get3A = arith.constant 0 : index
    %get3A_0 = arith.constant 0 : index
    %get3A_1 = vector.load %arg1[%get3A, %get3A_0] : memref<1000x128xf32, #tpu.memory_space<vmem>>, vector<1000x128xf32>
    %get3A_2 = arith.constant 0 : index
    %get3A_3 = arith.constant 0 : index
    %get3A_4 = vector.load %arg2[%get3A_2, %get3A_3] : memref<128x512xf32, #tpu.memory_space<vmem>>, vector<128x512xf32>
    %dot_general3A = arith.constant dense<0.000000e+00> : vector<1000x512xf32>
    %dot_general3A_5 = tpu.matmul %get3A_1, %get3A_4, %dot_general3A {dimension_numbers = #tpu.dot_dimension_numbers<[1], [0], [0], [1], [0, 0, 1, 1], [], []>, transpose_lhs_hint = false} : vector<1000x128xf32>, vector<128x512xf32>, vector<1000x512xf32> -> vector<1000x512xf32>
    %get3A_6 = arith.constant 0 : index
    %get3A_7 = vector.load %arg3[%get3A_6] : memref<512xf32, #tpu.memory_space<vmem>>, vector<512xf32>
    %broadcast_in_dim3A = vector.shape_cast %get3A_7 : vector<512xf32> to vector<1x512xf32>
    %add3A = vector.broadcast %broadcast_in_dim3A : vector<1x512xf32> to vector<1000x512xf32>
    %add3A_8 = arith.addf %dot_general3A_5, %add3A : vector<1000x512xf32>
    %max3A = arith.constant 0.000000e+00 : f32
    %max3A_9 = vector.broadcast %max3A : f32 to vector<1000x512xf32>
    %max3A_10 = arith.maximumf %add3A_8, %max3A_9 : vector<1000x512xf32>
    %swap3A = arith.constant 0 : index
    %swap3A_11 = arith.constant 0 : index
    %swap3A_12 = vector.load %arg6[%swap3A, %swap3A_11] : memref<1000x512xf32, #tpu.memory_space<vmem>>, vector<1000x512xf32>
    tpu.vector_store %arg6[%swap3A, %swap3A_11], %max3A_10 {strides = array<i32>} : memref<1000x512xf32, #tpu.memory_space<vmem>>, vector<1000x512xf32>,
    %get3A_13 = arith.constant 0 : index
    %get3A_14 = arith.constant 0 : index
    %get3A_15 = vector.load %arg4[%get3A_13, %get3A_14] : memref<1000x128xf32, #tpu.memory_space<vmem>>, vector<1000x1xf32>
    %get3A_16 = arith.constant 0 : index
    %get3A_17 = arith.constant 0 : index
    %get3A_18 = vector.load %arg5[%get3A_16, %get3A_17] : memref<1000x128xf32, #tpu.memory_space<vmem>>, vector<1000x1xf32>
    %add3A_19 = arith.addf %get3A_15, %get3A_18 : vector<1000x1xf32>
    %add3A_20 = arith.constant 1.000000e+00 : f32
    %add3A_21 = vector.broadcast %add3A_20 : f32 to vector<1000x1xf32>
    %add3A_22 = arith.addf %add3A_19, %add3A_21 : vector<1000x1xf32>
    %rsqrt3A = math.rsqrt %add3A_22 : vector<1000x1xf32>
    %swap3A_23 = arith.constant 0 : index
    %swap3A_24 = arith.constant 0 : index
    %swap3A_25 = vector.load %arg7[%swap3A_23, %swap3A_24] : memref<1000x1xf32, #tpu.memory_space<vmem>>, vector<1000x1xf32>
    tpu.vector_store %arg7[%swap3A_23, %swap3A_24], %rsqrt3A {strides = array<i32>} : memref<1000x1xf32, #tpu.memory_space<vmem>>, vector<1000x1xf32>,
    return
  }
  func.func @transform_0(%arg0: i32) -> (i32, i32) {
    %c0_i32 = arith.constant 0 : i32
    %c0_i32_0 = arith.constant 0 : i32
    return %arg0, %c0_i32 : i32, i32
  }
  func.func @transform_1(%arg0: i32) -> (i32, i32) {
    %c0_i32 = arith.constant 0 : i32
    %c0_i32_0 = arith.constant 0 : i32
    %c0_i32_1 = arith.constant 0 : i32
    return %c0_i32, %c0_i32_0 : i32, i32
  }
  func.func @transform_2(%arg0: i32) -> i32 {
    %c0_i32 = arith.constant 0 : i32
    %c0_i32_0 = arith.constant 0 : i32
    return %c0_i32 : i32
  }
  func.func @transform_3(%arg0: i32) -> (i32, i32) {
    %c0_i32 = arith.constant 0 : i32
    %c0_i32_0 = arith.constant 0 : i32
    return %arg0, %c0_i32 : i32, i32
  }
  func.func @transform_4(%arg0: i32) -> (i32, i32) {
    %c0_i32 = arith.constant 0 : i32
    %c0_i32_0 = arith.constant 0 : i32
    return %arg0, %c0_i32 : i32, i32
  }
  func.func @transform_5(%arg0: i32) -> (i32, i32) {
    %c0_i32 = arith.constant 0 : i32
    %c0_i32_0 = arith.constant 0 : i32
    return %arg0, %c0_i32 : i32, i32
  }
  func.func @transform_6(%arg0: i32) -> (i32, i32) {
    %c0_i32 = arith.constant 0 : i32
    %c0_i32_0 = arith.constant 0 : i32
    return %arg0, %c0_i32 : i32, i32
  }
}

module attributes {stable_mosaic.version = 14 : i64} {
  func.func @_k_pre0_body(%arg0: i32, %arg1: i32, %arg2: memref<1000x512xf32, #tpu.memory_space<vmem>>, %arg3: memref<512x128xf32, #tpu.memory_space<vmem>>, %arg4: memref<1000x1xf32, #tpu.memory_space<vmem>>, %arg5: memref<1x1000x128xf32, #tpu.memory_space<vmem>>) attributes {dimension_semantics = [#tpu.dimension_semantics<arbitrary>, #tpu.dimension_semantics<arbitrary>], iteration_bounds = array<i64: 10, 4>, scalar_prefetch = 0 : i64, scratch_operands = 0 : i64, tpu.core_type = #tpu.core_type<tc>, window_params = [{transform_indices = @transform_0, window_bounds = array<i64: 1000, 512>}, {transform_indices = @transform_1, window_bounds = array<i64: 512, 128>}, {transform_indices = @transform_2, window_bounds = array<i64: 1000, 1>}, {transform_indices = @transform_3, window_bounds = array<i64: 1, 1000, 128>}]} {
    %get3A = arith.constant 0 : index
    %get3A_0 = arith.constant 0 : index
    %get3A_1 = vector.load %arg2[%get3A, %get3A_0] : memref<1000x512xf32, #tpu.memory_space<vmem>>, vector<1000x512xf32>
    %get3A_2 = arith.constant 0 : index
    %get3A_3 = arith.constant 0 : index
    %get3A_4 = vector.load %arg3[%get3A_2, %get3A_3] : memref<512x128xf32, #tpu.memory_space<vmem>>, vector<512x128xf32>
    %dot_general3A = arith.constant dense<0.000000e+00> : vector<1000x128xf32>
    %dot_general3A_5 = tpu.matmul %get3A_1, %get3A_4, %dot_general3A {dimension_numbers = #tpu.dot_dimension_numbers<[1], [0], [0], [1], [0, 0, 1, 1], [], []>, transpose_lhs_hint = false} : vector<1000x512xf32>, vector<512x128xf32>, vector<1000x128xf32> -> vector<1000x128xf32>
    %get3A_6 = arith.constant 0 : index
    %get3A_7 = arith.constant 0 : index
    %get3A_8 = vector.load %arg4[%get3A_6, %get3A_7] : memref<1000x1xf32, #tpu.memory_space<vmem>>, vector<1000x1xf32>
    %mul3A = vector.broadcast %get3A_8 : vector<1000x1xf32> to vector<1000x128xf32>
    %mul3A_9 = arith.mulf %dot_general3A_5, %mul3A : vector<1000x128xf32>
    %swap3A = arith.constant 0 : index
    %swap3A_10 = arith.constant 0 : index
    %swap3A_11 = arith.constant 0 : index
    %swap3A_12 = vector.load %arg5[%swap3A, %swap3A_10, %swap3A_11] : memref<1x1000x128xf32, #tpu.memory_space<vmem>>, vector<1x1000x128xf32>
    %swap3A_13 = vector.shape_cast %swap3A_12 : vector<1x1000x128xf32> to vector<1000x128xf32>
    %swap3A_14 = vector.shape_cast %mul3A_9 : vector<1000x128xf32> to vector<1x1000x128xf32>
    tpu.vector_store %arg5[%swap3A, %swap3A_10, %swap3A_11], %swap3A_14 {strides = array<i32>} : memref<1x1000x128xf32, #tpu.memory_space<vmem>>, vector<1x1000x128xf32>,
    return
  }
  func.func @transform_0(%arg0: i32, %arg1: i32) -> (i32, i32) {
    %c0_i32 = arith.constant 0 : i32
    %c0_i32_0 = arith.constant 0 : i32
    return %arg0, %c0_i32 : i32, i32
  }
  func.func @transform_1(%arg0: i32, %arg1: i32) -> (i32, i32) {
    %c0_i32 = arith.constant 0 : i32
    %c0_i32_0 = arith.constant 0 : i32
    return %c0_i32, %arg1 : i32, i32
  }
  func.func @transform_2(%arg0: i32, %arg1: i32) -> (i32, i32) {
    %c0_i32 = arith.constant 0 : i32
    %c0_i32_0 = arith.constant 0 : i32
    return %arg0, %c0_i32 : i32, i32
  }
  func.func @transform_3(%arg0: i32, %arg1: i32) -> (i32, i32, i32) {
    %c0_i32 = arith.constant 0 : i32
    %c0_i32_0 = arith.constant 0 : i32
    return %arg1, %arg0, %c0_i32 : i32, i32, i32
  }
}

module attributes {stable_mosaic.version = 14 : i64} {
  func.func @body(%arg0: i32, %arg1: memref<4x1000x128xf32, #tpu.memory_space<vmem>>, %arg2: memref<4x1000x128xf32, #tpu.memory_space<vmem>>, %arg3: memref<1000x1xf32, #tpu.memory_space<vmem>>, %arg4: memref<512xf32, #tpu.memory_space<vmem>>, %arg5: memref<512xf32, #tpu.memory_space<vmem>>, %arg6: memref<512xf32, #tpu.memory_space<vmem>>, %arg7: memref<1000x512xf32, #tpu.memory_space<vmem>>, %arg8: memref<1000x512xf32, #tpu.memory_space<vmem>>) attributes {dimension_semantics = [#tpu.dimension_semantics<arbitrary>], iteration_bounds = array<i64: 10>, scalar_prefetch = 0 : i64, scratch_operands = 0 : i64, tpu.core_type = #tpu.core_type<tc>, window_params = [{transform_indices = @transform_0, window_bounds = array<i64: 4, 1000, 128>}, {transform_indices = @transform_1, window_bounds = array<i64: 4, 1000, 128>}, {transform_indices = @transform_2, window_bounds = array<i64: 1000, 1>}, {pipeline_mode = #tpu.pipeline_mode<synchronous>, transform_indices = @transform_3, window_bounds = array<i64: 512>}, {pipeline_mode = #tpu.pipeline_mode<synchronous>, transform_indices = @transform_4, window_bounds = array<i64: 512>}, {pipeline_mode = #tpu.pipeline_mode<synchronous>, transform_indices = @transform_5, window_bounds = array<i64: 512>}, {transform_indices = @transform_6, window_bounds = array<i64: 1000, 512>}, {transform_indices = @transform_7, window_bounds = array<i64: 1000, 512>}]} {
    %get3A = arith.constant 0 : index
    %get3A_0 = arith.constant 0 : index
    %get3A_1 = arith.constant 0 : index
    %get3A_2 = vector.load %arg1[%get3A, %get3A_0, %get3A_1] : memref<4x1000x128xf32, #tpu.memory_space<vmem>>, vector<1x1000x128xf32>
    %get3A_3 = vector.shape_cast %get3A_2 : vector<1x1000x128xf32> to vector<1000x128xf32>
    %get3A_4 = arith.constant 0 : index
    %get3A_5 = arith.constant 0 : index
    %get3A_6 = arith.constant 0 : index
    %get3A_7 = vector.load %arg2[%get3A_4, %get3A_5, %get3A_6] : memref<4x1000x128xf32, #tpu.memory_space<vmem>>, vector<1x1000x128xf32>
    %get3A_8 = vector.shape_cast %get3A_7 : vector<1x1000x128xf32> to vector<1000x128xf32>
    %add3A = arith.addf %get3A_3, %get3A_8 : vector<1000x128xf32>
    %get3A_9 = arith.constant 1 : index
    %get3A_10 = arith.constant 0 : index
    %get3A_11 = arith.constant 0 : index
    %get3A_12 = vector.load %arg1[%get3A_9, %get3A_10, %get3A_11] : memref<4x1000x128xf32, #tpu.memory_space<vmem>>, vector<1x1000x128xf32>
    %get3A_13 = vector.shape_cast %get3A_12 : vector<1x1000x128xf32> to vector<1000x128xf32>
    %get3A_14 = arith.constant 1 : index
    %get3A_15 = arith.constant 0 : index
    %get3A_16 = arith.constant 0 : index
    %get3A_17 = vector.load %arg2[%get3A_14, %get3A_15, %get3A_16] : memref<4x1000x128xf32, #tpu.memory_space<vmem>>, vector<1x1000x128xf32>
    %get3A_18 = vector.shape_cast %get3A_17 : vector<1x1000x128xf32> to vector<1000x128xf32>
    %add3A_19 = arith.addf %get3A_13, %get3A_18 : vector<1000x128xf32>
    %get3A_20 = arith.constant 2 : index
    %get3A_21 = arith.constant 0 : index
    %get3A_22 = arith.constant 0 : index
    %get3A_23 = vector.load %arg1[%get3A_20, %get3A_21, %get3A_22] : memref<4x1000x128xf32, #tpu.memory_space<vmem>>, vector<1x1000x128xf32>
    %get3A_24 = vector.shape_cast %get3A_23 : vector<1x1000x128xf32> to vector<1000x128xf32>
    %get3A_25 = arith.constant 2 : index
    %get3A_26 = arith.constant 0 : index
    %get3A_27 = arith.constant 0 : index
    %get3A_28 = vector.load %arg2[%get3A_25, %get3A_26, %get3A_27] : memref<4x1000x128xf32, #tpu.memory_space<vmem>>, vector<1x1000x128xf32>
    %get3A_29 = vector.shape_cast %get3A_28 : vector<1x1000x128xf32> to vector<1000x128xf32>
    %add3A_30 = arith.addf %get3A_24, %get3A_29 : vector<1000x128xf32>
    %get3A_31 = arith.constant 3 : index
    %get3A_32 = arith.constant 0 : index
    %get3A_33 = arith.constant 0 : index
    %get3A_34 = vector.load %arg1[%get3A_31, %get3A_32, %get3A_33] : memref<4x1000x128xf32, #tpu.memory_space<vmem>>, vector<1x1000x128xf32>
    %get3A_35 = vector.shape_cast %get3A_34 : vector<1x1000x128xf32> to vector<1000x128xf32>
    %get3A_36 = arith.constant 3 : index
    %get3A_37 = arith.constant 0 : index
    %get3A_38 = arith.constant 0 : index
    %get3A_39 = vector.load %arg2[%get3A_36, %get3A_37, %get3A_38] : memref<4x1000x128xf32, #tpu.memory_space<vmem>>, vector<1x1000x128xf32>
    %get3A_40 = vector.shape_cast %get3A_39 : vector<1x1000x128xf32> to vector<1000x128xf32>
    %add3A_41 = arith.addf %get3A_35, %get3A_40 : vector<1000x128xf32>
    %concatenate3A = tpu.concatenate %add3A, %add3A_19, %add3A_30, %add3A_41 in 1 : vector<1000x128xf32>, vector<1000x128xf32>, vector<1000x128xf32>, vector<1000x128xf32> -> vector<1000x512xf32>
    %get3A_42 = arith.constant 0 : index
    %get3A_43 = arith.constant 0 : index
    %get3A_44 = vector.load %arg3[%get3A_42, %get3A_43] : memref<1000x1xf32, #tpu.memory_space<vmem>>, vector<1000x1xf32>
    %mul3A = vector.broadcast %get3A_44 : vector<1000x1xf32> to vector<1000x512xf32>
    %mul3A_45 = arith.mulf %concatenate3A, %mul3A : vector<1000x512xf32>
    %get3A_46 = arith.constant 0 : index
    %get3A_47 = vector.load %arg4[%get3A_46] : memref<512xf32, #tpu.memory_space<vmem>>, vector<512xf32>
    %broadcast_in_dim3A = vector.shape_cast %get3A_47 : vector<512xf32> to vector<1x512xf32>
    %add3A_48 = vector.broadcast %broadcast_in_dim3A : vector<1x512xf32> to vector<1000x512xf32>
    %add3A_49 = arith.addf %mul3A_45, %add3A_48 : vector<1000x512xf32>
    %reduce_sum3A = arith.constant dense<0.000000e+00> : vector<1000xf32>
    %reduce_sum3A_50 = vector.multi_reduction <add>, %add3A_49, %reduce_sum3A [1] : vector<1000x512xf32> to vector<1000xf32>
    %broadcast_in_dim3A_51 = vector.shape_cast %reduce_sum3A_50 : vector<1000xf32> to vector<1000x1xf32>
    %div3A = arith.constant 5.120000e+02 : f32
    %div3A_52 = vector.broadcast %div3A : f32 to vector<1000x1xf32>
    %div3A_53 = arith.divf %broadcast_in_dim3A_51, %div3A_52 : vector<1000x1xf32>
    %sub3A = vector.broadcast %div3A_53 : vector<1000x1xf32> to vector<1000x512xf32>
    %sub3A_54 = arith.subf %add3A_49, %sub3A : vector<1000x512xf32>
    %integer_pow3A = arith.mulf %sub3A_54, %sub3A_54 : vector<1000x512xf32>
    %reduce_sum3A_55 = arith.constant dense<0.000000e+00> : vector<1000xf32>
    %reduce_sum3A_56 = vector.multi_reduction <add>, %integer_pow3A, %reduce_sum3A_55 [1] : vector<1000x512xf32> to vector<1000xf32>
    %broadcast_in_dim3A_57 = vector.shape_cast %reduce_sum3A_56 : vector<1000xf32> to vector<1000x1xf32>
    %div3A_58 = arith.constant 5.120000e+02 : f32
    %div3A_59 = vector.broadcast %div3A_58 : f32 to vector<1000x1xf32>
    %div3A_60 = arith.divf %broadcast_in_dim3A_57, %div3A_59 : vector<1000x1xf32>
    %sub3A_61 = vector.broadcast %div3A_53 : vector<1000x1xf32> to vector<1000x512xf32>
    %sub3A_62 = arith.subf %add3A_49, %sub3A_61 : vector<1000x512xf32>
    %add3A_63 = arith.constant 9.99999974E-6 : f32
    %add3A_64 = vector.broadcast %add3A_63 : f32 to vector<1000x1xf32>
    %add3A_65 = arith.addf %div3A_60, %add3A_64 : vector<1000x1xf32>
    %rsqrt3A = math.rsqrt %add3A_65 : vector<1000x1xf32>
    %mul3A_66 = vector.broadcast %rsqrt3A : vector<1000x1xf32> to vector<1000x512xf32>
    %mul3A_67 = arith.mulf %sub3A_62, %mul3A_66 : vector<1000x512xf32>
    %get3A_68 = arith.constant 0 : index
    %get3A_69 = vector.load %arg5[%get3A_68] : memref<512xf32, #tpu.memory_space<vmem>>, vector<512xf32>
    %broadcast_in_dim3A_70 = vector.shape_cast %get3A_69 : vector<512xf32> to vector<1x512xf32>
    %mul3A_71 = vector.broadcast %broadcast_in_dim3A_70 : vector<1x512xf32> to vector<1000x512xf32>
    %mul3A_72 = arith.mulf %mul3A_67, %mul3A_71 : vector<1000x512xf32>
    %get3A_73 = arith.constant 0 : index
    %get3A_74 = vector.load %arg6[%get3A_73] : memref<512xf32, #tpu.memory_space<vmem>>, vector<512xf32>
    %broadcast_in_dim3A_75 = vector.shape_cast %get3A_74 : vector<512xf32> to vector<1x512xf32>
    %add3A_76 = vector.broadcast %broadcast_in_dim3A_75 : vector<1x512xf32> to vector<1000x512xf32>
    %add3A_77 = arith.addf %mul3A_72, %add3A_76 : vector<1000x512xf32>
    %max3A = arith.constant 0.000000e+00 : f32
    %max3A_78 = vector.broadcast %max3A : f32 to vector<1000x512xf32>
    %max3A_79 = arith.maximumf %add3A_77, %max3A_78 : vector<1000x512xf32>
    %get3A_80 = arith.constant 0 : index
    %get3A_81 = arith.constant 0 : index
    %get3A_82 = vector.load %arg7[%get3A_80, %get3A_81] : memref<1000x512xf32, #tpu.memory_space<vmem>>, vector<1000x512xf32>
    %add3A_83 = arith.addf %max3A_79, %get3A_82 : vector<1000x512xf32>
    %swap3A = arith.constant 0 : index
    %swap3A_84 = arith.constant 0 : index
    %swap3A_85 = vector.load %arg8[%swap3A, %swap3A_84] : memref<1000x512xf32, #tpu.memory_space<vmem>>, vector<1000x512xf32>
    tpu.vector_store %arg8[%swap3A, %swap3A_84], %add3A_83 {strides = array<i32>} : memref<1000x512xf32, #tpu.memory_space<vmem>>, vector<1000x512xf32>,
    return
  }
  func.func @transform_0(%arg0: i32) -> (i32, i32, i32) {
    %c0_i32 = arith.constant 0 : i32
    %c0_i32_0 = arith.constant 0 : i32
    %c0_i32_1 = arith.constant 0 : i32
    return %c0_i32, %arg0, %c0_i32_0 : i32, i32, i32
  }
  func.func @transform_1(%arg0: i32) -> (i32, i32, i32) {
    %c0_i32 = arith.constant 0 : i32
    %c0_i32_0 = arith.constant 0 : i32
    %c0_i32_1 = arith.constant 0 : i32
    return %c0_i32, %arg0, %c0_i32_0 : i32, i32, i32
  }
  func.func @transform_2(%arg0: i32) -> (i32, i32) {
    %c0_i32 = arith.constant 0 : i32
    %c0_i32_0 = arith.constant 0 : i32
    return %arg0, %c0_i32 : i32, i32
  }
  func.func @transform_3(%arg0: i32) -> i32 {
    %c0_i32 = arith.constant 0 : i32
    %c0_i32_0 = arith.constant 0 : i32
    return %c0_i32 : i32
  }
  func.func @transform_4(%arg0: i32) -> i32 {
    %c0_i32 = arith.constant 0 : i32
    %c0_i32_0 = arith.constant 0 : i32
    return %c0_i32 : i32
  }
  func.func @transform_5(%arg0: i32) -> i32 {
    %c0_i32 = arith.constant 0 : i32
    %c0_i32_0 = arith.constant 0 : i32
    return %c0_i32 : i32
  }
  func.func @transform_6(%arg0: i32) -> (i32, i32) {
    %c0_i32 = arith.constant 0 : i32
    %c0_i32_0 = arith.constant 0 : i32
    return %arg0, %c0_i32 : i32, i32
  }
  func.func @transform_7(%arg0: i32) -> (i32, i32) {
    %c0_i32 = arith.constant 0 : i32
    %c0_i32_0 = arith.constant 0 : i32
    return %arg0, %c0_i32 : i32, i32
  }
}

module attributes {stable_mosaic.version = 14 : i64} {
  func.func @_k_pre_body(%arg0: i32, %arg1: i32, %arg2: memref<1000x512xf32, #tpu.memory_space<vmem>>, %arg3: memref<512x128xf32, #tpu.memory_space<vmem>>, %arg4: memref<512x128xf32, #tpu.memory_space<vmem>>, %arg5: memref<128xf32, #tpu.memory_space<vmem>>, %arg6: memref<1000x1xf32, #tpu.memory_space<vmem>>, %arg7: memref<1x1000x128xf32, #tpu.memory_space<vmem>>, %arg8: memref<1000x128xf32, #tpu.memory_space<vmem>>) attributes {dimension_semantics = [#tpu.dimension_semantics<arbitrary>, #tpu.dimension_semantics<arbitrary>], iteration_bounds = array<i64: 10, 2>, scalar_prefetch = 0 : i64, scratch_operands = 0 : i64, tpu.core_type = #tpu.core_type<tc>, window_params = [{transform_indices = @transform_0, window_bounds = array<i64: 1000, 512>}, {transform_indices = @transform_1, window_bounds = array<i64: 512, 128>}, {transform_indices = @transform_2, window_bounds = array<i64: 512, 128>}, {transform_indices = @transform_3, window_bounds = array<i64: 128>}, {transform_indices = @transform_4, window_bounds = array<i64: 1000, 1>}, {transform_indices = @transform_5, window_bounds = array<i64: 1, 1000, 128>}, {transform_indices = @transform_6, window_bounds = array<i64: 1000, 128>}]} {
    %get3A = arith.constant 0 : index
    %get3A_0 = arith.constant 0 : index
    %get3A_1 = vector.load %arg2[%get3A, %get3A_0] : memref<1000x512xf32, #tpu.memory_space<vmem>>, vector<1000x512xf32>
    %get3A_2 = arith.constant 0 : index
    %get3A_3 = arith.constant 0 : index
    %get3A_4 = vector.load %arg3[%get3A_2, %get3A_3] : memref<512x128xf32, #tpu.memory_space<vmem>>, vector<512x128xf32>
    %dot_general3A = arith.constant dense<0.000000e+00> : vector<1000x128xf32>
    %dot_general3A_5 = tpu.matmul %get3A_1, %get3A_4, %dot_general3A {dimension_numbers = #tpu.dot_dimension_numbers<[1], [0], [0], [1], [0, 0, 1, 1], [], []>, transpose_lhs_hint = false} : vector<1000x512xf32>, vector<512x128xf32>, vector<1000x128xf32> -> vector<1000x128xf32>
    %get3A_6 = arith.constant 0 : index
    %get3A_7 = arith.constant 0 : index
    %get3A_8 = vector.load %arg6[%get3A_6, %get3A_7] : memref<1000x1xf32, #tpu.memory_space<vmem>>, vector<1000x1xf32>
    %mul3A = vector.broadcast %get3A_8 : vector<1000x1xf32> to vector<1000x128xf32>
    %mul3A_9 = arith.mulf %dot_general3A_5, %mul3A : vector<1000x128xf32>
    %swap3A = arith.constant 0 : index
    %swap3A_10 = arith.constant 0 : index
    %swap3A_11 = arith.constant 0 : index
    %swap3A_12 = vector.load %arg7[%swap3A, %swap3A_10, %swap3A_11] : memref<1x1000x128xf32, #tpu.memory_space<vmem>>, vector<1x1000x128xf32>
    %swap3A_13 = vector.shape_cast %swap3A_12 : vector<1x1000x128xf32> to vector<1000x128xf32>
    %swap3A_14 = vector.shape_cast %mul3A_9 : vector<1000x128xf32> to vector<1x1000x128xf32>
    tpu.vector_store %arg7[%swap3A, %swap3A_10, %swap3A_11], %swap3A_14 {strides = array<i32>} : memref<1x1000x128xf32, #tpu.memory_space<vmem>>, vector<1x1000x128xf32>,
    %get3A_15 = arith.constant 0 : index
    %get3A_16 = arith.constant 0 : index
    %get3A_17 = vector.load %arg4[%get3A_15, %get3A_16] : memref<512x128xf32, #tpu.memory_space<vmem>>, vector<512x128xf32>
    %dot_general3A_18 = arith.constant dense<0.000000e+00> : vector<1000x128xf32>
    %dot_general3A_19 = tpu.matmul %get3A_1, %get3A_17, %dot_general3A_18 {dimension_numbers = #tpu.dot_dimension_numbers<[1], [0], [0], [1], [0, 0, 1, 1], [], []>, transpose_lhs_hint = false} : vector<1000x512xf32>, vector<512x128xf32>, vector<1000x128xf32> -> vector<1000x128xf32>
    %get3A_20 = arith.constant 0 : index
    %get3A_21 = vector.load %arg5[%get3A_20] : memref<128xf32, #tpu.memory_space<vmem>>, vector<128xf32>
    %broadcast_in_dim3A = vector.shape_cast %get3A_21 : vector<128xf32> to vector<1x128xf32>
    %add3A = vector.broadcast %broadcast_in_dim3A : vector<1x128xf32> to vector<1000x128xf32>
    %add3A_22 = arith.addf %dot_general3A_19, %add3A : vector<1000x128xf32>
    %swap3A_23 = arith.constant 0 : index
    %swap3A_24 = arith.constant 0 : index
    %swap3A_25 = vector.load %arg8[%swap3A_23, %swap3A_24] : memref<1000x128xf32, #tpu.memory_space<vmem>>, vector<1000x128xf32>
    tpu.vector_store %arg8[%swap3A_23, %swap3A_24], %add3A_22 {strides = array<i32>} : memref<1000x128xf32, #tpu.memory_space<vmem>>, vector<1000x128xf32>,
    return
  }
  func.func @transform_0(%arg0: i32, %arg1: i32) -> (i32, i32) {
    %c0_i32 = arith.constant 0 : i32
    %c0_i32_0 = arith.constant 0 : i32
    return %arg0, %c0_i32 : i32, i32
  }
  func.func @transform_1(%arg0: i32, %arg1: i32) -> (i32, i32) {
    %c0_i32 = arith.constant 0 : i32
    %c0_i32_0 = arith.constant 0 : i32
    return %c0_i32, %arg1 : i32, i32
  }
  func.func @transform_2(%arg0: i32, %arg1: i32) -> (i32, i32) {
    %c0_i32 = arith.constant 0 : i32
    %c0_i32_0 = arith.constant 0 : i32
    return %c0_i32, %arg1 : i32, i32
  }
  func.func @transform_3(%arg0: i32, %arg1: i32) -> i32 {
    %c0_i32 = arith.constant 0 : i32
    return %arg1 : i32
  }
  func.func @transform_4(%arg0: i32, %arg1: i32) -> (i32, i32) {
    %c0_i32 = arith.constant 0 : i32
    %c0_i32_0 = arith.constant 0 : i32
    return %arg0, %c0_i32 : i32, i32
  }
  func.func @transform_5(%arg0: i32, %arg1: i32) -> (i32, i32, i32) {
    %c0_i32 = arith.constant 0 : i32
    %c0_i32_0 = arith.constant 0 : i32
    return %arg1, %arg0, %c0_i32 : i32, i32, i32
  }
  func.func @transform_6(%arg0: i32, %arg1: i32) -> (i32, i32) {
    %c0_i32 = arith.constant 0 : i32
    return %arg0, %arg1 : i32, i32
  }
}

module attributes {stable_mosaic.version = 14 : i64} {
  func.func @body(%arg0: i32, %arg1: memref<2x1000x128xf32, #tpu.memory_space<vmem>>, %arg2: memref<2x1000x128xf32, #tpu.memory_space<vmem>>, %arg3: memref<1000x1xf32, #tpu.memory_space<vmem>>, %arg4: memref<256xf32, #tpu.memory_space<vmem>>, %arg5: memref<256xf32, #tpu.memory_space<vmem>>, %arg6: memref<256xf32, #tpu.memory_space<vmem>>, %arg7: memref<1000x256xf32, #tpu.memory_space<vmem>>, %arg8: memref<1000x256xf32, #tpu.memory_space<vmem>>) attributes {dimension_semantics = [#tpu.dimension_semantics<arbitrary>], iteration_bounds = array<i64: 10>, scalar_prefetch = 0 : i64, scratch_operands = 0 : i64, tpu.core_type = #tpu.core_type<tc>, window_params = [{transform_indices = @transform_0, window_bounds = array<i64: 2, 1000, 128>}, {transform_indices = @transform_1, window_bounds = array<i64: 2, 1000, 128>}, {transform_indices = @transform_2, window_bounds = array<i64: 1000, 1>}, {pipeline_mode = #tpu.pipeline_mode<synchronous>, transform_indices = @transform_3, window_bounds = array<i64: 256>}, {pipeline_mode = #tpu.pipeline_mode<synchronous>, transform_indices = @transform_4, window_bounds = array<i64: 256>}, {pipeline_mode = #tpu.pipeline_mode<synchronous>, transform_indices = @transform_5, window_bounds = array<i64: 256>}, {transform_indices = @transform_6, window_bounds = array<i64: 1000, 256>}, {transform_indices = @transform_7, window_bounds = array<i64: 1000, 256>}]} {
    %get3A = arith.constant 0 : index
    %get3A_0 = arith.constant 0 : index
    %get3A_1 = arith.constant 0 : index
    %get3A_2 = vector.load %arg1[%get3A, %get3A_0, %get3A_1] : memref<2x1000x128xf32, #tpu.memory_space<vmem>>, vector<1x1000x128xf32>
    %get3A_3 = vector.shape_cast %get3A_2 : vector<1x1000x128xf32> to vector<1000x128xf32>
    %get3A_4 = arith.constant 0 : index
    %get3A_5 = arith.constant 0 : index
    %get3A_6 = arith.constant 0 : index
    %get3A_7 = vector.load %arg2[%get3A_4, %get3A_5, %get3A_6] : memref<2x1000x128xf32, #tpu.memory_space<vmem>>, vector<1x1000x128xf32>
    %get3A_8 = vector.shape_cast %get3A_7 : vector<1x1000x128xf32> to vector<1000x128xf32>
    %add3A = arith.addf %get3A_3, %get3A_8 : vector<1000x128xf32>
    %get3A_9 = arith.constant 1 : index
    %get3A_10 = arith.constant 0 : index
    %get3A_11 = arith.constant 0 : index
    %get3A_12 = vector.load %arg1[%get3A_9, %get3A_10, %get3A_11] : memref<2x1000x128xf32, #tpu.memory_space<vmem>>, vector<1x1000x128xf32>
    %get3A_13 = vector.shape_cast %get3A_12 : vector<1x1000x128xf32> to vector<1000x128xf32>
    %get3A_14 = arith.constant 1 : index
    %get3A_15 = arith.constant 0 : index
    %get3A_16 = arith.constant 0 : index
    %get3A_17 = vector.load %arg2[%get3A_14, %get3A_15, %get3A_16] : memref<2x1000x128xf32, #tpu.memory_space<vmem>>, vector<1x1000x128xf32>
    %get3A_18 = vector.shape_cast %get3A_17 : vector<1x1000x128xf32> to vector<1000x128xf32>
    %add3A_19 = arith.addf %get3A_13, %get3A_18 : vector<1000x128xf32>
    %concatenate3A = tpu.concatenate %add3A, %add3A_19 in 1 : vector<1000x128xf32>, vector<1000x128xf32> -> vector<1000x256xf32>
    %get3A_20 = arith.constant 0 : index
    %get3A_21 = arith.constant 0 : index
    %get3A_22 = vector.load %arg3[%get3A_20, %get3A_21] : memref<1000x1xf32, #tpu.memory_space<vmem>>, vector<1000x1xf32>
    %mul3A = vector.broadcast %get3A_22 : vector<1000x1xf32> to vector<1000x256xf32>
    %mul3A_23 = arith.mulf %concatenate3A, %mul3A : vector<1000x256xf32>
    %get3A_24 = arith.constant 0 : index
    %get3A_25 = vector.load %arg4[%get3A_24] : memref<256xf32, #tpu.memory_space<vmem>>, vector<256xf32>
    %broadcast_in_dim3A = vector.shape_cast %get3A_25 : vector<256xf32> to vector<1x256xf32>
    %add3A_26 = vector.broadcast %broadcast_in_dim3A : vector<1x256xf32> to vector<1000x256xf32>
    %add3A_27 = arith.addf %mul3A_23, %add3A_26 : vector<1000x256xf32>
    %reduce_sum3A = arith.constant dense<0.000000e+00> : vector<1000xf32>
    %reduce_sum3A_28 = vector.multi_reduction <add>, %add3A_27, %reduce_sum3A [1] : vector<1000x256xf32> to vector<1000xf32>
    %broadcast_in_dim3A_29 = vector.shape_cast %reduce_sum3A_28 : vector<1000xf32> to vector<1000x1xf32>
    %div3A = arith.constant 2.560000e+02 : f32
    %div3A_30 = vector.broadcast %div3A : f32 to vector<1000x1xf32>
    %div3A_31 = arith.divf %broadcast_in_dim3A_29, %div3A_30 : vector<1000x1xf32>
    %sub3A = vector.broadcast %div3A_31 : vector<1000x1xf32> to vector<1000x256xf32>
    %sub3A_32 = arith.subf %add3A_27, %sub3A : vector<1000x256xf32>
    %integer_pow3A = arith.mulf %sub3A_32, %sub3A_32 : vector<1000x256xf32>
    %reduce_sum3A_33 = arith.constant dense<0.000000e+00> : vector<1000xf32>
    %reduce_sum3A_34 = vector.multi_reduction <add>, %integer_pow3A, %reduce_sum3A_33 [1] : vector<1000x256xf32> to vector<1000xf32>
    %broadcast_in_dim3A_35 = vector.shape_cast %reduce_sum3A_34 : vector<1000xf32> to vector<1000x1xf32>
    %div3A_36 = arith.constant 2.560000e+02 : f32
    %div3A_37 = vector.broadcast %div3A_36 : f32 to vector<1000x1xf32>
    %div3A_38 = arith.divf %broadcast_in_dim3A_35, %div3A_37 : vector<1000x1xf32>
    %sub3A_39 = vector.broadcast %div3A_31 : vector<1000x1xf32> to vector<1000x256xf32>
    %sub3A_40 = arith.subf %add3A_27, %sub3A_39 : vector<1000x256xf32>
    %add3A_41 = arith.constant 9.99999974E-6 : f32
    %add3A_42 = vector.broadcast %add3A_41 : f32 to vector<1000x1xf32>
    %add3A_43 = arith.addf %div3A_38, %add3A_42 : vector<1000x1xf32>
    %rsqrt3A = math.rsqrt %add3A_43 : vector<1000x1xf32>
    %mul3A_44 = vector.broadcast %rsqrt3A : vector<1000x1xf32> to vector<1000x256xf32>
    %mul3A_45 = arith.mulf %sub3A_40, %mul3A_44 : vector<1000x256xf32>
    %get3A_46 = arith.constant 0 : index
    %get3A_47 = vector.load %arg5[%get3A_46] : memref<256xf32, #tpu.memory_space<vmem>>, vector<256xf32>
    %broadcast_in_dim3A_48 = vector.shape_cast %get3A_47 : vector<256xf32> to vector<1x256xf32>
    %mul3A_49 = vector.broadcast %broadcast_in_dim3A_48 : vector<1x256xf32> to vector<1000x256xf32>
    %mul3A_50 = arith.mulf %mul3A_45, %mul3A_49 : vector<1000x256xf32>
    %get3A_51 = arith.constant 0 : index
    %get3A_52 = vector.load %arg6[%get3A_51] : memref<256xf32, #tpu.memory_space<vmem>>, vector<256xf32>
    %broadcast_in_dim3A_53 = vector.shape_cast %get3A_52 : vector<256xf32> to vector<1x256xf32>
    %add3A_54 = vector.broadcast %broadcast_in_dim3A_53 : vector<1x256xf32> to vector<1000x256xf32>
    %add3A_55 = arith.addf %mul3A_50, %add3A_54 : vector<1000x256xf32>
    %max3A = arith.constant 0.000000e+00 : f32
    %max3A_56 = vector.broadcast %max3A : f32 to vector<1000x256xf32>
    %max3A_57 = arith.maximumf %add3A_55, %max3A_56 : vector<1000x256xf32>
    %get3A_58 = arith.constant 0 : index
    %get3A_59 = arith.constant 0 : index
    %get3A_60 = vector.load %arg7[%get3A_58, %get3A_59] : memref<1000x256xf32, #tpu.memory_space<vmem>>, vector<1000x256xf32>
    %add3A_61 = arith.addf %max3A_57, %get3A_60 : vector<1000x256xf32>
    %swap3A = arith.constant 0 : index
    %swap3A_62 = arith.constant 0 : index
    %swap3A_63 = vector.load %arg8[%swap3A, %swap3A_62] : memref<1000x256xf32, #tpu.memory_space<vmem>>, vector<1000x256xf32>
    tpu.vector_store %arg8[%swap3A, %swap3A_62], %add3A_61 {strides = array<i32>} : memref<1000x256xf32, #tpu.memory_space<vmem>>, vector<1000x256xf32>,
    return
  }
  func.func @transform_0(%arg0: i32) -> (i32, i32, i32) {
    %c0_i32 = arith.constant 0 : i32
    %c0_i32_0 = arith.constant 0 : i32
    %c0_i32_1 = arith.constant 0 : i32
    return %c0_i32, %arg0, %c0_i32_0 : i32, i32, i32
  }
  func.func @transform_1(%arg0: i32) -> (i32, i32, i32) {
    %c0_i32 = arith.constant 0 : i32
    %c0_i32_0 = arith.constant 0 : i32
    %c0_i32_1 = arith.constant 0 : i32
    return %c0_i32, %arg0, %c0_i32_0 : i32, i32, i32
  }
  func.func @transform_2(%arg0: i32) -> (i32, i32) {
    %c0_i32 = arith.constant 0 : i32
    %c0_i32_0 = arith.constant 0 : i32
    return %arg0, %c0_i32 : i32, i32
  }
  func.func @transform_3(%arg0: i32) -> i32 {
    %c0_i32 = arith.constant 0 : i32
    %c0_i32_0 = arith.constant 0 : i32
    return %c0_i32 : i32
  }
  func.func @transform_4(%arg0: i32) -> i32 {
    %c0_i32 = arith.constant 0 : i32
    %c0_i32_0 = arith.constant 0 : i32
    return %c0_i32 : i32
  }
  func.func @transform_5(%arg0: i32) -> i32 {
    %c0_i32 = arith.constant 0 : i32
    %c0_i32_0 = arith.constant 0 : i32
    return %c0_i32 : i32
  }
  func.func @transform_6(%arg0: i32) -> (i32, i32) {
    %c0_i32 = arith.constant 0 : i32
    %c0_i32_0 = arith.constant 0 : i32
    return %arg0, %c0_i32 : i32, i32
  }
  func.func @transform_7(%arg0: i32) -> (i32, i32) {
    %c0_i32 = arith.constant 0 : i32
    %c0_i32_0 = arith.constant 0 : i32
    return %arg0, %c0_i32 : i32, i32
  }
}

module attributes {stable_mosaic.version = 14 : i64} {
  func.func @_k_pre_body(%arg0: i32, %arg1: i32, %arg2: memref<1000x256xf32, #tpu.memory_space<vmem>>, %arg3: memref<256x128xf32, #tpu.memory_space<vmem>>, %arg4: memref<256x128xf32, #tpu.memory_space<vmem>>, %arg5: memref<128xf32, #tpu.memory_space<vmem>>, %arg6: memref<1000x1xf32, #tpu.memory_space<vmem>>, %arg7: memref<1x1000x128xf32, #tpu.memory_space<vmem>>, %arg8: memref<1000x128xf32, #tpu.memory_space<vmem>>) attributes {dimension_semantics = [#tpu.dimension_semantics<arbitrary>, #tpu.dimension_semantics<arbitrary>], iteration_bounds = array<i64: 10, 1>, scalar_prefetch = 0 : i64, scratch_operands = 0 : i64, tpu.core_type = #tpu.core_type<tc>, window_params = [{transform_indices = @transform_0, window_bounds = array<i64: 1000, 256>}, {transform_indices = @transform_1, window_bounds = array<i64: 256, 128>}, {transform_indices = @transform_2, window_bounds = array<i64: 256, 128>}, {transform_indices = @transform_3, window_bounds = array<i64: 128>}, {transform_indices = @transform_4, window_bounds = array<i64: 1000, 1>}, {transform_indices = @transform_5, window_bounds = array<i64: 1, 1000, 128>}, {transform_indices = @transform_6, window_bounds = array<i64: 1000, 128>}]} {
    %get3A = arith.constant 0 : index
    %get3A_0 = arith.constant 0 : index
    %get3A_1 = vector.load %arg2[%get3A, %get3A_0] : memref<1000x256xf32, #tpu.memory_space<vmem>>, vector<1000x256xf32>
    %get3A_2 = arith.constant 0 : index
    %get3A_3 = arith.constant 0 : index
    %get3A_4 = vector.load %arg3[%get3A_2, %get3A_3] : memref<256x128xf32, #tpu.memory_space<vmem>>, vector<256x128xf32>
    %dot_general3A = arith.constant dense<0.000000e+00> : vector<1000x128xf32>
    %dot_general3A_5 = tpu.matmul %get3A_1, %get3A_4, %dot_general3A {dimension_numbers = #tpu.dot_dimension_numbers<[1], [0], [0], [1], [0, 0, 1, 1], [], []>, transpose_lhs_hint = false} : vector<1000x256xf32>, vector<256x128xf32>, vector<1000x128xf32> -> vector<1000x128xf32>
    %get3A_6 = arith.constant 0 : index
    %get3A_7 = arith.constant 0 : index
    %get3A_8 = vector.load %arg6[%get3A_6, %get3A_7] : memref<1000x1xf32, #tpu.memory_space<vmem>>, vector<1000x1xf32>
    %mul3A = vector.broadcast %get3A_8 : vector<1000x1xf32> to vector<1000x128xf32>
    %mul3A_9 = arith.mulf %dot_general3A_5, %mul3A : vector<1000x128xf32>
    %swap3A = arith.constant 0 : index
    %swap3A_10 = arith.constant 0 : index
    %swap3A_11 = arith.constant 0 : index
    %swap3A_12 = vector.load %arg7[%swap3A, %swap3A_10, %swap3A_11] : memref<1x1000x128xf32, #tpu.memory_space<vmem>>, vector<1x1000x128xf32>
    %swap3A_13 = vector.shape_cast %swap3A_12 : vector<1x1000x128xf32> to vector<1000x128xf32>
    %swap3A_14 = vector.shape_cast %mul3A_9 : vector<1000x128xf32> to vector<1x1000x128xf32>
    tpu.vector_store %arg7[%swap3A, %swap3A_10, %swap3A_11], %swap3A_14 {strides = array<i32>} : memref<1x1000x128xf32, #tpu.memory_space<vmem>>, vector<1x1000x128xf32>,
    %get3A_15 = arith.constant 0 : index
    %get3A_16 = arith.constant 0 : index
    %get3A_17 = vector.load %arg4[%get3A_15, %get3A_16] : memref<256x128xf32, #tpu.memory_space<vmem>>, vector<256x128xf32>
    %dot_general3A_18 = arith.constant dense<0.000000e+00> : vector<1000x128xf32>
    %dot_general3A_19 = tpu.matmul %get3A_1, %get3A_17, %dot_general3A_18 {dimension_numbers = #tpu.dot_dimension_numbers<[1], [0], [0], [1], [0, 0, 1, 1], [], []>, transpose_lhs_hint = false} : vector<1000x256xf32>, vector<256x128xf32>, vector<1000x128xf32> -> vector<1000x128xf32>
    %get3A_20 = arith.constant 0 : index
    %get3A_21 = vector.load %arg5[%get3A_20] : memref<128xf32, #tpu.memory_space<vmem>>, vector<128xf32>
    %broadcast_in_dim3A = vector.shape_cast %get3A_21 : vector<128xf32> to vector<1x128xf32>
    %add3A = vector.broadcast %broadcast_in_dim3A : vector<1x128xf32> to vector<1000x128xf32>
    %add3A_22 = arith.addf %dot_general3A_19, %add3A : vector<1000x128xf32>
    %swap3A_23 = arith.constant 0 : index
    %swap3A_24 = arith.constant 0 : index
    %swap3A_25 = vector.load %arg8[%swap3A_23, %swap3A_24] : memref<1000x128xf32, #tpu.memory_space<vmem>>, vector<1000x128xf32>
    tpu.vector_store %arg8[%swap3A_23, %swap3A_24], %add3A_22 {strides = array<i32>} : memref<1000x128xf32, #tpu.memory_space<vmem>>, vector<1000x128xf32>,
    return
  }
  func.func @transform_0(%arg0: i32, %arg1: i32) -> (i32, i32) {
    %c0_i32 = arith.constant 0 : i32
    %c0_i32_0 = arith.constant 0 : i32
    return %arg0, %c0_i32 : i32, i32
  }
  func.func @transform_1(%arg0: i32, %arg1: i32) -> (i32, i32) {
    %c0_i32 = arith.constant 0 : i32
    %c0_i32_0 = arith.constant 0 : i32
    return %c0_i32, %arg1 : i32, i32
  }
  func.func @transform_2(%arg0: i32, %arg1: i32) -> (i32, i32) {
    %c0_i32 = arith.constant 0 : i32
    %c0_i32_0 = arith.constant 0 : i32
    return %c0_i32, %arg1 : i32, i32
  }
  func.func @transform_3(%arg0: i32, %arg1: i32) -> i32 {
    %c0_i32 = arith.constant 0 : i32
    return %arg1 : i32
  }
  func.func @transform_4(%arg0: i32, %arg1: i32) -> (i32, i32) {
    %c0_i32 = arith.constant 0 : i32
    %c0_i32_0 = arith.constant 0 : i32
    return %arg0, %c0_i32 : i32, i32
  }
  func.func @transform_5(%arg0: i32, %arg1: i32) -> (i32, i32, i32) {
    %c0_i32 = arith.constant 0 : i32
    %c0_i32_0 = arith.constant 0 : i32
    return %arg1, %arg0, %c0_i32 : i32, i32, i32
  }
  func.func @transform_6(%arg0: i32, %arg1: i32) -> (i32, i32) {
    %c0_i32 = arith.constant 0 : i32
    return %arg0, %arg1 : i32, i32
  }
}

module attributes {stable_mosaic.version = 14 : i64} {
  func.func @body(%arg0: i32, %arg1: memref<2x1000x128xf32, #tpu.memory_space<vmem>>, %arg2: memref<1000x128xf32, #tpu.memory_space<vmem>>, %arg3: memref<1000x1xf32, #tpu.memory_space<vmem>>, %arg4: memref<128xf32, #tpu.memory_space<vmem>>, %arg5: memref<128xf32, #tpu.memory_space<vmem>>, %arg6: memref<128xf32, #tpu.memory_space<vmem>>, %arg7: memref<1000x128xf32, #tpu.memory_space<vmem>>, %arg8: memref<1000x128xf32, #tpu.memory_space<vmem>>) attributes {dimension_semantics = [#tpu.dimension_semantics<arbitrary>], iteration_bounds = array<i64: 10>, scalar_prefetch = 0 : i64, scratch_operands = 0 : i64, tpu.core_type = #tpu.core_type<tc>, window_params = [{transform_indices = @transform_0, window_bounds = array<i64: 2, 1000, 128>}, {transform_indices = @transform_1, window_bounds = array<i64: 1000, 128>}, {transform_indices = @transform_2, window_bounds = array<i64: 1000, 1>}, {pipeline_mode = #tpu.pipeline_mode<synchronous>, transform_indices = @transform_3, window_bounds = array<i64: 128>}, {pipeline_mode = #tpu.pipeline_mode<synchronous>, transform_indices = @transform_4, window_bounds = array<i64: 128>}, {pipeline_mode = #tpu.pipeline_mode<synchronous>, transform_indices = @transform_5, window_bounds = array<i64: 128>}, {transform_indices = @transform_6, window_bounds = array<i64: 1000, 128>}, {transform_indices = @transform_7, window_bounds = array<i64: 1000, 128>}]} {
    %get3A = arith.constant 0 : index
    %get3A_0 = arith.constant 0 : index
    %get3A_1 = arith.constant 0 : index
    %get3A_2 = vector.load %arg1[%get3A, %get3A_0, %get3A_1] : memref<2x1000x128xf32, #tpu.memory_space<vmem>>, vector<1x1000x128xf32>
    %get3A_3 = vector.shape_cast %get3A_2 : vector<1x1000x128xf32> to vector<1000x128xf32>
    %get3A_4 = arith.constant 1 : index
    %get3A_5 = arith.constant 0 : index
    %get3A_6 = arith.constant 0 : index
    %get3A_7 = vector.load %arg1[%get3A_4, %get3A_5, %get3A_6] : memref<2x1000x128xf32, #tpu.memory_space<vmem>>, vector<1x1000x128xf32>
    %get3A_8 = vector.shape_cast %get3A_7 : vector<1x1000x128xf32> to vector<1000x128xf32>
    %add3A = arith.addf %get3A_3, %get3A_8 : vector<1000x128xf32>
    %get3A_9 = arith.constant 0 : index
    %get3A_10 = arith.constant 0 : index
    %get3A_11 = vector.load %arg2[%get3A_9, %get3A_10] : memref<1000x128xf32, #tpu.memory_space<vmem>>, vector<1000x128xf32>
    %add3A_12 = arith.addf %add3A, %get3A_11 : vector<1000x128xf32>
    %get3A_13 = arith.constant 0 : index
    %get3A_14 = arith.constant 0 : index
    %get3A_15 = vector.load %arg3[%get3A_13, %get3A_14] : memref<1000x1xf32, #tpu.memory_space<vmem>>, vector<1000x1xf32>
    %mul3A = vector.broadcast %get3A_15 : vector<1000x1xf32> to vector<1000x128xf32>
    %mul3A_16 = arith.mulf %add3A_12, %mul3A : vector<1000x128xf32>
    %get3A_17 = arith.constant 0 : index
    %get3A_18 = vector.load %arg4[%get3A_17] : memref<128xf32, #tpu.memory_space<vmem>>, vector<128xf32>
    %broadcast_in_dim3A = vector.shape_cast %get3A_18 : vector<128xf32> to vector<1x128xf32>
    %add3A_19 = vector.broadcast %broadcast_in_dim3A : vector<1x128xf32> to vector<1000x128xf32>
    %add3A_20 = arith.addf %mul3A_16, %add3A_19 : vector<1000x128xf32>
    %reduce_sum3A = arith.constant dense<0.000000e+00> : vector<1000xf32>
    %reduce_sum3A_21 = vector.multi_reduction <add>, %add3A_20, %reduce_sum3A [1] : vector<1000x128xf32> to vector<1000xf32>
    %broadcast_in_dim3A_22 = vector.shape_cast %reduce_sum3A_21 : vector<1000xf32> to vector<1000x1xf32>
    %div3A = arith.constant 1.280000e+02 : f32
    %div3A_23 = vector.broadcast %div3A : f32 to vector<1000x1xf32>
    %div3A_24 = arith.divf %broadcast_in_dim3A_22, %div3A_23 : vector<1000x1xf32>
    %sub3A = vector.broadcast %div3A_24 : vector<1000x1xf32> to vector<1000x128xf32>
    %sub3A_25 = arith.subf %add3A_20, %sub3A : vector<1000x128xf32>
    %integer_pow3A = arith.mulf %sub3A_25, %sub3A_25 : vector<1000x128xf32>
    %reduce_sum3A_26 = arith.constant dense<0.000000e+00> : vector<1000xf32>
    %reduce_sum3A_27 = vector.multi_reduction <add>, %integer_pow3A, %reduce_sum3A_26 [1] : vector<1000x128xf32> to vector<1000xf32>
    %broadcast_in_dim3A_28 = vector.shape_cast %reduce_sum3A_27 : vector<1000xf32> to vector<1000x1xf32>
    %div3A_29 = arith.constant 1.280000e+02 : f32
    %div3A_30 = vector.broadcast %div3A_29 : f32 to vector<1000x1xf32>
    %div3A_31 = arith.divf %broadcast_in_dim3A_28, %div3A_30 : vector<1000x1xf32>
    %sub3A_32 = vector.broadcast %div3A_24 : vector<1000x1xf32> to vector<1000x128xf32>
    %sub3A_33 = arith.subf %add3A_20, %sub3A_32 : vector<1000x128xf32>
    %add3A_34 = arith.constant 9.99999974E-6 : f32
    %add3A_35 = vector.broadcast %add3A_34 : f32 to vector<1000x1xf32>
    %add3A_36 = arith.addf %div3A_31, %add3A_35 : vector<1000x1xf32>
    %rsqrt3A = math.rsqrt %add3A_36 : vector<1000x1xf32>
    %mul3A_37 = vector.broadcast %rsqrt3A : vector<1000x1xf32> to vector<1000x128xf32>
    %mul3A_38 = arith.mulf %sub3A_33, %mul3A_37 : vector<1000x128xf32>
    %get3A_39 = arith.constant 0 : index
    %get3A_40 = vector.load %arg5[%get3A_39] : memref<128xf32, #tpu.memory_space<vmem>>, vector<128xf32>
    %broadcast_in_dim3A_41 = vector.shape_cast %get3A_40 : vector<128xf32> to vector<1x128xf32>
    %mul3A_42 = vector.broadcast %broadcast_in_dim3A_41 : vector<1x128xf32> to vector<1000x128xf32>
    %mul3A_43 = arith.mulf %mul3A_38, %mul3A_42 : vector<1000x128xf32>
    %get3A_44 = arith.constant 0 : index
    %get3A_45 = vector.load %arg6[%get3A_44] : memref<128xf32, #tpu.memory_space<vmem>>, vector<128xf32>
    %broadcast_in_dim3A_46 = vector.shape_cast %get3A_45 : vector<128xf32> to vector<1x128xf32>
    %add3A_47 = vector.broadcast %broadcast_in_dim3A_46 : vector<1x128xf32> to vector<1000x128xf32>
    %add3A_48 = arith.addf %mul3A_43, %add3A_47 : vector<1000x128xf32>
    %max3A = arith.constant 0.000000e+00 : f32
    %max3A_49 = vector.broadcast %max3A : f32 to vector<1000x128xf32>
    %max3A_50 = arith.maximumf %add3A_48, %max3A_49 : vector<1000x128xf32>
    %get3A_51 = arith.constant 0 : index
    %get3A_52 = arith.constant 0 : index
    %get3A_53 = vector.load %arg7[%get3A_51, %get3A_52] : memref<1000x128xf32, #tpu.memory_space<vmem>>, vector<1000x128xf32>
    %add3A_54 = arith.addf %max3A_50, %get3A_53 : vector<1000x128xf32>
    %swap3A = arith.constant 0 : index
    %swap3A_55 = arith.constant 0 : index
    %swap3A_56 = vector.load %arg8[%swap3A, %swap3A_55] : memref<1000x128xf32, #tpu.memory_space<vmem>>, vector<1000x128xf32>
    tpu.vector_store %arg8[%swap3A, %swap3A_55], %add3A_54 {strides = array<i32>} : memref<1000x128xf32, #tpu.memory_space<vmem>>, vector<1000x128xf32>,
    return
  }
  func.func @transform_0(%arg0: i32) -> (i32, i32, i32) {
    %c0_i32 = arith.constant 0 : i32
    %c0_i32_0 = arith.constant 0 : i32
    %c0_i32_1 = arith.constant 0 : i32
    return %c0_i32, %arg0, %c0_i32_0 : i32, i32, i32
  }
  func.func @transform_1(%arg0: i32) -> (i32, i32) {
    %c0_i32 = arith.constant 0 : i32
    %c0_i32_0 = arith.constant 0 : i32
    return %arg0, %c0_i32 : i32, i32
  }
  func.func @transform_2(%arg0: i32) -> (i32, i32) {
    %c0_i32 = arith.constant 0 : i32
    %c0_i32_0 = arith.constant 0 : i32
    return %arg0, %c0_i32 : i32, i32
  }
  func.func @transform_3(%arg0: i32) -> i32 {
    %c0_i32 = arith.constant 0 : i32
    %c0_i32_0 = arith.constant 0 : i32
    return %c0_i32 : i32
  }
  func.func @transform_4(%arg0: i32) -> i32 {
    %c0_i32 = arith.constant 0 : i32
    %c0_i32_0 = arith.constant 0 : i32
    return %c0_i32 : i32
  }
  func.func @transform_5(%arg0: i32) -> i32 {
    %c0_i32 = arith.constant 0 : i32
    %c0_i32_0 = arith.constant 0 : i32
    return %c0_i32 : i32
  }
  func.func @transform_6(%arg0: i32) -> (i32, i32) {
    %c0_i32 = arith.constant 0 : i32
    %c0_i32_0 = arith.constant 0 : i32
    return %arg0, %c0_i32 : i32, i32
  }
  func.func @transform_7(%arg0: i32) -> (i32, i32) {
    %c0_i32 = arith.constant 0 : i32
    %c0_i32_0 = arith.constant 0 : i32
    return %arg0, %c0_i32 : i32, i32
  }
}

module attributes {stable_mosaic.version = 14 : i64} {
  func.func @_k_att_body(%arg0: i32, %arg1: memref<1000x128xf32, #tpu.memory_space<vmem>>, %arg2: memref<128x64xf32, #tpu.memory_space<vmem>>, %arg3: memref<64xf32, #tpu.memory_space<vmem>>, %arg4: memref<1x64xf32, #tpu.memory_space<vmem>>, %arg5: memref<1xf32, #tpu.memory_space<vmem>>, %arg6: memref<1x1x1000xi32, #tpu.memory_space<vmem>>, %arg7: memref<16x128xf32, #tpu.memory_space<vmem>>) attributes {dimension_semantics = [#tpu.dimension_semantics<arbitrary>], iteration_bounds = array<i64: 10>, scalar_prefetch = 0 : i64, scratch_operands = 0 : i64, tpu.core_type = #tpu.core_type<tc>, window_params = [{transform_indices = @transform_0, window_bounds = array<i64: 1000, 128>}, {pipeline_mode = #tpu.pipeline_mode<synchronous>, transform_indices = @transform_1, window_bounds = array<i64: 128, 64>}, {pipeline_mode = #tpu.pipeline_mode<synchronous>, transform_indices = @transform_2, window_bounds = array<i64: 64>}, {pipeline_mode = #tpu.pipeline_mode<synchronous>, transform_indices = @transform_3, window_bounds = array<i64: 1, 64>}, {pipeline_mode = #tpu.pipeline_mode<synchronous>, transform_indices = @transform_4, window_bounds = array<i64: 1>}, {transform_indices = @transform_5, window_bounds = array<i64: 1, 1, 1000>}, {pipeline_mode = #tpu.pipeline_mode<synchronous>, transform_indices = @transform_6, window_bounds = array<i64: 16, 128>}]} {
    %get3A = arith.constant 0 : index
    %get3A_0 = arith.constant 0 : index
    %get3A_1 = vector.load %arg1[%get3A, %get3A_0] : memref<1000x128xf32, #tpu.memory_space<vmem>>, vector<1000x128xf32>
    %get3A_2 = arith.constant 0 : index
    %get3A_3 = arith.constant 0 : index
    %get3A_4 = vector.load %arg2[%get3A_2, %get3A_3] : memref<128x64xf32, #tpu.memory_space<vmem>>, vector<128x64xf32>
    %dot_general3A = arith.constant dense<0.000000e+00> : vector<1000x64xf32>
    %dot_general3A_5 = tpu.matmul %get3A_1, %get3A_4, %dot_general3A {dimension_numbers = #tpu.dot_dimension_numbers<[1], [0], [0], [1], [0, 0, 1, 1], [], []>, transpose_lhs_hint = false} : vector<1000x128xf32>, vector<128x64xf32>, vector<1000x64xf32> -> vector<1000x64xf32>
    %get3A_6 = arith.constant 0 : index
    %get3A_7 = vector.load %arg3[%get3A_6] : memref<64xf32, #tpu.memory_space<vmem>>, vector<64xf32>
    %broadcast_in_dim3A = vector.shape_cast %get3A_7 : vector<64xf32> to vector<1x64xf32>
    %add3A = vector.broadcast %broadcast_in_dim3A : vector<1x64xf32> to vector<1000x64xf32>
    %add3A_8 = arith.addf %dot_general3A_5, %add3A : vector<1000x64xf32>
    %max3A = arith.constant 0.000000e+00 : f32
    %max3A_9 = vector.broadcast %max3A : f32 to vector<1000x64xf32>
    %max3A_10 = arith.maximumf %add3A_8, %max3A_9 : vector<1000x64xf32>
    %get3A_11 = arith.constant 0 : index
    %get3A_12 = arith.constant 0 : index
    %get3A_13 = vector.load %arg4[%get3A_11, %get3A_12] : memref<1x64xf32, #tpu.memory_space<vmem>>, vector<1x64xf32>
    %mul3A = vector.broadcast %get3A_13 : vector<1x64xf32> to vector<1000x64xf32>
    %mul3A_14 = arith.mulf %max3A_10, %mul3A : vector<1000x64xf32>
    %reduce_sum3A = arith.constant dense<0.000000e+00> : vector<1000xf32>
    %reduce_sum3A_15 = vector.multi_reduction <add>, %mul3A_14, %reduce_sum3A [1] : vector<1000x64xf32> to vector<1000xf32>
    %broadcast_in_dim3A_16 = vector.shape_cast %reduce_sum3A_15 : vector<1000xf32> to vector<1000x1xf32>
    %get3A_17 = arith.constant 0 : index
    %get3A_18 = vector.load %arg5[%get3A_17] : memref<1xf32, #tpu.memory_space<vmem>>, vector<1xf32>
    %get3A_19 = vector.extract %get3A_18[0] : f32 from vector<1xf32>
    %add3A_20 = vector.broadcast %get3A_19 : f32 to vector<1000x1xf32>
    %add3A_21 = arith.addf %broadcast_in_dim3A_16, %add3A_20 : vector<1000x1xf32>
    %logistic3A = arith.negf %add3A_21 : vector<1000x1xf32>
    %logistic3A_22 = math.exp %logistic3A : vector<1000x1xf32>
    %logistic3A_23 = arith.constant 1.000000e+00 : f32
    %logistic3A_24 = vector.broadcast %logistic3A_23 : f32 to vector<1000x1xf32>
    %logistic3A_25 = arith.addf %logistic3A_24, %logistic3A_22 : vector<1000x1xf32>
    %logistic3A_26 = arith.divf %logistic3A_24, %logistic3A_25 : vector<1000x1xf32>
    %mul3A_27 = vector.broadcast %logistic3A_26 : vector<1000x1xf32> to vector<1000x128xf32>
    %mul3A_28 = arith.mulf %get3A_1, %mul3A_27 : vector<1000x128xf32>
    %get3A_29 = arith.constant 0 : index
    %get3A_30 = arith.constant 0 : index
    %get3A_31 = arith.constant 0 : index
    %get3A_32 = vector.load %arg6[%get3A_29, %get3A_30, %get3A_31] : memref<1x1x1000xi32, #tpu.memory_space<vmem>>, vector<1x1x1000xi32>
    %get3A_33 = vector.shape_cast %get3A_32 : vector<1x1x1000xi32> to vector<1x1000xi32>
    %iota3A = tpu.iota {dimensions = array<i32: 0>} : vector<16x1xi32>
    %eq3A = vector.broadcast %get3A_33 : vector<1x1000xi32> to vector<16x1000xi32>
    %eq3A_34 = vector.broadcast %iota3A : vector<16x1xi32> to vector<16x1000xi32>
    %eq3A_35 = arith.cmpi eq, %eq3A, %eq3A_34 : vector<16x1000xi32>
    %convert_element_type3A = arith.extui %eq3A_35 : vector<16x1000xi1> to vector<16x1000xi32>
    %convert_element_type3A_36 = arith.sitofp %convert_element_type3A : vector<16x1000xi32> to vector<16x1000xf32>
    %dot_general3A_37 = arith.constant dense<0.000000e+00> : vector<16x128xf32>
    %dot_general3A_38 = tpu.matmul %convert_element_type3A_36, %mul3A_28, %dot_general3A_37 {dimension_numbers = #tpu.dot_dimension_numbers<[1], [0], [0], [1], [0, 0, 1, 1], [], []>, transpose_lhs_hint = false} : vector<16x1000xf32>, vector<1000x128xf32>, vector<16x128xf32> -> vector<16x128xf32>
    %eq3A_39 = arith.constant 0 : i32
    %eq3A_40 = arith.cmpi eq, %arg0, %eq3A_39 : i32
    %convert_element_type3A_41 = arith.extui %eq3A_40 : i1 to i32
    %cond3A = arith.constant 0 : i32
    %cond3A_42 = arith.cmpi ne, %convert_element_type3A_41, %cond3A : i32
    scf.if %cond3A_42 {
      %broadcast_in_dim3A_49 = arith.constant 0.000000e+00 : f32
      %broadcast_in_dim3A_50 = vector.broadcast %broadcast_in_dim3A_49 : f32 to vector<16x128xf32>
      %swap3A_51 = arith.constant 0 : index
      %swap3A_52 = arith.constant 0 : index
      %swap3A_53 = vector.load %arg7[%swap3A_51, %swap3A_52] : memref<16x128xf32, #tpu.memory_space<vmem>>, vector<16x128xf32>
      tpu.vector_store %arg7[%swap3A_51, %swap3A_52], %broadcast_in_dim3A_50 {strides = array<i32>} : memref<16x128xf32, #tpu.memory_space<vmem>>, vector<16x128xf32>,
    } else {
    }
    %get3A_43 = arith.constant 0 : index
    %get3A_44 = arith.constant 0 : index
    %get3A_45 = vector.load %arg7[%get3A_43, %get3A_44] : memref<16x128xf32, #tpu.memory_space<vmem>>, vector<16x128xf32>
    %add3A_46 = arith.addf %get3A_45, %dot_general3A_38 : vector<16x128xf32>
    %swap3A = arith.constant 0 : index
    %swap3A_47 = arith.constant 0 : index
    %swap3A_48 = vector.load %arg7[%swap3A, %swap3A_47] : memref<16x128xf32, #tpu.memory_space<vmem>>, vector<16x128xf32>
    tpu.vector_store %arg7[%swap3A, %swap3A_47], %add3A_46 {strides = array<i32>} : memref<16x128xf32, #tpu.memory_space<vmem>>, vector<16x128xf32>,
    return
  }
  func.func @transform_0(%arg0: i32) -> (i32, i32) {
    %c0_i32 = arith.constant 0 : i32
    %c0_i32_0 = arith.constant 0 : i32
    return %arg0, %c0_i32 : i32, i32
  }
  func.func @transform_1(%arg0: i32) -> (i32, i32) {
    %c0_i32 = arith.constant 0 : i32
    %c0_i32_0 = arith.constant 0 : i32
    %c0_i32_1 = arith.constant 0 : i32
    return %c0_i32, %c0_i32_0 : i32, i32
  }
  func.func @transform_2(%arg0: i32) -> i32 {
    %c0_i32 = arith.constant 0 : i32
    %c0_i32_0 = arith.constant 0 : i32
    return %c0_i32 : i32
  }
  func.func @transform_3(%arg0: i32) -> (i32, i32) {
    %c0_i32 = arith.constant 0 : i32
    %c0_i32_0 = arith.constant 0 : i32
    %c0_i32_1 = arith.constant 0 : i32
    return %c0_i32, %c0_i32_0 : i32, i32
  }
  func.func @transform_4(%arg0: i32) -> i32 {
    %c0_i32 = arith.constant 0 : i32
    %c0_i32_0 = arith.constant 0 : i32
    return %c0_i32 : i32
  }
  func.func @transform_5(%arg0: i32) -> (i32, i32, i32) {
    %c0_i32 = arith.constant 0 : i32
    %c0_i32_0 = arith.constant 0 : i32
    %c0_i32_1 = arith.constant 0 : i32
    return %arg0, %c0_i32, %c0_i32_0 : i32, i32, i32
  }
  func.func @transform_6(%arg0: i32) -> (i32, i32) {
    %c0_i32 = arith.constant 0 : i32
    %c0_i32_0 = arith.constant 0 : i32
    %c0_i32_1 = arith.constant 0 : i32
    return %c0_i32, %c0_i32_0 : i32, i32
  }
}

module attributes {stable_mosaic.version = 14 : i64} {
  func.func @_k_mlp_body(%arg0: memref<16x128xf32, #tpu.memory_space<vmem>>, %arg1: memref<128x64xf32, #tpu.memory_space<vmem>>, %arg2: memref<64xf32, #tpu.memory_space<vmem>>, %arg3: memref<64x32xf32, #tpu.memory_space<vmem>>, %arg4: memref<32xf32, #tpu.memory_space<vmem>>, %arg5: memref<32x128xf32, #tpu.memory_space<vmem>>, %arg6: memref<128xf32, #tpu.memory_space<vmem>>, %arg7: memref<16x128xf32, #tpu.memory_space<vmem>>) attributes {dimension_semantics = [], scalar_prefetch = 0 : i64, scratch_operands = 0 : i64, tpu.core_type = #tpu.core_type<tc>} {
    %get3A = arith.constant 0 : index
    %get3A_0 = arith.constant 0 : index
    %get3A_1 = vector.load %arg0[%get3A, %get3A_0] : memref<16x128xf32, #tpu.memory_space<vmem>>, vector<16x128xf32>
    %get3A_2 = arith.constant 0 : index
    %get3A_3 = arith.constant 0 : index
    %get3A_4 = vector.load %arg1[%get3A_2, %get3A_3] : memref<128x64xf32, #tpu.memory_space<vmem>>, vector<128x64xf32>
    %dot_general3A = arith.constant dense<0.000000e+00> : vector<16x64xf32>
    %dot_general3A_5 = tpu.matmul %get3A_1, %get3A_4, %dot_general3A {dimension_numbers = #tpu.dot_dimension_numbers<[1], [0], [0], [1], [0, 0, 1, 1], [], []>, transpose_lhs_hint = false} : vector<16x128xf32>, vector<128x64xf32>, vector<16x64xf32> -> vector<16x64xf32>
    %get3A_6 = arith.constant 0 : index
    %get3A_7 = vector.load %arg2[%get3A_6] : memref<64xf32, #tpu.memory_space<vmem>>, vector<64xf32>
    %broadcast_in_dim3A = vector.shape_cast %get3A_7 : vector<64xf32> to vector<1x64xf32>
    %add3A = vector.broadcast %broadcast_in_dim3A : vector<1x64xf32> to vector<16x64xf32>
    %add3A_8 = arith.addf %dot_general3A_5, %add3A : vector<16x64xf32>
    %max3A = arith.constant 0.000000e+00 : f32
    %max3A_9 = vector.broadcast %max3A : f32 to vector<16x64xf32>
    %max3A_10 = arith.maximumf %add3A_8, %max3A_9 : vector<16x64xf32>
    %get3A_11 = arith.constant 0 : index
    %get3A_12 = arith.constant 0 : index
    %get3A_13 = vector.load %arg3[%get3A_11, %get3A_12] : memref<64x32xf32, #tpu.memory_space<vmem>>, vector<64x32xf32>
    %dot_general3A_14 = arith.constant dense<0.000000e+00> : vector<16x32xf32>
    %dot_general3A_15 = tpu.matmul %max3A_10, %get3A_13, %dot_general3A_14 {dimension_numbers = #tpu.dot_dimension_numbers<[1], [0], [0], [1], [0, 0, 1, 1], [], []>, transpose_lhs_hint = false} : vector<16x64xf32>, vector<64x32xf32>, vector<16x32xf32> -> vector<16x32xf32>
    %get3A_16 = arith.constant 0 : index
    %get3A_17 = vector.load %arg4[%get3A_16] : memref<32xf32, #tpu.memory_space<vmem>>, vector<32xf32>
    %broadcast_in_dim3A_18 = vector.shape_cast %get3A_17 : vector<32xf32> to vector<1x32xf32>
    %add3A_19 = vector.broadcast %broadcast_in_dim3A_18 : vector<1x32xf32> to vector<16x32xf32>
    %add3A_20 = arith.addf %dot_general3A_15, %add3A_19 : vector<16x32xf32>
    %max3A_21 = arith.constant 0.000000e+00 : f32
    %max3A_22 = vector.broadcast %max3A_21 : f32 to vector<16x32xf32>
    %max3A_23 = arith.maximumf %add3A_20, %max3A_22 : vector<16x32xf32>
    %get3A_24 = arith.constant 0 : index
    %get3A_25 = arith.constant 0 : index
    %get3A_26 = vector.load %arg5[%get3A_24, %get3A_25] : memref<32x128xf32, #tpu.memory_space<vmem>>, vector<32x128xf32>
    %dot_general3A_27 = arith.constant dense<0.000000e+00> : vector<16x128xf32>
    %dot_general3A_28 = tpu.matmul %max3A_23, %get3A_26, %dot_general3A_27 {dimension_numbers = #tpu.dot_dimension_numbers<[1], [0], [0], [1], [0, 0, 1, 1], [], []>, transpose_lhs_hint = false} : vector<16x32xf32>, vector<32x128xf32>, vector<16x128xf32> -> vector<16x128xf32>
    %get3A_29 = arith.constant 0 : index
    %get3A_30 = vector.load %arg6[%get3A_29] : memref<128xf32, #tpu.memory_space<vmem>>, vector<128xf32>
    %broadcast_in_dim3A_31 = vector.shape_cast %get3A_30 : vector<128xf32> to vector<1x128xf32>
    %add3A_32 = vector.broadcast %broadcast_in_dim3A_31 : vector<1x128xf32> to vector<16x128xf32>
    %add3A_33 = arith.addf %dot_general3A_28, %add3A_32 : vector<16x128xf32>
    %swap3A = arith.constant 0 : index
    %swap3A_34 = arith.constant 0 : index
    %swap3A_35 = vector.load %arg7[%swap3A, %swap3A_34] : memref<16x128xf32, #tpu.memory_space<vmem>>, vector<16x128xf32>
    tpu.vector_store %arg7[%swap3A, %swap3A_34], %add3A_33 {strides = array<i32>} : memref<16x128xf32, #tpu.memory_space<vmem>>, vector<16x128xf32>,
    return
  }
}

</mosaic_0001>

<sc_bundles>
// kernel: kernel.15.cloned.1.call-start
scs
__scs_entry_jumppad:
0x0: {  	(pc) =	sbr.rel $0x88, $3  }
0x1: {  	(tag) =	ssettag $0x0;
	lr =	simm.s32 $0x1  }
0x2: {  	[smem:$0x3F82] =	sst lr;
	_ =	strace $0xD0000000  }
0x3: {  	_ = 	snop  }
0x4: {  	_ = 	snop  }
0x5: {  	_ = 	snop  }
0x6: {  	_ = 	snop  }
0x7: {  	_ = 	snop  }
__scs_overlays_trampoline_lowered:
0x8: {  	[smem:$0x3F91] =	sst s0  }
0x9: {  	[smem:$0x3F92] =	sst s1  }
0xa: {  	[smem:$0x3F93] =	sst s2  }
0xb: {  	[smem:$0x3F94] =	sst s3  }
0xc: {  	[smem:$0x3F95] =	sst s4  }
0xd: {  	[smem:$0x3F96] =	sst s5  }
0xe: {  	[smem:$0x3F97] =	sst s6  }
0xf: {  	[smem:$0x3F98] =	sst s7  }
0x10: {  	[smem:$0x3F99] =	sst s8  }
0x11: {  	[smem:$0x3F9A] =	sst s9;
	s0 =	simm.s32 @!p0 $0x0  }
0x12: {  	s1 =	sld [smem:$0x3F80];
	s0 =	simm.s32 @p0 $0x1  }
0x13: {  	[smem:$0x3F9B] =	sst s0;
	s0 =	simm.s32 @!p1 $0x0  }
0x14: {  	s2 =	sld [smem:$0x3F7F];
	s0 =	simm.s32 @p1 $0x1  }
0x15: {  	[smem:$0x3F9C] =	sst s0;
	s0 =	simm.s32 @!p2 $0x0  }
0x16: {  	s3 =	sld [smem:$0x3FDB];
	s0 =	simm.s32 @p2 $0x1  }
0x17: {  	s4 =	simm.s32 $0x1BF5;
	[smem:$0x3F9E] =	sst s0  }
0x18: {  	s0 =	sld [smem:$0x3F81];
	_ =	swait.ge [sflag:s4], $0x0  }
0x19: {  	s7 =	sld [smem:$0x3F82]  }
0x1a: {  	s8 =	sadd.s32 $0xFFFFE003, lr  }
0x1b: {  	s9 =	sadd.s32 $0xFFFFFEF7, lr;
	s5 =	simm.s32 $0xFFFFFFFF;
	p2 =	slt.u32 s8, $0xFFFFF086  }
0x1c: {  	p1 =	slt.u32 s9, $0xF7A;
	s5 =	simm.s32 @!p2 $0x0  }
0x1d: {  	s5 =	simm.s32 @p1 $0x1;
	p0 =	seq.s32 s7, s2  }
0x1e: {  	s7 =	smul.u32 @!p0 $0xF7A, s2;
	p2 =	seq.s32 @!p0 s5, $0x0  }
0x1f: {  	s9 =	smul.u32 $0xF7A, s1;
	s8 =	simm.s32 @!p0 $0x1BF5;
	p2 =	por !p2, p0  }
0x20: {  	[sflag:s8] =	ssyncset.s32 @!p0 $0xFFFFF086;
	s6 =	sadd.s32 @!p0 s3, s7;
	s7 =	simm.s32 @!p0 $0x108  }
0x21: {  	s3 =	sadd.s32 s3, s9;
	s6 =	sadd.s32 @!p0 $0x88, s6;
	s7 =	simm.s32 @p2 $0x1082  }
0x22: {  	[simem:s7], [sflag:s8] =	dma.local @!p0 [hbm:s6], $0xF7A  }
0x23: {  	s9 =	sor.u32 $0xD0000000, s2;
	s6 =	simm.s32 $0x108;
	_ =	swait.ge @!p0 [sflag:s8], $0x0  }
0x24: {  	s3 =	sadd.s32 $0x88, s3;
	s6 =	simm.s32 @!p1 $0x1082;
	[sflag:s4] =	ssyncset.s32 $0xFFFFF086  }
0x25: {  	[simem:s6], [sflag:s4] =	dma.local [hbm:s3], $0xF7A  }
0x26: {  	[smem:$0x3F82] =	sst s1;
	(tag) =	ssettag s2;
	_ =	strace s9  }
0x27: {  	s1 =	sld [smem:$0x3F92]  }
0x28: {  	s2 =	sld [smem:$0x3F93]  }
0x29: {  	s4 =	sld [smem:$0x3F95]  }
0x2a: {  	p0 =	seq.s32 s5, $0x0;
	s5 =	sld [smem:$0x3F96]  }
0x2b: {  	s6 =	sld [smem:$0x3F97]  }
0x2c: {  	s7 =	sld [smem:$0x3F98]  }
0x2d: {  	s3 =	simm.s32 $0x108;
	s8 =	sld [smem:$0x3F99]  }
0x2e: {  	s3 =	simm.s32 @!p0 $0x1082;
	s9 =	sld [smem:$0x3F9A]  }
0x2f: {  	lr =	sadd.s32 s0, s3;
	s0 =	sld [smem:$0x3F91]  }
0x30: {  	s3 =	sld [smem:$0x3F94]  }
0x31: {  	[smem:$0x3F9D] =	sst s10  }
0x32: {  	s10 =	sld [smem:$0x3F9B];
	_ =	sdelay $0x3  }
0x33: {  	p0 =	seq.s32 s10, $0x1;
	s10 =	sld [smem:$0x3F9D];
	_ =	sdelay $0x3  }
0x34: {  	[smem:$0x3F9D] =	sst s10  }
0x35: {  	s10 =	sld [smem:$0x3F9C];
	_ =	sdelay $0x3  }
0x36: {  	p1 =	seq.s32 s10, $0x1;
	s10 =	sld [smem:$0x3F9D];
	_ =	sdelay $0x3  }
0x37: {  	[smem:$0x3F9D] =	sst s10  }
0x38: {  	s10 =	sld [smem:$0x3F9E]  }
0x39: {  	_ = 	snop;
	(pc) =	sbr.ind lr, $3  }
0x3a: {  	_ = 	snop  }
0x3b: {  	_ = 	snop  }
0x3c: {  	p2 =	seq.s32 s10, $0x1;
	s10 =	sld [smem:$0x3F9D]  }
0x3d: {  	_ =	shalt  }
0x3e: {  	_ =	shalt  }
0x3f: {  	_ =	shalt  }
0x40: {  	_ =	shalt  }
0x41: {  	_ =	shalt  }
0x42: {  	_ =	shalt  }
0x43: {  	_ =	shalt  }
0x44: {  	_ =	shalt  }
0x45: {  	_ =	shalt  }
0x46: {  	_ =	shalt  }
0x47: {  	_ =	shalt  }
0x48: {  	_ =	shalt  }
0x49: {  	_ =	shalt  }
0x4a: {  	_ =	shalt  }
0x4b: {  	_ =	shalt  }
0x4c: {  	_ =	shalt  }
0x4d: {  	_ =	shalt  }
0x4e: {  	_ =	shalt  }
0x4f: {  	_ =	shalt  }
0x50: {  	_ =	shalt  }
0x51: {  	_ =	shalt  }
0x52: {  	_ =	shalt  }
0x53: {  	_ =	shalt  }
0x54: {  	_ =	shalt  }
0x55: {  	_ =	shalt  }
0x56: {  	_ =	shalt  }
0x57: {  	_ =	shalt  }
0x58: {  	_ =	shalt  }
0x59: {  	_ =	shalt  }
0x5a: {  	_ =	shalt  }
0x5b: {  	_ =	shalt  }
0x5c: {  	_ =	shalt  }
0x5d: {  	_ =	shalt  }
0x5e: {  	_ =	shalt  }
0x5f: {  	_ =	shalt  }
0x60: {  	_ =	shalt  }
0x61: {  	_ =	shalt  }
0x62: {  	_ =	shalt  }
0x63: {  	_ =	shalt  }
0x64: {  	_ =	shalt  }
0x65: {  	_ =	shalt  }
0x66: {  	_ =	shalt  }
0x67: {  	_ =	shalt  }
0x68: {  	_ =	shalt  }
0x69: {  	_ =	shalt  }
0x6a: {  	_ =	shalt  }
0x6b: {  	_ =	shalt  }
0x6c: {  	_ =	shalt  }
0x6d: {  	_ =	shalt  }
0x6e: {  	_ =	shalt  }
0x6f: {  	_ =	shalt  }
0x70: {  	_ =	shalt  }
0x71: {  	_ =	shalt  }
0x72: {  	_ =	shalt  }
0x73: {  	_ =	shalt  }
0x74: {  	_ =	shalt  }
0x75: {  	_ =	shalt  }
0x76: {  	_ =	shalt  }
0x77: {  	_ =	shalt  }
0x78: {  	_ =	shalt  }
0x79: {  	_ =	shalt  }
0x7a: {  	_ =	shalt  }
0x7b: {  	_ =	shalt  }
0x7c: {  	_ =	shalt  }
0x7d: {  	_ =	shalt  }
0x7e: {  	_ =	shalt  }
0x7f: {  	_ =	shalt  }
0x80: {  	_ =	shalt  }
0x81: {  	_ =	shalt  }
0x82: {  	_ =	shalt  }
0x83: {  	_ =	shalt  }
0x84: {  	_ =	shalt  }
0x85: {  	_ =	shalt  }
0x86: {  	_ =	shalt  }
0x87: {  	_ =	shalt  }
.Lfunc_end0:
.L_simem_size_0:
called_computation_lowered:
.L_overlay_start_0:
0x88: {  	s2 =	sld [smem:$0x3FD9]  }
0x89: {  	s3 =	sld [smem:$0x3FFE];
	_ =	sdelay $0x1  }
0x8a: {  	s1 =	srdreg.scid  }
0x8b: {  	s0 =	sand.u32 $0x1, s1  }
0x8c: {  	s16 =	sshll.u32 s0, $0xA;
	s2 =	sadd.s32 s3, s2  }
0x8d: {  	s2 =	sadd.s32 s2, s16  }
0x8e: {  	[smem:$0x3FA9] =	sst s2  }
0x8f: {  	_ = 	snop  }
0x90: {  	(tm) =	ssettm $0x1  }
0x91: {  	s17 =	sld [smem:$0x3FFB];
	_ =	sdelay $0x3  }
0x92: {  	_ =	strace s17  }
0x93: {  	s2 =	sld [smem:$0x3FFC];
	_ =	sdelay $0x3  }
0x94: {  	_ =	strace s2  }
0x95: {  	s2 =	sld [smem:$0x3FFD];
	_ =	sdelay $0x3  }
0x96: {  	_ =	strace s2  }
0x97: {  	_ =	strace $0x8FFFFFFF  }
0x98: {  	s18 =	sld [smem:$0x3FDB];
	_ =	sdelay $0x1  }
0x99: {  	s19 =	simm.s32 $_scs_section_size  }
0x9a: {  	s4 =	simm.s32 $_size__tile_overlayer_lowered;
	s5 =	simm.s32 $_tile_overlayer_lowered  }
0x9b: {  	s22 =	simm.s32 $0x1BFF;
	s21 =	sshll.u32 s5, $0x1;
	s2 =	sadd.s32 s19, s18  }
0x9c: {  	s6 =	simm.s32 $0x0;
	s20 =	sshll.u32 s4, $0x1;
	s4 =	sadd.s32 s21, s2  }
0x9d: {  	[timem:s6], [sflag:s22] =	dma.local [hbm:s4], s20  }
0x9e: {  	_ =	swait.ge [sflag:s22], s20  }
0x9f: {  	s3 =	ssub.s32 $0x0, s20;
	[sflag:s22] =	ssyncset.done $0x0  }
0xa0: {  	[sflag:s22] =	ssyncadd.s32 s3;
	_ =	sdelay $0x1  }
0xa1: {  	s23 =	simm.s32 $0x1B8B  }
0xa2: {  	_ =	swait.ge [sflag:s23], $0x1  }
0xa3: {  	[sflag:s23] =	ssyncset.done $0x0  }
0xa4: {  	s25 =	simm.s32 $0x1B8E;
	s24 =	sld [smem:$0x3FFE];
	[sflag:s23] =	ssyncadd.s32 $0xFFFFFFFF  }
0xa5: {  	s26 =	simm.s32 $execute0_lowered;
	[smem:$0x3FD2] =	sst s25  }
0xa6: {  	s4 =	sshll.u32 s26, $0x1;
	_ =	strace $0x80000046;
	[dreg:$0x1] =	wrdreg $0xFFFFFFFF  }
0xa7: {  	s28 =	simm.s32 $_size_execute0_lowered;
	s2 =	sadd.s32 s2, s4;
	[dreg:$0x0] =	wrdreg $0x0  }
0xa8: {  	s4 =	sshll.u32 s28, $0x1;
	[dreg:$0x2] =	wrdreg s2  }
0xa9: {  	[dreg:$0x3] =	wrdreg s4  }
0xaa: {  	[dreg:$0x4] =	wrdreg $0xC0  }
0xab: {  	_ =	task [dreg:s6], $0x5FFFF  }
0xac: {  	[dreg:$0x1] =	wrdreg $0xFFFFFFFF  }
0xad: {  	[dreg:$0x0] =	wrdreg $0x60  }
0xae: {  	[dreg:$0x2] =	wrdreg s24  }
0xaf: {  	[dreg:$0x3] =	wrdreg $0x54800  }
0xb0: {  	[dreg:$0x4] =	wrdreg $0x9  }
0xb1: {  	_ =	task.clear_ibuf [dreg:s6], $0x5FFFF;
	_ =	strace $0x90000046  }
0xb2: {  	s29 =	simm.s32 $0x9;
	_ =	strace $0x80000048  }
0xb3: {  	_ =	swait.ge [sflag:s29], $0x1  }
0xb4: {  	[sflag:s29] =	ssyncadd.s32 $0xFFFFFFFF  }
0xb5: {  	_ =	strace $0x90000048  }
0xb6: {  	_ =	sfence  }
0xb7: {  	s30 =	sld [smem:$0x0];
	_ =	sdelay $0x2  }
0xb8: {  	s31 =	sshll.u32 s1, $0xD;
	s1 =	sshrl.u32 s1, $0x2  }
0xb9: {  	s3 =	sand.u32 $0x4000, s31;
	s1 =	sadd.s32 s1, s30  }
0xba: {  	s0 =	sor.u32 s3, s0;
	s1 =	sshll.u32 s1, $0x11  }
0xbb: {  	s0 =	sor.u32 s1, s0  }
0xbc: {  	s0 =	sadd.s32 $0x8F2B, s0  }
0xbd: {  	[sflag:s0] =	ssyncadd.remote.s32 $0x1  }
0xbe: {  	_ =	sfence.sel $0xFFFF  }
0xbf: {  	[dreg:$0x0] =	wrdreg $0xFFFFFFFF;
	(pc) =	sbr.abs _section_cstart, $3  }
0xc0: {  	[dreg:$0x1] =	wrdreg $0xFFFFFFFF  }
0xc1: {  	_ =	task.clear_ibuf [dreg:s6], $0x2FFFF;
	_ =	strace $0x9FFFFFFF  }
0xc2: {  	(tm) =	ssettm $0x7FFFFFFF  }
0xc3: {  	_ =	shalt  }
tec
execute0_lowered:
.L_overlay_start_1:
0x0: {  	(tag) =	ssettag $0x1  }
0x1: {  	s0 =	srdreg.scid;
	s1 =	rddreg [dreg:$0x0]  }
0x2: {  	s8 =	stileid.u32;
	s2 =	rddreg [dreg:$0x1]  }
0x3: {  	s3 =	simm.s32 $0x0;
	s13 =	simm.s32 $0x1480;
	s14 =	simm.s32 $0x3  }
0x4: {  	s15 =	simm.s32 $0x80;
	s17 =	simm.s32 $0x1;
	s18 =	simm.s32 $0x2  }
0x5: {  	s16 =	simm.s32 $0x100;
	s11 =	simm.s32 $0xC00;
	s12 =	simm.s32 $0xC80  }
0x6: {  	s19 =	simm.s32 $0xD80;
	s28 =	simm.s32 $0x1180;
	s5 =	smul.u32 $0x14000, s8  }
0x7: {  	s29 =	simm.s32 $0x1200;
	s30 =	simm.s32 $0x1280;
	s6 =	smul.u32 $0x50000, s8  }
0x8: {  	s31 =	simm.s32 $0x1300;
	s0 =	sand.u32 $0x1, s0;
	s21 =	smul.u32 $0x2800, s8  }
0x9: {  	[smem:$0x7FF] =	sst s3;
	s3 =	sadd.s32 $0x5E00, s1;
	s4 =	smul.u32 $0x140000, s0  }
0xa: {  	_ =	strace $0x80000047;
	s20 =	ssub.s32 $0x2, s0;
	s0 =	smul.u32 $0x28000, s0  }
0xb: {  	s6 =	sshrl.u32 s6, $0x2;
	s7 =	sshrl.u32 s20, $0x1;
	s5 =	sadd.s32 s5, s4  }
0xc: {  	s9 =	sadd.s32 s6, s2;
	s10 =	sadd.s32 s21, s0;
	s0 =	simm.s32 $0x0  }
0xd: {  	s21 =	simm.s32 $0xE80;
	s6 =	sadd.s32 $0x4000, s9;
	[dreg:$0x3] =	wrdreg s9  }
0xe: {  	s4 =	simm.s32 $0x1380;
	s22 =	sadd.s32 $0x8000, s9;
	[dreg:$0x4] =	wrdreg s6  }
0xf: {  	s5 =	sshrl.u32 s5, $0x3;
	s23 =	sadd.s32 $0xC000, s9;
	[dreg:$0x5] =	wrdreg s22  }
0x10: {  	s24 =	sadd.s32 $0x10000, s9;
	s1 =	sadd.s32 s5, s1;
	[dreg:$0x6] =	wrdreg s23  }
0x11: {  	s5 =	ssub.s32 s20, s7;
	[dreg:$0x7] =	wrdreg s24;
	s6 =	simm.s32 $0xA80  }
0x12: {  	s7 =	simm.s32 $0xB00;
	s20 =	simm.s32 $0xE00;
	s22 =	simm.s32 $0xF00  }
0x13: {  	s23 =	simm.s32 $0x0;
	s24 =	simm.s32 $0x1000;
	s25 =	sadd.s32 $0xFE00, s1  }
0x14: {  	s26 =	smax.u32 s5, $0x1;
	s5 =	simm.s32 $0xD00;
	[dreg:$0x8] =	wrdreg s25  }
0x15: {  	v0 =	vimm.s32 $0x2720;
	v1 =	vimm.f32 $0.0e+00;
	v2 =	vimm.f32 $1.000000000e+00;
	[dreg:$0x9] =	wrdreg s26;
	s25 =	simm.s32 $0x1080;
	s26 =	simm.s32 $0x1100  }
.LBB2_1:
0x16: {  	[tilespmem:$0x1400] =	vst v0  }
0x17: {  	[tilespmem:$0x1410] =	vst v0  }
0x18: {  	[tilespmem:$0x1420] =	vst v0  }
0x19: {  	[tilespmem:$0x1430] =	vst v0  }
0x1a: {  	[tilespmem:$0x1440] =	vst v0  }
0x1b: {  	[tilespmem:$0x1450] =	vst v0  }
0x1c: {  	[tilespmem:$0x1460] =	vst v0  }
0x1d: {  	[tilespmem:$0x1470] =	vst v0;
	s8 =	simm.s32 $0x0;
	s9 =	simm.s32 $0x200  }
.LBB2_2:
0x1e: {  	p0 =	sne.s32 s9, $0xFE00;
	[tilespmem:s8+$0x14F0] =	vst v1  }
0x1f: {  	[tilespmem:s8+$0x1480] =	vst v1  }
0x20: {  	[tilespmem:s8+$0x1490] =	vst v1  }
.Ltmp0:
0x21: {  	[tilespmem:s8+$0x14A0] =	vst v1;
	(pc) =	sbr.rel @p0 .LBB2_2-.Ltmp0, $4  }
0x22: {  	[tilespmem:s8+$0x14B0] =	vst v1  }
0x23: {  	[tilespmem:s8+$0x14C0] =	vst v1  }
0x24: {  	[tilespmem:s8+$0x14D0] =	vst v1  }
0x25: {  	[tilespmem:s8+$0x14E0] =	vst v1;
	s8 =	sshra.s32 s9, $0x2;
	s9 =	sadd.s32 $0x200, s9  }
0x26: {  	[tilespmem:s8+$0x14F0] =	vst v1  }
0x27: {  	[tilespmem:s8+$0x1480] =	vst v1  }
0x28: {  	[tilespmem:s8+$0x1490] =	vst v1  }
0x29: {  	[tilespmem:s8+$0x14A0] =	vst v1  }
0x2a: {  	[tilespmem:s8+$0x14B0] =	vst v1  }
0x2b: {  	[tilespmem:s8+$0x14C0] =	vst v1  }
0x2c: {  	[dreg:$0xa] =	wrdreg s0;
	[tilespmem:s8+$0x14D0] =	vst v1  }
0x2d: {  	s1 =	smov.u32 s3;
	[tilespmem:s8+$0x14E0] =	vst v1;
	s3 =	rddreg [dreg:$0x3]  }
0x2e: {  	[spmem:s3] =	stream.linear.scatter [tilespmem:s13], [sflag:$0x3], $0x4000, $0x38;
	[tilespmem:$0x19480] =	vst v63  }
0x2f: {  	_ =	swait.ge [sflag:s14], $0x4000  }
0x30: {  	[sflag:s14] =	ssyncset.done $0x0  }
0x31: {  	s9 =	rddreg [dreg:$0x4];
	[sflag:s14] =	ssyncadd.s32 $0xFFFFC000  }
0x32: {  	[spmem:s9] =	stream.linear.scatter [tilespmem:s13], [sflag:$0x3], $0x4000, $0x38;
	[tilespmem:$0x19480] =	vst v63  }
0x33: {  	_ =	swait.ge [sflag:s14], $0x4000  }
0x34: {  	[sflag:s14] =	ssyncset.done $0x0  }
0x35: {  	s0 =	rddreg [dreg:$0x5];
	[sflag:s14] =	ssyncadd.s32 $0xFFFFC000  }
0x36: {  	[spmem:s0] =	stream.linear.scatter [tilespmem:s13], [sflag:$0x3], $0x4000, $0x38;
	[tilespmem:$0x19480] =	vst v63  }
0x37: {  	_ =	swait.ge [sflag:s14], $0x4000  }
0x38: {  	[sflag:s14] =	ssyncset.done $0x0  }
0x39: {  	s3 =	rddreg [dreg:$0x6];
	[sflag:s14] =	ssyncadd.s32 $0xFFFFC000  }
0x3a: {  	[spmem:s3] =	stream.linear.scatter [tilespmem:s13], [sflag:$0x3], $0x4000, $0x38;
	[tilespmem:$0x19480] =	vst v63  }
0x3b: {  	_ =	swait.ge [sflag:s14], $0x4000  }
0x3c: {  	[sflag:s14] =	ssyncset.done $0x0  }
0x3d: {  	s9 =	rddreg [dreg:$0x7];
	[sflag:s14] =	ssyncadd.s32 $0xFFFFC000  }
0x3e: {  	[spmem:s9] =	stream.linear.scatter [tilespmem:s13], [sflag:$0x3], $0x4000, $0x38;
	[tilespmem:$0x19480] =	vst v63  }
0x3f: {  	_ =	swait.ge [sflag:s14], $0x4000  }
0x40: {  	[sflag:s14] =	ssyncset.done $0x0  }
0x41: {  	s8 =	simm.s32 $0x0;
	s9 =	simm.s32 $0x200;
	[sflag:s14] =	ssyncadd.s32 $0xFFFFC000  }
.LBB2_4:
0x42: {  	p0 =	sne.s32 s9, $0xFE00;
	[tilespmem:s8+$0x14F0] =	vst v2  }
0x43: {  	[tilespmem:s8+$0x1480] =	vst v2  }
0x44: {  	[tilespmem:s8+$0x1490] =	vst v2  }
.Ltmp1:
0x45: {  	[tilespmem:s8+$0x14A0] =	vst v2;
	(pc) =	sbr.rel @p0 .LBB2_4-.Ltmp1, $4  }
0x46: {  	[tilespmem:s8+$0x14B0] =	vst v2  }
0x47: {  	[tilespmem:s8+$0x14C0] =	vst v2  }
0x48: {  	[tilespmem:s8+$0x14D0] =	vst v2  }
0x49: {  	[tilespmem:s8+$0x14E0] =	vst v2;
	s8 =	sshra.s32 s9, $0x2;
	s9 =	sadd.s32 $0x200, s9  }
0x4a: {  	[tilespmem:s8+$0x14F0] =	vst v2  }
0x4b: {  	[tilespmem:s8+$0x1480] =	vst v2  }
0x4c: {  	[tilespmem:s8+$0x1490] =	vst v2  }
0x4d: {  	[tilespmem:s8+$0x14A0] =	vst v2  }
0x4e: {  	[tilespmem:s8+$0x14B0] =	vst v2  }
0x4f: {  	[tilespmem:s8+$0x14C0] =	vst v2  }
0x50: {  	[tilespmem:s8+$0x14D0] =	vst v2  }
0x51: {  	[tilespmem:s8+$0x14E0] =	vst v2  }
0x52: {  	s9 =	simm.s32 $0x1400;
	[bflag:$0x0] =	sbarrier.arrive $0xFFFF  }
0x53: {  	[spmem:s2] =	stream.indirect.scatter.add.f32 [tilespmem:s13], [sflag:$0x1], $0x80, s9, s15, $0xb8;
	[tilespmem:$0x19480] =	vst v63  }
0x54: {  	s8 =	simm.s32 $0x0  }
0x55: {  	[spmem:s2] =	stream.indirect.scatter.add.f32 [tilespmem:s13], [sflag:$0x2], $0x80, s9, s15, $0xb8;
	[tilespmem:$0x19480] =	vst v63  }
0x56: {  	p0 =	por $0x1, $0x1;
	s3 =	simm.s32 $0xF80;
	s9 =	simm.s32 $0xB80  }
.LBB2_6:
0x57: {  	_ =	swait.ge [sflag:s17], $0x4000  }
0x58: {  	[sflag:s17] =	ssyncset.done $0x0  }
0x59: {  	[sflag:s17] =	ssyncadd.s32 $0xFFFFC000  }
0x5a: {  	s8 =	sadd.s32 s8, s10;
	_ =	swait.ge [sflag:s18], $0x4000  }
0x5b: {  	s8 =	sshrl.u32 s8, $0x3;
	[sflag:s18] =	ssyncset.done $0x0  }
0x5c: {  	s8 =	sadd.s32 s1, s8;
	[sflag:s18] =	ssyncadd.s32 $0xFFFFC000  }
0x5d: {  	[tilespmem:s23], [sflag:$0x3] =	stream.linear.gather [hbm4b:s8+s23], $0x1400, $0x38;
	[tilespmem:$0x19480] =	vst v63  }
0x5e: {  	_ =	swait.ge [sflag:s14], $0x1400  }
0x5f: {  	[sflag:s14] =	ssyncset.done $0x0  }
0x60: {  	s8 =	simm.s32 $0x1400;
	[sflag:s14] =	ssyncadd.s32 $0xFFFFEC00  }
0x61: {  	[spmem:s2] =	stream.indirect.scatter.add.f32 [tilespmem:s13], [sflag:$0x1], $0x80, s8, s15, $0xb8;
	[tilespmem:$0x19480] =	vst v63  }
0x62: {  	_ = 	snop  }
0x63: {  	[spmem:s2] =	stream.indirect.scatter.add.f32 [tilespmem:s13], [sflag:$0x2], $0x80, s8, s15, $0xb8;
	[tilespmem:$0x19480] =	vst v63  }
0x64: {  	_ =	swait.ge [sflag:s17], $0x4000  }
0x65: {  	[sflag:s17] =	ssyncset.done $0x0  }
0x66: {  	[sflag:s17] =	ssyncadd.s32 $0xFFFFC000  }
0x67: {  	[spmem:s2] =	stream.indirect.scatter.add.f32 [tilespmem:s13], [sflag:$0x1], $0x80, s23, s15, $0xb8;
	[tilespmem:$0x19480] =	vst v63  }
0x68: {  	_ =	swait.ge [sflag:s18], $0x4000  }
0x69: {  	[sflag:s18] =	ssyncset.done $0x0  }
0x6a: {  	[sflag:s18] =	ssyncadd.s32 $0xFFFFC000  }
0x6b: {  	[spmem:s2] =	stream.indirect.scatter.add.f32 [tilespmem:s13], [sflag:$0x2], $0x80, s15, s15, $0xb8;
	[tilespmem:$0x19480] =	vst v63  }
0x6c: {  	_ =	swait.ge [sflag:s17], $0x4000  }
0x6d: {  	[sflag:s17] =	ssyncset.done $0x0  }
0x6e: {  	[sflag:s17] =	ssyncadd.s32 $0xFFFFC000  }
0x6f: {  	[spmem:s2] =	stream.indirect.scatter.add.f32 [tilespmem:s13], [sflag:$0x1], $0x80, s16, s15, $0xb8;
	[tilespmem:$0x19480] =	vst v63  }
0x70: {  	_ =	swait.ge [sflag:s18], $0x4000  }
0x71: {  	[sflag:s18] =	ssyncset.done $0x0  }
0x72: {  	s0 =	simm.s32 $0x180;
	[sflag:s18] =	ssyncadd.s32 $0xFFFFC000  }
0x73: {  	[spmem:s2] =	stream.indirect.scatter.add.f32 [tilespmem:s13], [sflag:$0x2], $0x80, s0, s15, $0xb8;
	[tilespmem:$0x19480] =	vst v63  }
0x74: {  	_ =	swait.ge [sflag:s17], $0x4000  }
0x75: {  	[sflag:s17] =	ssyncset.done $0x0  }
0x76: {  	s0 =	simm.s32 $0x200;
	[sflag:s17] =	ssyncadd.s32 $0xFFFFC000  }
0x77: {  	[spmem:s2] =	stream.indirect.scatter.add.f32 [tilespmem:s13], [sflag:$0x1], $0x80, s0, s15, $0xb8;
	[tilespmem:$0x19480] =	vst v63  }
0x78: {  	_ =	swait.ge [sflag:s18], $0x4000  }
0x79: {  	[sflag:s18] =	ssyncset.done $0x0  }
0x7a: {  	s0 =	simm.s32 $0x280;
	[sflag:s18] =	ssyncadd.s32 $0xFFFFC000  }
0x7b: {  	[spmem:s2] =	stream.indirect.scatter.add.f32 [tilespmem:s13], [sflag:$0x2], $0x80, s0, s15, $0xb8;
	[tilespmem:$0x19480] =	vst v63  }
0x7c: {  	_ =	swait.ge [sflag:s17], $0x4000  }
0x7d: {  	[sflag:s17] =	ssyncset.done $0x0  }
0x7e: {  	s0 =	simm.s32 $0x300;
	[sflag:s17] =	ssyncadd.s32 $0xFFFFC000  }
0x7f: {  	[spmem:s2] =	stream.indirect.scatter.add.f32 [tilespmem:s13], [sflag:$0x1], $0x80, s0, s15, $0xb8;
	[tilespmem:$0x19480] =	vst v63  }
0x80: {  	_ =	swait.ge [sflag:s18], $0x4000  }
0x81: {  	[sflag:s18] =	ssyncset.done $0x0  }
0x82: {  	s0 =	simm.s32 $0x380;
	[sflag:s18] =	ssyncadd.s32 $0xFFFFC000  }
0x83: {  	[spmem:s2] =	stream.indirect.scatter.add.f32 [tilespmem:s13], [sflag:$0x2], $0x80, s0, s15, $0xb8;
	[tilespmem:$0x19480] =	vst v63  }
0x84: {  	_ =	swait.ge [sflag:s17], $0x4000  }
0x85: {  	[sflag:s17] =	ssyncset.done $0x0  }
0x86: {  	s0 =	simm.s32 $0x400;
	[sflag:s17] =	ssyncadd.s32 $0xFFFFC000  }
0x87: {  	[spmem:s2] =	stream.indirect.scatter.add.f32 [tilespmem:s13], [sflag:$0x1], $0x80, s0, s15, $0xb8;
	[tilespmem:$0x19480] =	vst v63  }
0x88: {  	_ =	swait.ge [sflag:s18], $0x4000  }
0x89: {  	[sflag:s18] =	ssyncset.done $0x0  }
0x8a: {  	s0 =	simm.s32 $0x480;
	[sflag:s18] =	ssyncadd.s32 $0xFFFFC000  }
0x8b: {  	[spmem:s2] =	stream.indirect.scatter.add.f32 [tilespmem:s13], [sflag:$0x2], $0x80, s0, s15, $0xb8;
	[tilespmem:$0x19480] =	vst v63  }
0x8c: {  	_ =	swait.ge [sflag:s17], $0x4000  }
0x8d: {  	[sflag:s17] =	ssyncset.done $0x0  }
0x8e: {  	s0 =	simm.s32 $0x500;
	[sflag:s17] =	ssyncadd.s32 $0xFFFFC000  }
0x8f: {  	[spmem:s2] =	stream.indirect.scatter.add.f32 [tilespmem:s13], [sflag:$0x1], $0x80, s0, s15, $0xb8;
	[tilespmem:$0x19480] =	vst v63  }
0x90: {  	_ =	swait.ge [sflag:s18], $0x4000  }
0x91: {  	[sflag:s18] =	ssyncset.done $0x0  }
0x92: {  	s0 =	simm.s32 $0x580;
	[sflag:s18] =	ssyncadd.s32 $0xFFFFC000  }
0x93: {  	[spmem:s2] =	stream.indirect.scatter.add.f32 [tilespmem:s13], [sflag:$0x2], $0x80, s0, s15, $0xb8;
	[tilespmem:$0x19480] =	vst v63  }
0x94: {  	_ =	swait.ge [sflag:s17], $0x4000  }
0x95: {  	[sflag:s17] =	ssyncset.done $0x0  }
0x96: {  	s0 =	simm.s32 $0x600;
	[sflag:s17] =	ssyncadd.s32 $0xFFFFC000  }
0x97: {  	[spmem:s2] =	stream.indirect.scatter.add.f32 [tilespmem:s13], [sflag:$0x1], $0x80, s0, s15, $0xb8;
	[tilespmem:$0x19480] =	vst v63  }
0x98: {  	_ =	swait.ge [sflag:s18], $0x4000  }
0x99: {  	[sflag:s18] =	ssyncset.done $0x0  }
0x9a: {  	s0 =	simm.s32 $0x680;
	[sflag:s18] =	ssyncadd.s32 $0xFFFFC000  }
0x9b: {  	[spmem:s2] =	stream.indirect.scatter.add.f32 [tilespmem:s13], [sflag:$0x2], $0x80, s0, s15, $0xb8;
	[tilespmem:$0x19480] =	vst v63  }
0x9c: {  	_ =	swait.ge [sflag:s17], $0x4000  }
0x9d: {  	[sflag:s17] =	ssyncset.done $0x0  }
0x9e: {  	s0 =	simm.s32 $0x700;
	[sflag:s17] =	ssyncadd.s32 $0xFFFFC000  }
0x9f: {  	[spmem:s2] =	stream.indirect.scatter.add.f32 [tilespmem:s13], [sflag:$0x1], $0x80, s0, s15, $0xb8;
	[tilespmem:$0x19480] =	vst v63  }
0xa0: {  	_ =	swait.ge [sflag:s18], $0x4000  }
0xa1: {  	[sflag:s18] =	ssyncset.done $0x0  }
0xa2: {  	s0 =	simm.s32 $0x780;
	[sflag:s18] =	ssyncadd.s32 $0xFFFFC000  }
0xa3: {  	[spmem:s2] =	stream.indirect.scatter.add.f32 [tilespmem:s13], [sflag:$0x2], $0x80, s0, s15, $0xb8;
	[tilespmem:$0x19480] =	vst v63  }
0xa4: {  	_ =	swait.ge [sflag:s17], $0x4000  }
0xa5: {  	[sflag:s17] =	ssyncset.done $0x0  }
0xa6: {  	s0 =	simm.s32 $0x800;
	[sflag:s17] =	ssyncadd.s32 $0xFFFFC000  }
0xa7: {  	[spmem:s2] =	stream.indirect.scatter.add.f32 [tilespmem:s13], [sflag:$0x1], $0x80, s0, s15, $0xb8;
	[tilespmem:$0x19480] =	vst v63  }
0xa8: {  	_ =	swait.ge [sflag:s18], $0x4000  }
0xa9: {  	[sflag:s18] =	ssyncset.done $0x0  }
0xaa: {  	s0 =	simm.s32 $0x880;
	[sflag:s18] =	ssyncadd.s32 $0xFFFFC000  }
0xab: {  	[spmem:s2] =	stream.indirect.scatter.add.f32 [tilespmem:s13], [sflag:$0x2], $0x80, s0, s15, $0xb8;
	[tilespmem:$0x19480] =	vst v63  }
0xac: {  	_ =	swait.ge [sflag:s17], $0x4000  }
0xad: {  	[sflag:s17] =	ssyncset.done $0x0  }
0xae: {  	s0 =	simm.s32 $0x900;
	[sflag:s17] =	ssyncadd.s32 $0xFFFFC000  }
0xaf: {  	[spmem:s2] =	stream.indirect.scatter.add.f32 [tilespmem:s13], [sflag:$0x1], $0x80, s0, s15, $0xb8;
	[tilespmem:$0x19480] =	vst v63  }
0xb0: {  	_ =	swait.ge [sflag:s18], $0x4000  }
0xb1: {  	[sflag:s18] =	ssyncset.done $0x0  }
0xb2: {  	s0 =	simm.s32 $0x980;
	[sflag:s18] =	ssyncadd.s32 $0xFFFFC000  }
0xb3: {  	[spmem:s2] =	stream.indirect.scatter.add.f32 [tilespmem:s13], [sflag:$0x2], $0x80, s0, s15, $0xb8;
	[tilespmem:$0x19480] =	vst v63  }
0xb4: {  	_ =	swait.ge [sflag:s17], $0x4000  }
0xb5: {  	[sflag:s17] =	ssyncset.done $0x0  }
0xb6: {  	s0 =	simm.s32 $0xA00;
	[sflag:s17] =	ssyncadd.s32 $0xFFFFC000  }
0xb7: {  	[spmem:s2] =	stream.indirect.scatter.add.f32 [tilespmem:s13], [sflag:$0x1], $0x80, s0, s15, $0xb8;
	[tilespmem:$0x19480] =	vst v63  }
0xb8: {  	_ =	swait.ge [sflag:s18], $0x4000  }
0xb9: {  	[sflag:s18] =	ssyncset.done $0x0  }
0xba: {  	[sflag:s18] =	ssyncadd.s32 $0xFFFFC000  }
0xbb: {  	[spmem:s2] =	stream.indirect.scatter.add.f32 [tilespmem:s13], [sflag:$0x2], $0x80, s6, s15, $0xb8;
	[tilespmem:$0x19480] =	vst v63  }
0xbc: {  	_ =	swait.ge [sflag:s17], $0x4000  }
0xbd: {  	[sflag:s17] =	ssyncset.done $0x0  }
0xbe: {  	[sflag:s17] =	ssyncadd.s32 $0xFFFFC000  }
0xbf: {  	[spmem:s2] =	stream.indirect.scatter.add.f32 [tilespmem:s13], [sflag:$0x1], $0x80, s7, s15, $0xb8;
	[tilespmem:$0x19480] =	vst v63  }
0xc0: {  	_ =	swait.ge [sflag:s18], $0x4000  }
0xc1: {  	[sflag:s18] =	ssyncset.done $0x0  }
0xc2: {  	[sflag:s18] =	ssyncadd.s32 $0xFFFFC000  }
0xc3: {  	[spmem:s2] =	stream.indirect.scatter.add.f32 [tilespmem:s13], [sflag:$0x2], $0x80, s9, s15, $0xb8;
	[tilespmem:$0x19480] =	vst v63  }
0xc4: {  	_ =	swait.ge [sflag:s17], $0x4000  }
0xc5: {  	[sflag:s17] =	ssyncset.done $0x0  }
0xc6: {  	[sflag:s17] =	ssyncadd.s32 $0xFFFFC000  }
0xc7: {  	[spmem:s2] =	stream.indirect.scatter.add.f32 [tilespmem:s13], [sflag:$0x1], $0x80, s11, s15, $0xb8;
	[tilespmem:$0x19480] =	vst v63  }
0xc8: {  	_ =	swait.ge [sflag:s18], $0x4000  }
0xc9: {  	[sflag:s18] =	ssyncset.done $0x0  }
0xca: {  	[sflag:s18] =	ssyncadd.s32 $0xFFFFC000  }
0xcb: {  	[spmem:s2] =	stream.indirect.scatter.add.f32 [tilespmem:s13], [sflag:$0x2], $0x80, s12, s15, $0xb8;
	[tilespmem:$0x19480] =	vst v63  }
0xcc: {  	_ =	swait.ge [sflag:s17], $0x4000  }
0xcd: {  	[sflag:s17] =	ssyncset.done $0x0  }
0xce: {  	[sflag:s17] =	ssyncadd.s32 $0xFFFFC000  }
0xcf: {  	[spmem:s2] =	stream.indirect.scatter.add.f32 [tilespmem:s13], [sflag:$0x1], $0x80, s5, s15, $0xb8;
	[tilespmem:$0x19480] =	vst v63  }
0xd0: {  	_ =	swait.ge [sflag:s18], $0x4000  }
0xd1: {  	[sflag:s18] =	ssyncset.done $0x0  }
0xd2: {  	[sflag:s18] =	ssyncadd.s32 $0xFFFFC000  }
0xd3: {  	[spmem:s2] =	stream.indirect.scatter.add.f32 [tilespmem:s13], [sflag:$0x2], $0x80, s19, s15, $0xb8;
	[tilespmem:$0x19480] =	vst v63  }
0xd4: {  	_ =	swait.ge [sflag:s17], $0x4000  }
0xd5: {  	[sflag:s17] =	ssyncset.done $0x0  }
0xd6: {  	[sflag:s17] =	ssyncadd.s32 $0xFFFFC000  }
0xd7: {  	[spmem:s2] =	stream.indirect.scatter.add.f32 [tilespmem:s13], [sflag:$0x1], $0x80, s20, s15, $0xb8;
	[tilespmem:$0x19480] =	vst v63  }
0xd8: {  	_ =	swait.ge [sflag:s18], $0x4000  }
0xd9: {  	[sflag:s18] =	ssyncset.done $0x0  }
0xda: {  	[sflag:s18] =	ssyncadd.s32 $0xFFFFC000  }
0xdb: {  	[spmem:s2] =	stream.indirect.scatter.add.f32 [tilespmem:s13], [sflag:$0x2], $0x80, s21, s15, $0xb8;
	[tilespmem:$0x19480] =	vst v63  }
0xdc: {  	_ =	swait.ge [sflag:s17], $0x4000  }
0xdd: {  	[sflag:s17] =	ssyncset.done $0x0  }
0xde: {  	[sflag:s17] =	ssyncadd.s32 $0xFFFFC000  }
0xdf: {  	[spmem:s2] =	stream.indirect.scatter.add.f32 [tilespmem:s13], [sflag:$0x1], $0x80, s22, s15, $0xb8;
	[tilespmem:$0x19480] =	vst v63  }
0xe0: {  	_ =	swait.ge [sflag:s18], $0x4000  }
0xe1: {  	[sflag:s18] =	ssyncset.done $0x0  }
0xe2: {  	[sflag:s18] =	ssyncadd.s32 $0xFFFFC000  }
0xe3: {  	[spmem:s2] =	stream.indirect.scatter.add.f32 [tilespmem:s13], [sflag:$0x2], $0x80, s3, s15, $0xb8;
	[tilespmem:$0x19480] =	vst v63  }
0xe4: {  	_ =	swait.ge [sflag:s17], $0x4000  }
0xe5: {  	[sflag:s17] =	ssyncset.done $0x0  }
0xe6: {  	[sflag:s17] =	ssyncadd.s32 $0xFFFFC000  }
0xe7: {  	[spmem:s2] =	stream.indirect.scatter.add.f32 [tilespmem:s13], [sflag:$0x1], $0x80, s24, s15, $0xb8;
	[tilespmem:$0x19480] =	vst v63  }
0xe8: {  	_ =	swait.ge [sflag:s18], $0x4000  }
0xe9: {  	[sflag:s18] =	ssyncset.done $0x0  }
0xea: {  	[sflag:s18] =	ssyncadd.s32 $0xFFFFC000  }
0xeb: {  	[spmem:s2] =	stream.indirect.scatter.add.f32 [tilespmem:s13], [sflag:$0x2], $0x80, s25, s15, $0xb8;
	[tilespmem:$0x19480] =	vst v63  }
0xec: {  	_ =	swait.ge [sflag:s17], $0x4000  }
0xed: {  	[sflag:s17] =	ssyncset.done $0x0  }
0xee: {  	[sflag:s17] =	ssyncadd.s32 $0xFFFFC000  }
0xef: {  	[spmem:s2] =	stream.indirect.scatter.add.f32 [tilespmem:s13], [sflag:$0x1], $0x80, s26, s15, $0xb8;
	[tilespmem:$0x19480] =	vst v63  }
0xf0: {  	_ =	swait.ge [sflag:s18], $0x4000  }
0xf1: {  	[sflag:s18] =	ssyncset.done $0x0  }
0xf2: {  	[sflag:s18] =	ssyncadd.s32 $0xFFFFC000  }
0xf3: {  	[spmem:s2] =	stream.indirect.scatter.add.f32 [tilespmem:s13], [sflag:$0x2], $0x80, s28, s15, $0xb8;
	[tilespmem:$0x19480] =	vst v63  }
0xf4: {  	_ =	swait.ge [sflag:s17], $0x4000  }
0xf5: {  	[sflag:s17] =	ssyncset.done $0x0  }
0xf6: {  	[sflag:s17] =	ssyncadd.s32 $0xFFFFC000  }
0xf7: {  	[spmem:s2] =	stream.indirect.scatter.add.f32 [tilespmem:s13], [sflag:$0x1], $0x80, s29, s15, $0xb8;
	[tilespmem:$0x19480] =	vst v63  }
0xf8: {  	_ =	swait.ge [sflag:s18], $0x4000  }
0xf9: {  	[sflag:s18] =	ssyncset.done $0x0  }
0xfa: {  	[sflag:s18] =	ssyncadd.s32 $0xFFFFC000  }
0xfb: {  	[spmem:s2] =	stream.indirect.scatter.add.f32 [tilespmem:s13], [sflag:$0x2], $0x80, s30, s15, $0xb8;
	[tilespmem:$0x19480] =	vst v63  }
0xfc: {  	_ =	swait.ge [sflag:s17], $0x4000  }
0xfd: {  	[sflag:s17] =	ssyncset.done $0x0  }
0xfe: {  	p1 =	por p0, p0;
	[sflag:s17] =	ssyncadd.s32 $0xFFFFC000  }
0xff: {  	[spmem:s2] =	stream.indirect.scatter.add.f32 [tilespmem:s13], [sflag:$0x1], $0x80, s31, s15, $0xb8;
	[tilespmem:$0x19480] =	vst v63  }
.Ltmp2:
0x100: {  	_ = 	snop;
	(pc) =	sbr.rel @p1 .LBB2_6-.Ltmp2, $4  }
0x101: {  	_ =	swait.ge [sflag:s18], $0x4000  }
0x102: {  	[sflag:s18] =	ssyncset.done $0x0  }
0x103: {  	p0 =	por $0x0, $0x0;
	[sflag:s18] =	ssyncadd.s32 $0xFFFFC000  }
0x104: {  	[spmem:s2] =	stream.indirect.scatter.add.f32 [tilespmem:s13], [sflag:$0x2], $0x80, s4, s15, $0xb8;
	[tilespmem:$0x19480] =	vst v63  }
0x105: {  	_ =	swait.ge [sflag:s17], $0x4000  }
0x106: {  	[sflag:s17] =	ssyncset.done $0x0  }
0x107: {  	[sflag:s17] =	ssyncadd.s32 $0xFFFFC000  }
0x108: {  	_ =	swait.ge [sflag:s18], $0x4000  }
0x109: {  	[sflag:s18] =	ssyncset.done $0x0  }
0x10a: {  	[sflag:s18] =	ssyncadd.s32 $0xFFFFC000  }
0x10b: {  	s8 =	stileid.u32;
	[bflag:$0x0] =	sbarrier.arrive $0xFFFF  }
0x10c: {  	s8 =	sshll.u32 s8, $0x6;
	s9 =	rddreg [dreg:$0x3]  }
0x10d: {  	s8 =	sor.u32 $0x1C03, s8;
	s16 =	rddreg [dreg:$0x8];
	s9 =	sshrl.u32 s9, $0x3  }
0x10e: {  	[hbm:s16], [sflag:s8] =	dma.local [spmem:s9], $0x2800  }
0x10f: {  	_ =	swait.ge [sflag:s14], $0x2800  }
0x110: {  	s0 =	rddreg [dreg:$0xa]  }
0x111: {  	s9 =	rddreg [dreg:$0x9];
	s0 =	sadd.s32 $0x1, s0  }
0x112: {  	p0 =	sne.s32 s0, s9  }
.Ltmp3:
0x113: {  	_ = 	snop;
	(pc) =	sbr.rel @p0 .LBB2_1-.Ltmp3, $3  }
0x114: {  	_ =	sdelay $0x1  }
0x115: {  	[sflag:s14] =	ssyncset.done $0x0  }
0x116: {  	s3 =	smov.u32 s1;
	s16 =	simm.s32 $0x100;
	[sflag:s14] =	ssyncadd.s32 $0xFFFFD800  }
0x117: {  	_ =	sfence.sel $0x180000  }
0x118: {  	[bflag:$0x0] =	sbarrier.arrive $0xFFFF  }
0x119: {  	_ =	strace $0x90000047  }
0x11a: {  	s0 =	stileid.u32;
	[bflag:$0x2] =	sbarrier.arrive $0xFFFF  }
0x11b: {  	p0 =	sne.s32 s0, $0x0;
	s0 =	rddreg [dreg:$0x2]  }
0x11c: {  	s0 =	sadd.s32 @!p0 $0x100000, s0  }
0x11d: {  	[sflag:s0] =	ssyncadd.tile.s32 @!p0 $0x1;
	_ =	shalt  }
.Lfunc_end2:
_tile_overlayer_lowered:
.L_overlay_start_2:
0x11e: {  	(tag) =	ssettag $0x2  }
0x11f: {  	s0 =	rddreg [dreg:$0x0];
	s2 =	stileid.u32  }
0x120: {  	s1 =	rddreg [dreg:$0x1];
	p0 =	sne.s32 s2, $0x0  }
0x121: {  	s3 =	rddreg [dreg:$0x2];
	[bflag:$0x3] =	sbarrier.arrive $0xFFFF;
	s2 =	simm.s32 @!p0 $0x1C03  }
0x122: {  	[timem:s3], [sflag:s2] =	dma.local @!p0 [hbm:s0], s1  }
0x123: {  	s0 =	simm.s32 @!p0 $0x3  }
0x124: {  	_ =	swait.ge @!p0 [sflag:s0], s1  }
0x125: {  	s1 =	ssub.s32 @!p0 $0x0, s1;
	[sflag:s0] =	ssyncset.done @!p0 $0x0  }
0x126: {  	[sflag:s0] =	ssyncadd.s32 @!p0 s1  }
0x127: {  	[bflag:$0x3] =	sbarrier.arrive $0xFFFF  }
0x128: {  	_ =	shalt  }

// kernel: kernel.18.cloned.1.call-start
scs
__scs_entry_jumppad:
0x0: {  	(pc) =	sbr.rel $0x88, $3  }
0x1: {  	(tag) =	ssettag $0x0;
	lr =	simm.s32 $0x1  }
0x2: {  	[smem:$0x3F82] =	sst lr;
	_ =	strace $0xD0000000  }
0x3: {  	_ = 	snop  }
0x4: {  	_ = 	snop  }
0x5: {  	_ = 	snop  }
0x6: {  	_ = 	snop  }
0x7: {  	_ = 	snop  }
__scs_overlays_trampoline_lowered:
0x8: {  	[smem:$0x3F91] =	sst s0  }
0x9: {  	[smem:$0x3F92] =	sst s1  }
0xa: {  	[smem:$0x3F93] =	sst s2  }
0xb: {  	[smem:$0x3F94] =	sst s3  }
0xc: {  	[smem:$0x3F95] =	sst s4  }
0xd: {  	[smem:$0x3F96] =	sst s5  }
0xe: {  	[smem:$0x3F97] =	sst s6  }
0xf: {  	[smem:$0x3F98] =	sst s7  }
0x10: {  	[smem:$0x3F99] =	sst s8  }
0x11: {  	[smem:$0x3F9A] =	sst s9;
	s0 =	simm.s32 @!p0 $0x0  }
0x12: {  	s1 =	sld [smem:$0x3F80];
	s0 =	simm.s32 @p0 $0x1  }
0x13: {  	[smem:$0x3F9B] =	sst s0;
	s0 =	simm.s32 @!p1 $0x0  }
0x14: {  	s2 =	sld [smem:$0x3F7F];
	s0 =	simm.s32 @p1 $0x1  }
0x15: {  	[smem:$0x3F9C] =	sst s0;
	s0 =	simm.s32 @!p2 $0x0  }
0x16: {  	s3 =	sld [smem:$0x3FDB];
	s0 =	simm.s32 @p2 $0x1  }
0x17: {  	s4 =	simm.s32 $0x1BF5;
	[smem:$0x3F9E] =	sst s0  }
0x18: {  	s0 =	sld [smem:$0x3F81];
	_ =	swait.ge [sflag:s4], $0x0  }
0x19: {  	s7 =	sld [smem:$0x3F82]  }
0x1a: {  	s8 =	sadd.s32 $0xFFFFE003, lr  }
0x1b: {  	s9 =	sadd.s32 $0xFFFFFEF7, lr;
	s5 =	simm.s32 $0xFFFFFFFF;
	p2 =	slt.u32 s8, $0xFFFFF086  }
0x1c: {  	p1 =	slt.u32 s9, $0xF7A;
	s5 =	simm.s32 @!p2 $0x0  }
0x1d: {  	s5 =	simm.s32 @p1 $0x1;
	p0 =	seq.s32 s7, s2  }
0x1e: {  	s7 =	smul.u32 @!p0 $0xF7A, s2;
	p2 =	seq.s32 @!p0 s5, $0x0  }
0x1f: {  	s9 =	smul.u32 $0xF7A, s1;
	s8 =	simm.s32 @!p0 $0x1BF5;
	p2 =	por !p2, p0  }
0x20: {  	[sflag:s8] =	ssyncset.s32 @!p0 $0xFFFFF086;
	s6 =	sadd.s32 @!p0 s3, s7;
	s7 =	simm.s32 @!p0 $0x108  }
0x21: {  	s3 =	sadd.s32 s3, s9;
	s6 =	sadd.s32 @!p0 $0x88, s6;
	s7 =	simm.s32 @p2 $0x1082  }
0x22: {  	[simem:s7], [sflag:s8] =	dma.local @!p0 [hbm:s6], $0xF7A  }
0x23: {  	s9 =	sor.u32 $0xD0000000, s2;
	s6 =	simm.s32 $0x108;
	_ =	swait.ge @!p0 [sflag:s8], $0x0  }
0x24: {  	s3 =	sadd.s32 $0x88, s3;
	s6 =	simm.s32 @!p1 $0x1082;
	[sflag:s4] =	ssyncset.s32 $0xFFFFF086  }
0x25: {  	[simem:s6], [sflag:s4] =	dma.local [hbm:s3], $0xF7A  }
0x26: {  	[smem:$0x3F82] =	sst s1;
	(tag) =	ssettag s2;
	_ =	strace s9  }
0x27: {  	s1 =	sld [smem:$0x3F92]  }
0x28: {  	s2 =	sld [smem:$0x3F93]  }
0x29: {  	s4 =	sld [smem:$0x3F95]  }
0x2a: {  	p0 =	seq.s32 s5, $0x0;
	s5 =	sld [smem:$0x3F96]  }
0x2b: {  	s6 =	sld [smem:$0x3F97]  }
0x2c: {  	s7 =	sld [smem:$0x3F98]  }
0x2d: {  	s3 =	simm.s32 $0x108;
	s8 =	sld [smem:$0x3F99]  }
0x2e: {  	s3 =	simm.s32 @!p0 $0x1082;
	s9 =	sld [smem:$0x3F9A]  }
0x2f: {  	lr =	sadd.s32 s0, s3;
	s0 =	sld [smem:$0x3F91]  }
0x30: {  	s3 =	sld [smem:$0x3F94]  }
0x31: {  	[smem:$0x3F9D] =	sst s10  }
0x32: {  	s10 =	sld [smem:$0x3F9B];
	_ =	sdelay $0x3  }
0x33: {  	p0 =	seq.s32 s10, $0x1;
	s10 =	sld [smem:$0x3F9D];
	_ =	sdelay $0x3  }
0x34: {  	[smem:$0x3F9D] =	sst s10  }
0x35: {  	s10 =	sld [smem:$0x3F9C];
	_ =	sdelay $0x3  }
0x36: {  	p1 =	seq.s32 s10, $0x1;
	s10 =	sld [smem:$0x3F9D];
	_ =	sdelay $0x3  }
0x37: {  	[smem:$0x3F9D] =	sst s10  }
0x38: {  	s10 =	sld [smem:$0x3F9E]  }
0x39: {  	_ = 	snop;
	(pc) =	sbr.ind lr, $3  }
0x3a: {  	_ = 	snop  }
0x3b: {  	_ = 	snop  }
0x3c: {  	p2 =	seq.s32 s10, $0x1;
	s10 =	sld [smem:$0x3F9D]  }
0x3d: {  	_ =	shalt  }
0x3e: {  	_ =	shalt  }
0x3f: {  	_ =	shalt  }
0x40: {  	_ =	shalt  }
0x41: {  	_ =	shalt  }
0x42: {  	_ =	shalt  }
0x43: {  	_ =	shalt  }
0x44: {  	_ =	shalt  }
0x45: {  	_ =	shalt  }
0x46: {  	_ =	shalt  }
0x47: {  	_ =	shalt  }
0x48: {  	_ =	shalt  }
0x49: {  	_ =	shalt  }
0x4a: {  	_ =	shalt  }
0x4b: {  	_ =	shalt  }
0x4c: {  	_ =	shalt  }
0x4d: {  	_ =	shalt  }
0x4e: {  	_ =	shalt  }
0x4f: {  	_ =	shalt  }
0x50: {  	_ =	shalt  }
0x51: {  	_ =	shalt  }
0x52: {  	_ =	shalt  }
0x53: {  	_ =	shalt  }
0x54: {  	_ =	shalt  }
0x55: {  	_ =	shalt  }
0x56: {  	_ =	shalt  }
0x57: {  	_ =	shalt  }
0x58: {  	_ =	shalt  }
0x59: {  	_ =	shalt  }
0x5a: {  	_ =	shalt  }
0x5b: {  	_ =	shalt  }
0x5c: {  	_ =	shalt  }
0x5d: {  	_ =	shalt  }
0x5e: {  	_ =	shalt  }
0x5f: {  	_ =	shalt  }
0x60: {  	_ =	shalt  }
0x61: {  	_ =	shalt  }
0x62: {  	_ =	shalt  }
0x63: {  	_ =	shalt  }
0x64: {  	_ =	shalt  }
0x65: {  	_ =	shalt  }
0x66: {  	_ =	shalt  }
0x67: {  	_ =	shalt  }
0x68: {  	_ =	shalt  }
0x69: {  	_ =	shalt  }
0x6a: {  	_ =	shalt  }
0x6b: {  	_ =	shalt  }
0x6c: {  	_ =	shalt  }
0x6d: {  	_ =	shalt  }
0x6e: {  	_ =	shalt  }
0x6f: {  	_ =	shalt  }
0x70: {  	_ =	shalt  }
0x71: {  	_ =	shalt  }
0x72: {  	_ =	shalt  }
0x73: {  	_ =	shalt  }
0x74: {  	_ =	shalt  }
0x75: {  	_ =	shalt  }
0x76: {  	_ =	shalt  }
0x77: {  	_ =	shalt  }
0x78: {  	_ =	shalt  }
0x79: {  	_ =	shalt  }
0x7a: {  	_ =	shalt  }
0x7b: {  	_ =	shalt  }
0x7c: {  	_ =	shalt  }
0x7d: {  	_ =	shalt  }
0x7e: {  	_ =	shalt  }
0x7f: {  	_ =	shalt  }
0x80: {  	_ =	shalt  }
0x81: {  	_ =	shalt  }
0x82: {  	_ =	shalt  }
0x83: {  	_ =	shalt  }
0x84: {  	_ =	shalt  }
0x85: {  	_ =	shalt  }
0x86: {  	_ =	shalt  }
0x87: {  	_ =	shalt  }
.Lfunc_end0:
.L_simem_size_0:
called_computation.1_lowered:
.L_overlay_start_0:
0x88: {  	s2 =	sld [smem:$0x3FD9]  }
0x89: {  	s3 =	sld [smem:$0x3FFE];
	_ =	sdelay $0x1  }
0x8a: {  	s1 =	srdreg.scid  }
0x8b: {  	s0 =	sand.u32 $0x1, s1  }
0x8c: {  	s16 =	sshll.u32 s0, $0xA;
	s2 =	sadd.s32 s3, s2  }
0x8d: {  	s2 =	sadd.s32 s2, s16  }
0x8e: {  	[smem:$0x3FA9] =	sst s2  }
0x8f: {  	_ = 	snop  }
0x90: {  	(tm) =	ssettm $0x1  }
0x91: {  	s17 =	sld [smem:$0x3FFB];
	_ =	sdelay $0x3  }
0x92: {  	_ =	strace s17  }
0x93: {  	s2 =	sld [smem:$0x3FFC];
	_ =	sdelay $0x3  }
0x94: {  	_ =	strace s2  }
0x95: {  	s2 =	sld [smem:$0x3FFD];
	_ =	sdelay $0x3  }
0x96: {  	_ =	strace s2  }
0x97: {  	_ =	strace $0x8FFFFFFF  }
0x98: {  	s18 =	sld [smem:$0x3FDB];
	_ =	sdelay $0x1  }
0x99: {  	s19 =	simm.s32 $_scs_section_size  }
0x9a: {  	s4 =	simm.s32 $_size__tile_overlayer_lowered;
	s5 =	simm.s32 $_tile_overlayer_lowered  }
0x9b: {  	s22 =	simm.s32 $0x1BFF;
	s21 =	sshll.u32 s5, $0x1;
	s2 =	sadd.s32 s19, s18  }
0x9c: {  	s6 =	simm.s32 $0x0;
	s20 =	sshll.u32 s4, $0x1;
	s4 =	sadd.s32 s21, s2  }
0x9d: {  	[timem:s6], [sflag:s22] =	dma.local [hbm:s4], s20  }
0x9e: {  	_ =	swait.ge [sflag:s22], s20  }
0x9f: {  	s3 =	ssub.s32 $0x0, s20;
	[sflag:s22] =	ssyncset.done $0x0  }
0xa0: {  	[sflag:s22] =	ssyncadd.s32 s3;
	_ =	sdelay $0x1  }
0xa1: {  	s23 =	simm.s32 $0x1B8B  }
0xa2: {  	_ =	swait.ge [sflag:s23], $0x1  }
0xa3: {  	[sflag:s23] =	ssyncset.done $0x0  }
0xa4: {  	s25 =	simm.s32 $0x1B8E;
	s24 =	sld [smem:$0x3FFE];
	[sflag:s23] =	ssyncadd.s32 $0xFFFFFFFF  }
0xa5: {  	s26 =	simm.s32 $execute0_lowered;
	[smem:$0x3FD2] =	sst s25  }
0xa6: {  	s4 =	sshll.u32 s26, $0x1;
	_ =	strace $0x80000049;
	[dreg:$0x1] =	wrdreg $0xFFFFFFFF  }
0xa7: {  	s28 =	simm.s32 $_size_execute0_lowered;
	s2 =	sadd.s32 s2, s4;
	[dreg:$0x0] =	wrdreg $0x0  }
0xa8: {  	s4 =	sshll.u32 s28, $0x1;
	[dreg:$0x2] =	wrdreg s2  }
0xa9: {  	[dreg:$0x3] =	wrdreg s4  }
0xaa: {  	[dreg:$0x4] =	wrdreg $0xC0  }
0xab: {  	_ =	task [dreg:s6], $0x5FFFF  }
0xac: {  	[dreg:$0x1] =	wrdreg $0xFFFFFFFF  }
0xad: {  	[dreg:$0x0] =	wrdreg $0x60  }
0xae: {  	[dreg:$0x2] =	wrdreg s24  }
0xaf: {  	[dreg:$0x3] =	wrdreg $0xA8000  }
0xb0: {  	[dreg:$0x4] =	wrdreg $0x9  }
0xb1: {  	_ =	task.clear_ibuf [dreg:s6], $0x5FFFF;
	_ =	strace $0x90000049  }
0xb2: {  	s29 =	simm.s32 $0x9;
	_ =	strace $0x8000004B  }
0xb3: {  	_ =	swait.ge [sflag:s29], $0x1  }
0xb4: {  	[sflag:s29] =	ssyncadd.s32 $0xFFFFFFFF  }
0xb5: {  	_ =	strace $0x9000004B  }
0xb6: {  	_ =	sfence  }
0xb7: {  	s30 =	sld [smem:$0x0];
	_ =	sdelay $0x2  }
0xb8: {  	s31 =	sshll.u32 s1, $0xD;
	s1 =	sshrl.u32 s1, $0x2  }
0xb9: {  	s3 =	sand.u32 $0x4000, s31;
	s1 =	sadd.s32 s1, s30  }
0xba: {  	s0 =	sor.u32 s3, s0;
	s1 =	sshll.u32 s1, $0x11  }
0xbb: {  	s0 =	sor.u32 s1, s0  }
0xbc: {  	s0 =	sadd.s32 $0x8F2B, s0  }
0xbd: {  	[sflag:s0] =	ssyncadd.remote.s32 $0x1  }
0xbe: {  	_ =	sfence.sel $0xFFFF  }
0xbf: {  	[dreg:$0x0] =	wrdreg $0xFFFFFFFF;
	(pc) =	sbr.abs _section_cstart, $3  }
0xc0: {  	[dreg:$0x1] =	wrdreg $0xFFFFFFFF  }
0xc1: {  	_ =	task.clear_ibuf [dreg:s6], $0x2FFFF;
	_ =	strace $0x9FFFFFFF  }
0xc2: {  	(tm) =	ssettm $0x7FFFFFFF  }
0xc3: {  	_ =	shalt  }
tec
execute0_lowered:
.L_overlay_start_1:
0x0: {  	(tag) =	ssettag $0x1  }
0x1: {  	s0 =	rddreg [dreg:$0x0]  }
0x2: {  	s1 =	rddreg [dreg:$0x1]  }
0x3: {  	s2 =	simm.s32 $0x0;
	s3 =	srdreg.scid;
	s12 =	stileid.u32  }
0x4: {  	s22 =	simm.s32 $0x400;
	s23 =	simm.s32 $0x1400;
	s24 =	simm.s32 $0x6800  }
0x5: {  	s25 =	simm.s32 $0x1;
	s26 =	simm.s32 $0x2;
	s8 =	smul.u32 $0x50000, s12  }
0x6: {  	[smem:$0x7FF] =	sst s2;
	s4 =	sadd.s32 $0x124200, s0;
	s16 =	smul.u32 $0x5000, s12  }
0x7: {  	s3 =	sand.u32 $0x1, s3;
	s5 =	sadd.s32 $0x5FE00, s0;
	s17 =	smul.u32 $0x14000, s12  }
0x8: {  	s6 =	sadd.s32 $0xFE00, s0;
	s10 =	sshrl.u32 s12, $0x3;
	s13 =	smul.u32 $0xA0000, s3  }
0x9: {  	s0 =	sadd.s32 $0x1C0600, s0;
	s12 =	sshll.u32 s12, $0x7;
	s15 =	smul.u32 $0x28000, s10  }
0xa: {  	s7 =	ssub.s32 $0x2, s3;
	s18 =	smul.u32 $0x280000, s3;
	s3 =	sshllo.u32 s3, $0x1  }
0xb: {  	_ =	strace $0x8000004A;
	s20 =	sand.u32 $0x380, s12;
	s21 =	smul.u32 $0x140000, s3  }
0xc: {  	s9 =	sshrl.u32 s7, $0x1;
	s8 =	sshrl.u32 s8, $0x2;
	s3 =	smul.u32 $0x50000, s3  }
0xd: {  	s14 =	ssub.s32 s7, s9;
	s7 =	sadd.s32 s8, s1;
	s19 =	sadd.s32 s13, s15  }
0xe: {  	s13 =	sadd.s32 s16, s13;
	s18 =	sadd.s32 s17, s18;
	s15 =	sor.u32 s15, s20  }
0xf: {  	s8 =	sadd.s32 $0x4000, s7;
	s9 =	sadd.s32 $0x8000, s7;
	s10 =	sadd.s32 $0xC000, s7  }
0x10: {  	s11 =	sadd.s32 $0x10000, s7;
	s12 =	sor.u32 s20, s19;
	s18 =	sshrl.u32 s18, $0x3  }
0x11: {  	s17 =	sadd.s32 s17, s21;
	s15 =	sadd.s32 s3, s15;
	s16 =	sadd.s32 s16, s3  }
0x12: {  	s19 =	simm.s32 $0x2800;
	s18 =	sadd.s32 s0, s18;
	s17 =	sshrl.u32 s17, $0x3  }
0x13: {  	s20 =	simm.s32 $0x3;
	[dreg:$0x3] =	wrdreg s18;
	s0 =	sadd.s32 s0, s17  }
0x14: {  	v0 =	vimm.f32 $0.0e+00;
	s21 =	simm.s32 $0x80;
	s18 =	smax.u32 s14, $0x1;
	[dreg:$0x4] =	wrdreg s0  }
.LBB2_1:
0x15: {  	s0 =	simm.s32 $0x0;
	s3 =	simm.s32 $0x200  }
.LBB2_2:
0x16: {  	p0 =	sne.s32 s3, $0xFE00;
	[tilespmem:s0+$0x2870] =	vst v0  }
0x17: {  	[tilespmem:s0+$0x2800] =	vst v0  }
0x18: {  	[tilespmem:s0+$0x2810] =	vst v0  }
.Ltmp0:
0x19: {  	[tilespmem:s0+$0x2820] =	vst v0;
	(pc) =	sbr.rel @p0 .LBB2_2-.Ltmp0, $4  }
0x1a: {  	[tilespmem:s0+$0x2830] =	vst v0  }
0x1b: {  	[tilespmem:s0+$0x2840] =	vst v0  }
0x1c: {  	[tilespmem:s0+$0x2850] =	vst v0  }
0x1d: {  	[tilespmem:s0+$0x2860] =	vst v0;
	s0 =	sshra.s32 s3, $0x2;
	s3 =	sadd.s32 $0x200, s3  }
0x1e: {  	[tilespmem:s0+$0x2870] =	vst v0  }
0x1f: {  	[tilespmem:s0+$0x2800] =	vst v0  }
0x20: {  	[tilespmem:s0+$0x2810] =	vst v0  }
0x21: {  	[tilespmem:s0+$0x2820] =	vst v0  }
0x22: {  	[tilespmem:s0+$0x2830] =	vst v0  }
0x23: {  	[tilespmem:s0+$0x2840] =	vst v0  }
0x24: {  	[tilespmem:s0+$0x2850] =	vst v0  }
0x25: {  	[tilespmem:s0+$0x2860] =	vst v0  }
0x26: {  	[spmem:s7] =	stream.linear.scatter [tilespmem:s19], [sflag:$0x3], $0x4000, $0x38;
	[tilespmem:$0x1E800] =	vst v63  }
0x27: {  	_ =	swait.ge [sflag:s20], $0x4000  }
0x28: {  	[sflag:s20] =	ssyncset.done $0x0  }
0x29: {  	[sflag:s20] =	ssyncadd.s32 $0xFFFFC000  }
0x2a: {  	[spmem:s8] =	stream.linear.scatter [tilespmem:s19], [sflag:$0x3], $0x4000, $0x38;
	[tilespmem:$0x1E800] =	vst v63  }
0x2b: {  	_ =	swait.ge [sflag:s20], $0x4000  }
0x2c: {  	[sflag:s20] =	ssyncset.done $0x0  }
0x2d: {  	[sflag:s20] =	ssyncadd.s32 $0xFFFFC000  }
0x2e: {  	[spmem:s9] =	stream.linear.scatter [tilespmem:s19], [sflag:$0x3], $0x4000, $0x38;
	[tilespmem:$0x1E800] =	vst v63  }
0x2f: {  	_ =	swait.ge [sflag:s20], $0x4000  }
0x30: {  	[sflag:s20] =	ssyncset.done $0x0  }
0x31: {  	[sflag:s20] =	ssyncadd.s32 $0xFFFFC000  }
0x32: {  	[spmem:s10] =	stream.linear.scatter [tilespmem:s19], [sflag:$0x3], $0x4000, $0x38;
	[tilespmem:$0x1E800] =	vst v63  }
0x33: {  	_ =	swait.ge [sflag:s20], $0x4000  }
0x34: {  	[sflag:s20] =	ssyncset.done $0x0  }
0x35: {  	[sflag:s20] =	ssyncadd.s32 $0xFFFFC000  }
0x36: {  	[spmem:s11] =	stream.linear.scatter [tilespmem:s19], [sflag:$0x3], $0x4000, $0x38;
	[tilespmem:$0x1E800] =	vst v63  }
0x37: {  	_ =	swait.ge [sflag:s20], $0x4000  }
0x38: {  	[sflag:s20] =	ssyncset.done $0x0  }
0x39: {  	[sflag:s20] =	ssyncadd.s32 $0xFFFFC000  }
0x3a: {  	s28 =	simm.s32 $0x0;
	s29 =	simm.s32 $0x0;
	[bflag:$0x0] =	sbarrier.arrive $0xFFFF  }
.LBB2_4:
0x3b: {  	s0 =	smul.u32 $0xA000, s29;
	_ =	sdelay $0x1  }
0x3c: {  	s0 =	sadd.s32 s0, s12  }
0x3d: {  	s0 =	sshrl.u32 s0, $0x3  }
0x3e: {  	s3 =	smul.u32 $0x1400, s29;
	s0 =	sadd.s32 s5, s0  }
0x3f: {  	[tilespmem:s28], [sflag:$0x3] =	stream.strided.gather [hbm4b:s0+s21], $0x1400, s22, s21, $0x38;
	[tilespmem:$0x1E800] =	vst v63  }
0x40: {  	s31 =	sadd.s32 s3, s13;
	_ =	swait.ge [sflag:s20], $0x1400  }
0x41: {  	s0 =	sshrl.u32 s31, $0x3;
	[sflag:s20] =	ssyncset.done $0x0  }
0x42: {  	s0 =	sadd.s32 s6, s0;
	[sflag:s20] =	ssyncadd.s32 $0xFFFFEC00  }
0x43: {  	[tilespmem:s23], [sflag:$0x3] =	stream.linear.gather [hbm4b:s0+s28], $0x1400, $0x38;
	[tilespmem:$0x1E800] =	vst v63  }
0x44: {  	_ =	swait.ge [sflag:s20], $0x1400  }
0x45: {  	[sflag:s20] =	ssyncset.done $0x0  }
0x46: {  	s3 =	simm.s32 $0x0;
	[sflag:s20] =	ssyncadd.s32 $0xFFFFEC00  }
0x47: {  	[tilespmem:s19], [sflag:$0x1] =	stream.indirect.gather [hbm4b:s4+s21], $0x80, s3, s21, $0xb8;
	[tilespmem:$0x1E800] =	vst v63  }
0x48: {  	s14 =	simm.s32 $0x80  }
0x49: {  	[tilespmem:s24], [sflag:$0x2] =	stream.indirect.gather [hbm4b:s4+s21], $0x80, s14, s21, $0xb8;
	[tilespmem:$0x1E800] =	vst v63  }
0x4a: {  	_ =	swait.ge [sflag:s25], $0x4000  }
0x4b: {  	[sflag:s25] =	ssyncset.done $0x0  }
0x4c: {  	s17 =	simm.s32 $0x1400;
	[sflag:s25] =	ssyncadd.s32 $0xFFFFC000  }
0x4d: {  	[spmem:s1] =	stream.indirect.scatter.add.f32 [tilespmem:s19], [sflag:$0x3], $0x80, s17, s21, $0xb8;
	[tilespmem:$0x1E800] =	vst v63  }
0x4e: {  	_ =	swait.ge [sflag:s20], $0x4000  }
0x4f: {  	[sflag:s20] =	ssyncset.done $0x0  }
0x50: {  	s31 =	simm.s32 $0x100;
	[sflag:s20] =	ssyncadd.s32 $0xFFFFC000  }
0x51: {  	[tilespmem:s19], [sflag:$0x1] =	stream.indirect.gather [hbm4b:s4+s21], $0x80, s31, s21, $0xb8;
	[tilespmem:$0x1E800] =	vst v63  }
0x52: {  	_ =	swait.ge [sflag:s26], $0x4000  }
0x53: {  	[sflag:s26] =	ssyncset.done $0x0  }
0x54: {  	s3 =	simm.s32 $0x1480;
	[sflag:s26] =	ssyncadd.s32 $0xFFFFC000  }
0x55: {  	[spmem:s1] =	stream.indirect.scatter.add.f32 [tilespmem:s24], [sflag:$0x3], $0x80, s3, s21, $0xb8;
	[tilespmem:$0x1E800] =	vst v63  }
0x56: {  	_ =	swait.ge [sflag:s20], $0x4000  }
0x57: {  	[sflag:s20] =	ssyncset.done $0x0  }
0x58: {  	s14 =	simm.s32 $0x180;
	[sflag:s20] =	ssyncadd.s32 $0xFFFFC000  }
0x59: {  	[tilespmem:s24], [sflag:$0x2] =	stream.indirect.gather [hbm4b:s4+s21], $0x80, s14, s21, $0xb8;
	[tilespmem:$0x1E800] =	vst v63  }
0x5a: {  	_ =	swait.ge [sflag:s25], $0x4000  }
0x5b: {  	[sflag:s25] =	ssyncset.done $0x0  }
0x5c: {  	s17 =	simm.s32 $0x1500;
	[sflag:s25] =	ssyncadd.s32 $0xFFFFC000  }
0x5d: {  	[spmem:s1] =	stream.indirect.scatter.add.f32 [tilespmem:s19], [sflag:$0x3], $0x80, s17, s21, $0xb8;
	[tilespmem:$0x1E800] =	vst v63  }
0x5e: {  	_ =	swait.ge [sflag:s20], $0x4000  }
0x5f: {  	[sflag:s20] =	ssyncset.done $0x0  }
0x60: {  	s31 =	simm.s32 $0x200;
	[sflag:s20] =	ssyncadd.s32 $0xFFFFC000  }
0x61: {  	[tilespmem:s19], [sflag:$0x1] =	stream.indirect.gather [hbm4b:s4+s21], $0x80, s31, s21, $0xb8;
	[tilespmem:$0x1E800] =	vst v63  }
0x62: {  	_ =	swait.ge [sflag:s26], $0x4000  }
0x63: {  	[sflag:s26] =	ssyncset.done $0x0  }
0x64: {  	s3 =	simm.s32 $0x1580;
	[sflag:s26] =	ssyncadd.s32 $0xFFFFC000  }
0x65: {  	[spmem:s1] =	stream.indirect.scatter.add.f32 [tilespmem:s24], [sflag:$0x3], $0x80, s3, s21, $0xb8;
	[tilespmem:$0x1E800] =	vst v63  }
0x66: {  	_ =	swait.ge [sflag:s20], $0x4000  }
0x67: {  	[sflag:s20] =	ssyncset.done $0x0  }
0x68: {  	s14 =	simm.s32 $0x280;
	[sflag:s20] =	ssyncadd.s32 $0xFFFFC000  }
0x69: {  	[tilespmem:s24], [sflag:$0x2] =	stream.indirect.gather [hbm4b:s4+s21], $0x80, s14, s21, $0xb8;
	[tilespmem:$0x1E800] =	vst v63  }
0x6a: {  	_ =	swait.ge [sflag:s25], $0x4000  }
0x6b: {  	[sflag:s25] =	ssyncset.done $0x0  }
0x6c: {  	s17 =	simm.s32 $0x1600;
	[sflag:s25] =	ssyncadd.s32 $0xFFFFC000  }
0x6d: {  	[spmem:s1] =	stream.indirect.scatter.add.f32 [tilespmem:s19], [sflag:$0x3], $0x80, s17, s21, $0xb8;
	[tilespmem:$0x1E800] =	vst v63  }
0x6e: {  	_ =	swait.ge [sflag:s20], $0x4000  }
0x6f: {  	[sflag:s20] =	ssyncset.done $0x0  }
0x70: {  	s31 =	simm.s32 $0x300;
	[sflag:s20] =	ssyncadd.s32 $0xFFFFC000  }
0x71: {  	[tilespmem:s19], [sflag:$0x1] =	stream.indirect.gather [hbm4b:s4+s21], $0x80, s31, s21, $0xb8;
	[tilespmem:$0x1E800] =	vst v63  }
0x72: {  	_ =	swait.ge [sflag:s26], $0x4000  }
0x73: {  	[sflag:s26] =	ssyncset.done $0x0  }
0x74: {  	s3 =	simm.s32 $0x1680;
	[sflag:s26] =	ssyncadd.s32 $0xFFFFC000  }
0x75: {  	[spmem:s1] =	stream.indirect.scatter.add.f32 [tilespmem:s24], [sflag:$0x3], $0x80, s3, s21, $0xb8;
	[tilespmem:$0x1E800] =	vst v63  }
0x76: {  	_ =	swait.ge [sflag:s20], $0x4000  }
0x77: {  	[sflag:s20] =	ssyncset.done $0x0  }
0x78: {  	s14 =	simm.s32 $0x380;
	[sflag:s20] =	ssyncadd.s32 $0xFFFFC000  }
0x79: {  	[tilespmem:s24], [sflag:$0x2] =	stream.indirect.gather [hbm4b:s4+s21], $0x80, s14, s21, $0xb8;
	[tilespmem:$0x1E800] =	vst v63  }
0x7a: {  	_ =	swait.ge [sflag:s25], $0x4000  }
0x7b: {  	[sflag:s25] =	ssyncset.done $0x0  }
0x7c: {  	s17 =	simm.s32 $0x1700;
	[sflag:s25] =	ssyncadd.s32 $0xFFFFC000  }
0x7d: {  	[spmem:s1] =	stream.indirect.scatter.add.f32 [tilespmem:s19], [sflag:$0x3], $0x80, s17, s21, $0xb8;
	[tilespmem:$0x1E800] =	vst v63  }
0x7e: {  	_ =	swait.ge [sflag:s20], $0x4000  }
0x7f: {  	[sflag:s20] =	ssyncset.done $0x0  }
0x80: {  	[sflag:s20] =	ssyncadd.s32 $0xFFFFC000  }
0x81: {  	_ =	swait.ge [sflag:s26], $0x4000  }
0x82: {  	[sflag:s26] =	ssyncset.done $0x0  }
0x83: {  	s31 =	simm.s32 $0x1780;
	[sflag:s26] =	ssyncadd.s32 $0xFFFFC000  }
0x84: {  	[spmem:s1] =	stream.indirect.scatter.add.f32 [tilespmem:s24], [sflag:$0x3], $0x80, s31, s21, $0xb8;
	[tilespmem:$0x1E800] =	vst v63  }
0x85: {  	_ =	swait.ge [sflag:s20], $0x4000  }
0x86: {  	s30 =	simm.s32 $0x1000;
	s14 =	simm.s32 $0x2000;
	[sflag:s20] =	ssyncset.done $0x0  }
.LBB2_5:
0x87: {  	s3 =	sshra.s32 s30, $0x2  }
0x88: {  	[sflag:s20] =	ssyncadd.s32 $0xFFFFC000;
	s30 =	smov.u32 s14;
	s0 =	sadd.s32 $0x1000, s14  }
0x89: {  	[tilespmem:s19], [sflag:$0x1] =	stream.indirect.gather [hbm4b:s4+s21], $0x80, s3, s21, $0xb8;
	[tilespmem:$0x1E800] =	vst v63  }
0x8a: {  	p0 =	sne.s32 s14, $0x4000;
	s14 =	sadd.s32 $0x80, s3  }
0x8b: {  	[tilespmem:s24], [sflag:$0x2] =	stream.indirect.gather [hbm4b:s4+s21], $0x80, s14, s21, $0xb8;
	[tilespmem:$0x1E800] =	vst v63  }
0x8c: {  	_ =	swait.ge [sflag:s25], $0x4000  }
0x8d: {  	[sflag:s25] =	ssyncset.done $0x0  }
0x8e: {  	s14 =	sadd.s32 $0x1400, s3;
	[sflag:s25] =	ssyncadd.s32 $0xFFFFC000  }
0x8f: {  	[spmem:s1] =	stream.indirect.scatter.add.f32 [tilespmem:s19], [sflag:$0x3], $0x80, s14, s21, $0xb8;
	[tilespmem:$0x1E800] =	vst v63  }
0x90: {  	_ =	swait.ge [sflag:s20], $0x4000  }
0x91: {  	[sflag:s20] =	ssyncset.done $0x0  }
0x92: {  	s14 =	sadd.s32 $0x100, s3;
	[sflag:s20] =	ssyncadd.s32 $0xFFFFC000  }
0x93: {  	[tilespmem:s19], [sflag:$0x1] =	stream.indirect.gather [hbm4b:s4+s21], $0x80, s14, s21, $0xb8;
	[tilespmem:$0x1E800] =	vst v63  }
0x94: {  	_ =	swait.ge [sflag:s26], $0x4000  }
0x95: {  	[sflag:s26] =	ssyncset.done $0x0  }
0x96: {  	s14 =	sadd.s32 $0x1480, s3;
	[sflag:s26] =	ssyncadd.s32 $0xFFFFC000  }
0x97: {  	[spmem:s1] =	stream.indirect.scatter.add.f32 [tilespmem:s24], [sflag:$0x3], $0x80, s14, s21, $0xb8;
	[tilespmem:$0x1E800] =	vst v63  }
0x98: {  	_ =	swait.ge [sflag:s20], $0x4000  }
0x99: {  	[sflag:s20] =	ssyncset.done $0x0  }
0x9a: {  	s14 =	sadd.s32 $0x180, s3;
	[sflag:s20] =	ssyncadd.s32 $0xFFFFC000  }
0x9b: {  	[tilespmem:s24], [sflag:$0x2] =	stream.indirect.gather [hbm4b:s4+s21], $0x80, s14, s21, $0xb8;
	[tilespmem:$0x1E800] =	vst v63  }
0x9c: {  	_ =	swait.ge [sflag:s25], $0x4000  }
0x9d: {  	[sflag:s25] =	ssyncset.done $0x0  }
0x9e: {  	s14 =	sadd.s32 $0x1500, s3;
	[sflag:s25] =	ssyncadd.s32 $0xFFFFC000  }
0x9f: {  	[spmem:s1] =	stream.indirect.scatter.add.f32 [tilespmem:s19], [sflag:$0x3], $0x80, s14, s21, $0xb8;
	[tilespmem:$0x1E800] =	vst v63  }
0xa0: {  	_ =	swait.ge [sflag:s20], $0x4000  }
0xa1: {  	[sflag:s20] =	ssyncset.done $0x0  }
0xa2: {  	s14 =	sadd.s32 $0x200, s3;
	[sflag:s20] =	ssyncadd.s32 $0xFFFFC000  }
0xa3: {  	[tilespmem:s19], [sflag:$0x1] =	stream.indirect.gather [hbm4b:s4+s21], $0x80, s14, s21, $0xb8;
	[tilespmem:$0x1E800] =	vst v63  }
0xa4: {  	_ =	swait.ge [sflag:s26], $0x4000  }
0xa5: {  	[sflag:s26] =	ssyncset.done $0x0  }
0xa6: {  	s14 =	sadd.s32 $0x1580, s3;
	[sflag:s26] =	ssyncadd.s32 $0xFFFFC000  }
0xa7: {  	[spmem:s1] =	stream.indirect.scatter.add.f32 [tilespmem:s24], [sflag:$0x3], $0x80, s14, s21, $0xb8;
	[tilespmem:$0x1E800] =	vst v63  }
0xa8: {  	_ =	swait.ge [sflag:s20], $0x4000  }
0xa9: {  	[sflag:s20] =	ssyncset.done $0x0  }
0xaa: {  	s14 =	sadd.s32 $0x280, s3;
	[sflag:s20] =	ssyncadd.s32 $0xFFFFC000  }
0xab: {  	[tilespmem:s24], [sflag:$0x2] =	stream.indirect.gather [hbm4b:s4+s21], $0x80, s14, s21, $0xb8;
	[tilespmem:$0x1E800] =	vst v63  }
0xac: {  	_ =	swait.ge [sflag:s25], $0x4000  }
0xad: {  	[sflag:s25] =	ssyncset.done $0x0  }
0xae: {  	s14 =	sadd.s32 $0x1600, s3;
	[sflag:s25] =	ssyncadd.s32 $0xFFFFC000  }
0xaf: {  	[spmem:s1] =	stream.indirect.scatter.add.f32 [tilespmem:s19], [sflag:$0x3], $0x80, s14, s21, $0xb8;
	[tilespmem:$0x1E800] =	vst v63  }
0xb0: {  	_ =	swait.ge [sflag:s20], $0x4000  }
0xb1: {  	[sflag:s20] =	ssyncset.done $0x0  }
0xb2: {  	s14 =	sadd.s32 $0x300, s3;
	[sflag:s20] =	ssyncadd.s32 $0xFFFFC000  }
0xb3: {  	[tilespmem:s19], [sflag:$0x1] =	stream.indirect.gather [hbm4b:s4+s21], $0x80, s14, s21, $0xb8;
	[tilespmem:$0x1E800] =	vst v63  }
0xb4: {  	_ =	swait.ge [sflag:s26], $0x4000  }
0xb5: {  	[sflag:s26] =	ssyncset.done $0x0  }
0xb6: {  	s14 =	sadd.s32 $0x1680, s3;
	[sflag:s26] =	ssyncadd.s32 $0xFFFFC000  }
0xb7: {  	[spmem:s1] =	stream.indirect.scatter.add.f32 [tilespmem:s24], [sflag:$0x3], $0x80, s14, s21, $0xb8;
	[tilespmem:$0x1E800] =	vst v63  }
0xb8: {  	_ =	swait.ge [sflag:s20], $0x4000  }
0xb9: {  	[sflag:s20] =	ssyncset.done $0x0  }
0xba: {  	s14 =	sadd.s32 $0x380, s3;
	[sflag:s20] =	ssyncadd.s32 $0xFFFFC000  }
0xbb: {  	[tilespmem:s24], [sflag:$0x2] =	stream.indirect.gather [hbm4b:s4+s21], $0x80, s14, s21, $0xb8;
	[tilespmem:$0x1E800] =	vst v63  }
0xbc: {  	_ =	swait.ge [sflag:s25], $0x4000  }
0xbd: {  	[sflag:s25] =	ssyncset.done $0x0  }
0xbe: {  	s14 =	sadd.s32 $0x1700, s3;
	[sflag:s25] =	ssyncadd.s32 $0xFFFFC000  }
0xbf: {  	[spmem:s1] =	stream.indirect.scatter.add.f32 [tilespmem:s19], [sflag:$0x3], $0x80, s14, s21, $0xb8;
	[tilespmem:$0x1E800] =	vst v63  }
0xc0: {  	_ =	swait.ge [sflag:s20], $0x4000  }
0xc1: {  	[sflag:s20] =	ssyncset.done $0x0  }
0xc2: {  	[sflag:s20] =	ssyncadd.s32 $0xFFFFC000  }
0xc3: {  	_ =	swait.ge [sflag:s26], $0x4000  }
.Ltmp1:
0xc4: {  	[sflag:s26] =	ssyncset.done $0x0;
	(pc) =	sbr.rel @p0 .LBB2_5-.Ltmp1, $4  }
0xc5: {  	s3 =	sadd.s32 $0x1780, s3;
	[sflag:s26] =	ssyncadd.s32 $0xFFFFC000  }
0xc6: {  	[spmem:s1] =	stream.indirect.scatter.add.f32 [tilespmem:s24], [sflag:$0x3], $0x80, s3, s21, $0xb8;
	[tilespmem:$0x1E800] =	vst v63  }
0xc7: {  	_ =	swait.ge [sflag:s20], $0x4000  }
0xc8: {  	s14 =	smov.u32 s0;
	[sflag:s20] =	ssyncset.done $0x0  }
0xc9: {  	s0 =	sshra.s32 s30, $0x2;
	[sflag:s20] =	ssyncadd.s32 $0xFFFFC000  }
0xca: {  	[tilespmem:s19], [sflag:$0x1] =	stream.indirect.gather [hbm4b:s4+s21], $0x80, s0, s21, $0xb8;
	[tilespmem:$0x1E800] =	vst v63  }
0xcb: {  	s3 =	sadd.s32 $0x80, s0  }
0xcc: {  	[tilespmem:s24], [sflag:$0x2] =	stream.indirect.gather [hbm4b:s4+s21], $0x80, s3, s21, $0xb8;
	[tilespmem:$0x1E800] =	vst v63  }
0xcd: {  	_ =	swait.ge [sflag:s25], $0x4000  }
0xce: {  	[sflag:s25] =	ssyncset.done $0x0  }
0xcf: {  	s31 =	sadd.s32 $0x1400, s0;
	[sflag:s25] =	ssyncadd.s32 $0xFFFFC000  }
0xd0: {  	[spmem:s1] =	stream.indirect.scatter.add.f32 [tilespmem:s19], [sflag:$0x3], $0x80, s31, s21, $0xb8;
	[tilespmem:$0x1E800] =	vst v63  }
0xd1: {  	_ =	swait.ge [sflag:s20], $0x4000  }
0xd2: {  	[sflag:s20] =	ssyncset.done $0x0  }
0xd3: {  	s14 =	sadd.s32 $0x100, s0;
	[sflag:s20] =	ssyncadd.s32 $0xFFFFC000  }
0xd4: {  	[tilespmem:s19], [sflag:$0x1] =	stream.indirect.gather [hbm4b:s4+s21], $0x80, s14, s21, $0xb8;
	[tilespmem:$0x1E800] =	vst v63  }
0xd5: {  	_ =	swait.ge [sflag:s26], $0x4000  }
0xd6: {  	[sflag:s26] =	ssyncset.done $0x0  }
0xd7: {  	s17 =	sadd.s32 $0x1480, s0;
	[sflag:s26] =	ssyncadd.s32 $0xFFFFC000  }
0xd8: {  	[spmem:s1] =	stream.indirect.scatter.add.f32 [tilespmem:s24], [sflag:$0x3], $0x80, s17, s21, $0xb8;
	[tilespmem:$0x1E800] =	vst v63  }
0xd9: {  	_ =	swait.ge [sflag:s20], $0x4000  }
0xda: {  	[sflag:s20] =	ssyncset.done $0x0  }
0xdb: {  	s30 =	sadd.s32 $0x180, s0;
	[sflag:s20] =	ssyncadd.s32 $0xFFFFC000  }
0xdc: {  	[tilespmem:s24], [sflag:$0x2] =	stream.indirect.gather [hbm4b:s4+s21], $0x80, s30, s21, $0xb8;
	[tilespmem:$0x1E800] =	vst v63  }
0xdd: {  	_ =	swait.ge [sflag:s25], $0x4000  }
0xde: {  	[sflag:s25] =	ssyncset.done $0x0  }
0xdf: {  	s31 =	sadd.s32 $0x1500, s0;
	[sflag:s25] =	ssyncadd.s32 $0xFFFFC000  }
0xe0: {  	[spmem:s1] =	stream.indirect.scatter.add.f32 [tilespmem:s19], [sflag:$0x3], $0x80, s31, s21, $0xb8;
	[tilespmem:$0x1E800] =	vst v63  }
0xe1: {  	_ =	swait.ge [sflag:s20], $0x4000  }
0xe2: {  	[sflag:s20] =	ssyncset.done $0x0  }
0xe3: {  	s14 =	sadd.s32 $0x200, s0;
	[sflag:s20] =	ssyncadd.s32 $0xFFFFC000  }
0xe4: {  	[tilespmem:s19], [sflag:$0x1] =	stream.indirect.gather [hbm4b:s4+s21], $0x80, s14, s21, $0xb8;
	[tilespmem:$0x1E800] =	vst v63  }
0xe5: {  	_ =	swait.ge [sflag:s26], $0x4000  }
0xe6: {  	[sflag:s26] =	ssyncset.done $0x0  }
0xe7: {  	s17 =	sadd.s32 $0x1580, s0;
	[sflag:s26] =	ssyncadd.s32 $0xFFFFC000  }
0xe8: {  	[spmem:s1] =	stream.indirect.scatter.add.f32 [tilespmem:s24], [sflag:$0x3], $0x80, s17, s21, $0xb8;
	[tilespmem:$0x1E800] =	vst v63  }
0xe9: {  	_ =	swait.ge [sflag:s20], $0x4000  }
0xea: {  	[sflag:s20] =	ssyncset.done $0x0  }
0xeb: {  	s30 =	sadd.s32 $0x280, s0;
	[sflag:s20] =	ssyncadd.s32 $0xFFFFC000  }
0xec: {  	[tilespmem:s24], [sflag:$0x2] =	stream.indirect.gather [hbm4b:s4+s21], $0x80, s30, s21, $0xb8;
	[tilespmem:$0x1E800] =	vst v63  }
0xed: {  	_ =	swait.ge [sflag:s25], $0x4000  }
0xee: {  	[sflag:s25] =	ssyncset.done $0x0  }
0xef: {  	s31 =	sadd.s32 $0x1600, s0;
	[sflag:s25] =	ssyncadd.s32 $0xFFFFC000  }
0xf0: {  	[spmem:s1] =	stream.indirect.scatter.add.f32 [tilespmem:s19], [sflag:$0x3], $0x80, s31, s21, $0xb8;
	[tilespmem:$0x1E800] =	vst v63  }
0xf1: {  	_ =	swait.ge [sflag:s20], $0x4000  }
0xf2: {  	[sflag:s20] =	ssyncset.done $0x0  }
0xf3: {  	s14 =	sadd.s32 $0x300, s0;
	[sflag:s20] =	ssyncadd.s32 $0xFFFFC000  }
0xf4: {  	[tilespmem:s19], [sflag:$0x1] =	stream.indirect.gather [hbm4b:s4+s21], $0x80, s14, s21, $0xb8;
	[tilespmem:$0x1E800] =	vst v63  }
0xf5: {  	_ =	swait.ge [sflag:s26], $0x4000  }
0xf6: {  	[sflag:s26] =	ssyncset.done $0x0  }
0xf7: {  	s17 =	sadd.s32 $0x1680, s0;
	[sflag:s26] =	ssyncadd.s32 $0xFFFFC000  }
0xf8: {  	[spmem:s1] =	stream.indirect.scatter.add.f32 [tilespmem:s24], [sflag:$0x3], $0x80, s17, s21, $0xb8;
	[tilespmem:$0x1E800] =	vst v63  }
0xf9: {  	_ =	swait.ge [sflag:s20], $0x4000  }
0xfa: {  	[sflag:s20] =	ssyncset.done $0x0  }
0xfb: {  	s30 =	sadd.s32 $0x380, s0;
	[sflag:s20] =	ssyncadd.s32 $0xFFFFC000  }
0xfc: {  	[tilespmem:s24], [sflag:$0x2] =	stream.indirect.gather [hbm4b:s4+s21], $0x80, s30, s21, $0xb8;
	[tilespmem:$0x1E800] =	vst v63  }
0xfd: {  	_ =	swait.ge [sflag:s25], $0x4000  }
0xfe: {  	[sflag:s25] =	ssyncset.done $0x0  }
0xff: {  	s31 =	sadd.s32 $0x1700, s0;
	[sflag:s25] =	ssyncadd.s32 $0xFFFFC000  }
0x100: {  	[spmem:s1] =	stream.indirect.scatter.add.f32 [tilespmem:s19], [sflag:$0x3], $0x80, s31, s21, $0xb8;
	[tilespmem:$0x1E800] =	vst v63  }
0x101: {  	_ =	swait.ge [sflag:s20], $0x4000  }
0x102: {  	[sflag:s20] =	ssyncset.done $0x0  }
0x103: {  	[sflag:s20] =	ssyncadd.s32 $0xFFFFC000  }
0x104: {  	s29 =	sadd.s32 $0x1, s29;
	_ =	swait.ge [sflag:s26], $0x4000  }
0x105: {  	p0 =	sne.s32 s29, $0x4;
	[sflag:s26] =	ssyncset.done $0x0  }
.Ltmp2:
0x106: {  	s0 =	sadd.s32 $0x1780, s0;
	[sflag:s26] =	ssyncadd.s32 $0xFFFFC000;
	(pc) =	sbr.rel @p0 .LBB2_4-.Ltmp2, $4  }
0x107: {  	[spmem:s1] =	stream.indirect.scatter.add.f32 [tilespmem:s24], [sflag:$0x3], $0x80, s0, s21, $0xb8;
	[tilespmem:$0x1E800] =	vst v63  }
0x108: {  	_ =	swait.ge [sflag:s20], $0x4000  }
0x109: {  	[sflag:s20] =	ssyncset.done $0x0  }
0x10a: {  	[sflag:s20] =	ssyncadd.s32 $0xFFFFC000  }
0x10b: {  	s0 =	stileid.u32  }
0x10c: {  	[bflag:$0x0] =	sbarrier.arrive $0xFFFF;
	s0 =	sshll.u32 s0, $0x6  }
0x10d: {  	s29 =	sshrl.u32 s7, $0x3;
	s31 =	rddreg [dreg:$0x3];
	s28 =	sor.u32 $0x1C03, s0  }
0x10e: {  	[hbm:s31], [sflag:s28] =	dma.local [spmem:s29], $0x2800  }
0x10f: {  	_ =	swait.ge [sflag:s20], $0x2800  }
0x110: {  	[sflag:s20] =	ssyncset.done $0x0  }
0x111: {  	s3 =	simm.s32 $0x200;
	s0 =	simm.s32 $0x0;
	[sflag:s20] =	ssyncadd.s32 $0xFFFFD800  }
.LBB2_8:
0x112: {  	p0 =	sne.s32 s3, $0xFE00;
	[tilespmem:s0+$0x2870] =	vst v0  }
0x113: {  	[tilespmem:s0+$0x2800] =	vst v0  }
0x114: {  	[tilespmem:s0+$0x2810] =	vst v0  }
.Ltmp3:
0x115: {  	[tilespmem:s0+$0x2820] =	vst v0;
	(pc) =	sbr.rel @p0 .LBB2_8-.Ltmp3, $4  }
0x116: {  	[tilespmem:s0+$0x2830] =	vst v0  }
0x117: {  	[tilespmem:s0+$0x2840] =	vst v0  }
0x118: {  	[tilespmem:s0+$0x2850] =	vst v0  }
0x119: {  	[tilespmem:s0+$0x2860] =	vst v0;
	s0 =	sshra.s32 s3, $0x2;
	s3 =	sadd.s32 $0x200, s3  }
0x11a: {  	[tilespmem:s0+$0x2870] =	vst v0  }
0x11b: {  	[tilespmem:s0+$0x2800] =	vst v0  }
0x11c: {  	[tilespmem:s0+$0x2810] =	vst v0  }
0x11d: {  	[tilespmem:s0+$0x2820] =	vst v0  }
0x11e: {  	[tilespmem:s0+$0x2830] =	vst v0  }
0x11f: {  	[tilespmem:s0+$0x2840] =	vst v0  }
0x120: {  	[tilespmem:s0+$0x2850] =	vst v0  }
0x121: {  	[tilespmem:s0+$0x2860] =	vst v0  }
0x122: {  	[spmem:s7] =	stream.linear.scatter [tilespmem:s19], [sflag:$0x3], $0x4000, $0x38;
	[tilespmem:$0x1E800] =	vst v63  }
0x123: {  	_ =	swait.ge [sflag:s20], $0x4000  }
0x124: {  	[sflag:s20] =	ssyncset.done $0x0  }
0x125: {  	[sflag:s20] =	ssyncadd.s32 $0xFFFFC000  }
0x126: {  	[spmem:s8] =	stream.linear.scatter [tilespmem:s19], [sflag:$0x3], $0x4000, $0x38;
	[tilespmem:$0x1E800] =	vst v63  }
0x127: {  	_ =	swait.ge [sflag:s20], $0x4000  }
0x128: {  	[sflag:s20] =	ssyncset.done $0x0  }
0x129: {  	[sflag:s20] =	ssyncadd.s32 $0xFFFFC000  }
0x12a: {  	[spmem:s9] =	stream.linear.scatter [tilespmem:s19], [sflag:$0x3], $0x4000, $0x38;
	[tilespmem:$0x1E800] =	vst v63  }
0x12b: {  	_ =	swait.ge [sflag:s20], $0x4000  }
0x12c: {  	[sflag:s20] =	ssyncset.done $0x0  }
0x12d: {  	[sflag:s20] =	ssyncadd.s32 $0xFFFFC000  }
0x12e: {  	[spmem:s10] =	stream.linear.scatter [tilespmem:s19], [sflag:$0x3], $0x4000, $0x38;
	[tilespmem:$0x1E800] =	vst v63  }
0x12f: {  	_ =	swait.ge [sflag:s20], $0x4000  }
0x130: {  	[sflag:s20] =	ssyncset.done $0x0  }
0x131: {  	[sflag:s20] =	ssyncadd.s32 $0xFFFFC000  }
0x132: {  	[spmem:s11] =	stream.linear.scatter [tilespmem:s19], [sflag:$0x3], $0x4000, $0x38;
	[tilespmem:$0x1E800] =	vst v63  }
0x133: {  	_ =	swait.ge [sflag:s20], $0x4000  }
0x134: {  	[sflag:s20] =	ssyncset.done $0x0  }
0x135: {  	[sflag:s20] =	ssyncadd.s32 $0xFFFFC000  }
0x136: {  	s30 =	simm.s32 $0x0;
	s31 =	simm.s32 $0x0;
	[bflag:$0x0] =	sbarrier.arrive $0xFFFF  }
.LBB2_10:
0x137: {  	s0 =	smul.u32 $0xA000, s31;
	_ =	sdelay $0x1  }
0x138: {  	s0 =	sadd.s32 s0, s15  }
0x139: {  	s0 =	sshrl.u32 s0, $0x3  }
0x13a: {  	s3 =	smul.u32 $0x1400, s31;
	s0 =	sadd.s32 s5, s0  }
0x13b: {  	[tilespmem:s30], [sflag:$0x3] =	stream.strided.gather [hbm4b:s0+s21], $0x1400, s22, s21, $0x38;
	[tilespmem:$0x1E800] =	vst v63  }
0x13c: {  	s14 =	sadd.s32 s3, s16;
	_ =	swait.ge [sflag:s20], $0x1400  }
0x13d: {  	s0 =	sshrl.u32 s14, $0x3;
	[sflag:s20] =	ssyncset.done $0x0  }
0x13e: {  	s0 =	sadd.s32 s6, s0;
	[sflag:s20] =	ssyncadd.s32 $0xFFFFEC00  }
0x13f: {  	[tilespmem:s23], [sflag:$0x3] =	stream.linear.gather [hbm4b:s0+s30], $0x1400, $0x38;
	[tilespmem:$0x1E800] =	vst v63  }
0x140: {  	_ =	swait.ge [sflag:s20], $0x1400  }
0x141: {  	[sflag:s20] =	ssyncset.done $0x0  }
0x142: {  	s17 =	simm.s32 $0x0;
	[sflag:s20] =	ssyncadd.s32 $0xFFFFEC00  }
0x143: {  	[tilespmem:s19], [sflag:$0x1] =	stream.indirect.gather [hbm4b:s4+s21], $0x80, s17, s21, $0xb8;
	[tilespmem:$0x1E800] =	vst v63  }
0x144: {  	s3 =	simm.s32 $0x80  }
0x145: {  	[tilespmem:s24], [sflag:$0x2] =	stream.indirect.gather [hbm4b:s4+s21], $0x80, s3, s21, $0xb8;
	[tilespmem:$0x1E800] =	vst v63  }
0x146: {  	_ =	swait.ge [sflag:s25], $0x4000  }
0x147: {  	[sflag:s25] =	ssyncset.done $0x0  }
0x148: {  	s14 =	simm.s32 $0x1400;
	[sflag:s25] =	ssyncadd.s32 $0xFFFFC000  }
0x149: {  	[spmem:s1] =	stream.indirect.scatter.add.f32 [tilespmem:s19], [sflag:$0x3], $0x80, s14, s21, $0xb8;
	[tilespmem:$0x1E800] =	vst v63  }
0x14a: {  	_ =	swait.ge [sflag:s20], $0x4000  }
0x14b: {  	[sflag:s20] =	ssyncset.done $0x0  }
0x14c: {  	s17 =	simm.s32 $0x100;
	[sflag:s20] =	ssyncadd.s32 $0xFFFFC000  }
0x14d: {  	[tilespmem:s19], [sflag:$0x1] =	stream.indirect.gather [hbm4b:s4+s21], $0x80, s17, s21, $0xb8;
	[tilespmem:$0x1E800] =	vst v63  }
0x14e: {  	_ =	swait.ge [sflag:s26], $0x4000  }
0x14f: {  	[sflag:s26] =	ssyncset.done $0x0  }
0x150: {  	s3 =	simm.s32 $0x1480;
	[sflag:s26] =	ssyncadd.s32 $0xFFFFC000  }
0x151: {  	[spmem:s1] =	stream.indirect.scatter.add.f32 [tilespmem:s24], [sflag:$0x3], $0x80, s3, s21, $0xb8;
	[tilespmem:$0x1E800] =	vst v63  }
0x152: {  	_ =	swait.ge [sflag:s20], $0x4000  }
0x153: {  	[sflag:s20] =	ssyncset.done $0x0  }
0x154: {  	s14 =	simm.s32 $0x180;
	[sflag:s20] =	ssyncadd.s32 $0xFFFFC000  }
0x155: {  	[tilespmem:s24], [sflag:$0x2] =	stream.indirect.gather [hbm4b:s4+s21], $0x80, s14, s21, $0xb8;
	[tilespmem:$0x1E800] =	vst v63  }
0x156: {  	_ =	swait.ge [sflag:s25], $0x4000  }
0x157: {  	[sflag:s25] =	ssyncset.done $0x0  }
0x158: {  	s17 =	simm.s32 $0x1500;
	[sflag:s25] =	ssyncadd.s32 $0xFFFFC000  }
0x159: {  	[spmem:s1] =	stream.indirect.scatter.add.f32 [tilespmem:s19], [sflag:$0x3], $0x80, s17, s21, $0xb8;
	[tilespmem:$0x1E800] =	vst v63  }
0x15a: {  	_ =	swait.ge [sflag:s20], $0x4000  }
0x15b: {  	[sflag:s20] =	ssyncset.done $0x0  }
0x15c: {  	s3 =	simm.s32 $0x200;
	[sflag:s20] =	ssyncadd.s32 $0xFFFFC000  }
0x15d: {  	[tilespmem:s19], [sflag:$0x1] =	stream.indirect.gather [hbm4b:s4+s21], $0x80, s3, s21, $0xb8;
	[tilespmem:$0x1E800] =	vst v63  }
0x15e: {  	_ =	swait.ge [sflag:s26], $0x4000  }
0x15f: {  	[sflag:s26] =	ssyncset.done $0x0  }
0x160: {  	s14 =	simm.s32 $0x1580;
	[sflag:s26] =	ssyncadd.s32 $0xFFFFC000  }
0x161: {  	[spmem:s1] =	stream.indirect.scatter.add.f32 [tilespmem:s24], [sflag:$0x3], $0x80, s14, s21, $0xb8;
	[tilespmem:$0x1E800] =	vst v63  }
0x162: {  	_ =	swait.ge [sflag:s20], $0x4000  }
0x163: {  	[sflag:s20] =	ssyncset.done $0x0  }
0x164: {  	s17 =	simm.s32 $0x280;
	[sflag:s20] =	ssyncadd.s32 $0xFFFFC000  }
0x165: {  	[tilespmem:s24], [sflag:$0x2] =	stream.indirect.gather [hbm4b:s4+s21], $0x80, s17, s21, $0xb8;
	[tilespmem:$0x1E800] =	vst v63  }
0x166: {  	_ =	swait.ge [sflag:s25], $0x4000  }
0x167: {  	[sflag:s25] =	ssyncset.done $0x0  }
0x168: {  	s3 =	simm.s32 $0x1600;
	[sflag:s25] =	ssyncadd.s32 $0xFFFFC000  }
0x169: {  	[spmem:s1] =	stream.indirect.scatter.add.f32 [tilespmem:s19], [sflag:$0x3], $0x80, s3, s21, $0xb8;
	[tilespmem:$0x1E800] =	vst v63  }
0x16a: {  	_ =	swait.ge [sflag:s20], $0x4000  }
0x16b: {  	[sflag:s20] =	ssyncset.done $0x0  }
0x16c: {  	s14 =	simm.s32 $0x300;
	[sflag:s20] =	ssyncadd.s32 $0xFFFFC000  }
0x16d: {  	[tilespmem:s19], [sflag:$0x1] =	stream.indirect.gather [hbm4b:s4+s21], $0x80, s14, s21, $0xb8;
	[tilespmem:$0x1E800] =	vst v63  }
0x16e: {  	_ =	swait.ge [sflag:s26], $0x4000  }
0x16f: {  	[sflag:s26] =	ssyncset.done $0x0  }
0x170: {  	s17 =	simm.s32 $0x1680;
	[sflag:s26] =	ssyncadd.s32 $0xFFFFC000  }
0x171: {  	[spmem:s1] =	stream.indirect.scatter.add.f32 [tilespmem:s24], [sflag:$0x3], $0x80, s17, s21, $0xb8;
	[tilespmem:$0x1E800] =	vst v63  }
0x172: {  	_ =	swait.ge [sflag:s20], $0x4000  }
0x173: {  	[sflag:s20] =	ssyncset.done $0x0  }
0x174: {  	s3 =	simm.s32 $0x380;
	[sflag:s20] =	ssyncadd.s32 $0xFFFFC000  }
0x175: {  	[tilespmem:s24], [sflag:$0x2] =	stream.indirect.gather [hbm4b:s4+s21], $0x80, s3, s21, $0xb8;
	[tilespmem:$0x1E800] =	vst v63  }
0x176: {  	_ =	swait.ge [sflag:s25], $0x4000  }
0x177: {  	[sflag:s25] =	ssyncset.done $0x0  }
0x178: {  	s14 =	simm.s32 $0x1700;
	[sflag:s25] =	ssyncadd.s32 $0xFFFFC000  }
0x179: {  	[spmem:s1] =	stream.indirect.scatter.add.f32 [tilespmem:s19], [sflag:$0x3], $0x80, s14, s21, $0xb8;
	[tilespmem:$0x1E800] =	vst v63  }
0x17a: {  	_ =	swait.ge [sflag:s20], $0x4000  }
0x17b: {  	[sflag:s20] =	ssyncset.done $0x0  }
0x17c: {  	[sflag:s20] =	ssyncadd.s32 $0xFFFFC000  }
0x17d: {  	_ =	swait.ge [sflag:s26], $0x4000  }
0x17e: {  	[sflag:s26] =	ssyncset.done $0x0  }
0x17f: {  	s17 =	simm.s32 $0x1780;
	[sflag:s26] =	ssyncadd.s32 $0xFFFFC000  }
0x180: {  	[spmem:s1] =	stream.indirect.scatter.add.f32 [tilespmem:s24], [sflag:$0x3], $0x80, s17, s21, $0xb8;
	[tilespmem:$0x1E800] =	vst v63  }
0x181: {  	_ =	swait.ge [sflag:s20], $0x4000  }
0x182: {  	s0 =	simm.s32 $0x1000;
	s3 =	simm.s32 $0x2000;
	[sflag:s20] =	ssyncset.done $0x0  }
.LBB2_11:
0x183: {  	s14 =	sshra.s32 s0, $0x2  }
0x184: {  	[sflag:s20] =	ssyncadd.s32 $0xFFFFC000;
	s0 =	smov.u32 s3;
	s17 =	sadd.s32 $0x1000, s3  }
0x185: {  	[tilespmem:s19], [sflag:$0x1] =	stream.indirect.gather [hbm4b:s4+s21], $0x80, s14, s21, $0xb8;
	[tilespmem:$0x1E800] =	vst v63  }
0x186: {  	p0 =	sne.s32 s3, $0x4000;
	s3 =	sadd.s32 $0x80, s14  }
0x187: {  	[tilespmem:s24], [sflag:$0x2] =	stream.indirect.gather [hbm4b:s4+s21], $0x80, s3, s21, $0xb8;
	[tilespmem:$0x1E800] =	vst v63  }
0x188: {  	_ =	swait.ge [sflag:s25], $0x4000  }
0x189: {  	[sflag:s25] =	ssyncset.done $0x0  }
0x18a: {  	s3 =	sadd.s32 $0x1400, s14;
	[sflag:s25] =	ssyncadd.s32 $0xFFFFC000  }
0x18b: {  	[spmem:s1] =	stream.indirect.scatter.add.f32 [tilespmem:s19], [sflag:$0x3], $0x80, s3, s21, $0xb8;
	[tilespmem:$0x1E800] =	vst v63  }
0x18c: {  	_ =	swait.ge [sflag:s20], $0x4000  }
0x18d: {  	[sflag:s20] =	ssyncset.done $0x0  }
0x18e: {  	s3 =	sadd.s32 $0x100, s14;
	[sflag:s20] =	ssyncadd.s32 $0xFFFFC000  }
0x18f: {  	[tilespmem:s19], [sflag:$0x1] =	stream.indirect.gather [hbm4b:s4+s21], $0x80, s3, s21, $0xb8;
	[tilespmem:$0x1E800] =	vst v63  }
0x190: {  	_ =	swait.ge [sflag:s26], $0x4000  }
0x191: {  	[sflag:s26] =	ssyncset.done $0x0  }
0x192: {  	s3 =	sadd.s32 $0x1480, s14;
	[sflag:s26] =	ssyncadd.s32 $0xFFFFC000  }
0x193: {  	[spmem:s1] =	stream.indirect.scatter.add.f32 [tilespmem:s24], [sflag:$0x3], $0x80, s3, s21, $0xb8;
	[tilespmem:$0x1E800] =	vst v63  }
0x194: {  	_ =	swait.ge [sflag:s20], $0x4000  }
0x195: {  	[sflag:s20] =	ssyncset.done $0x0  }
0x196: {  	s3 =	sadd.s32 $0x180, s14;
	[sflag:s20] =	ssyncadd.s32 $0xFFFFC000  }
0x197: {  	[tilespmem:s24], [sflag:$0x2] =	stream.indirect.gather [hbm4b:s4+s21], $0x80, s3, s21, $0xb8;
	[tilespmem:$0x1E800] =	vst v63  }
0x198: {  	_ =	swait.ge [sflag:s25], $0x4000  }
0x199: {  	[sflag:s25] =	ssyncset.done $0x0  }
0x19a: {  	s3 =	sadd.s32 $0x1500, s14;
	[sflag:s25] =	ssyncadd.s32 $0xFFFFC000  }
0x19b: {  	[spmem:s1] =	stream.indirect.scatter.add.f32 [tilespmem:s19], [sflag:$0x3], $0x80, s3, s21, $0xb8;
	[tilespmem:$0x1E800] =	vst v63  }
0x19c: {  	_ =	swait.ge [sflag:s20], $0x4000  }
0x19d: {  	[sflag:s20] =	ssyncset.done $0x0  }
0x19e: {  	s3 =	sadd.s32 $0x200, s14;
	[sflag:s20] =	ssyncadd.s32 $0xFFFFC000  }
0x19f: {  	[tilespmem:s19], [sflag:$0x1] =	stream.indirect.gather [hbm4b:s4+s21], $0x80, s3, s21, $0xb8;
	[tilespmem:$0x1E800] =	vst v63  }
0x1a0: {  	_ =	swait.ge [sflag:s26], $0x4000  }
0x1a1: {  	[sflag:s26] =	ssyncset.done $0x0  }
0x1a2: {  	s3 =	sadd.s32 $0x1580, s14;
	[sflag:s26] =	ssyncadd.s32 $0xFFFFC000  }
0x1a3: {  	[spmem:s1] =	stream.indirect.scatter.add.f32 [tilespmem:s24], [sflag:$0x3], $0x80, s3, s21, $0xb8;
	[tilespmem:$0x1E800] =	vst v63  }
0x1a4: {  	_ =	swait.ge [sflag:s20], $0x4000  }
0x1a5: {  	[sflag:s20] =	ssyncset.done $0x0  }
0x1a6: {  	s3 =	sadd.s32 $0x280, s14;
	[sflag:s20] =	ssyncadd.s32 $0xFFFFC000  }
0x1a7: {  	[tilespmem:s24], [sflag:$0x2] =	stream.indirect.gather [hbm4b:s4+s21], $0x80, s3, s21, $0xb8;
	[tilespmem:$0x1E800] =	vst v63  }
0x1a8: {  	_ =	swait.ge [sflag:s25], $0x4000  }
0x1a9: {  	[sflag:s25] =	ssyncset.done $0x0  }
0x1aa: {  	s3 =	sadd.s32 $0x1600, s14;
	[sflag:s25] =	ssyncadd.s32 $0xFFFFC000  }
0x1ab: {  	[spmem:s1] =	stream.indirect.scatter.add.f32 [tilespmem:s19], [sflag:$0x3], $0x80, s3, s21, $0xb8;
	[tilespmem:$0x1E800] =	vst v63  }
0x1ac: {  	_ =	swait.ge [sflag:s20], $0x4000  }
0x1ad: {  	[sflag:s20] =	ssyncset.done $0x0  }
0x1ae: {  	s3 =	sadd.s32 $0x300, s14;
	[sflag:s20] =	ssyncadd.s32 $0xFFFFC000  }
0x1af: {  	[tilespmem:s19], [sflag:$0x1] =	stream.indirect.gather [hbm4b:s4+s21], $0x80, s3, s21, $0xb8;
	[tilespmem:$0x1E800] =	vst v63  }
0x1b0: {  	_ =	swait.ge [sflag:s26], $0x4000  }
0x1b1: {  	[sflag:s26] =	ssyncset.done $0x0  }
0x1b2: {  	s3 =	sadd.s32 $0x1680, s14;
	[sflag:s26] =	ssyncadd.s32 $0xFFFFC000  }
0x1b3: {  	[spmem:s1] =	stream.indirect.scatter.add.f32 [tilespmem:s24], [sflag:$0x3], $0x80, s3, s21, $0xb8;
	[tilespmem:$0x1E800] =	vst v63  }
0x1b4: {  	_ =	swait.ge [sflag:s20], $0x4000  }
0x1b5: {  	[sflag:s20] =	ssyncset.done $0x0  }
0x1b6: {  	s3 =	sadd.s32 $0x380, s14;
	[sflag:s20] =	ssyncadd.s32 $0xFFFFC000  }
0x1b7: {  	[tilespmem:s24], [sflag:$0x2] =	stream.indirect.gather [hbm4b:s4+s21], $0x80, s3, s21, $0xb8;
	[tilespmem:$0x1E800] =	vst v63  }
0x1b8: {  	_ =	swait.ge [sflag:s25], $0x4000  }
0x1b9: {  	[sflag:s25] =	ssyncset.done $0x0  }
0x1ba: {  	s3 =	sadd.s32 $0x1700, s14;
	[sflag:s25] =	ssyncadd.s32 $0xFFFFC000  }
0x1bb: {  	[spmem:s1] =	stream.indirect.scatter.add.f32 [tilespmem:s19], [sflag:$0x3], $0x80, s3, s21, $0xb8;
	[tilespmem:$0x1E800] =	vst v63  }
0x1bc: {  	_ =	swait.ge [sflag:s20], $0x4000  }
0x1bd: {  	[sflag:s20] =	ssyncset.done $0x0  }
0x1be: {  	[sflag:s20] =	ssyncadd.s32 $0xFFFFC000  }
0x1bf: {  	_ =	swait.ge [sflag:s26], $0x4000  }
.Ltmp4:
0x1c0: {  	[sflag:s26] =	ssyncset.done $0x0;
	(pc) =	sbr.rel @p0 .LBB2_11-.Ltmp4, $4  }
0x1c1: {  	s3 =	sadd.s32 $0x1780, s14;
	[sflag:s26] =	ssyncadd.s32 $0xFFFFC000  }
0x1c2: {  	[spmem:s1] =	stream.indirect.scatter.add.f32 [tilespmem:s24], [sflag:$0x3], $0x80, s3, s21, $0xb8;
	[tilespmem:$0x1E800] =	vst v63  }
0x1c3: {  	_ =	swait.ge [sflag:s20], $0x4000  }
0x1c4: {  	s3 =	smov.u32 s17;
	[sflag:s20] =	ssyncset.done $0x0  }
0x1c5: {  	s0 =	sshra.s32 s0, $0x2;
	[sflag:s20] =	ssyncadd.s32 $0xFFFFC000  }
0x1c6: {  	[tilespmem:s19], [sflag:$0x1] =	stream.indirect.gather [hbm4b:s4+s21], $0x80, s0, s21, $0xb8;
	[tilespmem:$0x1E800] =	vst v63  }
0x1c7: {  	s3 =	sadd.s32 $0x80, s0  }
0x1c8: {  	[tilespmem:s24], [sflag:$0x2] =	stream.indirect.gather [hbm4b:s4+s21], $0x80, s3, s21, $0xb8;
	[tilespmem:$0x1E800] =	vst v63  }
0x1c9: {  	_ =	swait.ge [sflag:s25], $0x4000  }
0x1ca: {  	[sflag:s25] =	ssyncset.done $0x0  }
0x1cb: {  	s17 =	sadd.s32 $0x1400, s0;
	[sflag:s25] =	ssyncadd.s32 $0xFFFFC000  }
0x1cc: {  	[spmem:s1] =	stream.indirect.scatter.add.f32 [tilespmem:s19], [sflag:$0x3], $0x80, s17, s21, $0xb8;
	[tilespmem:$0x1E800] =	vst v63  }
0x1cd: {  	_ =	swait.ge [sflag:s20], $0x4000  }
0x1ce: {  	[sflag:s20] =	ssyncset.done $0x0  }
0x1cf: {  	s14 =	sadd.s32 $0x100, s0;
	[sflag:s20] =	ssyncadd.s32 $0xFFFFC000  }
0x1d0: {  	[tilespmem:s19], [sflag:$0x1] =	stream.indirect.gather [hbm4b:s4+s21], $0x80, s14, s21, $0xb8;
	[tilespmem:$0x1E800] =	vst v63  }
0x1d1: {  	_ =	swait.ge [sflag:s26], $0x4000  }
0x1d2: {  	[sflag:s26] =	ssyncset.done $0x0  }
0x1d3: {  	s17 =	sadd.s32 $0x1480, s0;
	[sflag:s26] =	ssyncadd.s32 $0xFFFFC000  }
0x1d4: {  	[spmem:s1] =	stream.indirect.scatter.add.f32 [tilespmem:s24], [sflag:$0x3], $0x80, s17, s21, $0xb8;
	[tilespmem:$0x1E800] =	vst v63  }
0x1d5: {  	_ =	swait.ge [sflag:s20], $0x4000  }
0x1d6: {  	[sflag:s20] =	ssyncset.done $0x0  }
0x1d7: {  	s14 =	sadd.s32 $0x180, s0;
	[sflag:s20] =	ssyncadd.s32 $0xFFFFC000  }
0x1d8: {  	[tilespmem:s24], [sflag:$0x2] =	stream.indirect.gather [hbm4b:s4+s21], $0x80, s14, s21, $0xb8;
	[tilespmem:$0x1E800] =	vst v63  }
0x1d9: {  	_ =	swait.ge [sflag:s25], $0x4000  }
0x1da: {  	[sflag:s25] =	ssyncset.done $0x0  }
0x1db: {  	s17 =	sadd.s32 $0x1500, s0;
	[sflag:s25] =	ssyncadd.s32 $0xFFFFC000  }
0x1dc: {  	[spmem:s1] =	stream.indirect.scatter.add.f32 [tilespmem:s19], [sflag:$0x3], $0x80, s17, s21, $0xb8;
	[tilespmem:$0x1E800] =	vst v63  }
0x1dd: {  	_ =	swait.ge [sflag:s20], $0x4000  }
0x1de: {  	[sflag:s20] =	ssyncset.done $0x0  }
0x1df: {  	s14 =	sadd.s32 $0x200, s0;
	[sflag:s20] =	ssyncadd.s32 $0xFFFFC000  }
0x1e0: {  	[tilespmem:s19], [sflag:$0x1] =	stream.indirect.gather [hbm4b:s4+s21], $0x80, s14, s21, $0xb8;
	[tilespmem:$0x1E800] =	vst v63  }
0x1e1: {  	_ =	swait.ge [sflag:s26], $0x4000  }
0x1e2: {  	[sflag:s26] =	ssyncset.done $0x0  }
0x1e3: {  	s17 =	sadd.s32 $0x1580, s0;
	[sflag:s26] =	ssyncadd.s32 $0xFFFFC000  }
0x1e4: {  	[spmem:s1] =	stream.indirect.scatter.add.f32 [tilespmem:s24], [sflag:$0x3], $0x80, s17, s21, $0xb8;
	[tilespmem:$0x1E800] =	vst v63  }
0x1e5: {  	_ =	swait.ge [sflag:s20], $0x4000  }
0x1e6: {  	[sflag:s20] =	ssyncset.done $0x0  }
0x1e7: {  	s14 =	sadd.s32 $0x280, s0;
	[sflag:s20] =	ssyncadd.s32 $0xFFFFC000  }
0x1e8: {  	[tilespmem:s24], [sflag:$0x2] =	stream.indirect.gather [hbm4b:s4+s21], $0x80, s14, s21, $0xb8;
	[tilespmem:$0x1E800] =	vst v63  }
0x1e9: {  	_ =	swait.ge [sflag:s25], $0x4000  }
0x1ea: {  	[sflag:s25] =	ssyncset.done $0x0  }
0x1eb: {  	s17 =	sadd.s32 $0x1600, s0;
	[sflag:s25] =	ssyncadd.s32 $0xFFFFC000  }
0x1ec: {  	[spmem:s1] =	stream.indirect.scatter.add.f32 [tilespmem:s19], [sflag:$0x3], $0x80, s17, s21, $0xb8;
	[tilespmem:$0x1E800] =	vst v63  }
0x1ed: {  	_ =	swait.ge [sflag:s20], $0x4000  }
0x1ee: {  	[sflag:s20] =	ssyncset.done $0x0  }
0x1ef: {  	s14 =	sadd.s32 $0x300, s0;
	[sflag:s20] =	ssyncadd.s32 $0xFFFFC000  }
0x1f0: {  	[tilespmem:s19], [sflag:$0x1] =	stream.indirect.gather [hbm4b:s4+s21], $0x80, s14, s21, $0xb8;
	[tilespmem:$0x1E800] =	vst v63  }
0x1f1: {  	_ =	swait.ge [sflag:s26], $0x4000  }
0x1f2: {  	[sflag:s26] =	ssyncset.done $0x0  }
0x1f3: {  	s17 =	sadd.s32 $0x1680, s0;
	[sflag:s26] =	ssyncadd.s32 $0xFFFFC000  }
0x1f4: {  	[spmem:s1] =	stream.indirect.scatter.add.f32 [tilespmem:s24], [sflag:$0x3], $0x80, s17, s21, $0xb8;
	[tilespmem:$0x1E800] =	vst v63  }
0x1f5: {  	_ =	swait.ge [sflag:s20], $0x4000  }
0x1f6: {  	[sflag:s20] =	ssyncset.done $0x0  }
0x1f7: {  	s14 =	sadd.s32 $0x380, s0;
	[sflag:s20] =	ssyncadd.s32 $0xFFFFC000  }
0x1f8: {  	[tilespmem:s24], [sflag:$0x2] =	stream.indirect.gather [hbm4b:s4+s21], $0x80, s14, s21, $0xb8;
	[tilespmem:$0x1E800] =	vst v63  }
0x1f9: {  	_ =	swait.ge [sflag:s25], $0x4000  }
0x1fa: {  	[sflag:s25] =	ssyncset.done $0x0  }
0x1fb: {  	s17 =	sadd.s32 $0x1700, s0;
	[sflag:s25] =	ssyncadd.s32 $0xFFFFC000  }
0x1fc: {  	[spmem:s1] =	stream.indirect.scatter.add.f32 [tilespmem:s19], [sflag:$0x3], $0x80, s17, s21, $0xb8;
	[tilespmem:$0x1E800] =	vst v63  }
0x1fd: {  	_ =	swait.ge [sflag:s20], $0x4000  }
0x1fe: {  	[sflag:s20] =	ssyncset.done $0x0  }
0x1ff: {  	[sflag:s20] =	ssyncadd.s32 $0xFFFFC000  }
0x200: {  	s31 =	sadd.s32 $0x1, s31;
	_ =	swait.ge [sflag:s26], $0x4000  }
0x201: {  	p0 =	sne.s32 s31, $0x4;
	[sflag:s26] =	ssyncset.done $0x0  }
.Ltmp5:
0x202: {  	s0 =	sadd.s32 $0x1780, s0;
	[sflag:s26] =	ssyncadd.s32 $0xFFFFC000;
	(pc) =	sbr.rel @p0 .LBB2_10-.Ltmp5, $4  }
0x203: {  	[spmem:s1] =	stream.indirect.scatter.add.f32 [tilespmem:s24], [sflag:$0x3], $0x80, s0, s21, $0xb8;
	[tilespmem:$0x1E800] =	vst v63  }
0x204: {  	_ =	swait.ge [sflag:s20], $0x4000  }
0x205: {  	[sflag:s20] =	ssyncset.done $0x0  }
0x206: {  	[sflag:s20] =	ssyncadd.s32 $0xFFFFC000  }
0x207: {  	s2 =	sadd.s32 $0x1, s2  }
0x208: {  	[bflag:$0x0] =	sbarrier.arrive $0xFFFF;
	p0 =	sne.s32 s2, s18  }
.Ltmp6:
0x209: {  	s0 =	rddreg [dreg:$0x4];
	(pc) =	sbr.rel @p0 .LBB2_1-.Ltmp6, $4  }
0x20a: {  	[hbm:s0], [sflag:s28] =	dma.local [spmem:s29], $0x2800  }
0x20b: {  	_ =	swait.ge [sflag:s20], $0x2800  }
0x20c: {  	[sflag:s20] =	ssyncset.done $0x0  }
0x20d: {  	[sflag:s20] =	ssyncadd.s32 $0xFFFFD800  }
0x20e: {  	_ =	sfence.sel $0x180000  }
0x20f: {  	[bflag:$0x0] =	sbarrier.arrive $0xFFFF  }
0x210: {  	_ =	strace $0x9000004A  }
0x211: {  	s0 =	stileid.u32;
	[bflag:$0x2] =	sbarrier.arrive $0xFFFF  }
0x212: {  	p0 =	sne.s32 s0, $0x0;
	s0 =	rddreg [dreg:$0x2]  }
0x213: {  	s0 =	sadd.s32 @!p0 $0x100000, s0  }
0x214: {  	[sflag:s0] =	ssyncadd.tile.s32 @!p0 $0x1;
	_ =	shalt  }
.Lfunc_end2:
_tile_overlayer_lowered:
.L_overlay_start_2:
0x215: {  	(tag) =	ssettag $0x2  }
0x216: {  	s0 =	rddreg [dreg:$0x0];
	s2 =	stileid.u32  }
0x217: {  	s1 =	rddreg [dreg:$0x1];
	p0 =	sne.s32 s2, $0x0  }
0x218: {  	s3 =	rddreg [dreg:$0x2];
	[bflag:$0x3] =	sbarrier.arrive $0xFFFF;
	s2 =	simm.s32 @!p0 $0x1C03  }
0x219: {  	[timem:s3], [sflag:s2] =	dma.local @!p0 [hbm:s0], s1  }
0x21a: {  	s0 =	simm.s32 @!p0 $0x3  }
0x21b: {  	_ =	swait.ge @!p0 [sflag:s0], s1  }
0x21c: {  	s1 =	ssub.s32 @!p0 $0x0, s1;
	[sflag:s0] =	ssyncset.done @!p0 $0x0  }
0x21d: {  	[sflag:s0] =	ssyncadd.s32 @!p0 s1  }
0x21e: {  	[bflag:$0x3] =	sbarrier.arrive $0xFFFF  }
0x21f: {  	_ =	shalt  }

// kernel: kernel.21.cloned.1.call-start
scs
__scs_entry_jumppad:
0x0: {  	(pc) =	sbr.rel $0x88, $3  }
0x1: {  	(tag) =	ssettag $0x0;
	lr =	simm.s32 $0x1  }
0x2: {  	[smem:$0x3F82] =	sst lr;
	_ =	strace $0xD0000000  }
0x3: {  	_ = 	snop  }
0x4: {  	_ = 	snop  }
0x5: {  	_ = 	snop  }
0x6: {  	_ = 	snop  }
0x7: {  	_ = 	snop  }
__scs_overlays_trampoline_lowered:
0x8: {  	[smem:$0x3F91] =	sst s0  }
0x9: {  	[smem:$0x3F92] =	sst s1  }
0xa: {  	[smem:$0x3F93] =	sst s2  }
0xb: {  	[smem:$0x3F94] =	sst s3  }
0xc: {  	[smem:$0x3F95] =	sst s4  }
0xd: {  	[smem:$0x3F96] =	sst s5  }
0xe: {  	[smem:$0x3F97] =	sst s6  }
0xf: {  	[smem:$0x3F98] =	sst s7  }
0x10: {  	[smem:$0x3F99] =	sst s8  }
0x11: {  	[smem:$0x3F9A] =	sst s9;
	s0 =	simm.s32 @!p0 $0x0  }
0x12: {  	s1 =	sld [smem:$0x3F80];
	s0 =	simm.s32 @p0 $0x1  }
0x13: {  	[smem:$0x3F9B] =	sst s0;
	s0 =	simm.s32 @!p1 $0x0  }
0x14: {  	s2 =	sld [smem:$0x3F7F];
	s0 =	simm.s32 @p1 $0x1  }
0x15: {  	[smem:$0x3F9C] =	sst s0;
	s0 =	simm.s32 @!p2 $0x0  }
0x16: {  	s3 =	sld [smem:$0x3FDB];
	s0 =	simm.s32 @p2 $0x1  }
0x17: {  	s4 =	simm.s32 $0x1BF5;
	[smem:$0x3F9E] =	sst s0  }
0x18: {  	s0 =	sld [smem:$0x3F81];
	_ =	swait.ge [sflag:s4], $0x0  }
0x19: {  	s7 =	sld [smem:$0x3F82]  }
0x1a: {  	s8 =	sadd.s32 $0xFFFFE003, lr  }
0x1b: {  	s9 =	sadd.s32 $0xFFFFFEF7, lr;
	s5 =	simm.s32 $0xFFFFFFFF;
	p2 =	slt.u32 s8, $0xFFFFF086  }
0x1c: {  	p1 =	slt.u32 s9, $0xF7A;
	s5 =	simm.s32 @!p2 $0x0  }
0x1d: {  	s5 =	simm.s32 @p1 $0x1;
	p0 =	seq.s32 s7, s2  }
0x1e: {  	s7 =	smul.u32 @!p0 $0xF7A, s2;
	p2 =	seq.s32 @!p0 s5, $0x0  }
0x1f: {  	s9 =	smul.u32 $0xF7A, s1;
	s8 =	simm.s32 @!p0 $0x1BF5;
	p2 =	por !p2, p0  }
0x20: {  	[sflag:s8] =	ssyncset.s32 @!p0 $0xFFFFF086;
	s6 =	sadd.s32 @!p0 s3, s7;
	s7 =	simm.s32 @!p0 $0x108  }
0x21: {  	s3 =	sadd.s32 s3, s9;
	s6 =	sadd.s32 @!p0 $0x88, s6;
	s7 =	simm.s32 @p2 $0x1082  }
0x22: {  	[simem:s7], [sflag:s8] =	dma.local @!p0 [hbm:s6], $0xF7A  }
0x23: {  	s9 =	sor.u32 $0xD0000000, s2;
	s6 =	simm.s32 $0x108;
	_ =	swait.ge @!p0 [sflag:s8], $0x0  }
0x24: {  	s3 =	sadd.s32 $0x88, s3;
	s6 =	simm.s32 @!p1 $0x1082;
	[sflag:s4] =	ssyncset.s32 $0xFFFFF086  }
0x25: {  	[simem:s6], [sflag:s4] =	dma.local [hbm:s3], $0xF7A  }
0x26: {  	[smem:$0x3F82] =	sst s1;
	(tag) =	ssettag s2;
	_ =	strace s9  }
0x27: {  	s1 =	sld [smem:$0x3F92]  }
0x28: {  	s2 =	sld [smem:$0x3F93]  }
0x29: {  	s4 =	sld [smem:$0x3F95]  }
0x2a: {  	p0 =	seq.s32 s5, $0x0;
	s5 =	sld [smem:$0x3F96]  }
0x2b: {  	s6 =	sld [smem:$0x3F97]  }
0x2c: {  	s7 =	sld [smem:$0x3F98]  }
0x2d: {  	s3 =	simm.s32 $0x108;
	s8 =	sld [smem:$0x3F99]  }
0x2e: {  	s3 =	simm.s32 @!p0 $0x1082;
	s9 =	sld [smem:$0x3F9A]  }
0x2f: {  	lr =	sadd.s32 s0, s3;
	s0 =	sld [smem:$0x3F91]  }
0x30: {  	s3 =	sld [smem:$0x3F94]  }
0x31: {  	[smem:$0x3F9D] =	sst s10  }
0x32: {  	s10 =	sld [smem:$0x3F9B];
	_ =	sdelay $0x3  }
0x33: {  	p0 =	seq.s32 s10, $0x1;
	s10 =	sld [smem:$0x3F9D];
	_ =	sdelay $0x3  }
0x34: {  	[smem:$0x3F9D] =	sst s10  }
0x35: {  	s10 =	sld [smem:$0x3F9C];
	_ =	sdelay $0x3  }
0x36: {  	p1 =	seq.s32 s10, $0x1;
	s10 =	sld [smem:$0x3F9D];
	_ =	sdelay $0x3  }
0x37: {  	[smem:$0x3F9D] =	sst s10  }
0x38: {  	s10 =	sld [smem:$0x3F9E]  }
0x39: {  	_ = 	snop;
	(pc) =	sbr.ind lr, $3  }
0x3a: {  	_ = 	snop  }
0x3b: {  	_ = 	snop  }
0x3c: {  	p2 =	seq.s32 s10, $0x1;
	s10 =	sld [smem:$0x3F9D]  }
0x3d: {  	_ =	shalt  }
0x3e: {  	_ =	shalt  }
0x3f: {  	_ =	shalt  }
0x40: {  	_ =	shalt  }
0x41: {  	_ =	shalt  }
0x42: {  	_ =	shalt  }
0x43: {  	_ =	shalt  }
0x44: {  	_ =	shalt  }
0x45: {  	_ =	shalt  }
0x46: {  	_ =	shalt  }
0x47: {  	_ =	shalt  }
0x48: {  	_ =	shalt  }
0x49: {  	_ =	shalt  }
0x4a: {  	_ =	shalt  }
0x4b: {  	_ =	shalt  }
0x4c: {  	_ =	shalt  }
0x4d: {  	_ =	shalt  }
0x4e: {  	_ =	shalt  }
0x4f: {  	_ =	shalt  }
0x50: {  	_ =	shalt  }
0x51: {  	_ =	shalt  }
0x52: {  	_ =	shalt  }
0x53: {  	_ =	shalt  }
0x54: {  	_ =	shalt  }
0x55: {  	_ =	shalt  }
0x56: {  	_ =	shalt  }
0x57: {  	_ =	shalt  }
0x58: {  	_ =	shalt  }
0x59: {  	_ =	shalt  }
0x5a: {  	_ =	shalt  }
0x5b: {  	_ =	shalt  }
0x5c: {  	_ =	shalt  }
0x5d: {  	_ =	shalt  }
0x5e: {  	_ =	shalt  }
0x5f: {  	_ =	shalt  }
0x60: {  	_ =	shalt  }
0x61: {  	_ =	shalt  }
0x62: {  	_ =	shalt  }
0x63: {  	_ =	shalt  }
0x64: {  	_ =	shalt  }
0x65: {  	_ =	shalt  }
0x66: {  	_ =	shalt  }
0x67: {  	_ =	shalt  }
0x68: {  	_ =	shalt  }
0x69: {  	_ =	shalt  }
0x6a: {  	_ =	shalt  }
0x6b: {  	_ =	shalt  }
0x6c: {  	_ =	shalt  }
0x6d: {  	_ =	shalt  }
0x6e: {  	_ =	shalt  }
0x6f: {  	_ =	shalt  }
0x70: {  	_ =	shalt  }
0x71: {  	_ =	shalt  }
0x72: {  	_ =	shalt  }
0x73: {  	_ =	shalt  }
0x74: {  	_ =	shalt  }
0x75: {  	_ =	shalt  }
0x76: {  	_ =	shalt  }
0x77: {  	_ =	shalt  }
0x78: {  	_ =	shalt  }
0x79: {  	_ =	shalt  }
0x7a: {  	_ =	shalt  }
0x7b: {  	_ =	shalt  }
0x7c: {  	_ =	shalt  }
0x7d: {  	_ =	shalt  }
0x7e: {  	_ =	shalt  }
0x7f: {  	_ =	shalt  }
0x80: {  	_ =	shalt  }
0x81: {  	_ =	shalt  }
0x82: {  	_ =	shalt  }
0x83: {  	_ =	shalt  }
0x84: {  	_ =	shalt  }
0x85: {  	_ =	shalt  }
0x86: {  	_ =	shalt  }
0x87: {  	_ =	shalt  }
.Lfunc_end0:
.L_simem_size_0:
called_computation.2_lowered:
.L_overlay_start_0:
0x88: {  	s2 =	sld [smem:$0x3FD9]  }
0x89: {  	s3 =	sld [smem:$0x3FFE];
	_ =	sdelay $0x1  }
0x8a: {  	s1 =	srdreg.scid  }
0x8b: {  	s0 =	sand.u32 $0x1, s1  }
0x8c: {  	s16 =	sshll.u32 s0, $0xA;
	s2 =	sadd.s32 s3, s2  }
0x8d: {  	s2 =	sadd.s32 s2, s16  }
0x8e: {  	[smem:$0x3FA9] =	sst s2  }
0x8f: {  	_ = 	snop  }
0x90: {  	(tm) =	ssettm $0x1  }
0x91: {  	s17 =	sld [smem:$0x3FFB];
	_ =	sdelay $0x3  }
0x92: {  	_ =	strace s17  }
0x93: {  	s2 =	sld [smem:$0x3FFC];
	_ =	sdelay $0x3  }
0x94: {  	_ =	strace s2  }
0x95: {  	s2 =	sld [smem:$0x3FFD];
	_ =	sdelay $0x3  }
0x96: {  	_ =	strace s2  }
0x97: {  	_ =	strace $0x8FFFFFFF  }
0x98: {  	s18 =	sld [smem:$0x3FDB];
	_ =	sdelay $0x1  }
0x99: {  	s19 =	simm.s32 $_scs_section_size  }
0x9a: {  	s4 =	simm.s32 $_size__tile_overlayer_lowered;
	s5 =	simm.s32 $_tile_overlayer_lowered  }
0x9b: {  	s22 =	simm.s32 $0x1BFF;
	s21 =	sshll.u32 s5, $0x1;
	s2 =	sadd.s32 s19, s18  }
0x9c: {  	s6 =	simm.s32 $0x0;
	s20 =	sshll.u32 s4, $0x1;
	s4 =	sadd.s32 s21, s2  }
0x9d: {  	[timem:s6], [sflag:s22] =	dma.local [hbm:s4], s20  }
0x9e: {  	_ =	swait.ge [sflag:s22], s20  }
0x9f: {  	s3 =	ssub.s32 $0x0, s20;
	[sflag:s22] =	ssyncset.done $0x0  }
0xa0: {  	[sflag:s22] =	ssyncadd.s32 s3;
	_ =	sdelay $0x1  }
0xa1: {  	s23 =	simm.s32 $0x1B8B  }
0xa2: {  	_ =	swait.ge [sflag:s23], $0x1  }
0xa3: {  	[sflag:s23] =	ssyncset.done $0x0  }
0xa4: {  	s25 =	simm.s32 $0x1B8E;
	s24 =	sld [smem:$0x3FFE];
	[sflag:s23] =	ssyncadd.s32 $0xFFFFFFFF  }
0xa5: {  	s26 =	simm.s32 $execute0_lowered;
	[smem:$0x3FD2] =	sst s25  }
0xa6: {  	s4 =	sshll.u32 s26, $0x1;
	_ =	strace $0x8000004C;
	[dreg:$0x1] =	wrdreg $0xFFFFFFFF  }
0xa7: {  	s28 =	simm.s32 $_size_execute0_lowered;
	s2 =	sadd.s32 s2, s4;
	[dreg:$0x0] =	wrdreg $0x0  }
0xa8: {  	s4 =	sshll.u32 s28, $0x1;
	[dreg:$0x2] =	wrdreg s2  }
0xa9: {  	[dreg:$0x3] =	wrdreg s4  }
0xaa: {  	[dreg:$0x4] =	wrdreg $0xC0  }
0xab: {  	_ =	task [dreg:s6], $0x5FFFF  }
0xac: {  	[dreg:$0x1] =	wrdreg $0xFFFFFFFF  }
0xad: {  	[dreg:$0x0] =	wrdreg $0x60  }
0xae: {  	[dreg:$0x2] =	wrdreg s24  }
0xaf: {  	[dreg:$0x3] =	wrdreg $0xA8000  }
0xb0: {  	[dreg:$0x4] =	wrdreg $0x9  }
0xb1: {  	_ =	task.clear_ibuf [dreg:s6], $0x5FFFF;
	_ =	strace $0x9000004C  }
0xb2: {  	s29 =	simm.s32 $0x9;
	_ =	strace $0x8000004E  }
0xb3: {  	_ =	swait.ge [sflag:s29], $0x1  }
0xb4: {  	[sflag:s29] =	ssyncadd.s32 $0xFFFFFFFF  }
0xb5: {  	_ =	strace $0x9000004E  }
0xb6: {  	_ =	sfence  }
0xb7: {  	s30 =	sld [smem:$0x0];
	_ =	sdelay $0x2  }
0xb8: {  	s31 =	sshll.u32 s1, $0xD;
	s1 =	sshrl.u32 s1, $0x2  }
0xb9: {  	s3 =	sand.u32 $0x4000, s31;
	s1 =	sadd.s32 s1, s30  }
0xba: {  	s0 =	sor.u32 s3, s0;
	s1 =	sshll.u32 s1, $0x11  }
0xbb: {  	s0 =	sor.u32 s1, s0  }
0xbc: {  	s0 =	sadd.s32 $0x8F2B, s0  }
0xbd: {  	[sflag:s0] =	ssyncadd.remote.s32 $0x1  }
0xbe: {  	_ =	sfence.sel $0xFFFF  }
0xbf: {  	[dreg:$0x0] =	wrdreg $0xFFFFFFFF;
	(pc) =	sbr.abs _section_cstart, $3  }
0xc0: {  	[dreg:$0x1] =	wrdreg $0xFFFFFFFF  }
0xc1: {  	_ =	task.clear_ibuf [dreg:s6], $0x2FFFF;
	_ =	strace $0x9FFFFFFF  }
0xc2: {  	(tm) =	ssettm $0x7FFFFFFF  }
0xc3: {  	_ =	shalt  }
tec
execute0_lowered:
.L_overlay_start_1:
0x0: {  	(tag) =	ssettag $0x1  }
0x1: {  	s7 =	rddreg [dreg:$0x0]  }
0x2: {  	s1 =	rddreg [dreg:$0x1]  }
0x3: {  	s2 =	srdreg.scid;
	s0 =	rddreg [dreg:$0x2]  }
0x4: {  	s3 =	simm.s32 $0x0;
	s18 =	simm.s32 $0x80;
	s19 =	simm.s32 $0x400  }
0x5: {  	s20 =	simm.s32 $0x1400;
	s21 =	simm.s32 $0x6800;
	s8 =	sand.u32 $0x1, s2  }
0x6: {  	s22 =	simm.s32 $0x1;
	s2 =	stileid.u32;
	s6 =	smul.u32 $0x140000, s8  }
0x7: {  	s23 =	simm.s32 $0x2;
	[smem:$0x7FF] =	sst s3;
	s9 =	smul.u32 $0x14000, s2  }
0x8: {  	s4 =	sadd.s32 $0x9A000, s7;
	s5 =	sadd.s32 $0x37E00, s7;
	s11 =	smul.u32 $0x50000, s2  }
0x9: {  	_ =	strace $0x8000004D;
	s10 =	ssub.s32 $0x2, s8;
	s13 =	smul.u32 $0x50000, s8  }
0xa: {  	s30 =	sshrl.u32 s2, $0x3;
	s16 =	sshll.u32 s2, $0x7;
	s17 =	smul.u32 $0x5000, s2  }
0xb: {  	s12 =	sshrl.u32 s10, $0x1;
	s31 =	smul.u32 $0x28000, s30;
	s16 =	sand.u32 $0x380, s16  }
0xc: {  	s9 =	sadd.s32 s9, s6;
	s6 =	sadd.s32 $0xFE00, s7;
	s15 =	ssub.s32 s10, s12  }
0xd: {  	s29 =	sshrl.u32 s11, $0x2;
	s9 =	sshrl.u32 s9, $0x3;
	s12 =	sadd.s32 s13, s31  }
0xe: {  	s13 =	sadd.s32 s17, s13;
	s15 =	smax.u32 s15, $0x1;
	s17 =	simm.s32 $0x3  }
0xf: {  	s14 =	sadd.s32 s9, s7;
	s7 =	sadd.s32 s29, s1;
	s12 =	sor.u32 s16, s12  }
0x10: {  	s16 =	simm.s32 $0x2800;
	s8 =	sadd.s32 $0x4000, s7;
	s9 =	sadd.s32 $0x8000, s7  }
0x11: {  	v0 =	vimm.f32 $0.0e+00;
	s10 =	sadd.s32 $0xC000, s7;
	s11 =	sadd.s32 $0x10000, s7;
	s14 =	sadd.s32 $0xE8200, s14  }
.LBB2_1:
0x12: {  	s24 =	simm.s32 $0x0;
	s25 =	simm.s32 $0x200  }
.LBB2_2:
0x13: {  	p0 =	sne.s32 s25, $0xFE00;
	[tilespmem:s24+$0x2870] =	vst v0  }
0x14: {  	[tilespmem:s24+$0x2800] =	vst v0  }
0x15: {  	[tilespmem:s24+$0x2810] =	vst v0  }
.Ltmp0:
0x16: {  	[tilespmem:s24+$0x2820] =	vst v0;
	(pc) =	sbr.rel @p0 .LBB2_2-.Ltmp0, $4  }
0x17: {  	[tilespmem:s24+$0x2830] =	vst v0  }
0x18: {  	[tilespmem:s24+$0x2840] =	vst v0  }
0x19: {  	[tilespmem:s24+$0x2850] =	vst v0  }
0x1a: {  	[tilespmem:s24+$0x2860] =	vst v0;
	s24 =	sshra.s32 s25, $0x2;
	s25 =	sadd.s32 $0x200, s25  }
0x1b: {  	[tilespmem:s24+$0x2870] =	vst v0  }
0x1c: {  	[tilespmem:s24+$0x2800] =	vst v0  }
0x1d: {  	[tilespmem:s24+$0x2810] =	vst v0  }
0x1e: {  	[tilespmem:s24+$0x2820] =	vst v0  }
0x1f: {  	[tilespmem:s24+$0x2830] =	vst v0  }
0x20: {  	[tilespmem:s24+$0x2840] =	vst v0  }
0x21: {  	[tilespmem:s24+$0x2850] =	vst v0  }
0x22: {  	[tilespmem:s24+$0x2860] =	vst v0  }
0x23: {  	[spmem:s7] =	stream.linear.scatter [tilespmem:s16], [sflag:$0x3], $0x4000, $0x38;
	[tilespmem:$0x1E800] =	vst v63  }
0x24: {  	_ =	swait.ge [sflag:s17], $0x4000  }
0x25: {  	[sflag:s17] =	ssyncset.done $0x0  }
0x26: {  	[sflag:s17] =	ssyncadd.s32 $0xFFFFC000  }
0x27: {  	[spmem:s8] =	stream.linear.scatter [tilespmem:s16], [sflag:$0x3], $0x4000, $0x38;
	[tilespmem:$0x1E800] =	vst v63  }
0x28: {  	_ =	swait.ge [sflag:s17], $0x4000  }
0x29: {  	[sflag:s17] =	ssyncset.done $0x0  }
0x2a: {  	[sflag:s17] =	ssyncadd.s32 $0xFFFFC000  }
0x2b: {  	[spmem:s9] =	stream.linear.scatter [tilespmem:s16], [sflag:$0x3], $0x4000, $0x38;
	[tilespmem:$0x1E800] =	vst v63  }
0x2c: {  	_ =	swait.ge [sflag:s17], $0x4000  }
0x2d: {  	[sflag:s17] =	ssyncset.done $0x0  }
0x2e: {  	[sflag:s17] =	ssyncadd.s32 $0xFFFFC000  }
0x2f: {  	[spmem:s10] =	stream.linear.scatter [tilespmem:s16], [sflag:$0x3], $0x4000, $0x38;
	[tilespmem:$0x1E800] =	vst v63  }
0x30: {  	_ =	swait.ge [sflag:s17], $0x4000  }
0x31: {  	[sflag:s17] =	ssyncset.done $0x0  }
0x32: {  	[sflag:s17] =	ssyncadd.s32 $0xFFFFC000  }
0x33: {  	[spmem:s11] =	stream.linear.scatter [tilespmem:s16], [sflag:$0x3], $0x4000, $0x38;
	[tilespmem:$0x1E800] =	vst v63  }
0x34: {  	_ =	swait.ge [sflag:s17], $0x4000  }
0x35: {  	[sflag:s17] =	ssyncset.done $0x0  }
0x36: {  	[sflag:s17] =	ssyncadd.s32 $0xFFFFC000  }
0x37: {  	s24 =	simm.s32 $0x0;
	s25 =	simm.s32 $0x0;
	[bflag:$0x0] =	sbarrier.arrive $0xFFFF  }
.LBB2_4:
0x38: {  	s26 =	smul.u32 $0xA000, s25;
	_ =	sdelay $0x1  }
0x39: {  	s26 =	sadd.s32 s26, s12  }
0x3a: {  	s26 =	sshrl.u32 s26, $0x3  }
0x3b: {  	s28 =	smul.u32 $0x1400, s25;
	s26 =	sadd.s32 s5, s26  }
0x3c: {  	[tilespmem:s24], [sflag:$0x3] =	stream.strided.gather [hbm4b:s26+s18], $0x1400, s19, s18, $0x38;
	[tilespmem:$0x1E800] =	vst v63  }
0x3d: {  	s29 =	sadd.s32 s28, s13;
	_ =	swait.ge [sflag:s17], $0x1400  }
0x3e: {  	s26 =	sshrl.u32 s29, $0x3;
	[sflag:s17] =	ssyncset.done $0x0  }
0x3f: {  	s26 =	sadd.s32 s6, s26;
	[sflag:s17] =	ssyncadd.s32 $0xFFFFEC00  }
0x40: {  	[tilespmem:s20], [sflag:$0x3] =	stream.linear.gather [hbm4b:s26+s24], $0x1400, $0x38;
	[tilespmem:$0x1E800] =	vst v63  }
0x41: {  	_ =	swait.ge [sflag:s17], $0x1400  }
0x42: {  	[sflag:s17] =	ssyncset.done $0x0  }
0x43: {  	s31 =	simm.s32 $0x0;
	[sflag:s17] =	ssyncadd.s32 $0xFFFFEC00  }
0x44: {  	[tilespmem:s16], [sflag:$0x1] =	stream.indirect.gather [hbm4b:s4+s18], $0x80, s31, s18, $0xb8;
	[tilespmem:$0x1E800] =	vst v63  }
0x45: {  	s28 =	simm.s32 $0x80  }
0x46: {  	[tilespmem:s21], [sflag:$0x2] =	stream.indirect.gather [hbm4b:s4+s18], $0x80, s28, s18, $0xb8;
	[tilespmem:$0x1E800] =	vst v63  }
0x47: {  	_ =	swait.ge [sflag:s22], $0x4000  }
0x48: {  	[sflag:s22] =	ssyncset.done $0x0  }
0x49: {  	s29 =	simm.s32 $0x1400;
	[sflag:s22] =	ssyncadd.s32 $0xFFFFC000  }
0x4a: {  	[spmem:s1] =	stream.indirect.scatter.add.f32 [tilespmem:s16], [sflag:$0x3], $0x80, s29, s18, $0xb8;
	[tilespmem:$0x1E800] =	vst v63  }
0x4b: {  	_ =	swait.ge [sflag:s17], $0x4000  }
0x4c: {  	[sflag:s17] =	ssyncset.done $0x0  }
0x4d: {  	s31 =	simm.s32 $0x100;
	[sflag:s17] =	ssyncadd.s32 $0xFFFFC000  }
0x4e: {  	[tilespmem:s16], [sflag:$0x1] =	stream.indirect.gather [hbm4b:s4+s18], $0x80, s31, s18, $0xb8;
	[tilespmem:$0x1E800] =	vst v63  }
0x4f: {  	_ =	swait.ge [sflag:s23], $0x4000  }
0x50: {  	[sflag:s23] =	ssyncset.done $0x0  }
0x51: {  	s28 =	simm.s32 $0x1480;
	[sflag:s23] =	ssyncadd.s32 $0xFFFFC000  }
0x52: {  	[spmem:s1] =	stream.indirect.scatter.add.f32 [tilespmem:s21], [sflag:$0x3], $0x80, s28, s18, $0xb8;
	[tilespmem:$0x1E800] =	vst v63  }
0x53: {  	_ =	swait.ge [sflag:s17], $0x4000  }
0x54: {  	[sflag:s17] =	ssyncset.done $0x0  }
0x55: {  	s29 =	simm.s32 $0x180;
	[sflag:s17] =	ssyncadd.s32 $0xFFFFC000  }
0x56: {  	[tilespmem:s21], [sflag:$0x2] =	stream.indirect.gather [hbm4b:s4+s18], $0x80, s29, s18, $0xb8;
	[tilespmem:$0x1E800] =	vst v63  }
0x57: {  	_ =	swait.ge [sflag:s22], $0x4000  }
0x58: {  	[sflag:s22] =	ssyncset.done $0x0  }
0x59: {  	s31 =	simm.s32 $0x1500;
	[sflag:s22] =	ssyncadd.s32 $0xFFFFC000  }
0x5a: {  	[spmem:s1] =	stream.indirect.scatter.add.f32 [tilespmem:s16], [sflag:$0x3], $0x80, s31, s18, $0xb8;
	[tilespmem:$0x1E800] =	vst v63  }
0x5b: {  	_ =	swait.ge [sflag:s17], $0x4000  }
0x5c: {  	[sflag:s17] =	ssyncset.done $0x0  }
0x5d: {  	s28 =	simm.s32 $0x200;
	[sflag:s17] =	ssyncadd.s32 $0xFFFFC000  }
0x5e: {  	[tilespmem:s16], [sflag:$0x1] =	stream.indirect.gather [hbm4b:s4+s18], $0x80, s28, s18, $0xb8;
	[tilespmem:$0x1E800] =	vst v63  }
0x5f: {  	_ =	swait.ge [sflag:s23], $0x4000  }
0x60: {  	[sflag:s23] =	ssyncset.done $0x0  }
0x61: {  	s29 =	simm.s32 $0x1580;
	[sflag:s23] =	ssyncadd.s32 $0xFFFFC000  }
0x62: {  	[spmem:s1] =	stream.indirect.scatter.add.f32 [tilespmem:s21], [sflag:$0x3], $0x80, s29, s18, $0xb8;
	[tilespmem:$0x1E800] =	vst v63  }
0x63: {  	_ =	swait.ge [sflag:s17], $0x4000  }
0x64: {  	[sflag:s17] =	ssyncset.done $0x0  }
0x65: {  	s31 =	simm.s32 $0x280;
	[sflag:s17] =	ssyncadd.s32 $0xFFFFC000  }
0x66: {  	[tilespmem:s21], [sflag:$0x2] =	stream.indirect.gather [hbm4b:s4+s18], $0x80, s31, s18, $0xb8;
	[tilespmem:$0x1E800] =	vst v63  }
0x67: {  	_ =	swait.ge [sflag:s22], $0x4000  }
0x68: {  	[sflag:s22] =	ssyncset.done $0x0  }
0x69: {  	s28 =	simm.s32 $0x1600;
	[sflag:s22] =	ssyncadd.s32 $0xFFFFC000  }
0x6a: {  	[spmem:s1] =	stream.indirect.scatter.add.f32 [tilespmem:s16], [sflag:$0x3], $0x80, s28, s18, $0xb8;
	[tilespmem:$0x1E800] =	vst v63  }
0x6b: {  	_ =	swait.ge [sflag:s17], $0x4000  }
0x6c: {  	[sflag:s17] =	ssyncset.done $0x0  }
0x6d: {  	s29 =	simm.s32 $0x300;
	[sflag:s17] =	ssyncadd.s32 $0xFFFFC000  }
0x6e: {  	[tilespmem:s16], [sflag:$0x1] =	stream.indirect.gather [hbm4b:s4+s18], $0x80, s29, s18, $0xb8;
	[tilespmem:$0x1E800] =	vst v63  }
0x6f: {  	_ =	swait.ge [sflag:s23], $0x4000  }
0x70: {  	[sflag:s23] =	ssyncset.done $0x0  }
0x71: {  	s31 =	simm.s32 $0x1680;
	[sflag:s23] =	ssyncadd.s32 $0xFFFFC000  }
0x72: {  	[spmem:s1] =	stream.indirect.scatter.add.f32 [tilespmem:s21], [sflag:$0x3], $0x80, s31, s18, $0xb8;
	[tilespmem:$0x1E800] =	vst v63  }
0x73: {  	_ =	swait.ge [sflag:s17], $0x4000  }
0x74: {  	[sflag:s17] =	ssyncset.done $0x0  }
0x75: {  	s28 =	simm.s32 $0x380;
	[sflag:s17] =	ssyncadd.s32 $0xFFFFC000  }
0x76: {  	[tilespmem:s21], [sflag:$0x2] =	stream.indirect.gather [hbm4b:s4+s18], $0x80, s28, s18, $0xb8;
	[tilespmem:$0x1E800] =	vst v63  }
0x77: {  	_ =	swait.ge [sflag:s22], $0x4000  }
0x78: {  	[sflag:s22] =	ssyncset.done $0x0  }
0x79: {  	s29 =	simm.s32 $0x1700;
	[sflag:s22] =	ssyncadd.s32 $0xFFFFC000  }
0x7a: {  	[spmem:s1] =	stream.indirect.scatter.add.f32 [tilespmem:s16], [sflag:$0x3], $0x80, s29, s18, $0xb8;
	[tilespmem:$0x1E800] =	vst v63  }
0x7b: {  	_ =	swait.ge [sflag:s17], $0x4000  }
0x7c: {  	[sflag:s17] =	ssyncset.done $0x0  }
0x7d: {  	[sflag:s17] =	ssyncadd.s32 $0xFFFFC000  }
0x7e: {  	_ =	swait.ge [sflag:s23], $0x4000  }
0x7f: {  	[sflag:s23] =	ssyncset.done $0x0  }
0x80: {  	s31 =	simm.s32 $0x1780;
	[sflag:s23] =	ssyncadd.s32 $0xFFFFC000  }
0x81: {  	[spmem:s1] =	stream.indirect.scatter.add.f32 [tilespmem:s21], [sflag:$0x3], $0x80, s31, s18, $0xb8;
	[tilespmem:$0x1E800] =	vst v63  }
0x82: {  	_ =	swait.ge [sflag:s17], $0x4000  }
0x83: {  	s30 =	simm.s32 $0x2000;
	s26 =	simm.s32 $0x1000;
	[sflag:s17] =	ssyncset.done $0x0  }
.LBB2_5:
0x84: {  	s29 =	sshra.s32 s26, $0x2  }
0x85: {  	[sflag:s17] =	ssyncadd.s32 $0xFFFFC000;
	s26 =	smov.u32 s30;
	s28 =	sadd.s32 $0x1000, s30  }
0x86: {  	[tilespmem:s16], [sflag:$0x1] =	stream.indirect.gather [hbm4b:s4+s18], $0x80, s29, s18, $0xb8;
	[tilespmem:$0x1E800] =	vst v63  }
0x87: {  	p0 =	sne.s32 s30, $0x4000;
	s30 =	sadd.s32 $0x80, s29  }
0x88: {  	[tilespmem:s21], [sflag:$0x2] =	stream.indirect.gather [hbm4b:s4+s18], $0x80, s30, s18, $0xb8;
	[tilespmem:$0x1E800] =	vst v63  }
0x89: {  	_ =	swait.ge [sflag:s22], $0x4000  }
0x8a: {  	[sflag:s22] =	ssyncset.done $0x0  }
0x8b: {  	s30 =	sadd.s32 $0x1400, s29;
	[sflag:s22] =	ssyncadd.s32 $0xFFFFC000  }
0x8c: {  	[spmem:s1] =	stream.indirect.scatter.add.f32 [tilespmem:s16], [sflag:$0x3], $0x80, s30, s18, $0xb8;
	[tilespmem:$0x1E800] =	vst v63  }
0x8d: {  	_ =	swait.ge [sflag:s17], $0x4000  }
0x8e: {  	[sflag:s17] =	ssyncset.done $0x0  }
0x8f: {  	s30 =	sadd.s32 $0x100, s29;
	[sflag:s17] =	ssyncadd.s32 $0xFFFFC000  }
0x90: {  	[tilespmem:s16], [sflag:$0x1] =	stream.indirect.gather [hbm4b:s4+s18], $0x80, s30, s18, $0xb8;
	[tilespmem:$0x1E800] =	vst v63  }
0x91: {  	_ =	swait.ge [sflag:s23], $0x4000  }
0x92: {  	[sflag:s23] =	ssyncset.done $0x0  }
0x93: {  	s30 =	sadd.s32 $0x1480, s29;
	[sflag:s23] =	ssyncadd.s32 $0xFFFFC000  }
0x94: {  	[spmem:s1] =	stream.indirect.scatter.add.f32 [tilespmem:s21], [sflag:$0x3], $0x80, s30, s18, $0xb8;
	[tilespmem:$0x1E800] =	vst v63  }
0x95: {  	_ =	swait.ge [sflag:s17], $0x4000  }
0x96: {  	[sflag:s17] =	ssyncset.done $0x0  }
0x97: {  	s30 =	sadd.s32 $0x180, s29;
	[sflag:s17] =	ssyncadd.s32 $0xFFFFC000  }
0x98: {  	[tilespmem:s21], [sflag:$0x2] =	stream.indirect.gather [hbm4b:s4+s18], $0x80, s30, s18, $0xb8;
	[tilespmem:$0x1E800] =	vst v63  }
0x99: {  	_ =	swait.ge [sflag:s22], $0x4000  }
0x9a: {  	[sflag:s22] =	ssyncset.done $0x0  }
0x9b: {  	s30 =	sadd.s32 $0x1500, s29;
	[sflag:s22] =	ssyncadd.s32 $0xFFFFC000  }
0x9c: {  	[spmem:s1] =	stream.indirect.scatter.add.f32 [tilespmem:s16], [sflag:$0x3], $0x80, s30, s18, $0xb8;
	[tilespmem:$0x1E800] =	vst v63  }
0x9d: {  	_ =	swait.ge [sflag:s17], $0x4000  }
0x9e: {  	[sflag:s17] =	ssyncset.done $0x0  }
0x9f: {  	s30 =	sadd.s32 $0x200, s29;
	[sflag:s17] =	ssyncadd.s32 $0xFFFFC000  }
0xa0: {  	[tilespmem:s16], [sflag:$0x1] =	stream.indirect.gather [hbm4b:s4+s18], $0x80, s30, s18, $0xb8;
	[tilespmem:$0x1E800] =	vst v63  }
0xa1: {  	_ =	swait.ge [sflag:s23], $0x4000  }
0xa2: {  	[sflag:s23] =	ssyncset.done $0x0  }
0xa3: {  	s30 =	sadd.s32 $0x1580, s29;
	[sflag:s23] =	ssyncadd.s32 $0xFFFFC000  }
0xa4: {  	[spmem:s1] =	stream.indirect.scatter.add.f32 [tilespmem:s21], [sflag:$0x3], $0x80, s30, s18, $0xb8;
	[tilespmem:$0x1E800] =	vst v63  }
0xa5: {  	_ =	swait.ge [sflag:s17], $0x4000  }
0xa6: {  	[sflag:s17] =	ssyncset.done $0x0  }
0xa7: {  	s30 =	sadd.s32 $0x280, s29;
	[sflag:s17] =	ssyncadd.s32 $0xFFFFC000  }
0xa8: {  	[tilespmem:s21], [sflag:$0x2] =	stream.indirect.gather [hbm4b:s4+s18], $0x80, s30, s18, $0xb8;
	[tilespmem:$0x1E800] =	vst v63  }
0xa9: {  	_ =	swait.ge [sflag:s22], $0x4000  }
0xaa: {  	[sflag:s22] =	ssyncset.done $0x0  }
0xab: {  	s30 =	sadd.s32 $0x1600, s29;
	[sflag:s22] =	ssyncadd.s32 $0xFFFFC000  }
0xac: {  	[spmem:s1] =	stream.indirect.scatter.add.f32 [tilespmem:s16], [sflag:$0x3], $0x80, s30, s18, $0xb8;
	[tilespmem:$0x1E800] =	vst v63  }
0xad: {  	_ =	swait.ge [sflag:s17], $0x4000  }
0xae: {  	[sflag:s17] =	ssyncset.done $0x0  }
0xaf: {  	s30 =	sadd.s32 $0x300, s29;
	[sflag:s17] =	ssyncadd.s32 $0xFFFFC000  }
0xb0: {  	[tilespmem:s16], [sflag:$0x1] =	stream.indirect.gather [hbm4b:s4+s18], $0x80, s30, s18, $0xb8;
	[tilespmem:$0x1E800] =	vst v63  }
0xb1: {  	_ =	swait.ge [sflag:s23], $0x4000  }
0xb2: {  	[sflag:s23] =	ssyncset.done $0x0  }
0xb3: {  	s30 =	sadd.s32 $0x1680, s29;
	[sflag:s23] =	ssyncadd.s32 $0xFFFFC000  }
0xb4: {  	[spmem:s1] =	stream.indirect.scatter.add.f32 [tilespmem:s21], [sflag:$0x3], $0x80, s30, s18, $0xb8;
	[tilespmem:$0x1E800] =	vst v63  }
0xb5: {  	_ =	swait.ge [sflag:s17], $0x4000  }
0xb6: {  	[sflag:s17] =	ssyncset.done $0x0  }
0xb7: {  	s30 =	sadd.s32 $0x380, s29;
	[sflag:s17] =	ssyncadd.s32 $0xFFFFC000  }
0xb8: {  	[tilespmem:s21], [sflag:$0x2] =	stream.indirect.gather [hbm4b:s4+s18], $0x80, s30, s18, $0xb8;
	[tilespmem:$0x1E800] =	vst v63  }
0xb9: {  	_ =	swait.ge [sflag:s22], $0x4000  }
0xba: {  	[sflag:s22] =	ssyncset.done $0x0  }
0xbb: {  	s30 =	sadd.s32 $0x1700, s29;
	[sflag:s22] =	ssyncadd.s32 $0xFFFFC000  }
0xbc: {  	[spmem:s1] =	stream.indirect.scatter.add.f32 [tilespmem:s16], [sflag:$0x3], $0x80, s30, s18, $0xb8;
	[tilespmem:$0x1E800] =	vst v63  }
0xbd: {  	_ =	swait.ge [sflag:s17], $0x4000  }
0xbe: {  	[sflag:s17] =	ssyncset.done $0x0  }
0xbf: {  	[sflag:s17] =	ssyncadd.s32 $0xFFFFC000  }
0xc0: {  	_ =	swait.ge [sflag:s23], $0x4000  }
.Ltmp1:
0xc1: {  	[sflag:s23] =	ssyncset.done $0x0;
	(pc) =	sbr.rel @p0 .LBB2_5-.Ltmp1, $4  }
0xc2: {  	s29 =	sadd.s32 $0x1780, s29;
	[sflag:s23] =	ssyncadd.s32 $0xFFFFC000  }
0xc3: {  	[spmem:s1] =	stream.indirect.scatter.add.f32 [tilespmem:s21], [sflag:$0x3], $0x80, s29, s18, $0xb8;
	[tilespmem:$0x1E800] =	vst v63  }
0xc4: {  	_ =	swait.ge [sflag:s17], $0x4000  }
0xc5: {  	s30 =	smov.u32 s28;
	[sflag:s17] =	ssyncset.done $0x0  }
0xc6: {  	s26 =	sshra.s32 s26, $0x2;
	[sflag:s17] =	ssyncadd.s32 $0xFFFFC000  }
0xc7: {  	[tilespmem:s16], [sflag:$0x1] =	stream.indirect.gather [hbm4b:s4+s18], $0x80, s26, s18, $0xb8;
	[tilespmem:$0x1E800] =	vst v63  }
0xc8: {  	s28 =	sadd.s32 $0x80, s26  }
0xc9: {  	[tilespmem:s21], [sflag:$0x2] =	stream.indirect.gather [hbm4b:s4+s18], $0x80, s28, s18, $0xb8;
	[tilespmem:$0x1E800] =	vst v63  }
0xca: {  	_ =	swait.ge [sflag:s22], $0x4000  }
0xcb: {  	[sflag:s22] =	ssyncset.done $0x0  }
0xcc: {  	s31 =	sadd.s32 $0x1400, s26;
	[sflag:s22] =	ssyncadd.s32 $0xFFFFC000  }
0xcd: {  	[spmem:s1] =	stream.indirect.scatter.add.f32 [tilespmem:s16], [sflag:$0x3], $0x80, s31, s18, $0xb8;
	[tilespmem:$0x1E800] =	vst v63  }
0xce: {  	_ =	swait.ge [sflag:s17], $0x4000  }
0xcf: {  	[sflag:s17] =	ssyncset.done $0x0  }
0xd0: {  	s29 =	sadd.s32 $0x100, s26;
	[sflag:s17] =	ssyncadd.s32 $0xFFFFC000  }
0xd1: {  	[tilespmem:s16], [sflag:$0x1] =	stream.indirect.gather [hbm4b:s4+s18], $0x80, s29, s18, $0xb8;
	[tilespmem:$0x1E800] =	vst v63  }
0xd2: {  	_ =	swait.ge [sflag:s23], $0x4000  }
0xd3: {  	[sflag:s23] =	ssyncset.done $0x0  }
0xd4: {  	s30 =	sadd.s32 $0x1480, s26;
	[sflag:s23] =	ssyncadd.s32 $0xFFFFC000  }
0xd5: {  	[spmem:s1] =	stream.indirect.scatter.add.f32 [tilespmem:s21], [sflag:$0x3], $0x80, s30, s18, $0xb8;
	[tilespmem:$0x1E800] =	vst v63  }
0xd6: {  	_ =	swait.ge [sflag:s17], $0x4000  }
0xd7: {  	[sflag:s17] =	ssyncset.done $0x0  }
0xd8: {  	s31 =	sadd.s32 $0x180, s26;
	[sflag:s17] =	ssyncadd.s32 $0xFFFFC000  }
0xd9: {  	[tilespmem:s21], [sflag:$0x2] =	stream.indirect.gather [hbm4b:s4+s18], $0x80, s31, s18, $0xb8;
	[tilespmem:$0x1E800] =	vst v63  }
0xda: {  	_ =	swait.ge [sflag:s22], $0x4000  }
0xdb: {  	[sflag:s22] =	ssyncset.done $0x0  }
0xdc: {  	s29 =	sadd.s32 $0x1500, s26;
	[sflag:s22] =	ssyncadd.s32 $0xFFFFC000  }
0xdd: {  	[spmem:s1] =	stream.indirect.scatter.add.f32 [tilespmem:s16], [sflag:$0x3], $0x80, s29, s18, $0xb8;
	[tilespmem:$0x1E800] =	vst v63  }
0xde: {  	_ =	swait.ge [sflag:s17], $0x4000  }
0xdf: {  	[sflag:s17] =	ssyncset.done $0x0  }
0xe0: {  	s30 =	sadd.s32 $0x200, s26;
	[sflag:s17] =	ssyncadd.s32 $0xFFFFC000  }
0xe1: {  	[tilespmem:s16], [sflag:$0x1] =	stream.indirect.gather [hbm4b:s4+s18], $0x80, s30, s18, $0xb8;
	[tilespmem:$0x1E800] =	vst v63  }
0xe2: {  	_ =	swait.ge [sflag:s23], $0x4000  }
0xe3: {  	[sflag:s23] =	ssyncset.done $0x0  }
0xe4: {  	s31 =	sadd.s32 $0x1580, s26;
	[sflag:s23] =	ssyncadd.s32 $0xFFFFC000  }
0xe5: {  	[spmem:s1] =	stream.indirect.scatter.add.f32 [tilespmem:s21], [sflag:$0x3], $0x80, s31, s18, $0xb8;
	[tilespmem:$0x1E800] =	vst v63  }
0xe6: {  	_ =	swait.ge [sflag:s17], $0x4000  }
0xe7: {  	[sflag:s17] =	ssyncset.done $0x0  }
0xe8: {  	s29 =	sadd.s32 $0x280, s26;
	[sflag:s17] =	ssyncadd.s32 $0xFFFFC000  }
0xe9: {  	[tilespmem:s21], [sflag:$0x2] =	stream.indirect.gather [hbm4b:s4+s18], $0x80, s29, s18, $0xb8;
	[tilespmem:$0x1E800] =	vst v63  }
0xea: {  	_ =	swait.ge [sflag:s22], $0x4000  }
0xeb: {  	[sflag:s22] =	ssyncset.done $0x0  }
0xec: {  	s30 =	sadd.s32 $0x1600, s26;
	[sflag:s22] =	ssyncadd.s32 $0xFFFFC000  }
0xed: {  	[spmem:s1] =	stream.indirect.scatter.add.f32 [tilespmem:s16], [sflag:$0x3], $0x80, s30, s18, $0xb8;
	[tilespmem:$0x1E800] =	vst v63  }
0xee: {  	_ =	swait.ge [sflag:s17], $0x4000  }
0xef: {  	[sflag:s17] =	ssyncset.done $0x0  }
0xf0: {  	s31 =	sadd.s32 $0x300, s26;
	[sflag:s17] =	ssyncadd.s32 $0xFFFFC000  }
0xf1: {  	[tilespmem:s16], [sflag:$0x1] =	stream.indirect.gather [hbm4b:s4+s18], $0x80, s31, s18, $0xb8;
	[tilespmem:$0x1E800] =	vst v63  }
0xf2: {  	_ =	swait.ge [sflag:s23], $0x4000  }
0xf3: {  	[sflag:s23] =	ssyncset.done $0x0  }
0xf4: {  	s29 =	sadd.s32 $0x1680, s26;
	[sflag:s23] =	ssyncadd.s32 $0xFFFFC000  }
0xf5: {  	[spmem:s1] =	stream.indirect.scatter.add.f32 [tilespmem:s21], [sflag:$0x3], $0x80, s29, s18, $0xb8;
	[tilespmem:$0x1E800] =	vst v63  }
0xf6: {  	_ =	swait.ge [sflag:s17], $0x4000  }
0xf7: {  	[sflag:s17] =	ssyncset.done $0x0  }
0xf8: {  	s30 =	sadd.s32 $0x380, s26;
	[sflag:s17] =	ssyncadd.s32 $0xFFFFC000  }
0xf9: {  	[tilespmem:s21], [sflag:$0x2] =	stream.indirect.gather [hbm4b:s4+s18], $0x80, s30, s18, $0xb8;
	[tilespmem:$0x1E800] =	vst v63  }
0xfa: {  	_ =	swait.ge [sflag:s22], $0x4000  }
0xfb: {  	[sflag:s22] =	ssyncset.done $0x0  }
0xfc: {  	s31 =	sadd.s32 $0x1700, s26;
	[sflag:s22] =	ssyncadd.s32 $0xFFFFC000  }
0xfd: {  	[spmem:s1] =	stream.indirect.scatter.add.f32 [tilespmem:s16], [sflag:$0x3], $0x80, s31, s18, $0xb8;
	[tilespmem:$0x1E800] =	vst v63  }
0xfe: {  	_ =	swait.ge [sflag:s17], $0x4000  }
0xff: {  	[sflag:s17] =	ssyncset.done $0x0  }
0x100: {  	[sflag:s17] =	ssyncadd.s32 $0xFFFFC000  }
0x101: {  	s25 =	sadd.s32 $0x1, s25;
	_ =	swait.ge [sflag:s23], $0x4000  }
0x102: {  	p0 =	sne.s32 s25, $0x4;
	[sflag:s23] =	ssyncset.done $0x0  }
.Ltmp2:
0x103: {  	s26 =	sadd.s32 $0x1780, s26;
	[sflag:s23] =	ssyncadd.s32 $0xFFFFC000;
	(pc) =	sbr.rel @p0 .LBB2_4-.Ltmp2, $4  }
0x104: {  	[spmem:s1] =	stream.indirect.scatter.add.f32 [tilespmem:s21], [sflag:$0x3], $0x80, s26, s18, $0xb8;
	[tilespmem:$0x1E800] =	vst v63  }
0x105: {  	_ =	swait.ge [sflag:s17], $0x4000  }
0x106: {  	[sflag:s17] =	ssyncset.done $0x0  }
0x107: {  	[sflag:s17] =	ssyncadd.s32 $0xFFFFC000  }
0x108: {  	s3 =	sadd.s32 $0x1, s3  }
0x109: {  	s24 =	sshll.u32 s2, $0x6;
	[bflag:$0x0] =	sbarrier.arrive $0xFFFF;
	p0 =	sne.s32 s3, s15  }
.Ltmp3:
0x10a: {  	s25 =	sshrl.u32 s7, $0x3;
	s24 =	sor.u32 $0x1C03, s24;
	(pc) =	sbr.rel @p0 .LBB2_1-.Ltmp3, $4  }
0x10b: {  	[hbm:s14], [sflag:s24] =	dma.local [spmem:s25], $0x2800  }
0x10c: {  	_ =	swait.ge [sflag:s17], $0x2800  }
0x10d: {  	[sflag:s17] =	ssyncset.done $0x0  }
0x10e: {  	[sflag:s17] =	ssyncadd.s32 $0xFFFFD800  }
0x10f: {  	_ =	sfence.sel $0x180000  }
0x110: {  	[bflag:$0x0] =	sbarrier.arrive $0xFFFF  }
0x111: {  	p0 =	sne.s32 s2, $0x0;
	_ =	strace $0x9000004D  }
0x112: {  	s0 =	sadd.s32 @!p0 $0x100000, s0;
	[bflag:$0x2] =	sbarrier.arrive $0xFFFF  }
0x113: {  	[sflag:s0] =	ssyncadd.tile.s32 @!p0 $0x1;
	_ =	shalt  }
.Lfunc_end2:
_tile_overlayer_lowered:
.L_overlay_start_2:
0x114: {  	(tag) =	ssettag $0x2  }
0x115: {  	s0 =	rddreg [dreg:$0x0];
	s2 =	stileid.u32  }
0x116: {  	s1 =	rddreg [dreg:$0x1];
	p0 =	sne.s32 s2, $0x0  }
0x117: {  	s3 =	rddreg [dreg:$0x2];
	[bflag:$0x3] =	sbarrier.arrive $0xFFFF;
	s2 =	simm.s32 @!p0 $0x1C03  }
0x118: {  	[timem:s3], [sflag:s2] =	dma.local @!p0 [hbm:s0], s1  }
0x119: {  	s0 =	simm.s32 @!p0 $0x3  }
0x11a: {  	_ =	swait.ge @!p0 [sflag:s0], s1  }
0x11b: {  	s1 =	ssub.s32 @!p0 $0x0, s1;
	[sflag:s0] =	ssyncset.done @!p0 $0x0  }
0x11c: {  	[sflag:s0] =	ssyncadd.s32 @!p0 s1  }
0x11d: {  	[bflag:$0x3] =	sbarrier.arrive $0xFFFF  }
0x11e: {  	_ =	shalt  }

// kernel: kernel.24.cloned.1.call-start
scs
__scs_entry_jumppad:
0x0: {  	(pc) =	sbr.rel $0x88, $3  }
0x1: {  	(tag) =	ssettag $0x0;
	lr =	simm.s32 $0x1  }
0x2: {  	[smem:$0x3F82] =	sst lr;
	_ =	strace $0xD0000000  }
0x3: {  	_ = 	snop  }
0x4: {  	_ = 	snop  }
0x5: {  	_ = 	snop  }
0x6: {  	_ = 	snop  }
0x7: {  	_ = 	snop  }
__scs_overlays_trampoline_lowered:
0x8: {  	[smem:$0x3F91] =	sst s0  }
0x9: {  	[smem:$0x3F92] =	sst s1  }
0xa: {  	[smem:$0x3F93] =	sst s2  }
0xb: {  	[smem:$0x3F94] =	sst s3  }
0xc: {  	[smem:$0x3F95] =	sst s4  }
0xd: {  	[smem:$0x3F96] =	sst s5  }
0xe: {  	[smem:$0x3F97] =	sst s6  }
0xf: {  	[smem:$0x3F98] =	sst s7  }
0x10: {  	[smem:$0x3F99] =	sst s8  }
0x11: {  	[smem:$0x3F9A] =	sst s9;
	s0 =	simm.s32 @!p0 $0x0  }
0x12: {  	s1 =	sld [smem:$0x3F80];
	s0 =	simm.s32 @p0 $0x1  }
0x13: {  	[smem:$0x3F9B] =	sst s0;
	s0 =	simm.s32 @!p1 $0x0  }
0x14: {  	s2 =	sld [smem:$0x3F7F];
	s0 =	simm.s32 @p1 $0x1  }
0x15: {  	[smem:$0x3F9C] =	sst s0;
	s0 =	simm.s32 @!p2 $0x0  }
0x16: {  	s3 =	sld [smem:$0x3FDB];
	s0 =	simm.s32 @p2 $0x1  }
0x17: {  	s4 =	simm.s32 $0x1BF5;
	[smem:$0x3F9E] =	sst s0  }
0x18: {  	s0 =	sld [smem:$0x3F81];
	_ =	swait.ge [sflag:s4], $0x0  }
0x19: {  	s7 =	sld [smem:$0x3F82]  }
0x1a: {  	s8 =	sadd.s32 $0xFFFFE003, lr  }
0x1b: {  	s9 =	sadd.s32 $0xFFFFFEF7, lr;
	s5 =	simm.s32 $0xFFFFFFFF;
	p2 =	slt.u32 s8, $0xFFFFF086  }
0x1c: {  	p1 =	slt.u32 s9, $0xF7A;
	s5 =	simm.s32 @!p2 $0x0  }
0x1d: {  	s5 =	simm.s32 @p1 $0x1;
	p0 =	seq.s32 s7, s2  }
0x1e: {  	s7 =	smul.u32 @!p0 $0xF7A, s2;
	p2 =	seq.s32 @!p0 s5, $0x0  }
0x1f: {  	s9 =	smul.u32 $0xF7A, s1;
	s8 =	simm.s32 @!p0 $0x1BF5;
	p2 =	por !p2, p0  }
0x20: {  	[sflag:s8] =	ssyncset.s32 @!p0 $0xFFFFF086;
	s6 =	sadd.s32 @!p0 s3, s7;
	s7 =	simm.s32 @!p0 $0x108  }
0x21: {  	s3 =	sadd.s32 s3, s9;
	s6 =	sadd.s32 @!p0 $0x88, s6;
	s7 =	simm.s32 @p2 $0x1082  }
0x22: {  	[simem:s7], [sflag:s8] =	dma.local @!p0 [hbm:s6], $0xF7A  }
0x23: {  	s9 =	sor.u32 $0xD0000000, s2;
	s6 =	simm.s32 $0x108;
	_ =	swait.ge @!p0 [sflag:s8], $0x0  }
0x24: {  	s3 =	sadd.s32 $0x88, s3;
	s6 =	simm.s32 @!p1 $0x1082;
	[sflag:s4] =	ssyncset.s32 $0xFFFFF086  }
0x25: {  	[simem:s6], [sflag:s4] =	dma.local [hbm:s3], $0xF7A  }
0x26: {  	[smem:$0x3F82] =	sst s1;
	(tag) =	ssettag s2;
	_ =	strace s9  }
0x27: {  	s1 =	sld [smem:$0x3F92]  }
0x28: {  	s2 =	sld [smem:$0x3F93]  }
0x29: {  	s4 =	sld [smem:$0x3F95]  }
0x2a: {  	p0 =	seq.s32 s5, $0x0;
	s5 =	sld [smem:$0x3F96]  }
0x2b: {  	s6 =	sld [smem:$0x3F97]  }
0x2c: {  	s7 =	sld [smem:$0x3F98]  }
0x2d: {  	s3 =	simm.s32 $0x108;
	s8 =	sld [smem:$0x3F99]  }
0x2e: {  	s3 =	simm.s32 @!p0 $0x1082;
	s9 =	sld [smem:$0x3F9A]  }
0x2f: {  	lr =	sadd.s32 s0, s3;
	s0 =	sld [smem:$0x3F91]  }
0x30: {  	s3 =	sld [smem:$0x3F94]  }
0x31: {  	[smem:$0x3F9D] =	sst s10  }
0x32: {  	s10 =	sld [smem:$0x3F9B];
	_ =	sdelay $0x3  }
0x33: {  	p0 =	seq.s32 s10, $0x1;
	s10 =	sld [smem:$0x3F9D];
	_ =	sdelay $0x3  }
0x34: {  	[smem:$0x3F9D] =	sst s10  }
0x35: {  	s10 =	sld [smem:$0x3F9C];
	_ =	sdelay $0x3  }
0x36: {  	p1 =	seq.s32 s10, $0x1;
	s10 =	sld [smem:$0x3F9D];
	_ =	sdelay $0x3  }
0x37: {  	[smem:$0x3F9D] =	sst s10  }
0x38: {  	s10 =	sld [smem:$0x3F9E]  }
0x39: {  	_ = 	snop;
	(pc) =	sbr.ind lr, $3  }
0x3a: {  	_ = 	snop  }
0x3b: {  	_ = 	snop  }
0x3c: {  	p2 =	seq.s32 s10, $0x1;
	s10 =	sld [smem:$0x3F9D]  }
0x3d: {  	_ =	shalt  }
0x3e: {  	_ =	shalt  }
0x3f: {  	_ =	shalt  }
0x40: {  	_ =	shalt  }
0x41: {  	_ =	shalt  }
0x42: {  	_ =	shalt  }
0x43: {  	_ =	shalt  }
0x44: {  	_ =	shalt  }
0x45: {  	_ =	shalt  }
0x46: {  	_ =	shalt  }
0x47: {  	_ =	shalt  }
0x48: {  	_ =	shalt  }
0x49: {  	_ =	shalt  }
0x4a: {  	_ =	shalt  }
0x4b: {  	_ =	shalt  }
0x4c: {  	_ =	shalt  }
0x4d: {  	_ =	shalt  }
0x4e: {  	_ =	shalt  }
0x4f: {  	_ =	shalt  }
0x50: {  	_ =	shalt  }
0x51: {  	_ =	shalt  }
0x52: {  	_ =	shalt  }
0x53: {  	_ =	shalt  }
0x54: {  	_ =	shalt  }
0x55: {  	_ =	shalt  }
0x56: {  	_ =	shalt  }
0x57: {  	_ =	shalt  }
0x58: {  	_ =	shalt  }
0x59: {  	_ =	shalt  }
0x5a: {  	_ =	shalt  }
0x5b: {  	_ =	shalt  }
0x5c: {  	_ =	shalt  }
0x5d: {  	_ =	shalt  }
0x5e: {  	_ =	shalt  }
0x5f: {  	_ =	shalt  }
0x60: {  	_ =	shalt  }
0x61: {  	_ =	shalt  }
0x62: {  	_ =	shalt  }
0x63: {  	_ =	shalt  }
0x64: {  	_ =	shalt  }
0x65: {  	_ =	shalt  }
0x66: {  	_ =	shalt  }
0x67: {  	_ =	shalt  }
0x68: {  	_ =	shalt  }
0x69: {  	_ =	shalt  }
0x6a: {  	_ =	shalt  }
0x6b: {  	_ =	shalt  }
0x6c: {  	_ =	shalt  }
0x6d: {  	_ =	shalt  }
0x6e: {  	_ =	shalt  }
0x6f: {  	_ =	shalt  }
0x70: {  	_ =	shalt  }
0x71: {  	_ =	shalt  }
0x72: {  	_ =	shalt  }
0x73: {  	_ =	shalt  }
0x74: {  	_ =	shalt  }
0x75: {  	_ =	shalt  }
0x76: {  	_ =	shalt  }
0x77: {  	_ =	shalt  }
0x78: {  	_ =	shalt  }
0x79: {  	_ =	shalt  }
0x7a: {  	_ =	shalt  }
0x7b: {  	_ =	shalt  }
0x7c: {  	_ =	shalt  }
0x7d: {  	_ =	shalt  }
0x7e: {  	_ =	shalt  }
0x7f: {  	_ =	shalt  }
0x80: {  	_ =	shalt  }
0x81: {  	_ =	shalt  }
0x82: {  	_ =	shalt  }
0x83: {  	_ =	shalt  }
0x84: {  	_ =	shalt  }
0x85: {  	_ =	shalt  }
0x86: {  	_ =	shalt  }
0x87: {  	_ =	shalt  }
.Lfunc_end0:
.L_simem_size_0:
called_computation.3_lowered:
.L_overlay_start_0:
0x88: {  	s2 =	sld [smem:$0x3FD9]  }
0x89: {  	s3 =	sld [smem:$0x3FFE];
	_ =	sdelay $0x1  }
0x8a: {  	s1 =	srdreg.scid  }
0x8b: {  	s0 =	sand.u32 $0x1, s1  }
0x8c: {  	s16 =	sshll.u32 s0, $0xA;
	s2 =	sadd.s32 s3, s2  }
0x8d: {  	s2 =	sadd.s32 s2, s16  }
0x8e: {  	[smem:$0x3FA9] =	sst s2  }
0x8f: {  	_ = 	snop  }
0x90: {  	(tm) =	ssettm $0x1  }
0x91: {  	s17 =	sld [smem:$0x3FFB];
	_ =	sdelay $0x3  }
0x92: {  	_ =	strace s17  }
0x93: {  	s2 =	sld [smem:$0x3FFC];
	_ =	sdelay $0x3  }
0x94: {  	_ =	strace s2  }
0x95: {  	s2 =	sld [smem:$0x3FFD];
	_ =	sdelay $0x3  }
0x96: {  	_ =	strace s2  }
0x97: {  	_ =	strace $0x8FFFFFFF  }
0x98: {  	s18 =	sld [smem:$0x3FDB];
	_ =	sdelay $0x1  }
0x99: {  	s19 =	simm.s32 $_scs_section_size  }
0x9a: {  	s4 =	simm.s32 $_size__tile_overlayer_lowered;
	s5 =	simm.s32 $_tile_overlayer_lowered  }
0x9b: {  	s22 =	simm.s32 $0x1BFF;
	s21 =	sshll.u32 s5, $0x1;
	s2 =	sadd.s32 s19, s18  }
0x9c: {  	s6 =	simm.s32 $0x0;
	s20 =	sshll.u32 s4, $0x1;
	s4 =	sadd.s32 s21, s2  }
0x9d: {  	[timem:s6], [sflag:s22] =	dma.local [hbm:s4], s20  }
0x9e: {  	_ =	swait.ge [sflag:s22], s20  }
0x9f: {  	s3 =	ssub.s32 $0x0, s20;
	[sflag:s22] =	ssyncset.done $0x0  }
0xa0: {  	[sflag:s22] =	ssyncadd.s32 s3;
	_ =	sdelay $0x1  }
0xa1: {  	s23 =	simm.s32 $0x1B8B  }
0xa2: {  	_ =	swait.ge [sflag:s23], $0x1  }
0xa3: {  	[sflag:s23] =	ssyncset.done $0x0  }
0xa4: {  	s25 =	simm.s32 $0x1B8E;
	s24 =	sld [smem:$0x3FFE];
	[sflag:s23] =	ssyncadd.s32 $0xFFFFFFFF  }
0xa5: {  	s26 =	simm.s32 $execute0_lowered;
	[smem:$0x3FD2] =	sst s25  }
0xa6: {  	s4 =	sshll.u32 s26, $0x1;
	_ =	strace $0x8000004F;
	[dreg:$0x1] =	wrdreg $0xFFFFFFFF  }
0xa7: {  	s28 =	simm.s32 $_size_execute0_lowered;
	s2 =	sadd.s32 s2, s4;
	[dreg:$0x0] =	wrdreg $0x0  }
0xa8: {  	s4 =	sshll.u32 s28, $0x1;
	[dreg:$0x2] =	wrdreg s2  }
0xa9: {  	[dreg:$0x3] =	wrdreg s4  }
0xaa: {  	[dreg:$0x4] =	wrdreg $0xC0  }
0xab: {  	_ =	task [dreg:s6], $0x5FFFF  }
0xac: {  	[dreg:$0x1] =	wrdreg $0xFFFFFFFF  }
0xad: {  	[dreg:$0x0] =	wrdreg $0x60  }
0xae: {  	[dreg:$0x2] =	wrdreg s24  }
0xaf: {  	[dreg:$0x3] =	wrdreg $0xA8000  }
0xb0: {  	[dreg:$0x4] =	wrdreg $0x9  }
0xb1: {  	_ =	task.clear_ibuf [dreg:s6], $0x5FFFF;
	_ =	strace $0x9000004F  }
0xb2: {  	s29 =	simm.s32 $0x9;
	_ =	strace $0x80000051  }
0xb3: {  	_ =	swait.ge [sflag:s29], $0x1  }
0xb4: {  	[sflag:s29] =	ssyncadd.s32 $0xFFFFFFFF  }
0xb5: {  	_ =	strace $0x90000051  }
0xb6: {  	_ =	sfence  }
0xb7: {  	s30 =	sld [smem:$0x0];
	_ =	sdelay $0x2  }
0xb8: {  	s31 =	sshll.u32 s1, $0xD;
	s1 =	sshrl.u32 s1, $0x2  }
0xb9: {  	s3 =	sand.u32 $0x4000, s31;
	s1 =	sadd.s32 s1, s30  }
0xba: {  	s0 =	sor.u32 s3, s0;
	s1 =	sshll.u32 s1, $0x11  }
0xbb: {  	s0 =	sor.u32 s1, s0  }
0xbc: {  	s0 =	sadd.s32 $0x8F2B, s0  }
0xbd: {  	[sflag:s0] =	ssyncadd.remote.s32 $0x1  }
0xbe: {  	_ =	sfence.sel $0xFFFF  }
0xbf: {  	[dreg:$0x0] =	wrdreg $0xFFFFFFFF;
	(pc) =	sbr.abs _section_cstart, $3  }
0xc0: {  	[dreg:$0x1] =	wrdreg $0xFFFFFFFF  }
0xc1: {  	_ =	task.clear_ibuf [dreg:s6], $0x2FFFF;
	_ =	strace $0x9FFFFFFF  }
0xc2: {  	(tm) =	ssettm $0x7FFFFFFF  }
0xc3: {  	_ =	shalt  }
tec
execute0_lowered:
.L_overlay_start_1:
0x0: {  	(tag) =	ssettag $0x1  }
0x1: {  	s7 =	rddreg [dreg:$0x0]  }
0x2: {  	s1 =	rddreg [dreg:$0x1]  }
0x3: {  	s2 =	srdreg.scid;
	s0 =	rddreg [dreg:$0x2]  }
0x4: {  	s3 =	simm.s32 $0x0;
	s18 =	simm.s32 $0x80;
	s19 =	simm.s32 $0x400  }
0x5: {  	s20 =	simm.s32 $0x1400;
	s21 =	simm.s32 $0x6800;
	s8 =	sand.u32 $0x1, s2  }
0x6: {  	s22 =	simm.s32 $0x1;
	s2 =	stileid.u32;
	s6 =	smul.u32 $0x140000, s8  }
0x7: {  	s23 =	simm.s32 $0x2;
	[smem:$0x7FF] =	sst s3;
	s9 =	smul.u32 $0x14000, s2  }
0x8: {  	s4 =	sadd.s32 $0x2DE00, s7;
	s5 =	sadd.s32 $0x23E00, s7;
	s11 =	smul.u32 $0x50000, s2  }
0x9: {  	_ =	strace $0x80000050;
	s10 =	ssub.s32 $0x2, s8;
	s13 =	smul.u32 $0x28000, s8  }
0xa: {  	s30 =	sshrl.u32 s2, $0x3;
	s16 =	sshll.u32 s2, $0x7;
	s17 =	smul.u32 $0x2800, s2  }
0xb: {  	s12 =	sshrl.u32 s10, $0x1;
	s31 =	smul.u32 $0x14000, s30;
	s16 =	sand.u32 $0x380, s16  }
0xc: {  	s9 =	sadd.s32 s9, s6;
	s6 =	sadd.s32 $0x5E00, s7;
	s15 =	ssub.s32 s10, s12  }
0xd: {  	s29 =	sshrl.u32 s11, $0x2;
	s9 =	sshrl.u32 s9, $0x3;
	s12 =	sadd.s32 s13, s31  }
0xe: {  	s13 =	sadd.s32 s17, s13;
	s15 =	smax.u32 s15, $0x1;
	s17 =	simm.s32 $0x3  }
0xf: {  	s14 =	sadd.s32 s9, s7;
	s7 =	sadd.s32 s29, s1;
	s12 =	sor.u32 s16, s12  }
0x10: {  	s16 =	simm.s32 $0x2800;
	s8 =	sadd.s32 $0x4000, s7;
	s9 =	sadd.s32 $0x8000, s7  }
0x11: {  	v0 =	vimm.f32 $0.0e+00;
	s10 =	sadd.s32 $0xC000, s7;
	s11 =	sadd.s32 $0x10000, s7;
	s14 =	sadd.s32 $0x55000, s14  }
.LBB2_1:
0x12: {  	s24 =	simm.s32 $0x0;
	s25 =	simm.s32 $0x200  }
.LBB2_2:
0x13: {  	p0 =	sne.s32 s25, $0xFE00;
	[tilespmem:s24+$0x2870] =	vst v0  }
0x14: {  	[tilespmem:s24+$0x2800] =	vst v0  }
0x15: {  	[tilespmem:s24+$0x2810] =	vst v0  }
.Ltmp0:
0x16: {  	[tilespmem:s24+$0x2820] =	vst v0;
	(pc) =	sbr.rel @p0 .LBB2_2-.Ltmp0, $4  }
0x17: {  	[tilespmem:s24+$0x2830] =	vst v0  }
0x18: {  	[tilespmem:s24+$0x2840] =	vst v0  }
0x19: {  	[tilespmem:s24+$0x2850] =	vst v0  }
0x1a: {  	[tilespmem:s24+$0x2860] =	vst v0;
	s24 =	sshra.s32 s25, $0x2;
	s25 =	sadd.s32 $0x200, s25  }
0x1b: {  	[tilespmem:s24+$0x2870] =	vst v0  }
0x1c: {  	[tilespmem:s24+$0x2800] =	vst v0  }
0x1d: {  	[tilespmem:s24+$0x2810] =	vst v0  }
0x1e: {  	[tilespmem:s24+$0x2820] =	vst v0  }
0x1f: {  	[tilespmem:s24+$0x2830] =	vst v0  }
0x20: {  	[tilespmem:s24+$0x2840] =	vst v0  }
0x21: {  	[tilespmem:s24+$0x2850] =	vst v0  }
0x22: {  	[tilespmem:s24+$0x2860] =	vst v0  }
0x23: {  	[spmem:s7] =	stream.linear.scatter [tilespmem:s16], [sflag:$0x3], $0x4000, $0x38;
	[tilespmem:$0x1E800] =	vst v63  }
0x24: {  	_ =	swait.ge [sflag:s17], $0x4000  }
0x25: {  	[sflag:s17] =	ssyncset.done $0x0  }
0x26: {  	[sflag:s17] =	ssyncadd.s32 $0xFFFFC000  }
0x27: {  	[spmem:s8] =	stream.linear.scatter [tilespmem:s16], [sflag:$0x3], $0x4000, $0x38;
	[tilespmem:$0x1E800] =	vst v63  }
0x28: {  	_ =	swait.ge [sflag:s17], $0x4000  }
0x29: {  	[sflag:s17] =	ssyncset.done $0x0  }
0x2a: {  	[sflag:s17] =	ssyncadd.s32 $0xFFFFC000  }
0x2b: {  	[spmem:s9] =	stream.linear.scatter [tilespmem:s16], [sflag:$0x3], $0x4000, $0x38;
	[tilespmem:$0x1E800] =	vst v63  }
0x2c: {  	_ =	swait.ge [sflag:s17], $0x4000  }
0x2d: {  	[sflag:s17] =	ssyncset.done $0x0  }
0x2e: {  	[sflag:s17] =	ssyncadd.s32 $0xFFFFC000  }
0x2f: {  	[spmem:s10] =	stream.linear.scatter [tilespmem:s16], [sflag:$0x3], $0x4000, $0x38;
	[tilespmem:$0x1E800] =	vst v63  }
0x30: {  	_ =	swait.ge [sflag:s17], $0x4000  }
0x31: {  	[sflag:s17] =	ssyncset.done $0x0  }
0x32: {  	[sflag:s17] =	ssyncadd.s32 $0xFFFFC000  }
0x33: {  	[spmem:s11] =	stream.linear.scatter [tilespmem:s16], [sflag:$0x3], $0x4000, $0x38;
	[tilespmem:$0x1E800] =	vst v63  }
0x34: {  	_ =	swait.ge [sflag:s17], $0x4000  }
0x35: {  	[sflag:s17] =	ssyncset.done $0x0  }
0x36: {  	s24 =	simm.s32 $0x0;
	[sflag:s17] =	ssyncadd.s32 $0xFFFFC000  }
0x37: {  	p1 =	por $0x1, $0x1;
	s25 =	simm.s32 $0x0;
	[bflag:$0x0] =	sbarrier.arrive $0xFFFF  }
.LBB2_4:
0x38: {  	s26 =	smul.u32 $0xA000, s25;
	_ =	sdelay $0x1  }
0x39: {  	s26 =	sadd.s32 s26, s12  }
0x3a: {  	s26 =	sshrl.u32 s26, $0x3  }
0x3b: {  	s31 =	smul.u32 $0x1400, s25;
	s26 =	sadd.s32 s5, s26  }
0x3c: {  	[tilespmem:s24], [sflag:$0x3] =	stream.strided.gather [hbm4b:s26+s18], $0x1400, s19, s18, $0x38;
	[tilespmem:$0x1E800] =	vst v63  }
0x3d: {  	s25 =	sadd.s32 s31, s13;
	_ =	swait.ge [sflag:s17], $0x1400  }
0x3e: {  	s25 =	sshrl.u32 s25, $0x3;
	[sflag:s17] =	ssyncset.done $0x0  }
0x3f: {  	s25 =	sadd.s32 s6, s25;
	[sflag:s17] =	ssyncadd.s32 $0xFFFFEC00  }
0x40: {  	[tilespmem:s20], [sflag:$0x3] =	stream.linear.gather [hbm4b:s25+s24], $0x1400, $0x38;
	[tilespmem:$0x1E800] =	vst v63  }
0x41: {  	_ =	swait.ge [sflag:s17], $0x1400  }
0x42: {  	[sflag:s17] =	ssyncset.done $0x0  }
0x43: {  	s26 =	simm.s32 $0x0;
	[sflag:s17] =	ssyncadd.s32 $0xFFFFEC00  }
0x44: {  	[tilespmem:s16], [sflag:$0x1] =	stream.indirect.gather [hbm4b:s4+s18], $0x80, s26, s18, $0xb8;
	[tilespmem:$0x1E800] =	vst v63  }
0x45: {  	s28 =	simm.s32 $0x80  }
0x46: {  	[tilespmem:s21], [sflag:$0x2] =	stream.indirect.gather [hbm4b:s4+s18], $0x80, s28, s18, $0xb8;
	[tilespmem:$0x1E800] =	vst v63  }
0x47: {  	_ =	swait.ge [sflag:s22], $0x4000  }
0x48: {  	[sflag:s22] =	ssyncset.done $0x0  }
0x49: {  	s30 =	simm.s32 $0x1400;
	[sflag:s22] =	ssyncadd.s32 $0xFFFFC000  }
0x4a: {  	[spmem:s1] =	stream.indirect.scatter.add.f32 [tilespmem:s16], [sflag:$0x3], $0x80, s30, s18, $0xb8;
	[tilespmem:$0x1E800] =	vst v63  }
0x4b: {  	_ =	swait.ge [sflag:s17], $0x4000  }
0x4c: {  	[sflag:s17] =	ssyncset.done $0x0  }
0x4d: {  	s31 =	simm.s32 $0x100;
	[sflag:s17] =	ssyncadd.s32 $0xFFFFC000  }
0x4e: {  	[tilespmem:s16], [sflag:$0x1] =	stream.indirect.gather [hbm4b:s4+s18], $0x80, s31, s18, $0xb8;
	[tilespmem:$0x1E800] =	vst v63  }
0x4f: {  	_ =	swait.ge [sflag:s23], $0x4000  }
0x50: {  	[sflag:s23] =	ssyncset.done $0x0  }
0x51: {  	s26 =	simm.s32 $0x1480;
	[sflag:s23] =	ssyncadd.s32 $0xFFFFC000  }
0x52: {  	[spmem:s1] =	stream.indirect.scatter.add.f32 [tilespmem:s21], [sflag:$0x3], $0x80, s26, s18, $0xb8;
	[tilespmem:$0x1E800] =	vst v63  }
0x53: {  	_ =	swait.ge [sflag:s17], $0x4000  }
0x54: {  	[sflag:s17] =	ssyncset.done $0x0  }
0x55: {  	s28 =	simm.s32 $0x180;
	[sflag:s17] =	ssyncadd.s32 $0xFFFFC000  }
0x56: {  	[tilespmem:s21], [sflag:$0x2] =	stream.indirect.gather [hbm4b:s4+s18], $0x80, s28, s18, $0xb8;
	[tilespmem:$0x1E800] =	vst v63  }
0x57: {  	_ =	swait.ge [sflag:s22], $0x4000  }
0x58: {  	[sflag:s22] =	ssyncset.done $0x0  }
0x59: {  	s30 =	simm.s32 $0x1500;
	[sflag:s22] =	ssyncadd.s32 $0xFFFFC000  }
0x5a: {  	[spmem:s1] =	stream.indirect.scatter.add.f32 [tilespmem:s16], [sflag:$0x3], $0x80, s30, s18, $0xb8;
	[tilespmem:$0x1E800] =	vst v63  }
0x5b: {  	_ =	swait.ge [sflag:s17], $0x4000  }
0x5c: {  	[sflag:s17] =	ssyncset.done $0x0  }
0x5d: {  	s31 =	simm.s32 $0x200;
	[sflag:s17] =	ssyncadd.s32 $0xFFFFC000  }
0x5e: {  	[tilespmem:s16], [sflag:$0x1] =	stream.indirect.gather [hbm4b:s4+s18], $0x80, s31, s18, $0xb8;
	[tilespmem:$0x1E800] =	vst v63  }
0x5f: {  	_ =	swait.ge [sflag:s23], $0x4000  }
0x60: {  	[sflag:s23] =	ssyncset.done $0x0  }
0x61: {  	s26 =	simm.s32 $0x1580;
	[sflag:s23] =	ssyncadd.s32 $0xFFFFC000  }
0x62: {  	[spmem:s1] =	stream.indirect.scatter.add.f32 [tilespmem:s21], [sflag:$0x3], $0x80, s26, s18, $0xb8;
	[tilespmem:$0x1E800] =	vst v63  }
0x63: {  	_ =	swait.ge [sflag:s17], $0x4000  }
0x64: {  	[sflag:s17] =	ssyncset.done $0x0  }
0x65: {  	s28 =	simm.s32 $0x280;
	[sflag:s17] =	ssyncadd.s32 $0xFFFFC000  }
0x66: {  	[tilespmem:s21], [sflag:$0x2] =	stream.indirect.gather [hbm4b:s4+s18], $0x80, s28, s18, $0xb8;
	[tilespmem:$0x1E800] =	vst v63  }
0x67: {  	_ =	swait.ge [sflag:s22], $0x4000  }
0x68: {  	[sflag:s22] =	ssyncset.done $0x0  }
0x69: {  	s30 =	simm.s32 $0x1600;
	[sflag:s22] =	ssyncadd.s32 $0xFFFFC000  }
0x6a: {  	[spmem:s1] =	stream.indirect.scatter.add.f32 [tilespmem:s16], [sflag:$0x3], $0x80, s30, s18, $0xb8;
	[tilespmem:$0x1E800] =	vst v63  }
0x6b: {  	_ =	swait.ge [sflag:s17], $0x4000  }
0x6c: {  	[sflag:s17] =	ssyncset.done $0x0  }
0x6d: {  	s31 =	simm.s32 $0x300;
	[sflag:s17] =	ssyncadd.s32 $0xFFFFC000  }
0x6e: {  	[tilespmem:s16], [sflag:$0x1] =	stream.indirect.gather [hbm4b:s4+s18], $0x80, s31, s18, $0xb8;
	[tilespmem:$0x1E800] =	vst v63  }
0x6f: {  	_ =	swait.ge [sflag:s23], $0x4000  }
0x70: {  	[sflag:s23] =	ssyncset.done $0x0  }
0x71: {  	s26 =	simm.s32 $0x1680;
	[sflag:s23] =	ssyncadd.s32 $0xFFFFC000  }
0x72: {  	[spmem:s1] =	stream.indirect.scatter.add.f32 [tilespmem:s21], [sflag:$0x3], $0x80, s26, s18, $0xb8;
	[tilespmem:$0x1E800] =	vst v63  }
0x73: {  	_ =	swait.ge [sflag:s17], $0x4000  }
0x74: {  	[sflag:s17] =	ssyncset.done $0x0  }
0x75: {  	s28 =	simm.s32 $0x380;
	[sflag:s17] =	ssyncadd.s32 $0xFFFFC000  }
0x76: {  	[tilespmem:s21], [sflag:$0x2] =	stream.indirect.gather [hbm4b:s4+s18], $0x80, s28, s18, $0xb8;
	[tilespmem:$0x1E800] =	vst v63  }
0x77: {  	_ =	swait.ge [sflag:s22], $0x4000  }
0x78: {  	[sflag:s22] =	ssyncset.done $0x0  }
0x79: {  	s30 =	simm.s32 $0x1700;
	[sflag:s22] =	ssyncadd.s32 $0xFFFFC000  }
0x7a: {  	[spmem:s1] =	stream.indirect.scatter.add.f32 [tilespmem:s16], [sflag:$0x3], $0x80, s30, s18, $0xb8;
	[tilespmem:$0x1E800] =	vst v63  }
0x7b: {  	_ =	swait.ge [sflag:s17], $0x4000  }
0x7c: {  	[sflag:s17] =	ssyncset.done $0x0  }
0x7d: {  	[sflag:s17] =	ssyncadd.s32 $0xFFFFC000  }
0x7e: {  	_ =	swait.ge [sflag:s23], $0x4000  }
0x7f: {  	[sflag:s23] =	ssyncset.done $0x0  }
0x80: {  	s31 =	simm.s32 $0x1780;
	[sflag:s23] =	ssyncadd.s32 $0xFFFFC000  }
0x81: {  	[spmem:s1] =	stream.indirect.scatter.add.f32 [tilespmem:s21], [sflag:$0x3], $0x80, s31, s18, $0xb8;
	[tilespmem:$0x1E800] =	vst v63  }
0x82: {  	p0 =	por p1, p1;
	_ =	swait.ge [sflag:s17], $0x4000  }
0x83: {  	s29 =	simm.s32 $0x2000;
	s25 =	simm.s32 $0x1000;
	[sflag:s17] =	ssyncset.done $0x0  }
.LBB2_5:
0x84: {  	s28 =	sshra.s32 s25, $0x2  }
0x85: {  	[sflag:s17] =	ssyncadd.s32 $0xFFFFC000;
	s25 =	smov.u32 s29;
	s26 =	sadd.s32 $0x1000, s29  }
0x86: {  	[tilespmem:s16], [sflag:$0x1] =	stream.indirect.gather [hbm4b:s4+s18], $0x80, s28, s18, $0xb8;
	[tilespmem:$0x1E800] =	vst v63  }
0x87: {  	p1 =	sne.s32 s29, $0x4000;
	s29 =	sadd.s32 $0x80, s28  }
0x88: {  	[tilespmem:s21], [sflag:$0x2] =	stream.indirect.gather [hbm4b:s4+s18], $0x80, s29, s18, $0xb8;
	[tilespmem:$0x1E800] =	vst v63  }
0x89: {  	_ =	swait.ge [sflag:s22], $0x4000  }
0x8a: {  	[sflag:s22] =	ssyncset.done $0x0  }
0x8b: {  	s29 =	sadd.s32 $0x1400, s28;
	[sflag:s22] =	ssyncadd.s32 $0xFFFFC000  }
0x8c: {  	[spmem:s1] =	stream.indirect.scatter.add.f32 [tilespmem:s16], [sflag:$0x3], $0x80, s29, s18, $0xb8;
	[tilespmem:$0x1E800] =	vst v63  }
0x8d: {  	_ =	swait.ge [sflag:s17], $0x4000  }
0x8e: {  	[sflag:s17] =	ssyncset.done $0x0  }
0x8f: {  	s29 =	sadd.s32 $0x100, s28;
	[sflag:s17] =	ssyncadd.s32 $0xFFFFC000  }
0x90: {  	[tilespmem:s16], [sflag:$0x1] =	stream.indirect.gather [hbm4b:s4+s18], $0x80, s29, s18, $0xb8;
	[tilespmem:$0x1E800] =	vst v63  }
0x91: {  	_ =	swait.ge [sflag:s23], $0x4000  }
0x92: {  	[sflag:s23] =	ssyncset.done $0x0  }
0x93: {  	s29 =	sadd.s32 $0x1480, s28;
	[sflag:s23] =	ssyncadd.s32 $0xFFFFC000  }
0x94: {  	[spmem:s1] =	stream.indirect.scatter.add.f32 [tilespmem:s21], [sflag:$0x3], $0x80, s29, s18, $0xb8;
	[tilespmem:$0x1E800] =	vst v63  }
0x95: {  	_ =	swait.ge [sflag:s17], $0x4000  }
0x96: {  	[sflag:s17] =	ssyncset.done $0x0  }
0x97: {  	s29 =	sadd.s32 $0x180, s28;
	[sflag:s17] =	ssyncadd.s32 $0xFFFFC000  }
0x98: {  	[tilespmem:s21], [sflag:$0x2] =	stream.indirect.gather [hbm4b:s4+s18], $0x80, s29, s18, $0xb8;
	[tilespmem:$0x1E800] =	vst v63  }
0x99: {  	_ =	swait.ge [sflag:s22], $0x4000  }
0x9a: {  	[sflag:s22] =	ssyncset.done $0x0  }
0x9b: {  	s29 =	sadd.s32 $0x1500, s28;
	[sflag:s22] =	ssyncadd.s32 $0xFFFFC000  }
0x9c: {  	[spmem:s1] =	stream.indirect.scatter.add.f32 [tilespmem:s16], [sflag:$0x3], $0x80, s29, s18, $0xb8;
	[tilespmem:$0x1E800] =	vst v63  }
0x9d: {  	_ =	swait.ge [sflag:s17], $0x4000  }
0x9e: {  	[sflag:s17] =	ssyncset.done $0x0  }
0x9f: {  	s29 =	sadd.s32 $0x200, s28;
	[sflag:s17] =	ssyncadd.s32 $0xFFFFC000  }
0xa0: {  	[tilespmem:s16], [sflag:$0x1] =	stream.indirect.gather [hbm4b:s4+s18], $0x80, s29, s18, $0xb8;
	[tilespmem:$0x1E800] =	vst v63  }
0xa1: {  	_ =	swait.ge [sflag:s23], $0x4000  }
0xa2: {  	[sflag:s23] =	ssyncset.done $0x0  }
0xa3: {  	s29 =	sadd.s32 $0x1580, s28;
	[sflag:s23] =	ssyncadd.s32 $0xFFFFC000  }
0xa4: {  	[spmem:s1] =	stream.indirect.scatter.add.f32 [tilespmem:s21], [sflag:$0x3], $0x80, s29, s18, $0xb8;
	[tilespmem:$0x1E800] =	vst v63  }
0xa5: {  	_ =	swait.ge [sflag:s17], $0x4000  }
0xa6: {  	[sflag:s17] =	ssyncset.done $0x0  }
0xa7: {  	s29 =	sadd.s32 $0x280, s28;
	[sflag:s17] =	ssyncadd.s32 $0xFFFFC000  }
0xa8: {  	[tilespmem:s21], [sflag:$0x2] =	stream.indirect.gather [hbm4b:s4+s18], $0x80, s29, s18, $0xb8;
	[tilespmem:$0x1E800] =	vst v63  }
0xa9: {  	_ =	swait.ge [sflag:s22], $0x4000  }
0xaa: {  	[sflag:s22] =	ssyncset.done $0x0  }
0xab: {  	s29 =	sadd.s32 $0x1600, s28;
	[sflag:s22] =	ssyncadd.s32 $0xFFFFC000  }
0xac: {  	[spmem:s1] =	stream.indirect.scatter.add.f32 [tilespmem:s16], [sflag:$0x3], $0x80, s29, s18, $0xb8;
	[tilespmem:$0x1E800] =	vst v63  }
0xad: {  	_ =	swait.ge [sflag:s17], $0x4000  }
0xae: {  	[sflag:s17] =	ssyncset.done $0x0  }
0xaf: {  	s29 =	sadd.s32 $0x300, s28;
	[sflag:s17] =	ssyncadd.s32 $0xFFFFC000  }
0xb0: {  	[tilespmem:s16], [sflag:$0x1] =	stream.indirect.gather [hbm4b:s4+s18], $0x80, s29, s18, $0xb8;
	[tilespmem:$0x1E800] =	vst v63  }
0xb1: {  	_ =	swait.ge [sflag:s23], $0x4000  }
0xb2: {  	[sflag:s23] =	ssyncset.done $0x0  }
0xb3: {  	s29 =	sadd.s32 $0x1680, s28;
	[sflag:s23] =	ssyncadd.s32 $0xFFFFC000  }
0xb4: {  	[spmem:s1] =	stream.indirect.scatter.add.f32 [tilespmem:s21], [sflag:$0x3], $0x80, s29, s18, $0xb8;
	[tilespmem:$0x1E800] =	vst v63  }
0xb5: {  	_ =	swait.ge [sflag:s17], $0x4000  }
0xb6: {  	[sflag:s17] =	ssyncset.done $0x0  }
0xb7: {  	s29 =	sadd.s32 $0x380, s28;
	[sflag:s17] =	ssyncadd.s32 $0xFFFFC000  }
0xb8: {  	[tilespmem:s21], [sflag:$0x2] =	stream.indirect.gather [hbm4b:s4+s18], $0x80, s29, s18, $0xb8;
	[tilespmem:$0x1E800] =	vst v63  }
0xb9: {  	_ =	swait.ge [sflag:s22], $0x4000  }
0xba: {  	[sflag:s22] =	ssyncset.done $0x0  }
0xbb: {  	s29 =	sadd.s32 $0x1700, s28;
	[sflag:s22] =	ssyncadd.s32 $0xFFFFC000  }
0xbc: {  	[spmem:s1] =	stream.indirect.scatter.add.f32 [tilespmem:s16], [sflag:$0x3], $0x80, s29, s18, $0xb8;
	[tilespmem:$0x1E800] =	vst v63  }
0xbd: {  	_ =	swait.ge [sflag:s17], $0x4000  }
0xbe: {  	[sflag:s17] =	ssyncset.done $0x0  }
0xbf: {  	[sflag:s17] =	ssyncadd.s32 $0xFFFFC000  }
0xc0: {  	_ =	swait.ge [sflag:s23], $0x4000  }
.Ltmp1:
0xc1: {  	[sflag:s23] =	ssyncset.done $0x0;
	(pc) =	sbr.rel @p1 .LBB2_5-.Ltmp1, $4  }
0xc2: {  	s28 =	sadd.s32 $0x1780, s28;
	[sflag:s23] =	ssyncadd.s32 $0xFFFFC000  }
0xc3: {  	[spmem:s1] =	stream.indirect.scatter.add.f32 [tilespmem:s21], [sflag:$0x3], $0x80, s28, s18, $0xb8;
	[tilespmem:$0x1E800] =	vst v63  }
0xc4: {  	_ =	swait.ge [sflag:s17], $0x4000  }
0xc5: {  	s29 =	smov.u32 s26;
	[sflag:s17] =	ssyncset.done $0x0  }
0xc6: {  	s25 =	sshra.s32 s25, $0x2;
	[sflag:s17] =	ssyncadd.s32 $0xFFFFC000  }
0xc7: {  	[tilespmem:s16], [sflag:$0x1] =	stream.indirect.gather [hbm4b:s4+s18], $0x80, s25, s18, $0xb8;
	[tilespmem:$0x1E800] =	vst v63  }
0xc8: {  	s26 =	sadd.s32 $0x80, s25  }
0xc9: {  	[tilespmem:s21], [sflag:$0x2] =	stream.indirect.gather [hbm4b:s4+s18], $0x80, s26, s18, $0xb8;
	[tilespmem:$0x1E800] =	vst v63  }
0xca: {  	_ =	swait.ge [sflag:s22], $0x4000  }
0xcb: {  	[sflag:s22] =	ssyncset.done $0x0  }
0xcc: {  	s31 =	sadd.s32 $0x1400, s25;
	[sflag:s22] =	ssyncadd.s32 $0xFFFFC000  }
0xcd: {  	[spmem:s1] =	stream.indirect.scatter.add.f32 [tilespmem:s16], [sflag:$0x3], $0x80, s31, s18, $0xb8;
	[tilespmem:$0x1E800] =	vst v63  }
0xce: {  	_ =	swait.ge [sflag:s17], $0x4000  }
0xcf: {  	[sflag:s17] =	ssyncset.done $0x0  }
0xd0: {  	s28 =	sadd.s32 $0x100, s25;
	[sflag:s17] =	ssyncadd.s32 $0xFFFFC000  }
0xd1: {  	[tilespmem:s16], [sflag:$0x1] =	stream.indirect.gather [hbm4b:s4+s18], $0x80, s28, s18, $0xb8;
	[tilespmem:$0x1E800] =	vst v63  }
0xd2: {  	_ =	swait.ge [sflag:s23], $0x4000  }
0xd3: {  	[sflag:s23] =	ssyncset.done $0x0  }
0xd4: {  	s29 =	sadd.s32 $0x1480, s25;
	[sflag:s23] =	ssyncadd.s32 $0xFFFFC000  }
0xd5: {  	[spmem:s1] =	stream.indirect.scatter.add.f32 [tilespmem:s21], [sflag:$0x3], $0x80, s29, s18, $0xb8;
	[tilespmem:$0x1E800] =	vst v63  }
0xd6: {  	_ =	swait.ge [sflag:s17], $0x4000  }
0xd7: {  	[sflag:s17] =	ssyncset.done $0x0  }
0xd8: {  	s30 =	sadd.s32 $0x180, s25;
	[sflag:s17] =	ssyncadd.s32 $0xFFFFC000  }
0xd9: {  	[tilespmem:s21], [sflag:$0x2] =	stream.indirect.gather [hbm4b:s4+s18], $0x80, s30, s18, $0xb8;
	[tilespmem:$0x1E800] =	vst v63  }
0xda: {  	_ =	swait.ge [sflag:s22], $0x4000  }
0xdb: {  	[sflag:s22] =	ssyncset.done $0x0  }
0xdc: {  	s31 =	sadd.s32 $0x1500, s25;
	[sflag:s22] =	ssyncadd.s32 $0xFFFFC000  }
0xdd: {  	[spmem:s1] =	stream.indirect.scatter.add.f32 [tilespmem:s16], [sflag:$0x3], $0x80, s31, s18, $0xb8;
	[tilespmem:$0x1E800] =	vst v63  }
0xde: {  	_ =	swait.ge [sflag:s17], $0x4000  }
0xdf: {  	[sflag:s17] =	ssyncset.done $0x0  }
0xe0: {  	s28 =	sadd.s32 $0x200, s25;
	[sflag:s17] =	ssyncadd.s32 $0xFFFFC000  }
0xe1: {  	[tilespmem:s16], [sflag:$0x1] =	stream.indirect.gather [hbm4b:s4+s18], $0x80, s28, s18, $0xb8;
	[tilespmem:$0x1E800] =	vst v63  }
0xe2: {  	_ =	swait.ge [sflag:s23], $0x4000  }
0xe3: {  	[sflag:s23] =	ssyncset.done $0x0  }
0xe4: {  	s29 =	sadd.s32 $0x1580, s25;
	[sflag:s23] =	ssyncadd.s32 $0xFFFFC000  }
0xe5: {  	[spmem:s1] =	stream.indirect.scatter.add.f32 [tilespmem:s21], [sflag:$0x3], $0x80, s29, s18, $0xb8;
	[tilespmem:$0x1E800] =	vst v63  }
0xe6: {  	_ =	swait.ge [sflag:s17], $0x4000  }
0xe7: {  	[sflag:s17] =	ssyncset.done $0x0  }
0xe8: {  	s30 =	sadd.s32 $0x280, s25;
	[sflag:s17] =	ssyncadd.s32 $0xFFFFC000  }
0xe9: {  	[tilespmem:s21], [sflag:$0x2] =	stream.indirect.gather [hbm4b:s4+s18], $0x80, s30, s18, $0xb8;
	[tilespmem:$0x1E800] =	vst v63  }
0xea: {  	_ =	swait.ge [sflag:s22], $0x4000  }
0xeb: {  	[sflag:s22] =	ssyncset.done $0x0  }
0xec: {  	s31 =	sadd.s32 $0x1600, s25;
	[sflag:s22] =	ssyncadd.s32 $0xFFFFC000  }
0xed: {  	[spmem:s1] =	stream.indirect.scatter.add.f32 [tilespmem:s16], [sflag:$0x3], $0x80, s31, s18, $0xb8;
	[tilespmem:$0x1E800] =	vst v63  }
0xee: {  	_ =	swait.ge [sflag:s17], $0x4000  }
0xef: {  	[sflag:s17] =	ssyncset.done $0x0  }
0xf0: {  	s28 =	sadd.s32 $0x300, s25;
	[sflag:s17] =	ssyncadd.s32 $0xFFFFC000  }
0xf1: {  	[tilespmem:s16], [sflag:$0x1] =	stream.indirect.gather [hbm4b:s4+s18], $0x80, s28, s18, $0xb8;
	[tilespmem:$0x1E800] =	vst v63  }
0xf2: {  	_ =	swait.ge [sflag:s23], $0x4000  }
0xf3: {  	[sflag:s23] =	ssyncset.done $0x0  }
0xf4: {  	s29 =	sadd.s32 $0x1680, s25;
	[sflag:s23] =	ssyncadd.s32 $0xFFFFC000  }
0xf5: {  	[spmem:s1] =	stream.indirect.scatter.add.f32 [tilespmem:s21], [sflag:$0x3], $0x80, s29, s18, $0xb8;
	[tilespmem:$0x1E800] =	vst v63  }
0xf6: {  	_ =	swait.ge [sflag:s17], $0x4000  }
0xf7: {  	[sflag:s17] =	ssyncset.done $0x0  }
0xf8: {  	s30 =	sadd.s32 $0x380, s25;
	[sflag:s17] =	ssyncadd.s32 $0xFFFFC000  }
0xf9: {  	[tilespmem:s21], [sflag:$0x2] =	stream.indirect.gather [hbm4b:s4+s18], $0x80, s30, s18, $0xb8;
	[tilespmem:$0x1E800] =	vst v63  }
0xfa: {  	_ =	swait.ge [sflag:s22], $0x4000  }
0xfb: {  	[sflag:s22] =	ssyncset.done $0x0  }
0xfc: {  	s31 =	sadd.s32 $0x1700, s25;
	[sflag:s22] =	ssyncadd.s32 $0xFFFFC000  }
0xfd: {  	[spmem:s1] =	stream.indirect.scatter.add.f32 [tilespmem:s16], [sflag:$0x3], $0x80, s31, s18, $0xb8;
	[tilespmem:$0x1E800] =	vst v63  }
0xfe: {  	_ =	swait.ge [sflag:s17], $0x4000  }
0xff: {  	[sflag:s17] =	ssyncset.done $0x0  }
0x100: {  	[sflag:s17] =	ssyncadd.s32 $0xFFFFC000  }
0x101: {  	_ =	swait.ge [sflag:s23], $0x4000  }
0x102: {  	[sflag:s23] =	ssyncset.done $0x0  }
.Ltmp2:
0x103: {  	s25 =	sadd.s32 $0x1780, s25;
	[sflag:s23] =	ssyncadd.s32 $0xFFFFC000;
	(pc) =	sbr.rel @p0 .LBB2_4-.Ltmp2, $4  }
0x104: {  	[spmem:s1] =	stream.indirect.scatter.add.f32 [tilespmem:s21], [sflag:$0x3], $0x80, s25, s18, $0xb8;
	[tilespmem:$0x1E800] =	vst v63  }
0x105: {  	_ =	swait.ge [sflag:s17], $0x4000  }
0x106: {  	[sflag:s17] =	ssyncset.done $0x0  }
0x107: {  	p1 =	por $0x0, $0x0;
	s25 =	simm.s32 $0x1;
	[sflag:s17] =	ssyncadd.s32 $0xFFFFC000  }
0x108: {  	s3 =	sadd.s32 $0x1, s3  }
0x109: {  	s24 =	sshll.u32 s2, $0x6;
	[bflag:$0x0] =	sbarrier.arrive $0xFFFF;
	p0 =	sne.s32 s3, s15  }
.Ltmp3:
0x10a: {  	s25 =	sshrl.u32 s7, $0x3;
	s24 =	sor.u32 $0x1C03, s24;
	(pc) =	sbr.rel @p0 .LBB2_1-.Ltmp3, $4  }
0x10b: {  	[hbm:s14], [sflag:s24] =	dma.local [spmem:s25], $0x2800  }
0x10c: {  	_ =	swait.ge [sflag:s17], $0x2800  }
0x10d: {  	[sflag:s17] =	ssyncset.done $0x0  }
0x10e: {  	[sflag:s17] =	ssyncadd.s32 $0xFFFFD800  }
0x10f: {  	_ =	sfence.sel $0x180000  }
0x110: {  	[bflag:$0x0] =	sbarrier.arrive $0xFFFF  }
0x111: {  	p0 =	sne.s32 s2, $0x0;
	_ =	strace $0x90000050  }
0x112: {  	s0 =	sadd.s32 @!p0 $0x100000, s0;
	[bflag:$0x2] =	sbarrier.arrive $0xFFFF  }
0x113: {  	[sflag:s0] =	ssyncadd.tile.s32 @!p0 $0x1;
	_ =	shalt  }
.Lfunc_end2:
_tile_overlayer_lowered:
.L_overlay_start_2:
0x114: {  	(tag) =	ssettag $0x2  }
0x115: {  	s0 =	rddreg [dreg:$0x0];
	s2 =	stileid.u32  }
0x116: {  	s1 =	rddreg [dreg:$0x1];
	p0 =	sne.s32 s2, $0x0  }
0x117: {  	s3 =	rddreg [dreg:$0x2];
	[bflag:$0x3] =	sbarrier.arrive $0xFFFF;
	s2 =	simm.s32 @!p0 $0x1C03  }
0x118: {  	[timem:s3], [sflag:s2] =	dma.local @!p0 [hbm:s0], s1  }
0x119: {  	s0 =	simm.s32 @!p0 $0x3  }
0x11a: {  	_ =	swait.ge @!p0 [sflag:s0], s1  }
0x11b: {  	s1 =	ssub.s32 @!p0 $0x0, s1;
	[sflag:s0] =	ssyncset.done @!p0 $0x0  }
0x11c: {  	[sflag:s0] =	ssyncadd.s32 @!p0 s1  }
0x11d: {  	[bflag:$0x3] =	sbarrier.arrive $0xFFFF  }
0x11e: {  	_ =	shalt  }

</sc_bundles>
